<compile_context>
chip_gen: v7x
topology: tpu7x:2x2x1
jax: 0.10.2.dev20260603
libtpu: 0.0.44.dev20260713+nightly
codegen_flags: <defaults>
</compile_context>

<pallas_src>
import functools

import jax
import jax.numpy as jnp
from jax import lax
from jax.experimental import pallas as pl
from jax.experimental.pallas import tpu as pltpu
from jax.experimental.pallas import tpu_sc as plsc

BETA = 0.9
THRESHOLD = 1.0

N_NODES = 10000
N_EDGES = 320000
IN_CH = 129
OUT_CH = 64

NC = 2
NS = 16
NW = NC * NS
EPW = N_EDGES // NW
ROWS_MAIN = 624
ROWS_TAIL = N_NODES - NS * ROWS_MAIN
DEG_PAD = 10240

DEG_CHUNK = 2000
DEG_NCHUNK = EPW // DEG_CHUNK
SC_CHUNK = 200
SC_NCHUNK = EPW // SC_CHUNK
NBUF = 3
NAHEAD = 2

_MESH = plsc.VectorSubcoreMesh(core_axis_name="c", subcore_axis_name="s")
_SC_PARAMS = pltpu.CompilerParams(use_tc_tiling_on_sc=False)


@functools.partial(
    pl.kernel,
    out_type=jax.ShapeDtypeStruct((NC * DEG_PAD,), jnp.float32),
    mesh=_MESH,
    compiler_params=_SC_PARAMS,
    scratch_types=[
        pltpu.VMEM((DEG_NCHUNK, DEG_CHUNK), jnp.int32),
        pltpu.VMEM((DEG_CHUNK,), jnp.float32),
        pltpu.VMEM((DEG_PAD // NS,), jnp.float32),
        pltpu.VMEM_SHARED((DEG_PAD,), jnp.float32),
        pltpu.SemaphoreType.DMA,
        pltpu.SemaphoreType.DMA,
    ],
)
def _deg_kernel(ei_hbm, out_hbm, idx_v, ones_v, stage_v, deg_sp, isem, ssem):
    c = lax.axis_index("c")
    s = lax.axis_index("s")
    wid = c * NS + s
    base = wid * EPW
    ones16 = jnp.ones((16,), jnp.float32)
    zeros16 = jnp.zeros((16,), jnp.float32)

    idx_cps = [
        pltpu.async_copy(
            ei_hbm.at[1, pl.ds(base + j * DEG_CHUNK, DEG_CHUNK)],
            idx_v.at[j],
            isem,
        )
        for j in range(DEG_NCHUNK)
    ]

    def _init(i, _):
        ones_v[pl.ds(i * 16, 16)] = ones16
        return 0

    lax.fori_loop(0, DEG_CHUNK // 16, _init, 0)

    def _zero(i, _):
        stage_v[pl.ds(i * 16, 16)] = zeros16
        return 0

    lax.fori_loop(0, (DEG_PAD // NS) // 16, _zero, 0)

    my = pl.ds(s * (DEG_PAD // NS), DEG_PAD // NS)
    pltpu.sync_copy(stage_v, deg_sp.at[my])
    plsc.subcore_barrier()

    for cp in idx_cps:
        cp.wait()
    scat_cps = [
        pltpu.async_copy(ones_v, deg_sp.at[idx_v.at[j]], ssem, add=True)
        for j in range(DEG_NCHUNK)
    ]
    for cp in scat_cps:
        cp.wait()

    plsc.subcore_barrier()
    out_my = pl.ds(c * DEG_PAD + s * (DEG_PAD // NS), DEG_PAD // NS)
    pltpu.sync_copy(deg_sp.at[my], out_hbm.at[out_my])


@functools.partial(
    pl.kernel,
    out_type=[
        jax.ShapeDtypeStruct((N_NODES, OUT_CH), jnp.float32),
        jax.ShapeDtypeStruct((N_NODES, OUT_CH), jnp.float32),
    ],
    mesh=_MESH,
    compiler_params=_SC_PARAMS,
    scratch_types=[
        pltpu.VMEM((EPW,), jnp.int32),
        pltpu.VMEM((SC_NCHUNK, SC_CHUNK), jnp.int32),
        [pltpu.VMEM((SC_CHUNK, OUT_CH), jnp.float32) for _ in range(NBUF)],
        pltpu.VMEM_SHARED((N_NODES, OUT_CH), jnp.float32),
        pltpu.SemaphoreType.DMA,
        [pltpu.SemaphoreType.DMA for _ in range(NBUF)],
        [pltpu.SemaphoreType.DMA for _ in range(NBUF)],
    ],
)
def _msg_kernel(ei_hbm, g_hbm, out0_hbm, out1_hbm, sidx_v, didx_v, rows,
                acc_sp, isem, gsems, ssems):
    c = lax.axis_index("c")
    s = lax.axis_index("s")
    wid = c * NS + s
    base = wid * EPW
    myrows = pl.ds(s * ROWS_MAIN, ROWS_MAIN)
    tail = pl.ds(NS * ROWS_MAIN, ROWS_TAIL)

    src_cp = pltpu.async_copy(ei_hbm.at[0, pl.ds(base, EPW)], sidx_v, isem)
    didx_cps = [
        pltpu.async_copy(
            ei_hbm.at[1, pl.ds(base + j * SC_CHUNK, SC_CHUNK)],
            didx_v.at[j],
            isem,
        )
        for j in range(SC_NCHUNK)
    ]

    pltpu.sync_copy(g_hbm.at[myrows], acc_sp.at[myrows])

    @pl.when(s == 0)
    def _seed_tail():
        pltpu.sync_copy(g_hbm.at[tail], acc_sp.at[tail])

    src_cp.wait()
    for cp in didx_cps:
        cp.wait()

    def _gather(j):
        b = j % NBUF
        return pltpu.async_copy(
            g_hbm.at[sidx_v.at[pl.ds(j * SC_CHUNK, SC_CHUNK)]], rows[b],
            gsems[b],
        )

    gd = {j: _gather(j) for j in range(min(NAHEAD, SC_NCHUNK))}
    sd = {}
    plsc.subcore_barrier()
    for j in range(SC_NCHUNK):
        nxt = j + NAHEAD
        if nxt < SC_NCHUNK:
            if nxt >= NBUF:
                sd[nxt - NBUF].wait()
            gd[nxt] = _gather(nxt)
        gd[j].wait()
        sd[j] = pltpu.async_copy(
            rows[j % NBUF], acc_sp.at[didx_v.at[j]], ssems[j % NBUF], add=True
        )
    for j in range(max(0, SC_NCHUNK - NBUF), SC_NCHUNK):
        sd[j].wait()

    plsc.subcore_barrier()
    myout = [out0_hbm, out1_hbm]
    for cc in range(NC):

        @pl.when(c == cc)
        def _writeback():
            pltpu.sync_copy(acc_sp.at[myrows], myout[cc].at[myrows])

            @pl.when(s == 0)
            def _write_tail():
                pltpu.sync_copy(acc_sp.at[tail], myout[cc].at[tail])


_TC_BLK = 1000


def _g_body(xt_ref, w_ref, dpt_ref, g_ref, dis_ref):
    deg = dpt_ref[..., 0:1] + dpt_ref[..., 1:2] + 1.0
    dis = lax.rsqrt(deg)
    dis_ref[...] = dis
    h = lax.dot_general(
        xt_ref[...], w_ref[...], (((0,), (0,)), ((), ())),
        preferred_element_type=jnp.float32,
    )
    g_ref[...] = dis * h


_SPK_BLK = 1280

_g_scale = pl.pallas_call(
    _g_body,
    out_shape=[
        jax.ShapeDtypeStruct((N_NODES, OUT_CH), jnp.float32),
        jax.ShapeDtypeStruct((N_NODES, 1), jnp.float32),
    ],
)


def _spk_body(xt_ref, spkt_ref):
    spkt_ref[...] = (xt_ref[...] > THRESHOLD).astype(jnp.float32)


_spk = pl.pallas_call(
    _spk_body,
    grid=(8,),
    in_specs=[pl.BlockSpec((IN_CH, _SPK_BLK), lambda i: (0, i))],
    out_specs=pl.BlockSpec((IN_CH, _SPK_BLK), lambda i: (0, i)),
    out_shape=jax.ShapeDtypeStruct((IN_CH, N_NODES), jnp.float32),
)


def _comb_body(p0_ref, p1_ref, g_ref, dis_ref, b_ref, ot_ref):
    val = (
        dis_ref[...] * (p0_ref[...] + p1_ref[...] - g_ref[...]) + b_ref[...]
    )
    ot_ref[...] = val.T


_combine = pl.pallas_call(
    _comb_body,
    grid=(8,),
    in_specs=[
        pl.BlockSpec((_SPK_BLK, OUT_CH), lambda i: (i, 0)),
        pl.BlockSpec((_SPK_BLK, OUT_CH), lambda i: (i, 0)),
        pl.BlockSpec((_SPK_BLK, OUT_CH), lambda i: (i, 0)),
        pl.BlockSpec((_SPK_BLK, 1), lambda i: (i, 0)),
        pl.BlockSpec((1, OUT_CH), lambda i: (0, 0)),
    ],
    out_specs=pl.BlockSpec((OUT_CH, _SPK_BLK), lambda i: (0, i)),
    out_shape=jax.ShapeDtypeStruct((OUT_CH, N_NODES), jnp.float32),
)


def kernel(x, edge_index, W, b):
    ei = edge_index.astype(jnp.int32)
    deg_p = _deg_kernel(ei).reshape(NC, DEG_PAD)
    dpt = deg_p[:, :N_NODES].T
    xt = x.T
    g, dis = _g_scale(xt, W, dpt)
    p0, p1 = _msg_kernel(ei, g)
    spk = _spk(xt).T
    out = _combine(p0, p1, g, dis, b.reshape(1, OUT_CH)).T
    return (spk, out)

# --- scband reference (transcript-rebuilt; emitter-appended) ---
"""Pipeline reference for scband-multimodal-brain-8461085573324 (READ-ONLY COPY).

The authoritative reference and input builder live on the scoring server;
editing this copy changes nothing except your own understanding.
"""

import jax, jax.numpy as jnp
import numpy as np

BETA = 0.9
THRESHOLD = 1.0
SLOPE = 25.0

N_NODES = 10000
N_EDGES = 320000
IN_CH = 129
OUT_CH = 64


def fast_sigmoid_spike(x):
    # forward of snntorch surrogate.fast_sigmoid: heaviside step
    return (x > 0).astype(x.dtype)


def leaky_forward(x):
    # snn.Leaky(beta=0.9) called with fresh (zero) hidden state:
    # reset = heaviside(0 - threshold) = 0
    # mem = beta * 0 + x - reset * threshold = x
    # spk = heaviside(mem - threshold)
    mem = BETA * jnp.zeros_like(x) + x
    spk = fast_sigmoid_spike(mem - THRESHOLD)
    return spk, mem


def gcn_conv(x, edge_index, W, b):
    num_nodes = x.shape[0]
    src = edge_index[0]
    dst = edge_index[1]
    loop = jnp.arange(num_nodes, dtype=src.dtype)
    src = jnp.concatenate([src, loop])
    dst = jnp.concatenate([dst, loop])
    ew = jnp.ones(src.shape[0], dtype=x.dtype)
    # symmetric normalization (gcn_norm): deg over col (dst) incl. self loops
    deg = jnp.zeros((num_nodes,), dtype=x.dtype).at[dst].add(ew)
    deg_inv_sqrt = jnp.where(deg > 0, deg ** -0.5, 0.0)
    norm = deg_inv_sqrt[src] * deg_inv_sqrt[dst]
    h = x @ W
    msgs = h[src] * norm[:, None]
    out = jnp.zeros((num_nodes, W.shape[1]), dtype=x.dtype).at[dst].add(msgs)
    return out + b


def setup_inputs(seed: int = 0) -> dict:
    key = jax.random.key(seed)
    k1, k2, k3, k4 = jax.random.split(key, 4)
    x = jax.random.normal(k1, (N_NODES, IN_CH), dtype=jnp.float32)
    edge_index = jax.random.randint(k2, (2, N_EDGES), 0, N_NODES, dtype=jnp.int64 if jax.config.jax_enable_x64 else jnp.int32)
    # glorot init like torch_geometric GCNConv lin weight
    limit = float(np.sqrt(6.0 / (IN_CH + OUT_CH)))
    W = jax.random.uniform(k3, (IN_CH, OUT_CH), dtype=jnp.float32, minval=-limit, maxval=limit)
    b = jnp.zeros((OUT_CH,), dtype=jnp.float32)
    return {"x": x, "edge_index": edge_index, "W": W, "b": b}


def reference(x, edge_index, W, b):
    spk, mem = leaky_forward(x)
    social_embedding = gcn_conv(x, edge_index, W, b)
    return (spk, social_embedding)

if __name__ == "__main__":
    import jax
    _d = setup_inputs()
    print(jax.jit(kernel)(*tuple(_d.values())))

</pallas_src>

<mosaic_0001>
#map = affine_map<(d0, d1) -> (0, 0)>
module attributes {stable_mosaic.version = 14 : i64} {
  func.func @_msg_kernel(%arg0: i32, %arg1: i32, %arg2: memref<2x320000xi32, #tpu.memory_space<hbm>>, %arg3: memref<10000x64xf32, #tpu.memory_space<hbm>>, %arg4: memref<10000x64xf32, #tpu.memory_space<hbm>>, %arg5: memref<10000x64xf32, #tpu.memory_space<hbm>>, %arg6: memref<10000xi32, #tpu.memory_space<vmem>>, %arg7: memref<50x200xi32, #tpu.memory_space<vmem>>, %arg8: memref<200x64xf32, #tpu.memory_space<vmem>>, %arg9: memref<200x64xf32, #tpu.memory_space<vmem>>, %arg10: memref<200x64xf32, #tpu.memory_space<vmem>>, %arg11: memref<10000x64xf32, #tpu.memory_space<vmem_shared>>, %arg12: memref<!tpu.dma_semaphore, #tpu.memory_space<semaphore_mem>>, %arg13: memref<!tpu.dma_semaphore, #tpu.memory_space<semaphore_mem>>, %arg14: memref<!tpu.dma_semaphore, #tpu.memory_space<semaphore_mem>>, %arg15: memref<!tpu.dma_semaphore, #tpu.memory_space<semaphore_mem>>, %arg16: memref<!tpu.dma_semaphore, #tpu.memory_space<semaphore_mem>>, %arg17: memref<!tpu.dma_semaphore, #tpu.memory_space<semaphore_mem>>, %arg18: memref<!tpu.dma_semaphore, #tpu.memory_space<semaphore_mem>>) attributes {dimension_semantics = [#tpu.dimension_semantics<core_parallel>, #tpu.dimension_semantics<subcore_parallel>], iteration_bounds = array<i64: 2, 16>, scalar_prefetch = 0 : i64, scratch_operands = 13 : i64, tpu.core_type = #tpu.core_type<sc_vector_subcore>, window_params = [{transform_indices = #map}, {transform_indices = #map}, {transform_indices = #map}, {transform_indices = #map}]} {
    %mul3A = arith.constant 16 : i32
    %mul3A_0 = arith.muli %arg0, %mul3A : i32
    %add3A = arith.addi %mul3A_0, %arg1 : i32
    %mul3A_1 = arith.constant 10000 : i32
    %mul3A_2 = arith.muli %add3A, %mul3A_1 : i32
    %mul3A_3 = arith.constant 624 : i32
    %mul3A_4 = arith.muli %arg1, %mul3A_3 : i32
    %dma_start3A = arith.constant 0 : i32
    %dma_start3A_5 = tpu.memref_slice %arg2[%dma_start3A, %mul3A_2] : memref<2x320000xi32, #tpu.memory_space<hbm>> -> memref<1x10000xi32, #tpu.memory_space<hbm>>
    %dma_start3A_6 = tpu.memref_squeeze %dma_start3A_5 : memref<1x10000xi32, #tpu.memory_space<hbm>> -> memref<10000xi32, #tpu.memory_space<hbm>>
    %dma_start3A_7 = tpu.memref_slice %arg2[%dma_start3A, %mul3A_2] : memref<2x320000xi32, #tpu.memory_space<hbm>> -> memref<1x10000xi32, #tpu.memory_space<hbm>>
    %dma_start3A_8 = tpu.memref_squeeze %dma_start3A_7 : memref<1x10000xi32, #tpu.memory_space<hbm>> -> memref<10000xi32, #tpu.memory_space<hbm>>
    tpu.enqueue_dma source(%dma_start3A_8 : memref<10000xi32, #tpu.memory_space<hbm>>) target(%arg6 : memref<10000xi32, #tpu.memory_space<vmem>>) target_semaphore(%arg12 : memref<!tpu.dma_semaphore, #tpu.memory_space<semaphore_mem>>)
    %add3A_9 = arith.constant 0 : i32
    %add3A_10 = arith.addi %mul3A_2, %add3A_9 : i32
    %dma_start3A_11 = arith.constant 1 : i32
    %dma_start3A_12 = arith.constant 0 : i32
    %dma_start3A_13 = arith.constant 0 : i32
    %dma_start3A_14 = tpu.memref_slice %arg7[%dma_start3A_12, %dma_start3A_13] : memref<50x200xi32, #tpu.memory_space<vmem>> -> memref<1x200xi32, #tpu.memory_space<vmem>>
    %dma_start3A_15 = tpu.memref_squeeze %dma_start3A_14 : memref<1x200xi32, #tpu.memory_space<vmem>> -> memref<200xi32, #tpu.memory_space<vmem>>
    %dma_start3A_16 = tpu.memref_slice %arg2[%dma_start3A_11, %add3A_10] : memref<2x320000xi32, #tpu.memory_space<hbm>> -> memref<1x200xi32, #tpu.memory_space<hbm>>
    %dma_start3A_17 = tpu.memref_squeeze %dma_start3A_16 : memref<1x200xi32, #tpu.memory_space<hbm>> -> memref<200xi32, #tpu.memory_space<hbm>>
    %dma_start3A_18 = arith.constant 0 : i32
    %dma_start3A_19 = tpu.memref_slice %arg7[%dma_start3A_12, %dma_start3A_18] : memref<50x200xi32, #tpu.memory_space<vmem>> -> memref<1x200xi32, #tpu.memory_space<vmem>>
    %dma_start3A_20 = tpu.memref_squeeze %dma_start3A_19 : memref<1x200xi32, #tpu.memory_space<vmem>> -> memref<200xi32, #tpu.memory_space<vmem>>
    %dma_start3A_21 = tpu.memref_slice %arg2[%dma_start3A_11, %add3A_10] : memref<2x320000xi32, #tpu.memory_space<hbm>> -> memref<1x200xi32, #tpu.memory_space<hbm>>
    %dma_start3A_22 = tpu.memref_squeeze %dma_start3A_21 : memref<1x200xi32, #tpu.memory_space<hbm>> -> memref<200xi32, #tpu.memory_space<hbm>>
    tpu.enqueue_dma source(%dma_start3A_22 : memref<200xi32, #tpu.memory_space<hbm>>) target(%dma_start3A_20 : memref<200xi32, #tpu.memory_space<vmem>>) target_semaphore(%arg12 : memref<!tpu.dma_semaphore, #tpu.memory_space<semaphore_mem>>)
    %add3A_23 = arith.constant 200 : i32
    %add3A_24 = arith.addi %mul3A_2, %add3A_23 : i32
    %dma_start3A_25 = arith.constant 1 : i32
    %dma_start3A_26 = arith.constant 1 : i32
    %dma_start3A_27 = arith.constant 0 : i32
    %dma_start3A_28 = tpu.memref_slice %arg7[%dma_start3A_26, %dma_start3A_27] : memref<50x200xi32, #tpu.memory_space<vmem>> -> memref<1x200xi32, #tpu.memory_space<vmem>>
    %dma_start3A_29 = tpu.memref_squeeze %dma_start3A_28 : memref<1x200xi32, #tpu.memory_space<vmem>> -> memref<200xi32, #tpu.memory_space<vmem>>
    %dma_start3A_30 = tpu.memref_slice %arg2[%dma_start3A_25, %add3A_24] : memref<2x320000xi32, #tpu.memory_space<hbm>> -> memref<1x200xi32, #tpu.memory_space<hbm>>
    %dma_start3A_31 = tpu.memref_squeeze %dma_start3A_30 : memref<1x200xi32, #tpu.memory_space<hbm>> -> memref<200xi32, #tpu.memory_space<hbm>>
    %dma_start3A_32 = arith.constant 0 : i32
    %dma_start3A_33 = tpu.memref_slice %arg7[%dma_start3A_26, %dma_start3A_32] : memref<50x200xi32, #tpu.memory_space<vmem>> -> memref<1x200xi32, #tpu.memory_space<vmem>>
    %dma_start3A_34 = tpu.memref_squeeze %dma_start3A_33 : memref<1x200xi32, #tpu.memory_space<vmem>> -> memref<200xi32, #tpu.memory_space<vmem>>
    %dma_start3A_35 = tpu.memref_slice %arg2[%dma_start3A_25, %add3A_24] : memref<2x320000xi32, #tpu.memory_space<hbm>> -> memref<1x200xi32, #tpu.memory_space<hbm>>
    %dma_start3A_36 = tpu.memref_squeeze %dma_start3A_35 : memref<1x200xi32, #tpu.memory_space<hbm>> -> memref<200xi32, #tpu.memory_space<hbm>>
    tpu.enqueue_dma source(%dma_start3A_36 : memref<200xi32, #tpu.memory_space<hbm>>) target(%dma_start3A_34 : memref<200xi32, #tpu.memory_space<vmem>>) target_semaphore(%arg12 : memref<!tpu.dma_semaphore, #tpu.memory_space<semaphore_mem>>)
    %add3A_37 = arith.constant 400 : i32
    %add3A_38 = arith.addi %mul3A_2, %add3A_37 : i32
    %dma_start3A_39 = arith.constant 1 : i32
    %dma_start3A_40 = arith.constant 2 : i32
    %dma_start3A_41 = arith.constant 0 : i32
    %dma_start3A_42 = tpu.memref_slice %arg7[%dma_start3A_40, %dma_start3A_41] : memref<50x200xi32, #tpu.memory_space<vmem>> -> memref<1x200xi32, #tpu.memory_space<vmem>>
    %dma_start3A_43 = tpu.memref_squeeze %dma_start3A_42 : memref<1x200xi32, #tpu.memory_space<vmem>> -> memref<200xi32, #tpu.memory_space<vmem>>
    %dma_start3A_44 = tpu.memref_slice %arg2[%dma_start3A_39, %add3A_38] : memref<2x320000xi32, #tpu.memory_space<hbm>> -> memref<1x200xi32, #tpu.memory_space<hbm>>
    %dma_start3A_45 = tpu.memref_squeeze %dma_start3A_44 : memref<1x200xi32, #tpu.memory_space<hbm>> -> memref<200xi32, #tpu.memory_space<hbm>>
    %dma_start3A_46 = arith.constant 0 : i32
    %dma_start3A_47 = tpu.memref_slice %arg7[%dma_start3A_40, %dma_start3A_46] : memref<50x200xi32, #tpu.memory_space<vmem>> -> memref<1x200xi32, #tpu.memory_space<vmem>>
    %dma_start3A_48 = tpu.memref_squeeze %dma_start3A_47 : memref<1x200xi32, #tpu.memory_space<vmem>> -> memref<200xi32, #tpu.memory_space<vmem>>
    %dma_start3A_49 = tpu.memref_slice %arg2[%dma_start3A_39, %add3A_38] : memref<2x320000xi32, #tpu.memory_space<hbm>> -> memref<1x200xi32, #tpu.memory_space<hbm>>
    %dma_start3A_50 = tpu.memref_squeeze %dma_start3A_49 : memref<1x200xi32, #tpu.memory_space<hbm>> -> memref<200xi32, #tpu.memory_space<hbm>>
    tpu.enqueue_dma source(%dma_start3A_50 : memref<200xi32, #tpu.memory_space<hbm>>) target(%dma_start3A_48 : memref<200xi32, #tpu.memory_space<vmem>>) target_semaphore(%arg12 : memref<!tpu.dma_semaphore, #tpu.memory_space<semaphore_mem>>)
    %add3A_51 = arith.constant 600 : i32
    %add3A_52 = arith.addi %mul3A_2, %add3A_51 : i32
    %dma_start3A_53 = arith.constant 1 : i32
    %dma_start3A_54 = arith.constant 3 : i32
    %dma_start3A_55 = arith.constant 0 : i32
    %dma_start3A_56 = tpu.memref_slice %arg7[%dma_start3A_54, %dma_start3A_55] : memref<50x200xi32, #tpu.memory_space<vmem>> -> memref<1x200xi32, #tpu.memory_space<vmem>>
    %dma_start3A_57 = tpu.memref_squeeze %dma_start3A_56 : memref<1x200xi32, #tpu.memory_space<vmem>> -> memref<200xi32, #tpu.memory_space<vmem>>
    %dma_start3A_58 = tpu.memref_slice %arg2[%dma_start3A_53, %add3A_52] : memref<2x320000xi32, #tpu.memory_space<hbm>> -> memref<1x200xi32, #tpu.memory_space<hbm>>
    %dma_start3A_59 = tpu.memref_squeeze %dma_start3A_58 : memref<1x200xi32, #tpu.memory_space<hbm>> -> memref<200xi32, #tpu.memory_space<hbm>>
    %dma_start3A_60 = arith.constant 0 : i32
    %dma_start3A_61 = tpu.memref_slice %arg7[%dma_start3A_54, %dma_start3A_60] : memref<50x200xi32, #tpu.memory_space<vmem>> -> memref<1x200xi32, #tpu.memory_space<vmem>>
    %dma_start3A_62 = tpu.memref_squeeze %dma_start3A_61 : memref<1x200xi32, #tpu.memory_space<vmem>> -> memref<200xi32, #tpu.memory_space<vmem>>
    %dma_start3A_63 = tpu.memref_slice %arg2[%dma_start3A_53, %add3A_52] : memref<2x320000xi32, #tpu.memory_space<hbm>> -> memref<1x200xi32, #tpu.memory_space<hbm>>
    %dma_start3A_64 = tpu.memref_squeeze %dma_start3A_63 : memref<1x200xi32, #tpu.memory_space<hbm>> -> memref<200xi32, #tpu.memory_space<hbm>>
    tpu.enqueue_dma source(%dma_start3A_64 : memref<200xi32, #tpu.memory_space<hbm>>) target(%dma_start3A_62 : memref<200xi32, #tpu.memory_space<vmem>>) target_semaphore(%arg12 : memref<!tpu.dma_semaphore, #tpu.memory_space<semaphore_mem>>)
    %add3A_65 = arith.constant 800 : i32
    %add3A_66 = arith.addi %mul3A_2, %add3A_65 : i32
    %dma_start3A_67 = arith.constant 1 : i32
    %dma_start3A_68 = arith.constant 4 : i32
    %dma_start3A_69 = arith.constant 0 : i32
    %dma_start3A_70 = tpu.memref_slice %arg7[%dma_start3A_68, %dma_start3A_69] : memref<50x200xi32, #tpu.memory_space<vmem>> -> memref<1x200xi32, #tpu.memory_space<vmem>>
    %dma_start3A_71 = tpu.memref_squeeze %dma_start3A_70 : memref<1x200xi32, #tpu.memory_space<vmem>> -> memref<200xi32, #tpu.memory_space<vmem>>
    %dma_start3A_72 = tpu.memref_slice %arg2[%dma_start3A_67, %add3A_66] : memref<2x320000xi32, #tpu.memory_space<hbm>> -> memref<1x200xi32, #tpu.memory_space<hbm>>
    %dma_start3A_73 = tpu.memref_squeeze %dma_start3A_72 : memref<1x200xi32, #tpu.memory_space<hbm>> -> memref<200xi32, #tpu.memory_space<hbm>>
    %dma_start3A_74 = arith.constant 0 : i32
    %dma_start3A_75 = tpu.memref_slice %arg7[%dma_start3A_68, %dma_start3A_74] : memref<50x200xi32, #tpu.memory_space<vmem>> -> memref<1x200xi32, #tpu.memory_space<vmem>>
    %dma_start3A_76 = tpu.memref_squeeze %dma_start3A_75 : memref<1x200xi32, #tpu.memory_space<vmem>> -> memref<200xi32, #tpu.memory_space<vmem>>
    %dma_start3A_77 = tpu.memref_slice %arg2[%dma_start3A_67, %add3A_66] : memref<2x320000xi32, #tpu.memory_space<hbm>> -> memref<1x200xi32, #tpu.memory_space<hbm>>
    %dma_start3A_78 = tpu.memref_squeeze %dma_start3A_77 : memref<1x200xi32, #tpu.memory_space<hbm>> -> memref<200xi32, #tpu.memory_space<hbm>>
    tpu.enqueue_dma source(%dma_start3A_78 : memref<200xi32, #tpu.memory_space<hbm>>) target(%dma_start3A_76 : memref<200xi32, #tpu.memory_space<vmem>>) target_semaphore(%arg12 : memref<!tpu.dma_semaphore, #tpu.memory_space<semaphore_mem>>)
    %add3A_79 = arith.constant 1000 : i32
    %add3A_80 = arith.addi %mul3A_2, %add3A_79 : i32
    %dma_start3A_81 = arith.constant 1 : i32
    %dma_start3A_82 = arith.constant 5 : i32
    %dma_start3A_83 = arith.constant 0 : i32
    %dma_start3A_84 = tpu.memref_slice %arg7[%dma_start3A_82, %dma_start3A_83] : memref<50x200xi32, #tpu.memory_space<vmem>> -> memref<1x200xi32, #tpu.memory_space<vmem>>
    %dma_start3A_85 = tpu.memref_squeeze %dma_start3A_84 : memref<1x200xi32, #tpu.memory_space<vmem>> -> memref<200xi32, #tpu.memory_space<vmem>>
    %dma_start3A_86 = tpu.memref_slice %arg2[%dma_start3A_81, %add3A_80] : memref<2x320000xi32, #tpu.memory_space<hbm>> -> memref<1x200xi32, #tpu.memory_space<hbm>>
    %dma_start3A_87 = tpu.memref_squeeze %dma_start3A_86 : memref<1x200xi32, #tpu.memory_space<hbm>> -> memref<200xi32, #tpu.memory_space<hbm>>
    %dma_start3A_88 = arith.constant 0 : i32
    %dma_start3A_89 = tpu.memref_slice %arg7[%dma_start3A_82, %dma_start3A_88] : memref<50x200xi32, #tpu.memory_space<vmem>> -> memref<1x200xi32, #tpu.memory_space<vmem>>
    %dma_start3A_90 = tpu.memref_squeeze %dma_start3A_89 : memref<1x200xi32, #tpu.memory_space<vmem>> -> memref<200xi32, #tpu.memory_space<vmem>>
    %dma_start3A_91 = tpu.memref_slice %arg2[%dma_start3A_81, %add3A_80] : memref<2x320000xi32, #tpu.memory_space<hbm>> -> memref<1x200xi32, #tpu.memory_space<hbm>>
    %dma_start3A_92 = tpu.memref_squeeze %dma_start3A_91 : memref<1x200xi32, #tpu.memory_space<hbm>> -> memref<200xi32, #tpu.memory_space<hbm>>
    tpu.enqueue_dma source(%dma_start3A_92 : memref<200xi32, #tpu.memory_space<hbm>>) target(%dma_start3A_90 : memref<200xi32, #tpu.memory_space<vmem>>) target_semaphore(%arg12 : memref<!tpu.dma_semaphore, #tpu.memory_space<semaphore_mem>>)
    %add3A_93 = arith.constant 1200 : i32
    %add3A_94 = arith.addi %mul3A_2, %add3A_93 : i32
    %dma_start3A_95 = arith.constant 1 : i32
    %dma_start3A_96 = arith.constant 6 : i32
    %dma_start3A_97 = arith.constant 0 : i32
    %dma_start3A_98 = tpu.memref_slice %arg7[%dma_start3A_96, %dma_start3A_97] : memref<50x200xi32, #tpu.memory_space<vmem>> -> memref<1x200xi32, #tpu.memory_space<vmem>>
    %dma_start3A_99 = tpu.memref_squeeze %dma_start3A_98 : memref<1x200xi32, #tpu.memory_space<vmem>> -> memref<200xi32, #tpu.memory_space<vmem>>
    %dma_start3A_100 = tpu.memref_slice %arg2[%dma_start3A_95, %add3A_94] : memref<2x320000xi32, #tpu.memory_space<hbm>> -> memref<1x200xi32, #tpu.memory_space<hbm>>
    %dma_start3A_101 = tpu.memref_squeeze %dma_start3A_100 : memref<1x200xi32, #tpu.memory_space<hbm>> -> memref<200xi32, #tpu.memory_space<hbm>>
    %dma_start3A_102 = arith.constant 0 : i32
    %dma_start3A_103 = tpu.memref_slice %arg7[%dma_start3A_96, %dma_start3A_102] : memref<50x200xi32, #tpu.memory_space<vmem>> -> memref<1x200xi32, #tpu.memory_space<vmem>>
    %dma_start3A_104 = tpu.memref_squeeze %dma_start3A_103 : memref<1x200xi32, #tpu.memory_space<vmem>> -> memref<200xi32, #tpu.memory_space<vmem>>
    %dma_start3A_105 = tpu.memref_slice %arg2[%dma_start3A_95, %add3A_94] : memref<2x320000xi32, #tpu.memory_space<hbm>> -> memref<1x200xi32, #tpu.memory_space<hbm>>
    %dma_start3A_106 = tpu.memref_squeeze %dma_start3A_105 : memref<1x200xi32, #tpu.memory_space<hbm>> -> memref<200xi32, #tpu.memory_space<hbm>>
    tpu.enqueue_dma source(%dma_start3A_106 : memref<200xi32, #tpu.memory_space<hbm>>) target(%dma_start3A_104 : memref<200xi32, #tpu.memory_space<vmem>>) target_semaphore(%arg12 : memref<!tpu.dma_semaphore, #tpu.memory_space<semaphore_mem>>)
    %add3A_107 = arith.constant 1400 : i32
    %add3A_108 = arith.addi %mul3A_2, %add3A_107 : i32
    %dma_start3A_109 = arith.constant 1 : i32
    %dma_start3A_110 = arith.constant 7 : i32
    %dma_start3A_111 = arith.constant 0 : i32
    %dma_start3A_112 = tpu.memref_slice %arg7[%dma_start3A_110, %dma_start3A_111] : memref<50x200xi32, #tpu.memory_space<vmem>> -> memref<1x200xi32, #tpu.memory_space<vmem>>
    %dma_start3A_113 = tpu.memref_squeeze %dma_start3A_112 : memref<1x200xi32, #tpu.memory_space<vmem>> -> memref<200xi32, #tpu.memory_space<vmem>>
    %dma_start3A_114 = tpu.memref_slice %arg2[%dma_start3A_109, %add3A_108] : memref<2x320000xi32, #tpu.memory_space<hbm>> -> memref<1x200xi32, #tpu.memory_space<hbm>>
    %dma_start3A_115 = tpu.memref_squeeze %dma_start3A_114 : memref<1x200xi32, #tpu.memory_space<hbm>> -> memref<200xi32, #tpu.memory_space<hbm>>
    %dma_start3A_116 = arith.constant 0 : i32
    %dma_start3A_117 = tpu.memref_slice %arg7[%dma_start3A_110, %dma_start3A_116] : memref<50x200xi32, #tpu.memory_space<vmem>> -> memref<1x200xi32, #tpu.memory_space<vmem>>
    %dma_start3A_118 = tpu.memref_squeeze %dma_start3A_117 : memref<1x200xi32, #tpu.memory_space<vmem>> -> memref<200xi32, #tpu.memory_space<vmem>>
    %dma_start3A_119 = tpu.memref_slice %arg2[%dma_start3A_109, %add3A_108] : memref<2x320000xi32, #tpu.memory_space<hbm>> -> memref<1x200xi32, #tpu.memory_space<hbm>>
    %dma_start3A_120 = tpu.memref_squeeze %dma_start3A_119 : memref<1x200xi32, #tpu.memory_space<hbm>> -> memref<200xi32, #tpu.memory_space<hbm>>
    tpu.enqueue_dma source(%dma_start3A_120 : memref<200xi32, #tpu.memory_space<hbm>>) target(%dma_start3A_118 : memref<200xi32, #tpu.memory_space<vmem>>) target_semaphore(%arg12 : memref<!tpu.dma_semaphore, #tpu.memory_space<semaphore_mem>>)
    %add3A_121 = arith.constant 1600 : i32
    %add3A_122 = arith.addi %mul3A_2, %add3A_121 : i32
    %dma_start3A_123 = arith.constant 1 : i32
    %dma_start3A_124 = arith.constant 8 : i32
    %dma_start3A_125 = arith.constant 0 : i32
    %dma_start3A_126 = tpu.memref_slice %arg7[%dma_start3A_124, %dma_start3A_125] : memref<50x200xi32, #tpu.memory_space<vmem>> -> memref<1x200xi32, #tpu.memory_space<vmem>>
    %dma_start3A_127 = tpu.memref_squeeze %dma_start3A_126 : memref<1x200xi32, #tpu.memory_space<vmem>> -> memref<200xi32, #tpu.memory_space<vmem>>
    %dma_start3A_128 = tpu.memref_slice %arg2[%dma_start3A_123, %add3A_122] : memref<2x320000xi32, #tpu.memory_space<hbm>> -> memref<1x200xi32, #tpu.memory_space<hbm>>
    %dma_start3A_129 = tpu.memref_squeeze %dma_start3A_128 : memref<1x200xi32, #tpu.memory_space<hbm>> -> memref<200xi32, #tpu.memory_space<hbm>>
    %dma_start3A_130 = arith.constant 0 : i32
    %dma_start3A_131 = tpu.memref_slice %arg7[%dma_start3A_124, %dma_start3A_130] : memref<50x200xi32, #tpu.memory_space<vmem>> -> memref<1x200xi32, #tpu.memory_space<vmem>>
    %dma_start3A_132 = tpu.memref_squeeze %dma_start3A_131 : memref<1x200xi32, #tpu.memory_space<vmem>> -> memref<200xi32, #tpu.memory_space<vmem>>
    %dma_start3A_133 = tpu.memref_slice %arg2[%dma_start3A_123, %add3A_122] : memref<2x320000xi32, #tpu.memory_space<hbm>> -> memref<1x200xi32, #tpu.memory_space<hbm>>
    %dma_start3A_134 = tpu.memref_squeeze %dma_start3A_133 : memref<1x200xi32, #tpu.memory_space<hbm>> -> memref<200xi32, #tpu.memory_space<hbm>>
    tpu.enqueue_dma source(%dma_start3A_134 : memref<200xi32, #tpu.memory_space<hbm>>) target(%dma_start3A_132 : memref<200xi32, #tpu.memory_space<vmem>>) target_semaphore(%arg12 : memref<!tpu.dma_semaphore, #tpu.memory_space<semaphore_mem>>)
    %add3A_135 = arith.constant 1800 : i32
    %add3A_136 = arith.addi %mul3A_2, %add3A_135 : i32
    %dma_start3A_137 = arith.constant 1 : i32
    %dma_start3A_138 = arith.constant 9 : i32
    %dma_start3A_139 = arith.constant 0 : i32
    %dma_start3A_140 = tpu.memref_slice %arg7[%dma_start3A_138, %dma_start3A_139] : memref<50x200xi32, #tpu.memory_space<vmem>> -> memref<1x200xi32, #tpu.memory_space<vmem>>
    %dma_start3A_141 = tpu.memref_squeeze %dma_start3A_140 : memref<1x200xi32, #tpu.memory_space<vmem>> -> memref<200xi32, #tpu.memory_space<vmem>>
    %dma_start3A_142 = tpu.memref_slice %arg2[%dma_start3A_137, %add3A_136] : memref<2x320000xi32, #tpu.memory_space<hbm>> -> memref<1x200xi32, #tpu.memory_space<hbm>>
    %dma_start3A_143 = tpu.memref_squeeze %dma_start3A_142 : memref<1x200xi32, #tpu.memory_space<hbm>> -> memref<200xi32, #tpu.memory_space<hbm>>
    %dma_start3A_144 = arith.constant 0 : i32
    %dma_start3A_145 = tpu.memref_slice %arg7[%dma_start3A_138, %dma_start3A_144] : memref<50x200xi32, #tpu.memory_space<vmem>> -> memref<1x200xi32, #tpu.memory_space<vmem>>
    %dma_start3A_146 = tpu.memref_squeeze %dma_start3A_145 : memref<1x200xi32, #tpu.memory_space<vmem>> -> memref<200xi32, #tpu.memory_space<vmem>>
    %dma_start3A_147 = tpu.memref_slice %arg2[%dma_start3A_137, %add3A_136] : memref<2x320000xi32, #tpu.memory_space<hbm>> -> memref<1x200xi32, #tpu.memory_space<hbm>>
    %dma_start3A_148 = tpu.memref_squeeze %dma_start3A_147 : memref<1x200xi32, #tpu.memory_space<hbm>> -> memref<200xi32, #tpu.memory_space<hbm>>
    tpu.enqueue_dma source(%dma_start3A_148 : memref<200xi32, #tpu.memory_space<hbm>>) target(%dma_start3A_146 : memref<200xi32, #tpu.memory_space<vmem>>) target_semaphore(%arg12 : memref<!tpu.dma_semaphore, #tpu.memory_space<semaphore_mem>>)
    %add3A_149 = arith.constant 2000 : i32
    %add3A_150 = arith.addi %mul3A_2, %add3A_149 : i32
    %dma_start3A_151 = arith.constant 1 : i32
    %dma_start3A_152 = arith.constant 10 : i32
    %dma_start3A_153 = arith.constant 0 : i32
    %dma_start3A_154 = tpu.memref_slice %arg7[%dma_start3A_152, %dma_start3A_153] : memref<50x200xi32, #tpu.memory_space<vmem>> -> memref<1x200xi32, #tpu.memory_space<vmem>>
    %dma_start3A_155 = tpu.memref_squeeze %dma_start3A_154 : memref<1x200xi32, #tpu.memory_space<vmem>> -> memref<200xi32, #tpu.memory_space<vmem>>
    %dma_start3A_156 = tpu.memref_slice %arg2[%dma_start3A_151, %add3A_150] : memref<2x320000xi32, #tpu.memory_space<hbm>> -> memref<1x200xi32, #tpu.memory_space<hbm>>
    %dma_start3A_157 = tpu.memref_squeeze %dma_start3A_156 : memref<1x200xi32, #tpu.memory_space<hbm>> -> memref<200xi32, #tpu.memory_space<hbm>>
    %dma_start3A_158 = arith.constant 0 : i32
    %dma_start3A_159 = tpu.memref_slice %arg7[%dma_start3A_152, %dma_start3A_158] : memref<50x200xi32, #tpu.memory_space<vmem>> -> memref<1x200xi32, #tpu.memory_space<vmem>>
    %dma_start3A_160 = tpu.memref_squeeze %dma_start3A_159 : memref<1x200xi32, #tpu.memory_space<vmem>> -> memref<200xi32, #tpu.memory_space<vmem>>
    %dma_start3A_161 = tpu.memref_slice %arg2[%dma_start3A_151, %add3A_150] : memref<2x320000xi32, #tpu.memory_space<hbm>> -> memref<1x200xi32, #tpu.memory_space<hbm>>
    %dma_start3A_162 = tpu.memref_squeeze %dma_start3A_161 : memref<1x200xi32, #tpu.memory_space<hbm>> -> memref<200xi32, #tpu.memory_space<hbm>>
    tpu.enqueue_dma source(%dma_start3A_162 : memref<200xi32, #tpu.memory_space<hbm>>) target(%dma_start3A_160 : memref<200xi32, #tpu.memory_space<vmem>>) target_semaphore(%arg12 : memref<!tpu.dma_semaphore, #tpu.memory_space<semaphore_mem>>)
    %add3A_163 = arith.constant 2200 : i32
    %add3A_164 = arith.addi %mul3A_2, %add3A_163 : i32
    %dma_start3A_165 = arith.constant 1 : i32
    %dma_start3A_166 = arith.constant 11 : i32
    %dma_start3A_167 = arith.constant 0 : i32
    %dma_start3A_168 = tpu.memref_slice %arg7[%dma_start3A_166, %dma_start3A_167] : memref<50x200xi32, #tpu.memory_space<vmem>> -> memref<1x200xi32, #tpu.memory_space<vmem>>
    %dma_start3A_169 = tpu.memref_squeeze %dma_start3A_168 : memref<1x200xi32, #tpu.memory_space<vmem>> -> memref<200xi32, #tpu.memory_space<vmem>>
    %dma_start3A_170 = tpu.memref_slice %arg2[%dma_start3A_165, %add3A_164] : memref<2x320000xi32, #tpu.memory_space<hbm>> -> memref<1x200xi32, #tpu.memory_space<hbm>>
    %dma_start3A_171 = tpu.memref_squeeze %dma_start3A_170 : memref<1x200xi32, #tpu.memory_space<hbm>> -> memref<200xi32, #tpu.memory_space<hbm>>
    %dma_start3A_172 = arith.constant 0 : i32
    %dma_start3A_173 = tpu.memref_slice %arg7[%dma_start3A_166, %dma_start3A_172] : memref<50x200xi32, #tpu.memory_space<vmem>> -> memref<1x200xi32, #tpu.memory_space<vmem>>
    %dma_start3A_174 = tpu.memref_squeeze %dma_start3A_173 : memref<1x200xi32, #tpu.memory_space<vmem>> -> memref<200xi32, #tpu.memory_space<vmem>>
    %dma_start3A_175 = tpu.memref_slice %arg2[%dma_start3A_165, %add3A_164] : memref<2x320000xi32, #tpu.memory_space<hbm>> -> memref<1x200xi32, #tpu.memory_space<hbm>>
    %dma_start3A_176 = tpu.memref_squeeze %dma_start3A_175 : memref<1x200xi32, #tpu.memory_space<hbm>> -> memref<200xi32, #tpu.memory_space<hbm>>
    tpu.enqueue_dma source(%dma_start3A_176 : memref<200xi32, #tpu.memory_space<hbm>>) target(%dma_start3A_174 : memref<200xi32, #tpu.memory_space<vmem>>) target_semaphore(%arg12 : memref<!tpu.dma_semaphore, #tpu.memory_space<semaphore_mem>>)
    %add3A_177 = arith.constant 2400 : i32
    %add3A_178 = arith.addi %mul3A_2, %add3A_177 : i32
    %dma_start3A_179 = arith.constant 1 : i32
    %dma_start3A_180 = arith.constant 12 : i32
    %dma_start3A_181 = arith.constant 0 : i32
    %dma_start3A_182 = tpu.memref_slice %arg7[%dma_start3A_180, %dma_start3A_181] : memref<50x200xi32, #tpu.memory_space<vmem>> -> memref<1x200xi32, #tpu.memory_space<vmem>>
    %dma_start3A_183 = tpu.memref_squeeze %dma_start3A_182 : memref<1x200xi32, #tpu.memory_space<vmem>> -> memref<200xi32, #tpu.memory_space<vmem>>
    %dma_start3A_184 = tpu.memref_slice %arg2[%dma_start3A_179, %add3A_178] : memref<2x320000xi32, #tpu.memory_space<hbm>> -> memref<1x200xi32, #tpu.memory_space<hbm>>
    %dma_start3A_185 = tpu.memref_squeeze %dma_start3A_184 : memref<1x200xi32, #tpu.memory_space<hbm>> -> memref<200xi32, #tpu.memory_space<hbm>>
    %dma_start3A_186 = arith.constant 0 : i32
    %dma_start3A_187 = tpu.memref_slice %arg7[%dma_start3A_180, %dma_start3A_186] : memref<50x200xi32, #tpu.memory_space<vmem>> -> memref<1x200xi32, #tpu.memory_space<vmem>>
    %dma_start3A_188 = tpu.memref_squeeze %dma_start3A_187 : memref<1x200xi32, #tpu.memory_space<vmem>> -> memref<200xi32, #tpu.memory_space<vmem>>
    %dma_start3A_189 = tpu.memref_slice %arg2[%dma_start3A_179, %add3A_178] : memref<2x320000xi32, #tpu.memory_space<hbm>> -> memref<1x200xi32, #tpu.memory_space<hbm>>
    %dma_start3A_190 = tpu.memref_squeeze %dma_start3A_189 : memref<1x200xi32, #tpu.memory_space<hbm>> -> memref<200xi32, #tpu.memory_space<hbm>>
    tpu.enqueue_dma source(%dma_start3A_190 : memref<200xi32, #tpu.memory_space<hbm>>) target(%dma_start3A_188 : memref<200xi32, #tpu.memory_space<vmem>>) target_semaphore(%arg12 : memref<!tpu.dma_semaphore, #tpu.memory_space<semaphore_mem>>)
    %add3A_191 = arith.constant 2600 : i32
    %add3A_192 = arith.addi %mul3A_2, %add3A_191 : i32
    %dma_start3A_193 = arith.constant 1 : i32
    %dma_start3A_194 = arith.constant 13 : i32
    %dma_start3A_195 = arith.constant 0 : i32
    %dma_start3A_196 = tpu.memref_slice %arg7[%dma_start3A_194, %dma_start3A_195] : memref<50x200xi32, #tpu.memory_space<vmem>> -> memref<1x200xi32, #tpu.memory_space<vmem>>
    %dma_start3A_197 = tpu.memref_squeeze %dma_start3A_196 : memref<1x200xi32, #tpu.memory_space<vmem>> -> memref<200xi32, #tpu.memory_space<vmem>>
    %dma_start3A_198 = tpu.memref_slice %arg2[%dma_start3A_193, %add3A_192] : memref<2x320000xi32, #tpu.memory_space<hbm>> -> memref<1x200xi32, #tpu.memory_space<hbm>>
    %dma_start3A_199 = tpu.memref_squeeze %dma_start3A_198 : memref<1x200xi32, #tpu.memory_space<hbm>> -> memref<200xi32, #tpu.memory_space<hbm>>
    %dma_start3A_200 = arith.constant 0 : i32
    %dma_start3A_201 = tpu.memref_slice %arg7[%dma_start3A_194, %dma_start3A_200] : memref<50x200xi32, #tpu.memory_space<vmem>> -> memref<1x200xi32, #tpu.memory_space<vmem>>
    %dma_start3A_202 = tpu.memref_squeeze %dma_start3A_201 : memref<1x200xi32, #tpu.memory_space<vmem>> -> memref<200xi32, #tpu.memory_space<vmem>>
    %dma_start3A_203 = tpu.memref_slice %arg2[%dma_start3A_193, %add3A_192] : memref<2x320000xi32, #tpu.memory_space<hbm>> -> memref<1x200xi32, #tpu.memory_space<hbm>>
    %dma_start3A_204 = tpu.memref_squeeze %dma_start3A_203 : memref<1x200xi32, #tpu.memory_space<hbm>> -> memref<200xi32, #tpu.memory_space<hbm>>
    tpu.enqueue_dma source(%dma_start3A_204 : memref<200xi32, #tpu.memory_space<hbm>>) target(%dma_start3A_202 : memref<200xi32, #tpu.memory_space<vmem>>) target_semaphore(%arg12 : memref<!tpu.dma_semaphore, #tpu.memory_space<semaphore_mem>>)
    %add3A_205 = arith.constant 2800 : i32
    %add3A_206 = arith.addi %mul3A_2, %add3A_205 : i32
    %dma_start3A_207 = arith.constant 1 : i32
    %dma_start3A_208 = arith.constant 14 : i32
    %dma_start3A_209 = arith.constant 0 : i32
    %dma_start3A_210 = tpu.memref_slice %arg7[%dma_start3A_208, %dma_start3A_209] : memref<50x200xi32, #tpu.memory_space<vmem>> -> memref<1x200xi32, #tpu.memory_space<vmem>>
    %dma_start3A_211 = tpu.memref_squeeze %dma_start3A_210 : memref<1x200xi32, #tpu.memory_space<vmem>> -> memref<200xi32, #tpu.memory_space<vmem>>
    %dma_start3A_212 = tpu.memref_slice %arg2[%dma_start3A_207, %add3A_206] : memref<2x320000xi32, #tpu.memory_space<hbm>> -> memref<1x200xi32, #tpu.memory_space<hbm>>
    %dma_start3A_213 = tpu.memref_squeeze %dma_start3A_212 : memref<1x200xi32, #tpu.memory_space<hbm>> -> memref<200xi32, #tpu.memory_space<hbm>>
    %dma_start3A_214 = arith.constant 0 : i32
    %dma_start3A_215 = tpu.memref_slice %arg7[%dma_start3A_208, %dma_start3A_214] : memref<50x200xi32, #tpu.memory_space<vmem>> -> memref<1x200xi32, #tpu.memory_space<vmem>>
    %dma_start3A_216 = tpu.memref_squeeze %dma_start3A_215 : memref<1x200xi32, #tpu.memory_space<vmem>> -> memref<200xi32, #tpu.memory_space<vmem>>
    %dma_start3A_217 = tpu.memref_slice %arg2[%dma_start3A_207, %add3A_206] : memref<2x320000xi32, #tpu.memory_space<hbm>> -> memref<1x200xi32, #tpu.memory_space<hbm>>
    %dma_start3A_218 = tpu.memref_squeeze %dma_start3A_217 : memref<1x200xi32, #tpu.memory_space<hbm>> -> memref<200xi32, #tpu.memory_space<hbm>>
    tpu.enqueue_dma source(%dma_start3A_218 : memref<200xi32, #tpu.memory_space<hbm>>) target(%dma_start3A_216 : memref<200xi32, #tpu.memory_space<vmem>>) target_semaphore(%arg12 : memref<!tpu.dma_semaphore, #tpu.memory_space<semaphore_mem>>)
    %add3A_219 = arith.constant 3000 : i32
    %add3A_220 = arith.addi %mul3A_2, %add3A_219 : i32
    %dma_start3A_221 = arith.constant 1 : i32
    %dma_start3A_222 = arith.constant 15 : i32
    %dma_start3A_223 = arith.constant 0 : i32
    %dma_start3A_224 = tpu.memref_slice %arg7[%dma_start3A_222, %dma_start3A_223] : memref<50x200xi32, #tpu.memory_space<vmem>> -> memref<1x200xi32, #tpu.memory_space<vmem>>
    %dma_start3A_225 = tpu.memref_squeeze %dma_start3A_224 : memref<1x200xi32, #tpu.memory_space<vmem>> -> memref<200xi32, #tpu.memory_space<vmem>>
    %dma_start3A_226 = tpu.memref_slice %arg2[%dma_start3A_221, %add3A_220] : memref<2x320000xi32, #tpu.memory_space<hbm>> -> memref<1x200xi32, #tpu.memory_space<hbm>>
    %dma_start3A_227 = tpu.memref_squeeze %dma_start3A_226 : memref<1x200xi32, #tpu.memory_space<hbm>> -> memref<200xi32, #tpu.memory_space<hbm>>
    %dma_start3A_228 = arith.constant 0 : i32
    %dma_start3A_229 = tpu.memref_slice %arg7[%dma_start3A_222, %dma_start3A_228] : memref<50x200xi32, #tpu.memory_space<vmem>> -> memref<1x200xi32, #tpu.memory_space<vmem>>
    %dma_start3A_230 = tpu.memref_squeeze %dma_start3A_229 : memref<1x200xi32, #tpu.memory_space<vmem>> -> memref<200xi32, #tpu.memory_space<vmem>>
    %dma_start3A_231 = tpu.memref_slice %arg2[%dma_start3A_221, %add3A_220] : memref<2x320000xi32, #tpu.memory_space<hbm>> -> memref<1x200xi32, #tpu.memory_space<hbm>>
    %dma_start3A_232 = tpu.memref_squeeze %dma_start3A_231 : memref<1x200xi32, #tpu.memory_space<hbm>> -> memref<200xi32, #tpu.memory_space<hbm>>
    tpu.enqueue_dma source(%dma_start3A_232 : memref<200xi32, #tpu.memory_space<hbm>>) target(%dma_start3A_230 : memref<200xi32, #tpu.memory_space<vmem>>) target_semaphore(%arg12 : memref<!tpu.dma_semaphore, #tpu.memory_space<semaphore_mem>>)
    %add3A_233 = arith.constant 3200 : i32
    %add3A_234 = arith.addi %mul3A_2, %add3A_233 : i32
    %dma_start3A_235 = arith.constant 1 : i32
    %dma_start3A_236 = arith.constant 16 : i32
    %dma_start3A_237 = arith.constant 0 : i32
    %dma_start3A_238 = tpu.memref_slice %arg7[%dma_start3A_236, %dma_start3A_237] : memref<50x200xi32, #tpu.memory_space<vmem>> -> memref<1x200xi32, #tpu.memory_space<vmem>>
    %dma_start3A_239 = tpu.memref_squeeze %dma_start3A_238 : memref<1x200xi32, #tpu.memory_space<vmem>> -> memref<200xi32, #tpu.memory_space<vmem>>
    %dma_start3A_240 = tpu.memref_slice %arg2[%dma_start3A_235, %add3A_234] : memref<2x320000xi32, #tpu.memory_space<hbm>> -> memref<1x200xi32, #tpu.memory_space<hbm>>
    %dma_start3A_241 = tpu.memref_squeeze %dma_start3A_240 : memref<1x200xi32, #tpu.memory_space<hbm>> -> memref<200xi32, #tpu.memory_space<hbm>>
    %dma_start3A_242 = arith.constant 0 : i32
    %dma_start3A_243 = tpu.memref_slice %arg7[%dma_start3A_236, %dma_start3A_242] : memref<50x200xi32, #tpu.memory_space<vmem>> -> memref<1x200xi32, #tpu.memory_space<vmem>>
    %dma_start3A_244 = tpu.memref_squeeze %dma_start3A_243 : memref<1x200xi32, #tpu.memory_space<vmem>> -> memref<200xi32, #tpu.memory_space<vmem>>
    %dma_start3A_245 = tpu.memref_slice %arg2[%dma_start3A_235, %add3A_234] : memref<2x320000xi32, #tpu.memory_space<hbm>> -> memref<1x200xi32, #tpu.memory_space<hbm>>
    %dma_start3A_246 = tpu.memref_squeeze %dma_start3A_245 : memref<1x200xi32, #tpu.memory_space<hbm>> -> memref<200xi32, #tpu.memory_space<hbm>>
    tpu.enqueue_dma source(%dma_start3A_246 : memref<200xi32, #tpu.memory_space<hbm>>) target(%dma_start3A_244 : memref<200xi32, #tpu.memory_space<vmem>>) target_semaphore(%arg12 : memref<!tpu.dma_semaphore, #tpu.memory_space<semaphore_mem>>)
    %add3A_247 = arith.constant 3400 : i32
    %add3A_248 = arith.addi %mul3A_2, %add3A_247 : i32
    %dma_start3A_249 = arith.constant 1 : i32
    %dma_start3A_250 = arith.constant 17 : i32
    %dma_start3A_251 = arith.constant 0 : i32
    %dma_start3A_252 = tpu.memref_slice %arg7[%dma_start3A_250, %dma_start3A_251] : memref<50x200xi32, #tpu.memory_space<vmem>> -> memref<1x200xi32, #tpu.memory_space<vmem>>
    %dma_start3A_253 = tpu.memref_squeeze %dma_start3A_252 : memref<1x200xi32, #tpu.memory_space<vmem>> -> memref<200xi32, #tpu.memory_space<vmem>>
    %dma_start3A_254 = tpu.memref_slice %arg2[%dma_start3A_249, %add3A_248] : memref<2x320000xi32, #tpu.memory_space<hbm>> -> memref<1x200xi32, #tpu.memory_space<hbm>>
    %dma_start3A_255 = tpu.memref_squeeze %dma_start3A_254 : memref<1x200xi32, #tpu.memory_space<hbm>> -> memref<200xi32, #tpu.memory_space<hbm>>
    %dma_start3A_256 = arith.constant 0 : i32
    %dma_start3A_257 = tpu.memref_slice %arg7[%dma_start3A_250, %dma_start3A_256] : memref<50x200xi32, #tpu.memory_space<vmem>> -> memref<1x200xi32, #tpu.memory_space<vmem>>
    %dma_start3A_258 = tpu.memref_squeeze %dma_start3A_257 : memref<1x200xi32, #tpu.memory_space<vmem>> -> memref<200xi32, #tpu.memory_space<vmem>>
    %dma_start3A_259 = tpu.memref_slice %arg2[%dma_start3A_249, %add3A_248] : memref<2x320000xi32, #tpu.memory_space<hbm>> -> memref<1x200xi32, #tpu.memory_space<hbm>>
    %dma_start3A_260 = tpu.memref_squeeze %dma_start3A_259 : memref<1x200xi32, #tpu.memory_space<hbm>> -> memref<200xi32, #tpu.memory_space<hbm>>
    tpu.enqueue_dma source(%dma_start3A_260 : memref<200xi32, #tpu.memory_space<hbm>>) target(%dma_start3A_258 : memref<200xi32, #tpu.memory_space<vmem>>) target_semaphore(%arg12 : memref<!tpu.dma_semaphore, #tpu.memory_space<semaphore_mem>>)
    %add3A_261 = arith.constant 3600 : i32
    %add3A_262 = arith.addi %mul3A_2, %add3A_261 : i32
    %dma_start3A_263 = arith.constant 1 : i32
    %dma_start3A_264 = arith.constant 18 : i32
    %dma_start3A_265 = arith.constant 0 : i32
    %dma_start3A_266 = tpu.memref_slice %arg7[%dma_start3A_264, %dma_start3A_265] : memref<50x200xi32, #tpu.memory_space<vmem>> -> memref<1x200xi32, #tpu.memory_space<vmem>>
    %dma_start3A_267 = tpu.memref_squeeze %dma_start3A_266 : memref<1x200xi32, #tpu.memory_space<vmem>> -> memref<200xi32, #tpu.memory_space<vmem>>
    %dma_start3A_268 = tpu.memref_slice %arg2[%dma_start3A_263, %add3A_262] : memref<2x320000xi32, #tpu.memory_space<hbm>> -> memref<1x200xi32, #tpu.memory_space<hbm>>
    %dma_start3A_269 = tpu.memref_squeeze %dma_start3A_268 : memref<1x200xi32, #tpu.memory_space<hbm>> -> memref<200xi32, #tpu.memory_space<hbm>>
    %dma_start3A_270 = arith.constant 0 : i32
    %dma_start3A_271 = tpu.memref_slice %arg7[%dma_start3A_264, %dma_start3A_270] : memref<50x200xi32, #tpu.memory_space<vmem>> -> memref<1x200xi32, #tpu.memory_space<vmem>>
    %dma_start3A_272 = tpu.memref_squeeze %dma_start3A_271 : memref<1x200xi32, #tpu.memory_space<vmem>> -> memref<200xi32, #tpu.memory_space<vmem>>
    %dma_start3A_273 = tpu.memref_slice %arg2[%dma_start3A_263, %add3A_262] : memref<2x320000xi32, #tpu.memory_space<hbm>> -> memref<1x200xi32, #tpu.memory_space<hbm>>
    %dma_start3A_274 = tpu.memref_squeeze %dma_start3A_273 : memref<1x200xi32, #tpu.memory_space<hbm>> -> memref<200xi32, #tpu.memory_space<hbm>>
    tpu.enqueue_dma source(%dma_start3A_274 : memref<200xi32, #tpu.memory_space<hbm>>) target(%dma_start3A_272 : memref<200xi32, #tpu.memory_space<vmem>>) target_semaphore(%arg12 : memref<!tpu.dma_semaphore, #tpu.memory_space<semaphore_mem>>)
    %add3A_275 = arith.constant 3800 : i32
    %add3A_276 = arith.addi %mul3A_2, %add3A_275 : i32
    %dma_start3A_277 = arith.constant 1 : i32
    %dma_start3A_278 = arith.constant 19 : i32
    %dma_start3A_279 = arith.constant 0 : i32
    %dma_start3A_280 = tpu.memref_slice %arg7[%dma_start3A_278, %dma_start3A_279] : memref<50x200xi32, #tpu.memory_space<vmem>> -> memref<1x200xi32, #tpu.memory_space<vmem>>
    %dma_start3A_281 = tpu.memref_squeeze %dma_start3A_280 : memref<1x200xi32, #tpu.memory_space<vmem>> -> memref<200xi32, #tpu.memory_space<vmem>>
    %dma_start3A_282 = tpu.memref_slice %arg2[%dma_start3A_277, %add3A_276] : memref<2x320000xi32, #tpu.memory_space<hbm>> -> memref<1x200xi32, #tpu.memory_space<hbm>>
    %dma_start3A_283 = tpu.memref_squeeze %dma_start3A_282 : memref<1x200xi32, #tpu.memory_space<hbm>> -> memref<200xi32, #tpu.memory_space<hbm>>
    %dma_start3A_284 = arith.constant 0 : i32
    %dma_start3A_285 = tpu.memref_slice %arg7[%dma_start3A_278, %dma_start3A_284] : memref<50x200xi32, #tpu.memory_space<vmem>> -> memref<1x200xi32, #tpu.memory_space<vmem>>
    %dma_start3A_286 = tpu.memref_squeeze %dma_start3A_285 : memref<1x200xi32, #tpu.memory_space<vmem>> -> memref<200xi32, #tpu.memory_space<vmem>>
    %dma_start3A_287 = tpu.memref_slice %arg2[%dma_start3A_277, %add3A_276] : memref<2x320000xi32, #tpu.memory_space<hbm>> -> memref<1x200xi32, #tpu.memory_space<hbm>>
    %dma_start3A_288 = tpu.memref_squeeze %dma_start3A_287 : memref<1x200xi32, #tpu.memory_space<hbm>> -> memref<200xi32, #tpu.memory_space<hbm>>
    tpu.enqueue_dma source(%dma_start3A_288 : memref<200xi32, #tpu.memory_space<hbm>>) target(%dma_start3A_286 : memref<200xi32, #tpu.memory_space<vmem>>) target_semaphore(%arg12 : memref<!tpu.dma_semaphore, #tpu.memory_space<semaphore_mem>>)
    %add3A_289 = arith.constant 4000 : i32
    %add3A_290 = arith.addi %mul3A_2, %add3A_289 : i32
    %dma_start3A_291 = arith.constant 1 : i32
    %dma_start3A_292 = arith.constant 20 : i32
    %dma_start3A_293 = arith.constant 0 : i32
    %dma_start3A_294 = tpu.memref_slice %arg7[%dma_start3A_292, %dma_start3A_293] : memref<50x200xi32, #tpu.memory_space<vmem>> -> memref<1x200xi32, #tpu.memory_space<vmem>>
    %dma_start3A_295 = tpu.memref_squeeze %dma_start3A_294 : memref<1x200xi32, #tpu.memory_space<vmem>> -> memref<200xi32, #tpu.memory_space<vmem>>
    %dma_start3A_296 = tpu.memref_slice %arg2[%dma_start3A_291, %add3A_290] : memref<2x320000xi32, #tpu.memory_space<hbm>> -> memref<1x200xi32, #tpu.memory_space<hbm>>
    %dma_start3A_297 = tpu.memref_squeeze %dma_start3A_296 : memref<1x200xi32, #tpu.memory_space<hbm>> -> memref<200xi32, #tpu.memory_space<hbm>>
    %dma_start3A_298 = arith.constant 0 : i32
    %dma_start3A_299 = tpu.memref_slice %arg7[%dma_start3A_292, %dma_start3A_298] : memref<50x200xi32, #tpu.memory_space<vmem>> -> memref<1x200xi32, #tpu.memory_space<vmem>>
    %dma_start3A_300 = tpu.memref_squeeze %dma_start3A_299 : memref<1x200xi32, #tpu.memory_space<vmem>> -> memref<200xi32, #tpu.memory_space<vmem>>
    %dma_start3A_301 = tpu.memref_slice %arg2[%dma_start3A_291, %add3A_290] : memref<2x320000xi32, #tpu.memory_space<hbm>> -> memref<1x200xi32, #tpu.memory_space<hbm>>
    %dma_start3A_302 = tpu.memref_squeeze %dma_start3A_301 : memref<1x200xi32, #tpu.memory_space<hbm>> -> memref<200xi32, #tpu.memory_space<hbm>>
    tpu.enqueue_dma source(%dma_start3A_302 : memref<200xi32, #tpu.memory_space<hbm>>) target(%dma_start3A_300 : memref<200xi32, #tpu.memory_space<vmem>>) target_semaphore(%arg12 : memref<!tpu.dma_semaphore, #tpu.memory_space<semaphore_mem>>)
    %add3A_303 = arith.constant 4200 : i32
    %add3A_304 = arith.addi %mul3A_2, %add3A_303 : i32
    %dma_start3A_305 = arith.constant 1 : i32
    %dma_start3A_306 = arith.constant 21 : i32
    %dma_start3A_307 = arith.constant 0 : i32
    %dma_start3A_308 = tpu.memref_slice %arg7[%dma_start3A_306, %dma_start3A_307] : memref<50x200xi32, #tpu.memory_space<vmem>> -> memref<1x200xi32, #tpu.memory_space<vmem>>
    %dma_start3A_309 = tpu.memref_squeeze %dma_start3A_308 : memref<1x200xi32, #tpu.memory_space<vmem>> -> memref<200xi32, #tpu.memory_space<vmem>>
    %dma_start3A_310 = tpu.memref_slice %arg2[%dma_start3A_305, %add3A_304] : memref<2x320000xi32, #tpu.memory_space<hbm>> -> memref<1x200xi32, #tpu.memory_space<hbm>>
    %dma_start3A_311 = tpu.memref_squeeze %dma_start3A_310 : memref<1x200xi32, #tpu.memory_space<hbm>> -> memref<200xi32, #tpu.memory_space<hbm>>
    %dma_start3A_312 = arith.constant 0 : i32
    %dma_start3A_313 = tpu.memref_slice %arg7[%dma_start3A_306, %dma_start3A_312] : memref<50x200xi32, #tpu.memory_space<vmem>> -> memref<1x200xi32, #tpu.memory_space<vmem>>
    %dma_start3A_314 = tpu.memref_squeeze %dma_start3A_313 : memref<1x200xi32, #tpu.memory_space<vmem>> -> memref<200xi32, #tpu.memory_space<vmem>>
    %dma_start3A_315 = tpu.memref_slice %arg2[%dma_start3A_305, %add3A_304] : memref<2x320000xi32, #tpu.memory_space<hbm>> -> memref<1x200xi32, #tpu.memory_space<hbm>>
    %dma_start3A_316 = tpu.memref_squeeze %dma_start3A_315 : memref<1x200xi32, #tpu.memory_space<hbm>> -> memref<200xi32, #tpu.memory_space<hbm>>
    tpu.enqueue_dma source(%dma_start3A_316 : memref<200xi32, #tpu.memory_space<hbm>>) target(%dma_start3A_314 : memref<200xi32, #tpu.memory_space<vmem>>) target_semaphore(%arg12 : memref<!tpu.dma_semaphore, #tpu.memory_space<semaphore_mem>>)
    %add3A_317 = arith.constant 4400 : i32
    %add3A_318 = arith.addi %mul3A_2, %add3A_317 : i32
    %dma_start3A_319 = arith.constant 1 : i32
    %dma_start3A_320 = arith.constant 22 : i32
    %dma_start3A_321 = arith.constant 0 : i32
    %dma_start3A_322 = tpu.memref_slice %arg7[%dma_start3A_320, %dma_start3A_321] : memref<50x200xi32, #tpu.memory_space<vmem>> -> memref<1x200xi32, #tpu.memory_space<vmem>>
    %dma_start3A_323 = tpu.memref_squeeze %dma_start3A_322 : memref<1x200xi32, #tpu.memory_space<vmem>> -> memref<200xi32, #tpu.memory_space<vmem>>
    %dma_start3A_324 = tpu.memref_slice %arg2[%dma_start3A_319, %add3A_318] : memref<2x320000xi32, #tpu.memory_space<hbm>> -> memref<1x200xi32, #tpu.memory_space<hbm>>
    %dma_start3A_325 = tpu.memref_squeeze %dma_start3A_324 : memref<1x200xi32, #tpu.memory_space<hbm>> -> memref<200xi32, #tpu.memory_space<hbm>>
    %dma_start3A_326 = arith.constant 0 : i32
    %dma_start3A_327 = tpu.memref_slice %arg7[%dma_start3A_320, %dma_start3A_326] : memref<50x200xi32, #tpu.memory_space<vmem>> -> memref<1x200xi32, #tpu.memory_space<vmem>>
    %dma_start3A_328 = tpu.memref_squeeze %dma_start3A_327 : memref<1x200xi32, #tpu.memory_space<vmem>> -> memref<200xi32, #tpu.memory_space<vmem>>
    %dma_start3A_329 = tpu.memref_slice %arg2[%dma_start3A_319, %add3A_318] : memref<2x320000xi32, #tpu.memory_space<hbm>> -> memref<1x200xi32, #tpu.memory_space<hbm>>
    %dma_start3A_330 = tpu.memref_squeeze %dma_start3A_329 : memref<1x200xi32, #tpu.memory_space<hbm>> -> memref<200xi32, #tpu.memory_space<hbm>>
    tpu.enqueue_dma source(%dma_start3A_330 : memref<200xi32, #tpu.memory_space<hbm>>) target(%dma_start3A_328 : memref<200xi32, #tpu.memory_space<vmem>>) target_semaphore(%arg12 : memref<!tpu.dma_semaphore, #tpu.memory_space<semaphore_mem>>)
    %add3A_331 = arith.constant 4600 : i32
    %add3A_332 = arith.addi %mul3A_2, %add3A_331 : i32
    %dma_start3A_333 = arith.constant 1 : i32
    %dma_start3A_334 = arith.constant 23 : i32
    %dma_start3A_335 = arith.constant 0 : i32
    %dma_start3A_336 = tpu.memref_slice %arg7[%dma_start3A_334, %dma_start3A_335] : memref<50x200xi32, #tpu.memory_space<vmem>> -> memref<1x200xi32, #tpu.memory_space<vmem>>
    %dma_start3A_337 = tpu.memref_squeeze %dma_start3A_336 : memref<1x200xi32, #tpu.memory_space<vmem>> -> memref<200xi32, #tpu.memory_space<vmem>>
    %dma_start3A_338 = tpu.memref_slice %arg2[%dma_start3A_333, %add3A_332] : memref<2x320000xi32, #tpu.memory_space<hbm>> -> memref<1x200xi32, #tpu.memory_space<hbm>>
    %dma_start3A_339 = tpu.memref_squeeze %dma_start3A_338 : memref<1x200xi32, #tpu.memory_space<hbm>> -> memref<200xi32, #tpu.memory_space<hbm>>
    %dma_start3A_340 = arith.constant 0 : i32
    %dma_start3A_341 = tpu.memref_slice %arg7[%dma_start3A_334, %dma_start3A_340] : memref<50x200xi32, #tpu.memory_space<vmem>> -> memref<1x200xi32, #tpu.memory_space<vmem>>
    %dma_start3A_342 = tpu.memref_squeeze %dma_start3A_341 : memref<1x200xi32, #tpu.memory_space<vmem>> -> memref<200xi32, #tpu.memory_space<vmem>>
    %dma_start3A_343 = tpu.memref_slice %arg2[%dma_start3A_333, %add3A_332] : memref<2x320000xi32, #tpu.memory_space<hbm>> -> memref<1x200xi32, #tpu.memory_space<hbm>>
    %dma_start3A_344 = tpu.memref_squeeze %dma_start3A_343 : memref<1x200xi32, #tpu.memory_space<hbm>> -> memref<200xi32, #tpu.memory_space<hbm>>
    tpu.enqueue_dma source(%dma_start3A_344 : memref<200xi32, #tpu.memory_space<hbm>>) target(%dma_start3A_342 : memref<200xi32, #tpu.memory_space<vmem>>) target_semaphore(%arg12 : memref<!tpu.dma_semaphore, #tpu.memory_space<semaphore_mem>>)
    %add3A_345 = arith.constant 4800 : i32
    %add3A_346 = arith.addi %mul3A_2, %add3A_345 : i32
    %dma_start3A_347 = arith.constant 1 : i32
    %dma_start3A_348 = arith.constant 24 : i32
    %dma_start3A_349 = arith.constant 0 : i32
    %dma_start3A_350 = tpu.memref_slice %arg7[%dma_start3A_348, %dma_start3A_349] : memref<50x200xi32, #tpu.memory_space<vmem>> -> memref<1x200xi32, #tpu.memory_space<vmem>>
    %dma_start3A_351 = tpu.memref_squeeze %dma_start3A_350 : memref<1x200xi32, #tpu.memory_space<vmem>> -> memref<200xi32, #tpu.memory_space<vmem>>
    %dma_start3A_352 = tpu.memref_slice %arg2[%dma_start3A_347, %add3A_346] : memref<2x320000xi32, #tpu.memory_space<hbm>> -> memref<1x200xi32, #tpu.memory_space<hbm>>
    %dma_start3A_353 = tpu.memref_squeeze %dma_start3A_352 : memref<1x200xi32, #tpu.memory_space<hbm>> -> memref<200xi32, #tpu.memory_space<hbm>>
    %dma_start3A_354 = arith.constant 0 : i32
    %dma_start3A_355 = tpu.memref_slice %arg7[%dma_start3A_348, %dma_start3A_354] : memref<50x200xi32, #tpu.memory_space<vmem>> -> memref<1x200xi32, #tpu.memory_space<vmem>>
    %dma_start3A_356 = tpu.memref_squeeze %dma_start3A_355 : memref<1x200xi32, #tpu.memory_space<vmem>> -> memref<200xi32, #tpu.memory_space<vmem>>
    %dma_start3A_357 = tpu.memref_slice %arg2[%dma_start3A_347, %add3A_346] : memref<2x320000xi32, #tpu.memory_space<hbm>> -> memref<1x200xi32, #tpu.memory_space<hbm>>
    %dma_start3A_358 = tpu.memref_squeeze %dma_start3A_357 : memref<1x200xi32, #tpu.memory_space<hbm>> -> memref<200xi32, #tpu.memory_space<hbm>>
    tpu.enqueue_dma source(%dma_start3A_358 : memref<200xi32, #tpu.memory_space<hbm>>) target(%dma_start3A_356 : memref<200xi32, #tpu.memory_space<vmem>>) target_semaphore(%arg12 : memref<!tpu.dma_semaphore, #tpu.memory_space<semaphore_mem>>)
    %add3A_359 = arith.constant 5000 : i32
    %add3A_360 = arith.addi %mul3A_2, %add3A_359 : i32
    %dma_start3A_361 = arith.constant 1 : i32
    %dma_start3A_362 = arith.constant 25 : i32
    %dma_start3A_363 = arith.constant 0 : i32
    %dma_start3A_364 = tpu.memref_slice %arg7[%dma_start3A_362, %dma_start3A_363] : memref<50x200xi32, #tpu.memory_space<vmem>> -> memref<1x200xi32, #tpu.memory_space<vmem>>
    %dma_start3A_365 = tpu.memref_squeeze %dma_start3A_364 : memref<1x200xi32, #tpu.memory_space<vmem>> -> memref<200xi32, #tpu.memory_space<vmem>>
    %dma_start3A_366 = tpu.memref_slice %arg2[%dma_start3A_361, %add3A_360] : memref<2x320000xi32, #tpu.memory_space<hbm>> -> memref<1x200xi32, #tpu.memory_space<hbm>>
    %dma_start3A_367 = tpu.memref_squeeze %dma_start3A_366 : memref<1x200xi32, #tpu.memory_space<hbm>> -> memref<200xi32, #tpu.memory_space<hbm>>
    %dma_start3A_368 = arith.constant 0 : i32
    %dma_start3A_369 = tpu.memref_slice %arg7[%dma_start3A_362, %dma_start3A_368] : memref<50x200xi32, #tpu.memory_space<vmem>> -> memref<1x200xi32, #tpu.memory_space<vmem>>
    %dma_start3A_370 = tpu.memref_squeeze %dma_start3A_369 : memref<1x200xi32, #tpu.memory_space<vmem>> -> memref<200xi32, #tpu.memory_space<vmem>>
    %dma_start3A_371 = tpu.memref_slice %arg2[%dma_start3A_361, %add3A_360] : memref<2x320000xi32, #tpu.memory_space<hbm>> -> memref<1x200xi32, #tpu.memory_space<hbm>>
    %dma_start3A_372 = tpu.memref_squeeze %dma_start3A_371 : memref<1x200xi32, #tpu.memory_space<hbm>> -> memref<200xi32, #tpu.memory_space<hbm>>
    tpu.enqueue_dma source(%dma_start3A_372 : memref<200xi32, #tpu.memory_space<hbm>>) target(%dma_start3A_370 : memref<200xi32, #tpu.memory_space<vmem>>) target_semaphore(%arg12 : memref<!tpu.dma_semaphore, #tpu.memory_space<semaphore_mem>>)
    %add3A_373 = arith.constant 5200 : i32
    %add3A_374 = arith.addi %mul3A_2, %add3A_373 : i32
    %dma_start3A_375 = arith.constant 1 : i32
    %dma_start3A_376 = arith.constant 26 : i32
    %dma_start3A_377 = arith.constant 0 : i32
    %dma_start3A_378 = tpu.memref_slice %arg7[%dma_start3A_376, %dma_start3A_377] : memref<50x200xi32, #tpu.memory_space<vmem>> -> memref<1x200xi32, #tpu.memory_space<vmem>>
    %dma_start3A_379 = tpu.memref_squeeze %dma_start3A_378 : memref<1x200xi32, #tpu.memory_space<vmem>> -> memref<200xi32, #tpu.memory_space<vmem>>
    %dma_start3A_380 = tpu.memref_slice %arg2[%dma_start3A_375, %add3A_374] : memref<2x320000xi32, #tpu.memory_space<hbm>> -> memref<1x200xi32, #tpu.memory_space<hbm>>
    %dma_start3A_381 = tpu.memref_squeeze %dma_start3A_380 : memref<1x200xi32, #tpu.memory_space<hbm>> -> memref<200xi32, #tpu.memory_space<hbm>>
    %dma_start3A_382 = arith.constant 0 : i32
    %dma_start3A_383 = tpu.memref_slice %arg7[%dma_start3A_376, %dma_start3A_382] : memref<50x200xi32, #tpu.memory_space<vmem>> -> memref<1x200xi32, #tpu.memory_space<vmem>>
    %dma_start3A_384 = tpu.memref_squeeze %dma_start3A_383 : memref<1x200xi32, #tpu.memory_space<vmem>> -> memref<200xi32, #tpu.memory_space<vmem>>
    %dma_start3A_385 = tpu.memref_slice %arg2[%dma_start3A_375, %add3A_374] : memref<2x320000xi32, #tpu.memory_space<hbm>> -> memref<1x200xi32, #tpu.memory_space<hbm>>
    %dma_start3A_386 = tpu.memref_squeeze %dma_start3A_385 : memref<1x200xi32, #tpu.memory_space<hbm>> -> memref<200xi32, #tpu.memory_space<hbm>>
    tpu.enqueue_dma source(%dma_start3A_386 : memref<200xi32, #tpu.memory_space<hbm>>) target(%dma_start3A_384 : memref<200xi32, #tpu.memory_space<vmem>>) target_semaphore(%arg12 : memref<!tpu.dma_semaphore, #tpu.memory_space<semaphore_mem>>)
    %add3A_387 = arith.constant 5400 : i32
    %add3A_388 = arith.addi %mul3A_2, %add3A_387 : i32
    %dma_start3A_389 = arith.constant 1 : i32
    %dma_start3A_390 = arith.constant 27 : i32
    %dma_start3A_391 = arith.constant 0 : i32
    %dma_start3A_392 = tpu.memref_slice %arg7[%dma_start3A_390, %dma_start3A_391] : memref<50x200xi32, #tpu.memory_space<vmem>> -> memref<1x200xi32, #tpu.memory_space<vmem>>
    %dma_start3A_393 = tpu.memref_squeeze %dma_start3A_392 : memref<1x200xi32, #tpu.memory_space<vmem>> -> memref<200xi32, #tpu.memory_space<vmem>>
    %dma_start3A_394 = tpu.memref_slice %arg2[%dma_start3A_389, %add3A_388] : memref<2x320000xi32, #tpu.memory_space<hbm>> -> memref<1x200xi32, #tpu.memory_space<hbm>>
    %dma_start3A_395 = tpu.memref_squeeze %dma_start3A_394 : memref<1x200xi32, #tpu.memory_space<hbm>> -> memref<200xi32, #tpu.memory_space<hbm>>
    %dma_start3A_396 = arith.constant 0 : i32
    %dma_start3A_397 = tpu.memref_slice %arg7[%dma_start3A_390, %dma_start3A_396] : memref<50x200xi32, #tpu.memory_space<vmem>> -> memref<1x200xi32, #tpu.memory_space<vmem>>
    %dma_start3A_398 = tpu.memref_squeeze %dma_start3A_397 : memref<1x200xi32, #tpu.memory_space<vmem>> -> memref<200xi32, #tpu.memory_space<vmem>>
    %dma_start3A_399 = tpu.memref_slice %arg2[%dma_start3A_389, %add3A_388] : memref<2x320000xi32, #tpu.memory_space<hbm>> -> memref<1x200xi32, #tpu.memory_space<hbm>>
    %dma_start3A_400 = tpu.memref_squeeze %dma_start3A_399 : memref<1x200xi32, #tpu.memory_space<hbm>> -> memref<200xi32, #tpu.memory_space<hbm>>
    tpu.enqueue_dma source(%dma_start3A_400 : memref<200xi32, #tpu.memory_space<hbm>>) target(%dma_start3A_398 : memref<200xi32, #tpu.memory_space<vmem>>) target_semaphore(%arg12 : memref<!tpu.dma_semaphore, #tpu.memory_space<semaphore_mem>>)
    %add3A_401 = arith.constant 5600 : i32
    %add3A_402 = arith.addi %mul3A_2, %add3A_401 : i32
    %dma_start3A_403 = arith.constant 1 : i32
    %dma_start3A_404 = arith.constant 28 : i32
    %dma_start3A_405 = arith.constant 0 : i32
    %dma_start3A_406 = tpu.memref_slice %arg7[%dma_start3A_404, %dma_start3A_405] : memref<50x200xi32, #tpu.memory_space<vmem>> -> memref<1x200xi32, #tpu.memory_space<vmem>>
    %dma_start3A_407 = tpu.memref_squeeze %dma_start3A_406 : memref<1x200xi32, #tpu.memory_space<vmem>> -> memref<200xi32, #tpu.memory_space<vmem>>
    %dma_start3A_408 = tpu.memref_slice %arg2[%dma_start3A_403, %add3A_402] : memref<2x320000xi32, #tpu.memory_space<hbm>> -> memref<1x200xi32, #tpu.memory_space<hbm>>
    %dma_start3A_409 = tpu.memref_squeeze %dma_start3A_408 : memref<1x200xi32, #tpu.memory_space<hbm>> -> memref<200xi32, #tpu.memory_space<hbm>>
    %dma_start3A_410 = arith.constant 0 : i32
    %dma_start3A_411 = tpu.memref_slice %arg7[%dma_start3A_404, %dma_start3A_410] : memref<50x200xi32, #tpu.memory_space<vmem>> -> memref<1x200xi32, #tpu.memory_space<vmem>>
    %dma_start3A_412 = tpu.memref_squeeze %dma_start3A_411 : memref<1x200xi32, #tpu.memory_space<vmem>> -> memref<200xi32, #tpu.memory_space<vmem>>
    %dma_start3A_413 = tpu.memref_slice %arg2[%dma_start3A_403, %add3A_402] : memref<2x320000xi32, #tpu.memory_space<hbm>> -> memref<1x200xi32, #tpu.memory_space<hbm>>
    %dma_start3A_414 = tpu.memref_squeeze %dma_start3A_413 : memref<1x200xi32, #tpu.memory_space<hbm>> -> memref<200xi32, #tpu.memory_space<hbm>>
    tpu.enqueue_dma source(%dma_start3A_414 : memref<200xi32, #tpu.memory_space<hbm>>) target(%dma_start3A_412 : memref<200xi32, #tpu.memory_space<vmem>>) target_semaphore(%arg12 : memref<!tpu.dma_semaphore, #tpu.memory_space<semaphore_mem>>)
    %add3A_415 = arith.constant 5800 : i32
    %add3A_416 = arith.addi %mul3A_2, %add3A_415 : i32
    %dma_start3A_417 = arith.constant 1 : i32
    %dma_start3A_418 = arith.constant 29 : i32
    %dma_start3A_419 = arith.constant 0 : i32
    %dma_start3A_420 = tpu.memref_slice %arg7[%dma_start3A_418, %dma_start3A_419] : memref<50x200xi32, #tpu.memory_space<vmem>> -> memref<1x200xi32, #tpu.memory_space<vmem>>
    %dma_start3A_421 = tpu.memref_squeeze %dma_start3A_420 : memref<1x200xi32, #tpu.memory_space<vmem>> -> memref<200xi32, #tpu.memory_space<vmem>>
    %dma_start3A_422 = tpu.memref_slice %arg2[%dma_start3A_417, %add3A_416] : memref<2x320000xi32, #tpu.memory_space<hbm>> -> memref<1x200xi32, #tpu.memory_space<hbm>>
    %dma_start3A_423 = tpu.memref_squeeze %dma_start3A_422 : memref<1x200xi32, #tpu.memory_space<hbm>> -> memref<200xi32, #tpu.memory_space<hbm>>
    %dma_start3A_424 = arith.constant 0 : i32
    %dma_start3A_425 = tpu.memref_slice %arg7[%dma_start3A_418, %dma_start3A_424] : memref<50x200xi32, #tpu.memory_space<vmem>> -> memref<1x200xi32, #tpu.memory_space<vmem>>
    %dma_start3A_426 = tpu.memref_squeeze %dma_start3A_425 : memref<1x200xi32, #tpu.memory_space<vmem>> -> memref<200xi32, #tpu.memory_space<vmem>>
    %dma_start3A_427 = tpu.memref_slice %arg2[%dma_start3A_417, %add3A_416] : memref<2x320000xi32, #tpu.memory_space<hbm>> -> memref<1x200xi32, #tpu.memory_space<hbm>>
    %dma_start3A_428 = tpu.memref_squeeze %dma_start3A_427 : memref<1x200xi32, #tpu.memory_space<hbm>> -> memref<200xi32, #tpu.memory_space<hbm>>
    tpu.enqueue_dma source(%dma_start3A_428 : memref<200xi32, #tpu.memory_space<hbm>>) target(%dma_start3A_426 : memref<200xi32, #tpu.memory_space<vmem>>) target_semaphore(%arg12 : memref<!tpu.dma_semaphore, #tpu.memory_space<semaphore_mem>>)
    %add3A_429 = arith.constant 6000 : i32
    %add3A_430 = arith.addi %mul3A_2, %add3A_429 : i32
    %dma_start3A_431 = arith.constant 1 : i32
    %dma_start3A_432 = arith.constant 30 : i32
    %dma_start3A_433 = arith.constant 0 : i32
    %dma_start3A_434 = tpu.memref_slice %arg7[%dma_start3A_432, %dma_start3A_433] : memref<50x200xi32, #tpu.memory_space<vmem>> -> memref<1x200xi32, #tpu.memory_space<vmem>>
    %dma_start3A_435 = tpu.memref_squeeze %dma_start3A_434 : memref<1x200xi32, #tpu.memory_space<vmem>> -> memref<200xi32, #tpu.memory_space<vmem>>
    %dma_start3A_436 = tpu.memref_slice %arg2[%dma_start3A_431, %add3A_430] : memref<2x320000xi32, #tpu.memory_space<hbm>> -> memref<1x200xi32, #tpu.memory_space<hbm>>
    %dma_start3A_437 = tpu.memref_squeeze %dma_start3A_436 : memref<1x200xi32, #tpu.memory_space<hbm>> -> memref<200xi32, #tpu.memory_space<hbm>>
    %dma_start3A_438 = arith.constant 0 : i32
    %dma_start3A_439 = tpu.memref_slice %arg7[%dma_start3A_432, %dma_start3A_438] : memref<50x200xi32, #tpu.memory_space<vmem>> -> memref<1x200xi32, #tpu.memory_space<vmem>>
    %dma_start3A_440 = tpu.memref_squeeze %dma_start3A_439 : memref<1x200xi32, #tpu.memory_space<vmem>> -> memref<200xi32, #tpu.memory_space<vmem>>
    %dma_start3A_441 = tpu.memref_slice %arg2[%dma_start3A_431, %add3A_430] : memref<2x320000xi32, #tpu.memory_space<hbm>> -> memref<1x200xi32, #tpu.memory_space<hbm>>
    %dma_start3A_442 = tpu.memref_squeeze %dma_start3A_441 : memref<1x200xi32, #tpu.memory_space<hbm>> -> memref<200xi32, #tpu.memory_space<hbm>>
    tpu.enqueue_dma source(%dma_start3A_442 : memref<200xi32, #tpu.memory_space<hbm>>) target(%dma_start3A_440 : memref<200xi32, #tpu.memory_space<vmem>>) target_semaphore(%arg12 : memref<!tpu.dma_semaphore, #tpu.memory_space<semaphore_mem>>)
    %add3A_443 = arith.constant 6200 : i32
    %add3A_444 = arith.addi %mul3A_2, %add3A_443 : i32
    %dma_start3A_445 = arith.constant 1 : i32
    %dma_start3A_446 = arith.constant 31 : i32
    %dma_start3A_447 = arith.constant 0 : i32
    %dma_start3A_448 = tpu.memref_slice %arg7[%dma_start3A_446, %dma_start3A_447] : memref<50x200xi32, #tpu.memory_space<vmem>> -> memref<1x200xi32, #tpu.memory_space<vmem>>
    %dma_start3A_449 = tpu.memref_squeeze %dma_start3A_448 : memref<1x200xi32, #tpu.memory_space<vmem>> -> memref<200xi32, #tpu.memory_space<vmem>>
    %dma_start3A_450 = tpu.memref_slice %arg2[%dma_start3A_445, %add3A_444] : memref<2x320000xi32, #tpu.memory_space<hbm>> -> memref<1x200xi32, #tpu.memory_space<hbm>>
    %dma_start3A_451 = tpu.memref_squeeze %dma_start3A_450 : memref<1x200xi32, #tpu.memory_space<hbm>> -> memref<200xi32, #tpu.memory_space<hbm>>
    %dma_start3A_452 = arith.constant 0 : i32
    %dma_start3A_453 = tpu.memref_slice %arg7[%dma_start3A_446, %dma_start3A_452] : memref<50x200xi32, #tpu.memory_space<vmem>> -> memref<1x200xi32, #tpu.memory_space<vmem>>
    %dma_start3A_454 = tpu.memref_squeeze %dma_start3A_453 : memref<1x200xi32, #tpu.memory_space<vmem>> -> memref<200xi32, #tpu.memory_space<vmem>>
    %dma_start3A_455 = tpu.memref_slice %arg2[%dma_start3A_445, %add3A_444] : memref<2x320000xi32, #tpu.memory_space<hbm>> -> memref<1x200xi32, #tpu.memory_space<hbm>>
    %dma_start3A_456 = tpu.memref_squeeze %dma_start3A_455 : memref<1x200xi32, #tpu.memory_space<hbm>> -> memref<200xi32, #tpu.memory_space<hbm>>
    tpu.enqueue_dma source(%dma_start3A_456 : memref<200xi32, #tpu.memory_space<hbm>>) target(%dma_start3A_454 : memref<200xi32, #tpu.memory_space<vmem>>) target_semaphore(%arg12 : memref<!tpu.dma_semaphore, #tpu.memory_space<semaphore_mem>>)
    %add3A_457 = arith.constant 6400 : i32
    %add3A_458 = arith.addi %mul3A_2, %add3A_457 : i32
    %dma_start3A_459 = arith.constant 1 : i32
    %dma_start3A_460 = arith.constant 32 : i32
    %dma_start3A_461 = arith.constant 0 : i32
    %dma_start3A_462 = tpu.memref_slice %arg7[%dma_start3A_460, %dma_start3A_461] : memref<50x200xi32, #tpu.memory_space<vmem>> -> memref<1x200xi32, #tpu.memory_space<vmem>>
    %dma_start3A_463 = tpu.memref_squeeze %dma_start3A_462 : memref<1x200xi32, #tpu.memory_space<vmem>> -> memref<200xi32, #tpu.memory_space<vmem>>
    %dma_start3A_464 = tpu.memref_slice %arg2[%dma_start3A_459, %add3A_458] : memref<2x320000xi32, #tpu.memory_space<hbm>> -> memref<1x200xi32, #tpu.memory_space<hbm>>
    %dma_start3A_465 = tpu.memref_squeeze %dma_start3A_464 : memref<1x200xi32, #tpu.memory_space<hbm>> -> memref<200xi32, #tpu.memory_space<hbm>>
    %dma_start3A_466 = arith.constant 0 : i32
    %dma_start3A_467 = tpu.memref_slice %arg7[%dma_start3A_460, %dma_start3A_466] : memref<50x200xi32, #tpu.memory_space<vmem>> -> memref<1x200xi32, #tpu.memory_space<vmem>>
    %dma_start3A_468 = tpu.memref_squeeze %dma_start3A_467 : memref<1x200xi32, #tpu.memory_space<vmem>> -> memref<200xi32, #tpu.memory_space<vmem>>
    %dma_start3A_469 = tpu.memref_slice %arg2[%dma_start3A_459, %add3A_458] : memref<2x320000xi32, #tpu.memory_space<hbm>> -> memref<1x200xi32, #tpu.memory_space<hbm>>
    %dma_start3A_470 = tpu.memref_squeeze %dma_start3A_469 : memref<1x200xi32, #tpu.memory_space<hbm>> -> memref<200xi32, #tpu.memory_space<hbm>>
    tpu.enqueue_dma source(%dma_start3A_470 : memref<200xi32, #tpu.memory_space<hbm>>) target(%dma_start3A_468 : memref<200xi32, #tpu.memory_space<vmem>>) target_semaphore(%arg12 : memref<!tpu.dma_semaphore, #tpu.memory_space<semaphore_mem>>)
    %add3A_471 = arith.constant 6600 : i32
    %add3A_472 = arith.addi %mul3A_2, %add3A_471 : i32
    %dma_start3A_473 = arith.constant 1 : i32
    %dma_start3A_474 = arith.constant 33 : i32
    %dma_start3A_475 = arith.constant 0 : i32
    %dma_start3A_476 = tpu.memref_slice %arg7[%dma_start3A_474, %dma_start3A_475] : memref<50x200xi32, #tpu.memory_space<vmem>> -> memref<1x200xi32, #tpu.memory_space<vmem>>
    %dma_start3A_477 = tpu.memref_squeeze %dma_start3A_476 : memref<1x200xi32, #tpu.memory_space<vmem>> -> memref<200xi32, #tpu.memory_space<vmem>>
    %dma_start3A_478 = tpu.memref_slice %arg2[%dma_start3A_473, %add3A_472] : memref<2x320000xi32, #tpu.memory_space<hbm>> -> memref<1x200xi32, #tpu.memory_space<hbm>>
    %dma_start3A_479 = tpu.memref_squeeze %dma_start3A_478 : memref<1x200xi32, #tpu.memory_space<hbm>> -> memref<200xi32, #tpu.memory_space<hbm>>
    %dma_start3A_480 = arith.constant 0 : i32
    %dma_start3A_481 = tpu.memref_slice %arg7[%dma_start3A_474, %dma_start3A_480] : memref<50x200xi32, #tpu.memory_space<vmem>> -> memref<1x200xi32, #tpu.memory_space<vmem>>
    %dma_start3A_482 = tpu.memref_squeeze %dma_start3A_481 : memref<1x200xi32, #tpu.memory_space<vmem>> -> memref<200xi32, #tpu.memory_space<vmem>>
    %dma_start3A_483 = tpu.memref_slice %arg2[%dma_start3A_473, %add3A_472] : memref<2x320000xi32, #tpu.memory_space<hbm>> -> memref<1x200xi32, #tpu.memory_space<hbm>>
    %dma_start3A_484 = tpu.memref_squeeze %dma_start3A_483 : memref<1x200xi32, #tpu.memory_space<hbm>> -> memref<200xi32, #tpu.memory_space<hbm>>
    tpu.enqueue_dma source(%dma_start3A_484 : memref<200xi32, #tpu.memory_space<hbm>>) target(%dma_start3A_482 : memref<200xi32, #tpu.memory_space<vmem>>) target_semaphore(%arg12 : memref<!tpu.dma_semaphore, #tpu.memory_space<semaphore_mem>>)
    %add3A_485 = arith.constant 6800 : i32
    %add3A_486 = arith.addi %mul3A_2, %add3A_485 : i32
    %dma_start3A_487 = arith.constant 1 : i32
    %dma_start3A_488 = arith.constant 34 : i32
    %dma_start3A_489 = arith.constant 0 : i32
    %dma_start3A_490 = tpu.memref_slice %arg7[%dma_start3A_488, %dma_start3A_489] : memref<50x200xi32, #tpu.memory_space<vmem>> -> memref<1x200xi32, #tpu.memory_space<vmem>>
    %dma_start3A_491 = tpu.memref_squeeze %dma_start3A_490 : memref<1x200xi32, #tpu.memory_space<vmem>> -> memref<200xi32, #tpu.memory_space<vmem>>
    %dma_start3A_492 = tpu.memref_slice %arg2[%dma_start3A_487, %add3A_486] : memref<2x320000xi32, #tpu.memory_space<hbm>> -> memref<1x200xi32, #tpu.memory_space<hbm>>
    %dma_start3A_493 = tpu.memref_squeeze %dma_start3A_492 : memref<1x200xi32, #tpu.memory_space<hbm>> -> memref<200xi32, #tpu.memory_space<hbm>>
    %dma_start3A_494 = arith.constant 0 : i32
    %dma_start3A_495 = tpu.memref_slice %arg7[%dma_start3A_488, %dma_start3A_494] : memref<50x200xi32, #tpu.memory_space<vmem>> -> memref<1x200xi32, #tpu.memory_space<vmem>>
    %dma_start3A_496 = tpu.memref_squeeze %dma_start3A_495 : memref<1x200xi32, #tpu.memory_space<vmem>> -> memref<200xi32, #tpu.memory_space<vmem>>
    %dma_start3A_497 = tpu.memref_slice %arg2[%dma_start3A_487, %add3A_486] : memref<2x320000xi32, #tpu.memory_space<hbm>> -> memref<1x200xi32, #tpu.memory_space<hbm>>
    %dma_start3A_498 = tpu.memref_squeeze %dma_start3A_497 : memref<1x200xi32, #tpu.memory_space<hbm>> -> memref<200xi32, #tpu.memory_space<hbm>>
    tpu.enqueue_dma source(%dma_start3A_498 : memref<200xi32, #tpu.memory_space<hbm>>) target(%dma_start3A_496 : memref<200xi32, #tpu.memory_space<vmem>>) target_semaphore(%arg12 : memref<!tpu.dma_semaphore, #tpu.memory_space<semaphore_mem>>)
    %add3A_499 = arith.constant 7000 : i32
    %add3A_500 = arith.addi %mul3A_2, %add3A_499 : i32
    %dma_start3A_501 = arith.constant 1 : i32
    %dma_start3A_502 = arith.constant 35 : i32
    %dma_start3A_503 = arith.constant 0 : i32
    %dma_start3A_504 = tpu.memref_slice %arg7[%dma_start3A_502, %dma_start3A_503] : memref<50x200xi32, #tpu.memory_space<vmem>> -> memref<1x200xi32, #tpu.memory_space<vmem>>
    %dma_start3A_505 = tpu.memref_squeeze %dma_start3A_504 : memref<1x200xi32, #tpu.memory_space<vmem>> -> memref<200xi32, #tpu.memory_space<vmem>>
    %dma_start3A_506 = tpu.memref_slice %arg2[%dma_start3A_501, %add3A_500] : memref<2x320000xi32, #tpu.memory_space<hbm>> -> memref<1x200xi32, #tpu.memory_space<hbm>>
    %dma_start3A_507 = tpu.memref_squeeze %dma_start3A_506 : memref<1x200xi32, #tpu.memory_space<hbm>> -> memref<200xi32, #tpu.memory_space<hbm>>
    %dma_start3A_508 = arith.constant 0 : i32
    %dma_start3A_509 = tpu.memref_slice %arg7[%dma_start3A_502, %dma_start3A_508] : memref<50x200xi32, #tpu.memory_space<vmem>> -> memref<1x200xi32, #tpu.memory_space<vmem>>
    %dma_start3A_510 = tpu.memref_squeeze %dma_start3A_509 : memref<1x200xi32, #tpu.memory_space<vmem>> -> memref<200xi32, #tpu.memory_space<vmem>>
    %dma_start3A_511 = tpu.memref_slice %arg2[%dma_start3A_501, %add3A_500] : memref<2x320000xi32, #tpu.memory_space<hbm>> -> memref<1x200xi32, #tpu.memory_space<hbm>>
    %dma_start3A_512 = tpu.memref_squeeze %dma_start3A_511 : memref<1x200xi32, #tpu.memory_space<hbm>> -> memref<200xi32, #tpu.memory_space<hbm>>
    tpu.enqueue_dma source(%dma_start3A_512 : memref<200xi32, #tpu.memory_space<hbm>>) target(%dma_start3A_510 : memref<200xi32, #tpu.memory_space<vmem>>) target_semaphore(%arg12 : memref<!tpu.dma_semaphore, #tpu.memory_space<semaphore_mem>>)
    %add3A_513 = arith.constant 7200 : i32
    %add3A_514 = arith.addi %mul3A_2, %add3A_513 : i32
    %dma_start3A_515 = arith.constant 1 : i32
    %dma_start3A_516 = arith.constant 36 : i32
    %dma_start3A_517 = arith.constant 0 : i32
    %dma_start3A_518 = tpu.memref_slice %arg7[%dma_start3A_516, %dma_start3A_517] : memref<50x200xi32, #tpu.memory_space<vmem>> -> memref<1x200xi32, #tpu.memory_space<vmem>>
    %dma_start3A_519 = tpu.memref_squeeze %dma_start3A_518 : memref<1x200xi32, #tpu.memory_space<vmem>> -> memref<200xi32, #tpu.memory_space<vmem>>
    %dma_start3A_520 = tpu.memref_slice %arg2[%dma_start3A_515, %add3A_514] : memref<2x320000xi32, #tpu.memory_space<hbm>> -> memref<1x200xi32, #tpu.memory_space<hbm>>
    %dma_start3A_521 = tpu.memref_squeeze %dma_start3A_520 : memref<1x200xi32, #tpu.memory_space<hbm>> -> memref<200xi32, #tpu.memory_space<hbm>>
    %dma_start3A_522 = arith.constant 0 : i32
    %dma_start3A_523 = tpu.memref_slice %arg7[%dma_start3A_516, %dma_start3A_522] : memref<50x200xi32, #tpu.memory_space<vmem>> -> memref<1x200xi32, #tpu.memory_space<vmem>>
    %dma_start3A_524 = tpu.memref_squeeze %dma_start3A_523 : memref<1x200xi32, #tpu.memory_space<vmem>> -> memref<200xi32, #tpu.memory_space<vmem>>
    %dma_start3A_525 = tpu.memref_slice %arg2[%dma_start3A_515, %add3A_514] : memref<2x320000xi32, #tpu.memory_space<hbm>> -> memref<1x200xi32, #tpu.memory_space<hbm>>
    %dma_start3A_526 = tpu.memref_squeeze %dma_start3A_525 : memref<1x200xi32, #tpu.memory_space<hbm>> -> memref<200xi32, #tpu.memory_space<hbm>>
    tpu.enqueue_dma source(%dma_start3A_526 : memref<200xi32, #tpu.memory_space<hbm>>) target(%dma_start3A_524 : memref<200xi32, #tpu.memory_space<vmem>>) target_semaphore(%arg12 : memref<!tpu.dma_semaphore, #tpu.memory_space<semaphore_mem>>)
    %add3A_527 = arith.constant 7400 : i32
    %add3A_528 = arith.addi %mul3A_2, %add3A_527 : i32
    %dma_start3A_529 = arith.constant 1 : i32
    %dma_start3A_530 = arith.constant 37 : i32
    %dma_start3A_531 = arith.constant 0 : i32
    %dma_start3A_532 = tpu.memref_slice %arg7[%dma_start3A_530, %dma_start3A_531] : memref<50x200xi32, #tpu.memory_space<vmem>> -> memref<1x200xi32, #tpu.memory_space<vmem>>
    %dma_start3A_533 = tpu.memref_squeeze %dma_start3A_532 : memref<1x200xi32, #tpu.memory_space<vmem>> -> memref<200xi32, #tpu.memory_space<vmem>>
    %dma_start3A_534 = tpu.memref_slice %arg2[%dma_start3A_529, %add3A_528] : memref<2x320000xi32, #tpu.memory_space<hbm>> -> memref<1x200xi32, #tpu.memory_space<hbm>>
    %dma_start3A_535 = tpu.memref_squeeze %dma_start3A_534 : memref<1x200xi32, #tpu.memory_space<hbm>> -> memref<200xi32, #tpu.memory_space<hbm>>
    %dma_start3A_536 = arith.constant 0 : i32
    %dma_start3A_537 = tpu.memref_slice %arg7[%dma_start3A_530, %dma_start3A_536] : memref<50x200xi32, #tpu.memory_space<vmem>> -> memref<1x200xi32, #tpu.memory_space<vmem>>
    %dma_start3A_538 = tpu.memref_squeeze %dma_start3A_537 : memref<1x200xi32, #tpu.memory_space<vmem>> -> memref<200xi32, #tpu.memory_space<vmem>>
    %dma_start3A_539 = tpu.memref_slice %arg2[%dma_start3A_529, %add3A_528] : memref<2x320000xi32, #tpu.memory_space<hbm>> -> memref<1x200xi32, #tpu.memory_space<hbm>>
    %dma_start3A_540 = tpu.memref_squeeze %dma_start3A_539 : memref<1x200xi32, #tpu.memory_space<hbm>> -> memref<200xi32, #tpu.memory_space<hbm>>
    tpu.enqueue_dma source(%dma_start3A_540 : memref<200xi32, #tpu.memory_space<hbm>>) target(%dma_start3A_538 : memref<200xi32, #tpu.memory_space<vmem>>) target_semaphore(%arg12 : memref<!tpu.dma_semaphore, #tpu.memory_space<semaphore_mem>>)
    %add3A_541 = arith.constant 7600 : i32
    %add3A_542 = arith.addi %mul3A_2, %add3A_541 : i32
    %dma_start3A_543 = arith.constant 1 : i32
    %dma_start3A_544 = arith.constant 38 : i32
    %dma_start3A_545 = arith.constant 0 : i32
    %dma_start3A_546 = tpu.memref_slice %arg7[%dma_start3A_544, %dma_start3A_545] : memref<50x200xi32, #tpu.memory_space<vmem>> -> memref<1x200xi32, #tpu.memory_space<vmem>>
    %dma_start3A_547 = tpu.memref_squeeze %dma_start3A_546 : memref<1x200xi32, #tpu.memory_space<vmem>> -> memref<200xi32, #tpu.memory_space<vmem>>
    %dma_start3A_548 = tpu.memref_slice %arg2[%dma_start3A_543, %add3A_542] : memref<2x320000xi32, #tpu.memory_space<hbm>> -> memref<1x200xi32, #tpu.memory_space<hbm>>
    %dma_start3A_549 = tpu.memref_squeeze %dma_start3A_548 : memref<1x200xi32, #tpu.memory_space<hbm>> -> memref<200xi32, #tpu.memory_space<hbm>>
    %dma_start3A_550 = arith.constant 0 : i32
    %dma_start3A_551 = tpu.memref_slice %arg7[%dma_start3A_544, %dma_start3A_550] : memref<50x200xi32, #tpu.memory_space<vmem>> -> memref<1x200xi32, #tpu.memory_space<vmem>>
    %dma_start3A_552 = tpu.memref_squeeze %dma_start3A_551 : memref<1x200xi32, #tpu.memory_space<vmem>> -> memref<200xi32, #tpu.memory_space<vmem>>
    %dma_start3A_553 = tpu.memref_slice %arg2[%dma_start3A_543, %add3A_542] : memref<2x320000xi32, #tpu.memory_space<hbm>> -> memref<1x200xi32, #tpu.memory_space<hbm>>
    %dma_start3A_554 = tpu.memref_squeeze %dma_start3A_553 : memref<1x200xi32, #tpu.memory_space<hbm>> -> memref<200xi32, #tpu.memory_space<hbm>>
    tpu.enqueue_dma source(%dma_start3A_554 : memref<200xi32, #tpu.memory_space<hbm>>) target(%dma_start3A_552 : memref<200xi32, #tpu.memory_space<vmem>>) target_semaphore(%arg12 : memref<!tpu.dma_semaphore, #tpu.memory_space<semaphore_mem>>)
    %add3A_555 = arith.constant 7800 : i32
    %add3A_556 = arith.addi %mul3A_2, %add3A_555 : i32
    %dma_start3A_557 = arith.constant 1 : i32
    %dma_start3A_558 = arith.constant 39 : i32
    %dma_start3A_559 = arith.constant 0 : i32
    %dma_start3A_560 = tpu.memref_slice %arg7[%dma_start3A_558, %dma_start3A_559] : memref<50x200xi32, #tpu.memory_space<vmem>> -> memref<1x200xi32, #tpu.memory_space<vmem>>
    %dma_start3A_561 = tpu.memref_squeeze %dma_start3A_560 : memref<1x200xi32, #tpu.memory_space<vmem>> -> memref<200xi32, #tpu.memory_space<vmem>>
    %dma_start3A_562 = tpu.memref_slice %arg2[%dma_start3A_557, %add3A_556] : memref<2x320000xi32, #tpu.memory_space<hbm>> -> memref<1x200xi32, #tpu.memory_space<hbm>>
    %dma_start3A_563 = tpu.memref_squeeze %dma_start3A_562 : memref<1x200xi32, #tpu.memory_space<hbm>> -> memref<200xi32, #tpu.memory_space<hbm>>
    %dma_start3A_564 = arith.constant 0 : i32
    %dma_start3A_565 = tpu.memref_slice %arg7[%dma_start3A_558, %dma_start3A_564] : memref<50x200xi32, #tpu.memory_space<vmem>> -> memref<1x200xi32, #tpu.memory_space<vmem>>
    %dma_start3A_566 = tpu.memref_squeeze %dma_start3A_565 : memref<1x200xi32, #tpu.memory_space<vmem>> -> memref<200xi32, #tpu.memory_space<vmem>>
    %dma_start3A_567 = tpu.memref_slice %arg2[%dma_start3A_557, %add3A_556] : memref<2x320000xi32, #tpu.memory_space<hbm>> -> memref<1x200xi32, #tpu.memory_space<hbm>>
    %dma_start3A_568 = tpu.memref_squeeze %dma_start3A_567 : memref<1x200xi32, #tpu.memory_space<hbm>> -> memref<200xi32, #tpu.memory_space<hbm>>
    tpu.enqueue_dma source(%dma_start3A_568 : memref<200xi32, #tpu.memory_space<hbm>>) target(%dma_start3A_566 : memref<200xi32, #tpu.memory_space<vmem>>) target_semaphore(%arg12 : memref<!tpu.dma_semaphore, #tpu.memory_space<semaphore_mem>>)
    %add3A_569 = arith.constant 8000 : i32
    %add3A_570 = arith.addi %mul3A_2, %add3A_569 : i32
    %dma_start3A_571 = arith.constant 1 : i32
    %dma_start3A_572 = arith.constant 40 : i32
    %dma_start3A_573 = arith.constant 0 : i32
    %dma_start3A_574 = tpu.memref_slice %arg7[%dma_start3A_572, %dma_start3A_573] : memref<50x200xi32, #tpu.memory_space<vmem>> -> memref<1x200xi32, #tpu.memory_space<vmem>>
    %dma_start3A_575 = tpu.memref_squeeze %dma_start3A_574 : memref<1x200xi32, #tpu.memory_space<vmem>> -> memref<200xi32, #tpu.memory_space<vmem>>
    %dma_start3A_576 = tpu.memref_slice %arg2[%dma_start3A_571, %add3A_570] : memref<2x320000xi32, #tpu.memory_space<hbm>> -> memref<1x200xi32, #tpu.memory_space<hbm>>
    %dma_start3A_577 = tpu.memref_squeeze %dma_start3A_576 : memref<1x200xi32, #tpu.memory_space<hbm>> -> memref<200xi32, #tpu.memory_space<hbm>>
    %dma_start3A_578 = arith.constant 0 : i32
    %dma_start3A_579 = tpu.memref_slice %arg7[%dma_start3A_572, %dma_start3A_578] : memref<50x200xi32, #tpu.memory_space<vmem>> -> memref<1x200xi32, #tpu.memory_space<vmem>>
    %dma_start3A_580 = tpu.memref_squeeze %dma_start3A_579 : memref<1x200xi32, #tpu.memory_space<vmem>> -> memref<200xi32, #tpu.memory_space<vmem>>
    %dma_start3A_581 = tpu.memref_slice %arg2[%dma_start3A_571, %add3A_570] : memref<2x320000xi32, #tpu.memory_space<hbm>> -> memref<1x200xi32, #tpu.memory_space<hbm>>
    %dma_start3A_582 = tpu.memref_squeeze %dma_start3A_581 : memref<1x200xi32, #tpu.memory_space<hbm>> -> memref<200xi32, #tpu.memory_space<hbm>>
    tpu.enqueue_dma source(%dma_start3A_582 : memref<200xi32, #tpu.memory_space<hbm>>) target(%dma_start3A_580 : memref<200xi32, #tpu.memory_space<vmem>>) target_semaphore(%arg12 : memref<!tpu.dma_semaphore, #tpu.memory_space<semaphore_mem>>)
    %add3A_583 = arith.constant 8200 : i32
    %add3A_584 = arith.addi %mul3A_2, %add3A_583 : i32
    %dma_start3A_585 = arith.constant 1 : i32
    %dma_start3A_586 = arith.constant 41 : i32
    %dma_start3A_587 = arith.constant 0 : i32
    %dma_start3A_588 = tpu.memref_slice %arg7[%dma_start3A_586, %dma_start3A_587] : memref<50x200xi32, #tpu.memory_space<vmem>> -> memref<1x200xi32, #tpu.memory_space<vmem>>
    %dma_start3A_589 = tpu.memref_squeeze %dma_start3A_588 : memref<1x200xi32, #tpu.memory_space<vmem>> -> memref<200xi32, #tpu.memory_space<vmem>>
    %dma_start3A_590 = tpu.memref_slice %arg2[%dma_start3A_585, %add3A_584] : memref<2x320000xi32, #tpu.memory_space<hbm>> -> memref<1x200xi32, #tpu.memory_space<hbm>>
    %dma_start3A_591 = tpu.memref_squeeze %dma_start3A_590 : memref<1x200xi32, #tpu.memory_space<hbm>> -> memref<200xi32, #tpu.memory_space<hbm>>
    %dma_start3A_592 = arith.constant 0 : i32
    %dma_start3A_593 = tpu.memref_slice %arg7[%dma_start3A_586, %dma_start3A_592] : memref<50x200xi32, #tpu.memory_space<vmem>> -> memref<1x200xi32, #tpu.memory_space<vmem>>
    %dma_start3A_594 = tpu.memref_squeeze %dma_start3A_593 : memref<1x200xi32, #tpu.memory_space<vmem>> -> memref<200xi32, #tpu.memory_space<vmem>>
    %dma_start3A_595 = tpu.memref_slice %arg2[%dma_start3A_585, %add3A_584] : memref<2x320000xi32, #tpu.memory_space<hbm>> -> memref<1x200xi32, #tpu.memory_space<hbm>>
    %dma_start3A_596 = tpu.memref_squeeze %dma_start3A_595 : memref<1x200xi32, #tpu.memory_space<hbm>> -> memref<200xi32, #tpu.memory_space<hbm>>
    tpu.enqueue_dma source(%dma_start3A_596 : memref<200xi32, #tpu.memory_space<hbm>>) target(%dma_start3A_594 : memref<200xi32, #tpu.memory_space<vmem>>) target_semaphore(%arg12 : memref<!tpu.dma_semaphore, #tpu.memory_space<semaphore_mem>>)
    %add3A_597 = arith.constant 8400 : i32
    %add3A_598 = arith.addi %mul3A_2, %add3A_597 : i32
    %dma_start3A_599 = arith.constant 1 : i32
    %dma_start3A_600 = arith.constant 42 : i32
    %dma_start3A_601 = arith.constant 0 : i32
    %dma_start3A_602 = tpu.memref_slice %arg7[%dma_start3A_600, %dma_start3A_601] : memref<50x200xi32, #tpu.memory_space<vmem>> -> memref<1x200xi32, #tpu.memory_space<vmem>>
    %dma_start3A_603 = tpu.memref_squeeze %dma_start3A_602 : memref<1x200xi32, #tpu.memory_space<vmem>> -> memref<200xi32, #tpu.memory_space<vmem>>
    %dma_start3A_604 = tpu.memref_slice %arg2[%dma_start3A_599, %add3A_598] : memref<2x320000xi32, #tpu.memory_space<hbm>> -> memref<1x200xi32, #tpu.memory_space<hbm>>
    %dma_start3A_605 = tpu.memref_squeeze %dma_start3A_604 : memref<1x200xi32, #tpu.memory_space<hbm>> -> memref<200xi32, #tpu.memory_space<hbm>>
    %dma_start3A_606 = arith.constant 0 : i32
    %dma_start3A_607 = tpu.memref_slice %arg7[%dma_start3A_600, %dma_start3A_606] : memref<50x200xi32, #tpu.memory_space<vmem>> -> memref<1x200xi32, #tpu.memory_space<vmem>>
    %dma_start3A_608 = tpu.memref_squeeze %dma_start3A_607 : memref<1x200xi32, #tpu.memory_space<vmem>> -> memref<200xi32, #tpu.memory_space<vmem>>
    %dma_start3A_609 = tpu.memref_slice %arg2[%dma_start3A_599, %add3A_598] : memref<2x320000xi32, #tpu.memory_space<hbm>> -> memref<1x200xi32, #tpu.memory_space<hbm>>
    %dma_start3A_610 = tpu.memref_squeeze %dma_start3A_609 : memref<1x200xi32, #tpu.memory_space<hbm>> -> memref<200xi32, #tpu.memory_space<hbm>>
    tpu.enqueue_dma source(%dma_start3A_610 : memref<200xi32, #tpu.memory_space<hbm>>) target(%dma_start3A_608 : memref<200xi32, #tpu.memory_space<vmem>>) target_semaphore(%arg12 : memref<!tpu.dma_semaphore, #tpu.memory_space<semaphore_mem>>)
    %add3A_611 = arith.constant 8600 : i32
    %add3A_612 = arith.addi %mul3A_2, %add3A_611 : i32
    %dma_start3A_613 = arith.constant 1 : i32
    %dma_start3A_614 = arith.constant 43 : i32
    %dma_start3A_615 = arith.constant 0 : i32
    %dma_start3A_616 = tpu.memref_slice %arg7[%dma_start3A_614, %dma_start3A_615] : memref<50x200xi32, #tpu.memory_space<vmem>> -> memref<1x200xi32, #tpu.memory_space<vmem>>
    %dma_start3A_617 = tpu.memref_squeeze %dma_start3A_616 : memref<1x200xi32, #tpu.memory_space<vmem>> -> memref<200xi32, #tpu.memory_space<vmem>>
    %dma_start3A_618 = tpu.memref_slice %arg2[%dma_start3A_613, %add3A_612] : memref<2x320000xi32, #tpu.memory_space<hbm>> -> memref<1x200xi32, #tpu.memory_space<hbm>>
    %dma_start3A_619 = tpu.memref_squeeze %dma_start3A_618 : memref<1x200xi32, #tpu.memory_space<hbm>> -> memref<200xi32, #tpu.memory_space<hbm>>
    %dma_start3A_620 = arith.constant 0 : i32
    %dma_start3A_621 = tpu.memref_slice %arg7[%dma_start3A_614, %dma_start3A_620] : memref<50x200xi32, #tpu.memory_space<vmem>> -> memref<1x200xi32, #tpu.memory_space<vmem>>
    %dma_start3A_622 = tpu.memref_squeeze %dma_start3A_621 : memref<1x200xi32, #tpu.memory_space<vmem>> -> memref<200xi32, #tpu.memory_space<vmem>>
    %dma_start3A_623 = tpu.memref_slice %arg2[%dma_start3A_613, %add3A_612] : memref<2x320000xi32, #tpu.memory_space<hbm>> -> memref<1x200xi32, #tpu.memory_space<hbm>>
    %dma_start3A_624 = tpu.memref_squeeze %dma_start3A_623 : memref<1x200xi32, #tpu.memory_space<hbm>> -> memref<200xi32, #tpu.memory_space<hbm>>
    tpu.enqueue_dma source(%dma_start3A_624 : memref<200xi32, #tpu.memory_space<hbm>>) target(%dma_start3A_622 : memref<200xi32, #tpu.memory_space<vmem>>) target_semaphore(%arg12 : memref<!tpu.dma_semaphore, #tpu.memory_space<semaphore_mem>>)
    %add3A_625 = arith.constant 8800 : i32
    %add3A_626 = arith.addi %mul3A_2, %add3A_625 : i32
    %dma_start3A_627 = arith.constant 1 : i32
    %dma_start3A_628 = arith.constant 44 : i32
    %dma_start3A_629 = arith.constant 0 : i32
    %dma_start3A_630 = tpu.memref_slice %arg7[%dma_start3A_628, %dma_start3A_629] : memref<50x200xi32, #tpu.memory_space<vmem>> -> memref<1x200xi32, #tpu.memory_space<vmem>>
    %dma_start3A_631 = tpu.memref_squeeze %dma_start3A_630 : memref<1x200xi32, #tpu.memory_space<vmem>> -> memref<200xi32, #tpu.memory_space<vmem>>
    %dma_start3A_632 = tpu.memref_slice %arg2[%dma_start3A_627, %add3A_626] : memref<2x320000xi32, #tpu.memory_space<hbm>> -> memref<1x200xi32, #tpu.memory_space<hbm>>
    %dma_start3A_633 = tpu.memref_squeeze %dma_start3A_632 : memref<1x200xi32, #tpu.memory_space<hbm>> -> memref<200xi32, #tpu.memory_space<hbm>>
    %dma_start3A_634 = arith.constant 0 : i32
    %dma_start3A_635 = tpu.memref_slice %arg7[%dma_start3A_628, %dma_start3A_634] : memref<50x200xi32, #tpu.memory_space<vmem>> -> memref<1x200xi32, #tpu.memory_space<vmem>>
    %dma_start3A_636 = tpu.memref_squeeze %dma_start3A_635 : memref<1x200xi32, #tpu.memory_space<vmem>> -> memref<200xi32, #tpu.memory_space<vmem>>
    %dma_start3A_637 = tpu.memref_slice %arg2[%dma_start3A_627, %add3A_626] : memref<2x320000xi32, #tpu.memory_space<hbm>> -> memref<1x200xi32, #tpu.memory_space<hbm>>
    %dma_start3A_638 = tpu.memref_squeeze %dma_start3A_637 : memref<1x200xi32, #tpu.memory_space<hbm>> -> memref<200xi32, #tpu.memory_space<hbm>>
    tpu.enqueue_dma source(%dma_start3A_638 : memref<200xi32, #tpu.memory_space<hbm>>) target(%dma_start3A_636 : memref<200xi32, #tpu.memory_space<vmem>>) target_semaphore(%arg12 : memref<!tpu.dma_semaphore, #tpu.memory_space<semaphore_mem>>)
    %add3A_639 = arith.constant 9000 : i32
    %add3A_640 = arith.addi %mul3A_2, %add3A_639 : i32
    %dma_start3A_641 = arith.constant 1 : i32
    %dma_start3A_642 = arith.constant 45 : i32
    %dma_start3A_643 = arith.constant 0 : i32
    %dma_start3A_644 = tpu.memref_slice %arg7[%dma_start3A_642, %dma_start3A_643] : memref<50x200xi32, #tpu.memory_space<vmem>> -> memref<1x200xi32, #tpu.memory_space<vmem>>
    %dma_start3A_645 = tpu.memref_squeeze %dma_start3A_644 : memref<1x200xi32, #tpu.memory_space<vmem>> -> memref<200xi32, #tpu.memory_space<vmem>>
    %dma_start3A_646 = tpu.memref_slice %arg2[%dma_start3A_641, %add3A_640] : memref<2x320000xi32, #tpu.memory_space<hbm>> -> memref<1x200xi32, #tpu.memory_space<hbm>>
    %dma_start3A_647 = tpu.memref_squeeze %dma_start3A_646 : memref<1x200xi32, #tpu.memory_space<hbm>> -> memref<200xi32, #tpu.memory_space<hbm>>
    %dma_start3A_648 = arith.constant 0 : i32
    %dma_start3A_649 = tpu.memref_slice %arg7[%dma_start3A_642, %dma_start3A_648] : memref<50x200xi32, #tpu.memory_space<vmem>> -> memref<1x200xi32, #tpu.memory_space<vmem>>
    %dma_start3A_650 = tpu.memref_squeeze %dma_start3A_649 : memref<1x200xi32, #tpu.memory_space<vmem>> -> memref<200xi32, #tpu.memory_space<vmem>>
    %dma_start3A_651 = tpu.memref_slice %arg2[%dma_start3A_641, %add3A_640] : memref<2x320000xi32, #tpu.memory_space<hbm>> -> memref<1x200xi32, #tpu.memory_space<hbm>>
    %dma_start3A_652 = tpu.memref_squeeze %dma_start3A_651 : memref<1x200xi32, #tpu.memory_space<hbm>> -> memref<200xi32, #tpu.memory_space<hbm>>
    tpu.enqueue_dma source(%dma_start3A_652 : memref<200xi32, #tpu.memory_space<hbm>>) target(%dma_start3A_650 : memref<200xi32, #tpu.memory_space<vmem>>) target_semaphore(%arg12 : memref<!tpu.dma_semaphore, #tpu.memory_space<semaphore_mem>>)
    %add3A_653 = arith.constant 9200 : i32
    %add3A_654 = arith.addi %mul3A_2, %add3A_653 : i32
    %dma_start3A_655 = arith.constant 1 : i32
    %dma_start3A_656 = arith.constant 46 : i32
    %dma_start3A_657 = arith.constant 0 : i32
    %dma_start3A_658 = tpu.memref_slice %arg7[%dma_start3A_656, %dma_start3A_657] : memref<50x200xi32, #tpu.memory_space<vmem>> -> memref<1x200xi32, #tpu.memory_space<vmem>>
    %dma_start3A_659 = tpu.memref_squeeze %dma_start3A_658 : memref<1x200xi32, #tpu.memory_space<vmem>> -> memref<200xi32, #tpu.memory_space<vmem>>
    %dma_start3A_660 = tpu.memref_slice %arg2[%dma_start3A_655, %add3A_654] : memref<2x320000xi32, #tpu.memory_space<hbm>> -> memref<1x200xi32, #tpu.memory_space<hbm>>
    %dma_start3A_661 = tpu.memref_squeeze %dma_start3A_660 : memref<1x200xi32, #tpu.memory_space<hbm>> -> memref<200xi32, #tpu.memory_space<hbm>>
    %dma_start3A_662 = arith.constant 0 : i32
    %dma_start3A_663 = tpu.memref_slice %arg7[%dma_start3A_656, %dma_start3A_662] : memref<50x200xi32, #tpu.memory_space<vmem>> -> memref<1x200xi32, #tpu.memory_space<vmem>>
    %dma_start3A_664 = tpu.memref_squeeze %dma_start3A_663 : memref<1x200xi32, #tpu.memory_space<vmem>> -> memref<200xi32, #tpu.memory_space<vmem>>
    %dma_start3A_665 = tpu.memref_slice %arg2[%dma_start3A_655, %add3A_654] : memref<2x320000xi32, #tpu.memory_space<hbm>> -> memref<1x200xi32, #tpu.memory_space<hbm>>
    %dma_start3A_666 = tpu.memref_squeeze %dma_start3A_665 : memref<1x200xi32, #tpu.memory_space<hbm>> -> memref<200xi32, #tpu.memory_space<hbm>>
    tpu.enqueue_dma source(%dma_start3A_666 : memref<200xi32, #tpu.memory_space<hbm>>) target(%dma_start3A_664 : memref<200xi32, #tpu.memory_space<vmem>>) target_semaphore(%arg12 : memref<!tpu.dma_semaphore, #tpu.memory_space<semaphore_mem>>)
    %add3A_667 = arith.constant 9400 : i32
    %add3A_668 = arith.addi %mul3A_2, %add3A_667 : i32
    %dma_start3A_669 = arith.constant 1 : i32
    %dma_start3A_670 = arith.constant 47 : i32
    %dma_start3A_671 = arith.constant 0 : i32
    %dma_start3A_672 = tpu.memref_slice %arg7[%dma_start3A_670, %dma_start3A_671] : memref<50x200xi32, #tpu.memory_space<vmem>> -> memref<1x200xi32, #tpu.memory_space<vmem>>
    %dma_start3A_673 = tpu.memref_squeeze %dma_start3A_672 : memref<1x200xi32, #tpu.memory_space<vmem>> -> memref<200xi32, #tpu.memory_space<vmem>>
    %dma_start3A_674 = tpu.memref_slice %arg2[%dma_start3A_669, %add3A_668] : memref<2x320000xi32, #tpu.memory_space<hbm>> -> memref<1x200xi32, #tpu.memory_space<hbm>>
    %dma_start3A_675 = tpu.memref_squeeze %dma_start3A_674 : memref<1x200xi32, #tpu.memory_space<hbm>> -> memref<200xi32, #tpu.memory_space<hbm>>
    %dma_start3A_676 = arith.constant 0 : i32
    %dma_start3A_677 = tpu.memref_slice %arg7[%dma_start3A_670, %dma_start3A_676] : memref<50x200xi32, #tpu.memory_space<vmem>> -> memref<1x200xi32, #tpu.memory_space<vmem>>
    %dma_start3A_678 = tpu.memref_squeeze %dma_start3A_677 : memref<1x200xi32, #tpu.memory_space<vmem>> -> memref<200xi32, #tpu.memory_space<vmem>>
    %dma_start3A_679 = tpu.memref_slice %arg2[%dma_start3A_669, %add3A_668] : memref<2x320000xi32, #tpu.memory_space<hbm>> -> memref<1x200xi32, #tpu.memory_space<hbm>>
    %dma_start3A_680 = tpu.memref_squeeze %dma_start3A_679 : memref<1x200xi32, #tpu.memory_space<hbm>> -> memref<200xi32, #tpu.memory_space<hbm>>
    tpu.enqueue_dma source(%dma_start3A_680 : memref<200xi32, #tpu.memory_space<hbm>>) target(%dma_start3A_678 : memref<200xi32, #tpu.memory_space<vmem>>) target_semaphore(%arg12 : memref<!tpu.dma_semaphore, #tpu.memory_space<semaphore_mem>>)
    %add3A_681 = arith.constant 9600 : i32
    %add3A_682 = arith.addi %mul3A_2, %add3A_681 : i32
    %dma_start3A_683 = arith.constant 1 : i32
    %dma_start3A_684 = arith.constant 48 : i32
    %dma_start3A_685 = arith.constant 0 : i32
    %dma_start3A_686 = tpu.memref_slice %arg7[%dma_start3A_684, %dma_start3A_685] : memref<50x200xi32, #tpu.memory_space<vmem>> -> memref<1x200xi32, #tpu.memory_space<vmem>>
    %dma_start3A_687 = tpu.memref_squeeze %dma_start3A_686 : memref<1x200xi32, #tpu.memory_space<vmem>> -> memref<200xi32, #tpu.memory_space<vmem>>
    %dma_start3A_688 = tpu.memref_slice %arg2[%dma_start3A_683, %add3A_682] : memref<2x320000xi32, #tpu.memory_space<hbm>> -> memref<1x200xi32, #tpu.memory_space<hbm>>
    %dma_start3A_689 = tpu.memref_squeeze %dma_start3A_688 : memref<1x200xi32, #tpu.memory_space<hbm>> -> memref<200xi32, #tpu.memory_space<hbm>>
    %dma_start3A_690 = arith.constant 0 : i32
    %dma_start3A_691 = tpu.memref_slice %arg7[%dma_start3A_684, %dma_start3A_690] : memref<50x200xi32, #tpu.memory_space<vmem>> -> memref<1x200xi32, #tpu.memory_space<vmem>>
    %dma_start3A_692 = tpu.memref_squeeze %dma_start3A_691 : memref<1x200xi32, #tpu.memory_space<vmem>> -> memref<200xi32, #tpu.memory_space<vmem>>
    %dma_start3A_693 = tpu.memref_slice %arg2[%dma_start3A_683, %add3A_682] : memref<2x320000xi32, #tpu.memory_space<hbm>> -> memref<1x200xi32, #tpu.memory_space<hbm>>
    %dma_start3A_694 = tpu.memref_squeeze %dma_start3A_693 : memref<1x200xi32, #tpu.memory_space<hbm>> -> memref<200xi32, #tpu.memory_space<hbm>>
    tpu.enqueue_dma source(%dma_start3A_694 : memref<200xi32, #tpu.memory_space<hbm>>) target(%dma_start3A_692 : memref<200xi32, #tpu.memory_space<vmem>>) target_semaphore(%arg12 : memref<!tpu.dma_semaphore, #tpu.memory_space<semaphore_mem>>)
    %add3A_695 = arith.constant 9800 : i32
    %add3A_696 = arith.addi %mul3A_2, %add3A_695 : i32
    %dma_start3A_697 = arith.constant 1 : i32
    %dma_start3A_698 = arith.constant 49 : i32
    %dma_start3A_699 = arith.constant 0 : i32
    %dma_start3A_700 = tpu.memref_slice %arg7[%dma_start3A_698, %dma_start3A_699] : memref<50x200xi32, #tpu.memory_space<vmem>> -> memref<1x200xi32, #tpu.memory_space<vmem>>
    %dma_start3A_701 = tpu.memref_squeeze %dma_start3A_700 : memref<1x200xi32, #tpu.memory_space<vmem>> -> memref<200xi32, #tpu.memory_space<vmem>>
    %dma_start3A_702 = tpu.memref_slice %arg2[%dma_start3A_697, %add3A_696] : memref<2x320000xi32, #tpu.memory_space<hbm>> -> memref<1x200xi32, #tpu.memory_space<hbm>>
    %dma_start3A_703 = tpu.memref_squeeze %dma_start3A_702 : memref<1x200xi32, #tpu.memory_space<hbm>> -> memref<200xi32, #tpu.memory_space<hbm>>
    %dma_start3A_704 = arith.constant 0 : i32
    %dma_start3A_705 = tpu.memref_slice %arg7[%dma_start3A_698, %dma_start3A_704] : memref<50x200xi32, #tpu.memory_space<vmem>> -> memref<1x200xi32, #tpu.memory_space<vmem>>
    %dma_start3A_706 = tpu.memref_squeeze %dma_start3A_705 : memref<1x200xi32, #tpu.memory_space<vmem>> -> memref<200xi32, #tpu.memory_space<vmem>>
    %dma_start3A_707 = tpu.memref_slice %arg2[%dma_start3A_697, %add3A_696] : memref<2x320000xi32, #tpu.memory_space<hbm>> -> memref<1x200xi32, #tpu.memory_space<hbm>>
    %dma_start3A_708 = tpu.memref_squeeze %dma_start3A_707 : memref<1x200xi32, #tpu.memory_space<hbm>> -> memref<200xi32, #tpu.memory_space<hbm>>
    tpu.enqueue_dma source(%dma_start3A_708 : memref<200xi32, #tpu.memory_space<hbm>>) target(%dma_start3A_706 : memref<200xi32, #tpu.memory_space<vmem>>) target_semaphore(%arg12 : memref<!tpu.dma_semaphore, #tpu.memory_space<semaphore_mem>>)
    "tpu.region"() ({
      %run_scoped3A = tpu.sem_alloc : memref<!tpu.dma_semaphore, #tpu.memory_space<semaphore_mem>>
      %dma_start3A_2526 = arith.constant 0 : i32
      %dma_start3A_2527 = tpu.memref_slice %arg11[%mul3A_4, %dma_start3A_2526] : memref<10000x64xf32, #tpu.memory_space<vmem_shared>> -> memref<624x64xf32, #tpu.memory_space<vmem_shared>>
      %dma_start3A_2528 = arith.constant 0 : i32
      %dma_start3A_2529 = tpu.memref_slice %arg3[%mul3A_4, %dma_start3A_2528] : memref<10000x64xf32, #tpu.memory_space<hbm>> -> memref<624x64xf32, #tpu.memory_space<hbm>>
      tpu.enqueue_dma source(%dma_start3A_2529 : memref<624x64xf32, #tpu.memory_space<hbm>>) target(%dma_start3A_2527 : memref<624x64xf32, #tpu.memory_space<vmem_shared>>) target_semaphore(%run_scoped3A : memref<!tpu.dma_semaphore, #tpu.memory_space<semaphore_mem>>)
      %dma_wait3A_2530 = arith.constant 0 : i32
      %dma_wait3A_2531 = tpu.memref_slice %arg11[%mul3A_4, %dma_wait3A_2530] : memref<10000x64xf32, #tpu.memory_space<vmem_shared>> -> memref<624x64xf32, #tpu.memory_space<vmem_shared>>
      %dma_wait3A_2532 = arith.constant 0 : i32
      %dma_wait3A_2533 = tpu.memref_slice %arg3[%mul3A_4, %dma_wait3A_2532] : memref<10000x64xf32, #tpu.memory_space<hbm>> -> memref<624x64xf32, #tpu.memory_space<hbm>>
      tpu.wait_dma2 semaphore(%run_scoped3A : memref<!tpu.dma_semaphore, #tpu.memory_space<semaphore_mem>>) src(%dma_wait3A_2533 : memref<624x64xf32, #tpu.memory_space<hbm>>) dst(%dma_wait3A_2531 : memref<624x64xf32, #tpu.memory_space<vmem_shared>>)
      tpu.yield
    }) : () -> ()
    %eq3A = arith.constant 0 : i32
    %eq3A_709 = arith.cmpi eq, %arg1, %eq3A : i32
    %convert_element_type3A = arith.extui %eq3A_709 : i1 to i32
    %cond3A = arith.constant 0 : i32
    %cond3A_710 = arith.cmpi ne, %convert_element_type3A, %cond3A : i32
    scf.if %cond3A_710 {
      "tpu.region"() ({
        %run_scoped3A = tpu.sem_alloc : memref<!tpu.dma_semaphore, #tpu.memory_space<semaphore_mem>>
        %dma_start3A_2526 = arith.constant 9984 : i32
        %dma_start3A_2527 = arith.constant 0 : i32
        %dma_start3A_2528 = tpu.memref_slice %arg11[%dma_start3A_2526, %dma_start3A_2527] : memref<10000x64xf32, #tpu.memory_space<vmem_shared>> -> memref<16x64xf32, #tpu.memory_space<vmem_shared>>
        %dma_start3A_2529 = arith.constant 9984 : i32
        %dma_start3A_2530 = arith.constant 0 : i32
        %dma_start3A_2531 = tpu.memref_slice %arg3[%dma_start3A_2529, %dma_start3A_2530] : memref<10000x64xf32, #tpu.memory_space<hbm>> -> memref<16x64xf32, #tpu.memory_space<hbm>>
        tpu.enqueue_dma source(%dma_start3A_2531 : memref<16x64xf32, #tpu.memory_space<hbm>>) target(%dma_start3A_2528 : memref<16x64xf32, #tpu.memory_space<vmem_shared>>) target_semaphore(%run_scoped3A : memref<!tpu.dma_semaphore, #tpu.memory_space<semaphore_mem>>)
        %dma_wait3A_2532 = arith.constant 9984 : i32
        %dma_wait3A_2533 = arith.constant 0 : i32
        %dma_wait3A_2534 = tpu.memref_slice %arg11[%dma_wait3A_2532, %dma_wait3A_2533] : memref<10000x64xf32, #tpu.memory_space<vmem_shared>> -> memref<16x64xf32, #tpu.memory_space<vmem_shared>>
        %dma_wait3A_2535 = arith.constant 9984 : i32
        %dma_wait3A_2536 = arith.constant 0 : i32
        %dma_wait3A_2537 = tpu.memref_slice %arg3[%dma_wait3A_2535, %dma_wait3A_2536] : memref<10000x64xf32, #tpu.memory_space<hbm>> -> memref<16x64xf32, #tpu.memory_space<hbm>>
        tpu.wait_dma2 semaphore(%run_scoped3A : memref<!tpu.dma_semaphore, #tpu.memory_space<semaphore_mem>>) src(%dma_wait3A_2537 : memref<16x64xf32, #tpu.memory_space<hbm>>) dst(%dma_wait3A_2534 : memref<16x64xf32, #tpu.memory_space<vmem_shared>>)
        tpu.yield
      }) : () -> ()
    } else {
    }
    %dma_wait3A = arith.constant 0 : i32
    %dma_wait3A_711 = tpu.memref_slice %arg2[%dma_wait3A, %mul3A_2] : memref<2x320000xi32, #tpu.memory_space<hbm>> -> memref<1x10000xi32, #tpu.memory_space<hbm>>
    %dma_wait3A_712 = tpu.memref_squeeze %dma_wait3A_711 : memref<1x10000xi32, #tpu.memory_space<hbm>> -> memref<10000xi32, #tpu.memory_space<hbm>>
    %dma_wait3A_713 = tpu.memref_slice %arg2[%dma_wait3A, %mul3A_2] : memref<2x320000xi32, #tpu.memory_space<hbm>> -> memref<1x10000xi32, #tpu.memory_space<hbm>>
    %dma_wait3A_714 = tpu.memref_squeeze %dma_wait3A_713 : memref<1x10000xi32, #tpu.memory_space<hbm>> -> memref<10000xi32, #tpu.memory_space<hbm>>
    tpu.wait_dma2 semaphore(%arg12 : memref<!tpu.dma_semaphore, #tpu.memory_space<semaphore_mem>>) src(%dma_wait3A_714 : memref<10000xi32, #tpu.memory_space<hbm>>) dst(%arg6 : memref<10000xi32, #tpu.memory_space<vmem>>)
    %dma_wait3A_715 = arith.constant 1 : i32
    %dma_wait3A_716 = arith.constant 0 : i32
    %dma_wait3A_717 = arith.constant 0 : i32
    %dma_wait3A_718 = tpu.memref_slice %arg7[%dma_wait3A_716, %dma_wait3A_717] : memref<50x200xi32, #tpu.memory_space<vmem>> -> memref<1x200xi32, #tpu.memory_space<vmem>>
    %dma_wait3A_719 = tpu.memref_squeeze %dma_wait3A_718 : memref<1x200xi32, #tpu.memory_space<vmem>> -> memref<200xi32, #tpu.memory_space<vmem>>
    %dma_wait3A_720 = tpu.memref_slice %arg2[%dma_wait3A_715, %add3A_10] : memref<2x320000xi32, #tpu.memory_space<hbm>> -> memref<1x200xi32, #tpu.memory_space<hbm>>
    %dma_wait3A_721 = tpu.memref_squeeze %dma_wait3A_720 : memref<1x200xi32, #tpu.memory_space<hbm>> -> memref<200xi32, #tpu.memory_space<hbm>>
    %dma_wait3A_722 = arith.constant 0 : i32
    %dma_wait3A_723 = tpu.memref_slice %arg7[%dma_wait3A_716, %dma_wait3A_722] : memref<50x200xi32, #tpu.memory_space<vmem>> -> memref<1x200xi32, #tpu.memory_space<vmem>>
    %dma_wait3A_724 = tpu.memref_squeeze %dma_wait3A_723 : memref<1x200xi32, #tpu.memory_space<vmem>> -> memref<200xi32, #tpu.memory_space<vmem>>
    %dma_wait3A_725 = tpu.memref_slice %arg2[%dma_wait3A_715, %add3A_10] : memref<2x320000xi32, #tpu.memory_space<hbm>> -> memref<1x200xi32, #tpu.memory_space<hbm>>
    %dma_wait3A_726 = tpu.memref_squeeze %dma_wait3A_725 : memref<1x200xi32, #tpu.memory_space<hbm>> -> memref<200xi32, #tpu.memory_space<hbm>>
    tpu.wait_dma2 semaphore(%arg12 : memref<!tpu.dma_semaphore, #tpu.memory_space<semaphore_mem>>) src(%dma_wait3A_726 : memref<200xi32, #tpu.memory_space<hbm>>) dst(%dma_wait3A_724 : memref<200xi32, #tpu.memory_space<vmem>>)
    %dma_wait3A_727 = arith.constant 1 : i32
    %dma_wait3A_728 = arith.constant 1 : i32
    %dma_wait3A_729 = arith.constant 0 : i32
    %dma_wait3A_730 = tpu.memref_slice %arg7[%dma_wait3A_728, %dma_wait3A_729] : memref<50x200xi32, #tpu.memory_space<vmem>> -> memref<1x200xi32, #tpu.memory_space<vmem>>
    %dma_wait3A_731 = tpu.memref_squeeze %dma_wait3A_730 : memref<1x200xi32, #tpu.memory_space<vmem>> -> memref<200xi32, #tpu.memory_space<vmem>>
    %dma_wait3A_732 = tpu.memref_slice %arg2[%dma_wait3A_727, %add3A_24] : memref<2x320000xi32, #tpu.memory_space<hbm>> -> memref<1x200xi32, #tpu.memory_space<hbm>>
    %dma_wait3A_733 = tpu.memref_squeeze %dma_wait3A_732 : memref<1x200xi32, #tpu.memory_space<hbm>> -> memref<200xi32, #tpu.memory_space<hbm>>
    %dma_wait3A_734 = arith.constant 0 : i32
    %dma_wait3A_735 = tpu.memref_slice %arg7[%dma_wait3A_728, %dma_wait3A_734] : memref<50x200xi32, #tpu.memory_space<vmem>> -> memref<1x200xi32, #tpu.memory_space<vmem>>
    %dma_wait3A_736 = tpu.memref_squeeze %dma_wait3A_735 : memref<1x200xi32, #tpu.memory_space<vmem>> -> memref<200xi32, #tpu.memory_space<vmem>>
    %dma_wait3A_737 = tpu.memref_slice %arg2[%dma_wait3A_727, %add3A_24] : memref<2x320000xi32, #tpu.memory_space<hbm>> -> memref<1x200xi32, #tpu.memory_space<hbm>>
    %dma_wait3A_738 = tpu.memref_squeeze %dma_wait3A_737 : memref<1x200xi32, #tpu.memory_space<hbm>> -> memref<200xi32, #tpu.memory_space<hbm>>
    tpu.wait_dma2 semaphore(%arg12 : memref<!tpu.dma_semaphore, #tpu.memory_space<semaphore_mem>>) src(%dma_wait3A_738 : memref<200xi32, #tpu.memory_space<hbm>>) dst(%dma_wait3A_736 : memref<200xi32, #tpu.memory_space<vmem>>)
    %dma_wait3A_739 = arith.constant 1 : i32
    %dma_wait3A_740 = arith.constant 2 : i32
    %dma_wait3A_741 = arith.constant 0 : i32
    %dma_wait3A_742 = tpu.memref_slice %arg7[%dma_wait3A_740, %dma_wait3A_741] : memref<50x200xi32, #tpu.memory_space<vmem>> -> memref<1x200xi32, #tpu.memory_space<vmem>>
    %dma_wait3A_743 = tpu.memref_squeeze %dma_wait3A_742 : memref<1x200xi32, #tpu.memory_space<vmem>> -> memref<200xi32, #tpu.memory_space<vmem>>
    %dma_wait3A_744 = tpu.memref_slice %arg2[%dma_wait3A_739, %add3A_38] : memref<2x320000xi32, #tpu.memory_space<hbm>> -> memref<1x200xi32, #tpu.memory_space<hbm>>
    %dma_wait3A_745 = tpu.memref_squeeze %dma_wait3A_744 : memref<1x200xi32, #tpu.memory_space<hbm>> -> memref<200xi32, #tpu.memory_space<hbm>>
    %dma_wait3A_746 = arith.constant 0 : i32
    %dma_wait3A_747 = tpu.memref_slice %arg7[%dma_wait3A_740, %dma_wait3A_746] : memref<50x200xi32, #tpu.memory_space<vmem>> -> memref<1x200xi32, #tpu.memory_space<vmem>>
    %dma_wait3A_748 = tpu.memref_squeeze %dma_wait3A_747 : memref<1x200xi32, #tpu.memory_space<vmem>> -> memref<200xi32, #tpu.memory_space<vmem>>
    %dma_wait3A_749 = tpu.memref_slice %arg2[%dma_wait3A_739, %add3A_38] : memref<2x320000xi32, #tpu.memory_space<hbm>> -> memref<1x200xi32, #tpu.memory_space<hbm>>
    %dma_wait3A_750 = tpu.memref_squeeze %dma_wait3A_749 : memref<1x200xi32, #tpu.memory_space<hbm>> -> memref<200xi32, #tpu.memory_space<hbm>>
    tpu.wait_dma2 semaphore(%arg12 : memref<!tpu.dma_semaphore, #tpu.memory_space<semaphore_mem>>) src(%dma_wait3A_750 : memref<200xi32, #tpu.memory_space<hbm>>) dst(%dma_wait3A_748 : memref<200xi32, #tpu.memory_space<vmem>>)
    %dma_wait3A_751 = arith.constant 1 : i32
    %dma_wait3A_752 = arith.constant 3 : i32
    %dma_wait3A_753 = arith.constant 0 : i32
    %dma_wait3A_754 = tpu.memref_slice %arg7[%dma_wait3A_752, %dma_wait3A_753] : memref<50x200xi32, #tpu.memory_space<vmem>> -> memref<1x200xi32, #tpu.memory_space<vmem>>
    %dma_wait3A_755 = tpu.memref_squeeze %dma_wait3A_754 : memref<1x200xi32, #tpu.memory_space<vmem>> -> memref<200xi32, #tpu.memory_space<vmem>>
    %dma_wait3A_756 = tpu.memref_slice %arg2[%dma_wait3A_751, %add3A_52] : memref<2x320000xi32, #tpu.memory_space<hbm>> -> memref<1x200xi32, #tpu.memory_space<hbm>>
    %dma_wait3A_757 = tpu.memref_squeeze %dma_wait3A_756 : memref<1x200xi32, #tpu.memory_space<hbm>> -> memref<200xi32, #tpu.memory_space<hbm>>
    %dma_wait3A_758 = arith.constant 0 : i32
    %dma_wait3A_759 = tpu.memref_slice %arg7[%dma_wait3A_752, %dma_wait3A_758] : memref<50x200xi32, #tpu.memory_space<vmem>> -> memref<1x200xi32, #tpu.memory_space<vmem>>
    %dma_wait3A_760 = tpu.memref_squeeze %dma_wait3A_759 : memref<1x200xi32, #tpu.memory_space<vmem>> -> memref<200xi32, #tpu.memory_space<vmem>>
    %dma_wait3A_761 = tpu.memref_slice %arg2[%dma_wait3A_751, %add3A_52] : memref<2x320000xi32, #tpu.memory_space<hbm>> -> memref<1x200xi32, #tpu.memory_space<hbm>>
    %dma_wait3A_762 = tpu.memref_squeeze %dma_wait3A_761 : memref<1x200xi32, #tpu.memory_space<hbm>> -> memref<200xi32, #tpu.memory_space<hbm>>
    tpu.wait_dma2 semaphore(%arg12 : memref<!tpu.dma_semaphore, #tpu.memory_space<semaphore_mem>>) src(%dma_wait3A_762 : memref<200xi32, #tpu.memory_space<hbm>>) dst(%dma_wait3A_760 : memref<200xi32, #tpu.memory_space<vmem>>)
    %dma_wait3A_763 = arith.constant 1 : i32
    %dma_wait3A_764 = arith.constant 4 : i32
    %dma_wait3A_765 = arith.constant 0 : i32
    %dma_wait3A_766 = tpu.memref_slice %arg7[%dma_wait3A_764, %dma_wait3A_765] : memref<50x200xi32, #tpu.memory_space<vmem>> -> memref<1x200xi32, #tpu.memory_space<vmem>>
    %dma_wait3A_767 = tpu.memref_squeeze %dma_wait3A_766 : memref<1x200xi32, #tpu.memory_space<vmem>> -> memref<200xi32, #tpu.memory_space<vmem>>
    %dma_wait3A_768 = tpu.memref_slice %arg2[%dma_wait3A_763, %add3A_66] : memref<2x320000xi32, #tpu.memory_space<hbm>> -> memref<1x200xi32, #tpu.memory_space<hbm>>
    %dma_wait3A_769 = tpu.memref_squeeze %dma_wait3A_768 : memref<1x200xi32, #tpu.memory_space<hbm>> -> memref<200xi32, #tpu.memory_space<hbm>>
    %dma_wait3A_770 = arith.constant 0 : i32
    %dma_wait3A_771 = tpu.memref_slice %arg7[%dma_wait3A_764, %dma_wait3A_770] : memref<50x200xi32, #tpu.memory_space<vmem>> -> memref<1x200xi32, #tpu.memory_space<vmem>>
    %dma_wait3A_772 = tpu.memref_squeeze %dma_wait3A_771 : memref<1x200xi32, #tpu.memory_space<vmem>> -> memref<200xi32, #tpu.memory_space<vmem>>
    %dma_wait3A_773 = tpu.memref_slice %arg2[%dma_wait3A_763, %add3A_66] : memref<2x320000xi32, #tpu.memory_space<hbm>> -> memref<1x200xi32, #tpu.memory_space<hbm>>
    %dma_wait3A_774 = tpu.memref_squeeze %dma_wait3A_773 : memref<1x200xi32, #tpu.memory_space<hbm>> -> memref<200xi32, #tpu.memory_space<hbm>>
    tpu.wait_dma2 semaphore(%arg12 : memref<!tpu.dma_semaphore, #tpu.memory_space<semaphore_mem>>) src(%dma_wait3A_774 : memref<200xi32, #tpu.memory_space<hbm>>) dst(%dma_wait3A_772 : memref<200xi32, #tpu.memory_space<vmem>>)
    %dma_wait3A_775 = arith.constant 1 : i32
    %dma_wait3A_776 = arith.constant 5 : i32
    %dma_wait3A_777 = arith.constant 0 : i32
    %dma_wait3A_778 = tpu.memref_slice %arg7[%dma_wait3A_776, %dma_wait3A_777] : memref<50x200xi32, #tpu.memory_space<vmem>> -> memref<1x200xi32, #tpu.memory_space<vmem>>
    %dma_wait3A_779 = tpu.memref_squeeze %dma_wait3A_778 : memref<1x200xi32, #tpu.memory_space<vmem>> -> memref<200xi32, #tpu.memory_space<vmem>>
    %dma_wait3A_780 = tpu.memref_slice %arg2[%dma_wait3A_775, %add3A_80] : memref<2x320000xi32, #tpu.memory_space<hbm>> -> memref<1x200xi32, #tpu.memory_space<hbm>>
    %dma_wait3A_781 = tpu.memref_squeeze %dma_wait3A_780 : memref<1x200xi32, #tpu.memory_space<hbm>> -> memref<200xi32, #tpu.memory_space<hbm>>
    %dma_wait3A_782 = arith.constant 0 : i32
    %dma_wait3A_783 = tpu.memref_slice %arg7[%dma_wait3A_776, %dma_wait3A_782] : memref<50x200xi32, #tpu.memory_space<vmem>> -> memref<1x200xi32, #tpu.memory_space<vmem>>
    %dma_wait3A_784 = tpu.memref_squeeze %dma_wait3A_783 : memref<1x200xi32, #tpu.memory_space<vmem>> -> memref<200xi32, #tpu.memory_space<vmem>>
    %dma_wait3A_785 = tpu.memref_slice %arg2[%dma_wait3A_775, %add3A_80] : memref<2x320000xi32, #tpu.memory_space<hbm>> -> memref<1x200xi32, #tpu.memory_space<hbm>>
    %dma_wait3A_786 = tpu.memref_squeeze %dma_wait3A_785 : memref<1x200xi32, #tpu.memory_space<hbm>> -> memref<200xi32, #tpu.memory_space<hbm>>
    tpu.wait_dma2 semaphore(%arg12 : memref<!tpu.dma_semaphore, #tpu.memory_space<semaphore_mem>>) src(%dma_wait3A_786 : memref<200xi32, #tpu.memory_space<hbm>>) dst(%dma_wait3A_784 : memref<200xi32, #tpu.memory_space<vmem>>)
    %dma_wait3A_787 = arith.constant 1 : i32
    %dma_wait3A_788 = arith.constant 6 : i32
    %dma_wait3A_789 = arith.constant 0 : i32
    %dma_wait3A_790 = tpu.memref_slice %arg7[%dma_wait3A_788, %dma_wait3A_789] : memref<50x200xi32, #tpu.memory_space<vmem>> -> memref<1x200xi32, #tpu.memory_space<vmem>>
    %dma_wait3A_791 = tpu.memref_squeeze %dma_wait3A_790 : memref<1x200xi32, #tpu.memory_space<vmem>> -> memref<200xi32, #tpu.memory_space<vmem>>
    %dma_wait3A_792 = tpu.memref_slice %arg2[%dma_wait3A_787, %add3A_94] : memref<2x320000xi32, #tpu.memory_space<hbm>> -> memref<1x200xi32, #tpu.memory_space<hbm>>
    %dma_wait3A_793 = tpu.memref_squeeze %dma_wait3A_792 : memref<1x200xi32, #tpu.memory_space<hbm>> -> memref<200xi32, #tpu.memory_space<hbm>>
    %dma_wait3A_794 = arith.constant 0 : i32
    %dma_wait3A_795 = tpu.memref_slice %arg7[%dma_wait3A_788, %dma_wait3A_794] : memref<50x200xi32, #tpu.memory_space<vmem>> -> memref<1x200xi32, #tpu.memory_space<vmem>>
    %dma_wait3A_796 = tpu.memref_squeeze %dma_wait3A_795 : memref<1x200xi32, #tpu.memory_space<vmem>> -> memref<200xi32, #tpu.memory_space<vmem>>
    %dma_wait3A_797 = tpu.memref_slice %arg2[%dma_wait3A_787, %add3A_94] : memref<2x320000xi32, #tpu.memory_space<hbm>> -> memref<1x200xi32, #tpu.memory_space<hbm>>
    %dma_wait3A_798 = tpu.memref_squeeze %dma_wait3A_797 : memref<1x200xi32, #tpu.memory_space<hbm>> -> memref<200xi32, #tpu.memory_space<hbm>>
    tpu.wait_dma2 semaphore(%arg12 : memref<!tpu.dma_semaphore, #tpu.memory_space<semaphore_mem>>) src(%dma_wait3A_798 : memref<200xi32, #tpu.memory_space<hbm>>) dst(%dma_wait3A_796 : memref<200xi32, #tpu.memory_space<vmem>>)
    %dma_wait3A_799 = arith.constant 1 : i32
    %dma_wait3A_800 = arith.constant 7 : i32
    %dma_wait3A_801 = arith.constant 0 : i32
    %dma_wait3A_802 = tpu.memref_slice %arg7[%dma_wait3A_800, %dma_wait3A_801] : memref<50x200xi32, #tpu.memory_space<vmem>> -> memref<1x200xi32, #tpu.memory_space<vmem>>
    %dma_wait3A_803 = tpu.memref_squeeze %dma_wait3A_802 : memref<1x200xi32, #tpu.memory_space<vmem>> -> memref<200xi32, #tpu.memory_space<vmem>>
    %dma_wait3A_804 = tpu.memref_slice %arg2[%dma_wait3A_799, %add3A_108] : memref<2x320000xi32, #tpu.memory_space<hbm>> -> memref<1x200xi32, #tpu.memory_space<hbm>>
    %dma_wait3A_805 = tpu.memref_squeeze %dma_wait3A_804 : memref<1x200xi32, #tpu.memory_space<hbm>> -> memref<200xi32, #tpu.memory_space<hbm>>
    %dma_wait3A_806 = arith.constant 0 : i32
    %dma_wait3A_807 = tpu.memref_slice %arg7[%dma_wait3A_800, %dma_wait3A_806] : memref<50x200xi32, #tpu.memory_space<vmem>> -> memref<1x200xi32, #tpu.memory_space<vmem>>
    %dma_wait3A_808 = tpu.memref_squeeze %dma_wait3A_807 : memref<1x200xi32, #tpu.memory_space<vmem>> -> memref<200xi32, #tpu.memory_space<vmem>>
    %dma_wait3A_809 = tpu.memref_slice %arg2[%dma_wait3A_799, %add3A_108] : memref<2x320000xi32, #tpu.memory_space<hbm>> -> memref<1x200xi32, #tpu.memory_space<hbm>>
    %dma_wait3A_810 = tpu.memref_squeeze %dma_wait3A_809 : memref<1x200xi32, #tpu.memory_space<hbm>> -> memref<200xi32, #tpu.memory_space<hbm>>
    tpu.wait_dma2 semaphore(%arg12 : memref<!tpu.dma_semaphore, #tpu.memory_space<semaphore_mem>>) src(%dma_wait3A_810 : memref<200xi32, #tpu.memory_space<hbm>>) dst(%dma_wait3A_808 : memref<200xi32, #tpu.memory_space<vmem>>)
    %dma_wait3A_811 = arith.constant 1 : i32
    %dma_wait3A_812 = arith.constant 8 : i32
    %dma_wait3A_813 = arith.constant 0 : i32
    %dma_wait3A_814 = tpu.memref_slice %arg7[%dma_wait3A_812, %dma_wait3A_813] : memref<50x200xi32, #tpu.memory_space<vmem>> -> memref<1x200xi32, #tpu.memory_space<vmem>>
    %dma_wait3A_815 = tpu.memref_squeeze %dma_wait3A_814 : memref<1x200xi32, #tpu.memory_space<vmem>> -> memref<200xi32, #tpu.memory_space<vmem>>
    %dma_wait3A_816 = tpu.memref_slice %arg2[%dma_wait3A_811, %add3A_122] : memref<2x320000xi32, #tpu.memory_space<hbm>> -> memref<1x200xi32, #tpu.memory_space<hbm>>
    %dma_wait3A_817 = tpu.memref_squeeze %dma_wait3A_816 : memref<1x200xi32, #tpu.memory_space<hbm>> -> memref<200xi32, #tpu.memory_space<hbm>>
    %dma_wait3A_818 = arith.constant 0 : i32
    %dma_wait3A_819 = tpu.memref_slice %arg7[%dma_wait3A_812, %dma_wait3A_818] : memref<50x200xi32, #tpu.memory_space<vmem>> -> memref<1x200xi32, #tpu.memory_space<vmem>>
    %dma_wait3A_820 = tpu.memref_squeeze %dma_wait3A_819 : memref<1x200xi32, #tpu.memory_space<vmem>> -> memref<200xi32, #tpu.memory_space<vmem>>
    %dma_wait3A_821 = tpu.memref_slice %arg2[%dma_wait3A_811, %add3A_122] : memref<2x320000xi32, #tpu.memory_space<hbm>> -> memref<1x200xi32, #tpu.memory_space<hbm>>
    %dma_wait3A_822 = tpu.memref_squeeze %dma_wait3A_821 : memref<1x200xi32, #tpu.memory_space<hbm>> -> memref<200xi32, #tpu.memory_space<hbm>>
    tpu.wait_dma2 semaphore(%arg12 : memref<!tpu.dma_semaphore, #tpu.memory_space<semaphore_mem>>) src(%dma_wait3A_822 : memref<200xi32, #tpu.memory_space<hbm>>) dst(%dma_wait3A_820 : memref<200xi32, #tpu.memory_space<vmem>>)
    %dma_wait3A_823 = arith.constant 1 : i32
    %dma_wait3A_824 = arith.constant 9 : i32
    %dma_wait3A_825 = arith.constant 0 : i32
    %dma_wait3A_826 = tpu.memref_slice %arg7[%dma_wait3A_824, %dma_wait3A_825] : memref<50x200xi32, #tpu.memory_space<vmem>> -> memref<1x200xi32, #tpu.memory_space<vmem>>
    %dma_wait3A_827 = tpu.memref_squeeze %dma_wait3A_826 : memref<1x200xi32, #tpu.memory_space<vmem>> -> memref<200xi32, #tpu.memory_space<vmem>>
    %dma_wait3A_828 = tpu.memref_slice %arg2[%dma_wait3A_823, %add3A_136] : memref<2x320000xi32, #tpu.memory_space<hbm>> -> memref<1x200xi32, #tpu.memory_space<hbm>>
    %dma_wait3A_829 = tpu.memref_squeeze %dma_wait3A_828 : memref<1x200xi32, #tpu.memory_space<hbm>> -> memref<200xi32, #tpu.memory_space<hbm>>
    %dma_wait3A_830 = arith.constant 0 : i32
    %dma_wait3A_831 = tpu.memref_slice %arg7[%dma_wait3A_824, %dma_wait3A_830] : memref<50x200xi32, #tpu.memory_space<vmem>> -> memref<1x200xi32, #tpu.memory_space<vmem>>
    %dma_wait3A_832 = tpu.memref_squeeze %dma_wait3A_831 : memref<1x200xi32, #tpu.memory_space<vmem>> -> memref<200xi32, #tpu.memory_space<vmem>>
    %dma_wait3A_833 = tpu.memref_slice %arg2[%dma_wait3A_823, %add3A_136] : memref<2x320000xi32, #tpu.memory_space<hbm>> -> memref<1x200xi32, #tpu.memory_space<hbm>>
    %dma_wait3A_834 = tpu.memref_squeeze %dma_wait3A_833 : memref<1x200xi32, #tpu.memory_space<hbm>> -> memref<200xi32, #tpu.memory_space<hbm>>
    tpu.wait_dma2 semaphore(%arg12 : memref<!tpu.dma_semaphore, #tpu.memory_space<semaphore_mem>>) src(%dma_wait3A_834 : memref<200xi32, #tpu.memory_space<hbm>>) dst(%dma_wait3A_832 : memref<200xi32, #tpu.memory_space<vmem>>)
    %dma_wait3A_835 = arith.constant 1 : i32
    %dma_wait3A_836 = arith.constant 10 : i32
    %dma_wait3A_837 = arith.constant 0 : i32
    %dma_wait3A_838 = tpu.memref_slice %arg7[%dma_wait3A_836, %dma_wait3A_837] : memref<50x200xi32, #tpu.memory_space<vmem>> -> memref<1x200xi32, #tpu.memory_space<vmem>>
    %dma_wait3A_839 = tpu.memref_squeeze %dma_wait3A_838 : memref<1x200xi32, #tpu.memory_space<vmem>> -> memref<200xi32, #tpu.memory_space<vmem>>
    %dma_wait3A_840 = tpu.memref_slice %arg2[%dma_wait3A_835, %add3A_150] : memref<2x320000xi32, #tpu.memory_space<hbm>> -> memref<1x200xi32, #tpu.memory_space<hbm>>
    %dma_wait3A_841 = tpu.memref_squeeze %dma_wait3A_840 : memref<1x200xi32, #tpu.memory_space<hbm>> -> memref<200xi32, #tpu.memory_space<hbm>>
    %dma_wait3A_842 = arith.constant 0 : i32
    %dma_wait3A_843 = tpu.memref_slice %arg7[%dma_wait3A_836, %dma_wait3A_842] : memref<50x200xi32, #tpu.memory_space<vmem>> -> memref<1x200xi32, #tpu.memory_space<vmem>>
    %dma_wait3A_844 = tpu.memref_squeeze %dma_wait3A_843 : memref<1x200xi32, #tpu.memory_space<vmem>> -> memref<200xi32, #tpu.memory_space<vmem>>
    %dma_wait3A_845 = tpu.memref_slice %arg2[%dma_wait3A_835, %add3A_150] : memref<2x320000xi32, #tpu.memory_space<hbm>> -> memref<1x200xi32, #tpu.memory_space<hbm>>
    %dma_wait3A_846 = tpu.memref_squeeze %dma_wait3A_845 : memref<1x200xi32, #tpu.memory_space<hbm>> -> memref<200xi32, #tpu.memory_space<hbm>>
    tpu.wait_dma2 semaphore(%arg12 : memref<!tpu.dma_semaphore, #tpu.memory_space<semaphore_mem>>) src(%dma_wait3A_846 : memref<200xi32, #tpu.memory_space<hbm>>) dst(%dma_wait3A_844 : memref<200xi32, #tpu.memory_space<vmem>>)
    %dma_wait3A_847 = arith.constant 1 : i32
    %dma_wait3A_848 = arith.constant 11 : i32
    %dma_wait3A_849 = arith.constant 0 : i32
    %dma_wait3A_850 = tpu.memref_slice %arg7[%dma_wait3A_848, %dma_wait3A_849] : memref<50x200xi32, #tpu.memory_space<vmem>> -> memref<1x200xi32, #tpu.memory_space<vmem>>
    %dma_wait3A_851 = tpu.memref_squeeze %dma_wait3A_850 : memref<1x200xi32, #tpu.memory_space<vmem>> -> memref<200xi32, #tpu.memory_space<vmem>>
    %dma_wait3A_852 = tpu.memref_slice %arg2[%dma_wait3A_847, %add3A_164] : memref<2x320000xi32, #tpu.memory_space<hbm>> -> memref<1x200xi32, #tpu.memory_space<hbm>>
    %dma_wait3A_853 = tpu.memref_squeeze %dma_wait3A_852 : memref<1x200xi32, #tpu.memory_space<hbm>> -> memref<200xi32, #tpu.memory_space<hbm>>
    %dma_wait3A_854 = arith.constant 0 : i32
    %dma_wait3A_855 = tpu.memref_slice %arg7[%dma_wait3A_848, %dma_wait3A_854] : memref<50x200xi32, #tpu.memory_space<vmem>> -> memref<1x200xi32, #tpu.memory_space<vmem>>
    %dma_wait3A_856 = tpu.memref_squeeze %dma_wait3A_855 : memref<1x200xi32, #tpu.memory_space<vmem>> -> memref<200xi32, #tpu.memory_space<vmem>>
    %dma_wait3A_857 = tpu.memref_slice %arg2[%dma_wait3A_847, %add3A_164] : memref<2x320000xi32, #tpu.memory_space<hbm>> -> memref<1x200xi32, #tpu.memory_space<hbm>>
    %dma_wait3A_858 = tpu.memref_squeeze %dma_wait3A_857 : memref<1x200xi32, #tpu.memory_space<hbm>> -> memref<200xi32, #tpu.memory_space<hbm>>
    tpu.wait_dma2 semaphore(%arg12 : memref<!tpu.dma_semaphore, #tpu.memory_space<semaphore_mem>>) src(%dma_wait3A_858 : memref<200xi32, #tpu.memory_space<hbm>>) dst(%dma_wait3A_856 : memref<200xi32, #tpu.memory_space<vmem>>)
    %dma_wait3A_859 = arith.constant 1 : i32
    %dma_wait3A_860 = arith.constant 12 : i32
    %dma_wait3A_861 = arith.constant 0 : i32
    %dma_wait3A_862 = tpu.memref_slice %arg7[%dma_wait3A_860, %dma_wait3A_861] : memref<50x200xi32, #tpu.memory_space<vmem>> -> memref<1x200xi32, #tpu.memory_space<vmem>>
    %dma_wait3A_863 = tpu.memref_squeeze %dma_wait3A_862 : memref<1x200xi32, #tpu.memory_space<vmem>> -> memref<200xi32, #tpu.memory_space<vmem>>
    %dma_wait3A_864 = tpu.memref_slice %arg2[%dma_wait3A_859, %add3A_178] : memref<2x320000xi32, #tpu.memory_space<hbm>> -> memref<1x200xi32, #tpu.memory_space<hbm>>
    %dma_wait3A_865 = tpu.memref_squeeze %dma_wait3A_864 : memref<1x200xi32, #tpu.memory_space<hbm>> -> memref<200xi32, #tpu.memory_space<hbm>>
    %dma_wait3A_866 = arith.constant 0 : i32
    %dma_wait3A_867 = tpu.memref_slice %arg7[%dma_wait3A_860, %dma_wait3A_866] : memref<50x200xi32, #tpu.memory_space<vmem>> -> memref<1x200xi32, #tpu.memory_space<vmem>>
    %dma_wait3A_868 = tpu.memref_squeeze %dma_wait3A_867 : memref<1x200xi32, #tpu.memory_space<vmem>> -> memref<200xi32, #tpu.memory_space<vmem>>
    %dma_wait3A_869 = tpu.memref_slice %arg2[%dma_wait3A_859, %add3A_178] : memref<2x320000xi32, #tpu.memory_space<hbm>> -> memref<1x200xi32, #tpu.memory_space<hbm>>
    %dma_wait3A_870 = tpu.memref_squeeze %dma_wait3A_869 : memref<1x200xi32, #tpu.memory_space<hbm>> -> memref<200xi32, #tpu.memory_space<hbm>>
    tpu.wait_dma2 semaphore(%arg12 : memref<!tpu.dma_semaphore, #tpu.memory_space<semaphore_mem>>) src(%dma_wait3A_870 : memref<200xi32, #tpu.memory_space<hbm>>) dst(%dma_wait3A_868 : memref<200xi32, #tpu.memory_space<vmem>>)
    %dma_wait3A_871 = arith.constant 1 : i32
    %dma_wait3A_872 = arith.constant 13 : i32
    %dma_wait3A_873 = arith.constant 0 : i32
    %dma_wait3A_874 = tpu.memref_slice %arg7[%dma_wait3A_872, %dma_wait3A_873] : memref<50x200xi32, #tpu.memory_space<vmem>> -> memref<1x200xi32, #tpu.memory_space<vmem>>
    %dma_wait3A_875 = tpu.memref_squeeze %dma_wait3A_874 : memref<1x200xi32, #tpu.memory_space<vmem>> -> memref<200xi32, #tpu.memory_space<vmem>>
    %dma_wait3A_876 = tpu.memref_slice %arg2[%dma_wait3A_871, %add3A_192] : memref<2x320000xi32, #tpu.memory_space<hbm>> -> memref<1x200xi32, #tpu.memory_space<hbm>>
    %dma_wait3A_877 = tpu.memref_squeeze %dma_wait3A_876 : memref<1x200xi32, #tpu.memory_space<hbm>> -> memref<200xi32, #tpu.memory_space<hbm>>
    %dma_wait3A_878 = arith.constant 0 : i32
    %dma_wait3A_879 = tpu.memref_slice %arg7[%dma_wait3A_872, %dma_wait3A_878] : memref<50x200xi32, #tpu.memory_space<vmem>> -> memref<1x200xi32, #tpu.memory_space<vmem>>
    %dma_wait3A_880 = tpu.memref_squeeze %dma_wait3A_879 : memref<1x200xi32, #tpu.memory_space<vmem>> -> memref<200xi32, #tpu.memory_space<vmem>>
    %dma_wait3A_881 = tpu.memref_slice %arg2[%dma_wait3A_871, %add3A_192] : memref<2x320000xi32, #tpu.memory_space<hbm>> -> memref<1x200xi32, #tpu.memory_space<hbm>>
    %dma_wait3A_882 = tpu.memref_squeeze %dma_wait3A_881 : memref<1x200xi32, #tpu.memory_space<hbm>> -> memref<200xi32, #tpu.memory_space<hbm>>
    tpu.wait_dma2 semaphore(%arg12 : memref<!tpu.dma_semaphore, #tpu.memory_space<semaphore_mem>>) src(%dma_wait3A_882 : memref<200xi32, #tpu.memory_space<hbm>>) dst(%dma_wait3A_880 : memref<200xi32, #tpu.memory_space<vmem>>)
    %dma_wait3A_883 = arith.constant 1 : i32
    %dma_wait3A_884 = arith.constant 14 : i32
    %dma_wait3A_885 = arith.constant 0 : i32
    %dma_wait3A_886 = tpu.memref_slice %arg7[%dma_wait3A_884, %dma_wait3A_885] : memref<50x200xi32, #tpu.memory_space<vmem>> -> memref<1x200xi32, #tpu.memory_space<vmem>>
    %dma_wait3A_887 = tpu.memref_squeeze %dma_wait3A_886 : memref<1x200xi32, #tpu.memory_space<vmem>> -> memref<200xi32, #tpu.memory_space<vmem>>
    %dma_wait3A_888 = tpu.memref_slice %arg2[%dma_wait3A_883, %add3A_206] : memref<2x320000xi32, #tpu.memory_space<hbm>> -> memref<1x200xi32, #tpu.memory_space<hbm>>
    %dma_wait3A_889 = tpu.memref_squeeze %dma_wait3A_888 : memref<1x200xi32, #tpu.memory_space<hbm>> -> memref<200xi32, #tpu.memory_space<hbm>>
    %dma_wait3A_890 = arith.constant 0 : i32
    %dma_wait3A_891 = tpu.memref_slice %arg7[%dma_wait3A_884, %dma_wait3A_890] : memref<50x200xi32, #tpu.memory_space<vmem>> -> memref<1x200xi32, #tpu.memory_space<vmem>>
    %dma_wait3A_892 = tpu.memref_squeeze %dma_wait3A_891 : memref<1x200xi32, #tpu.memory_space<vmem>> -> memref<200xi32, #tpu.memory_space<vmem>>
    %dma_wait3A_893 = tpu.memref_slice %arg2[%dma_wait3A_883, %add3A_206] : memref<2x320000xi32, #tpu.memory_space<hbm>> -> memref<1x200xi32, #tpu.memory_space<hbm>>
    %dma_wait3A_894 = tpu.memref_squeeze %dma_wait3A_893 : memref<1x200xi32, #tpu.memory_space<hbm>> -> memref<200xi32, #tpu.memory_space<hbm>>
    tpu.wait_dma2 semaphore(%arg12 : memref<!tpu.dma_semaphore, #tpu.memory_space<semaphore_mem>>) src(%dma_wait3A_894 : memref<200xi32, #tpu.memory_space<hbm>>) dst(%dma_wait3A_892 : memref<200xi32, #tpu.memory_space<vmem>>)
    %dma_wait3A_895 = arith.constant 1 : i32
    %dma_wait3A_896 = arith.constant 15 : i32
    %dma_wait3A_897 = arith.constant 0 : i32
    %dma_wait3A_898 = tpu.memref_slice %arg7[%dma_wait3A_896, %dma_wait3A_897] : memref<50x200xi32, #tpu.memory_space<vmem>> -> memref<1x200xi32, #tpu.memory_space<vmem>>
    %dma_wait3A_899 = tpu.memref_squeeze %dma_wait3A_898 : memref<1x200xi32, #tpu.memory_space<vmem>> -> memref<200xi32, #tpu.memory_space<vmem>>
    %dma_wait3A_900 = tpu.memref_slice %arg2[%dma_wait3A_895, %add3A_220] : memref<2x320000xi32, #tpu.memory_space<hbm>> -> memref<1x200xi32, #tpu.memory_space<hbm>>
    %dma_wait3A_901 = tpu.memref_squeeze %dma_wait3A_900 : memref<1x200xi32, #tpu.memory_space<hbm>> -> memref<200xi32, #tpu.memory_space<hbm>>
    %dma_wait3A_902 = arith.constant 0 : i32
    %dma_wait3A_903 = tpu.memref_slice %arg7[%dma_wait3A_896, %dma_wait3A_902] : memref<50x200xi32, #tpu.memory_space<vmem>> -> memref<1x200xi32, #tpu.memory_space<vmem>>
    %dma_wait3A_904 = tpu.memref_squeeze %dma_wait3A_903 : memref<1x200xi32, #tpu.memory_space<vmem>> -> memref<200xi32, #tpu.memory_space<vmem>>
    %dma_wait3A_905 = tpu.memref_slice %arg2[%dma_wait3A_895, %add3A_220] : memref<2x320000xi32, #tpu.memory_space<hbm>> -> memref<1x200xi32, #tpu.memory_space<hbm>>
    %dma_wait3A_906 = tpu.memref_squeeze %dma_wait3A_905 : memref<1x200xi32, #tpu.memory_space<hbm>> -> memref<200xi32, #tpu.memory_space<hbm>>
    tpu.wait_dma2 semaphore(%arg12 : memref<!tpu.dma_semaphore, #tpu.memory_space<semaphore_mem>>) src(%dma_wait3A_906 : memref<200xi32, #tpu.memory_space<hbm>>) dst(%dma_wait3A_904 : memref<200xi32, #tpu.memory_space<vmem>>)
    %dma_wait3A_907 = arith.constant 1 : i32
    %dma_wait3A_908 = arith.constant 16 : i32
    %dma_wait3A_909 = arith.constant 0 : i32
    %dma_wait3A_910 = tpu.memref_slice %arg7[%dma_wait3A_908, %dma_wait3A_909] : memref<50x200xi32, #tpu.memory_space<vmem>> -> memref<1x200xi32, #tpu.memory_space<vmem>>
    %dma_wait3A_911 = tpu.memref_squeeze %dma_wait3A_910 : memref<1x200xi32, #tpu.memory_space<vmem>> -> memref<200xi32, #tpu.memory_space<vmem>>
    %dma_wait3A_912 = tpu.memref_slice %arg2[%dma_wait3A_907, %add3A_234] : memref<2x320000xi32, #tpu.memory_space<hbm>> -> memref<1x200xi32, #tpu.memory_space<hbm>>
    %dma_wait3A_913 = tpu.memref_squeeze %dma_wait3A_912 : memref<1x200xi32, #tpu.memory_space<hbm>> -> memref<200xi32, #tpu.memory_space<hbm>>
    %dma_wait3A_914 = arith.constant 0 : i32
    %dma_wait3A_915 = tpu.memref_slice %arg7[%dma_wait3A_908, %dma_wait3A_914] : memref<50x200xi32, #tpu.memory_space<vmem>> -> memref<1x200xi32, #tpu.memory_space<vmem>>
    %dma_wait3A_916 = tpu.memref_squeeze %dma_wait3A_915 : memref<1x200xi32, #tpu.memory_space<vmem>> -> memref<200xi32, #tpu.memory_space<vmem>>
    %dma_wait3A_917 = tpu.memref_slice %arg2[%dma_wait3A_907, %add3A_234] : memref<2x320000xi32, #tpu.memory_space<hbm>> -> memref<1x200xi32, #tpu.memory_space<hbm>>
    %dma_wait3A_918 = tpu.memref_squeeze %dma_wait3A_917 : memref<1x200xi32, #tpu.memory_space<hbm>> -> memref<200xi32, #tpu.memory_space<hbm>>
    tpu.wait_dma2 semaphore(%arg12 : memref<!tpu.dma_semaphore, #tpu.memory_space<semaphore_mem>>) src(%dma_wait3A_918 : memref<200xi32, #tpu.memory_space<hbm>>) dst(%dma_wait3A_916 : memref<200xi32, #tpu.memory_space<vmem>>)
    %dma_wait3A_919 = arith.constant 1 : i32
    %dma_wait3A_920 = arith.constant 17 : i32
    %dma_wait3A_921 = arith.constant 0 : i32
    %dma_wait3A_922 = tpu.memref_slice %arg7[%dma_wait3A_920, %dma_wait3A_921] : memref<50x200xi32, #tpu.memory_space<vmem>> -> memref<1x200xi32, #tpu.memory_space<vmem>>
    %dma_wait3A_923 = tpu.memref_squeeze %dma_wait3A_922 : memref<1x200xi32, #tpu.memory_space<vmem>> -> memref<200xi32, #tpu.memory_space<vmem>>
    %dma_wait3A_924 = tpu.memref_slice %arg2[%dma_wait3A_919, %add3A_248] : memref<2x320000xi32, #tpu.memory_space<hbm>> -> memref<1x200xi32, #tpu.memory_space<hbm>>
    %dma_wait3A_925 = tpu.memref_squeeze %dma_wait3A_924 : memref<1x200xi32, #tpu.memory_space<hbm>> -> memref<200xi32, #tpu.memory_space<hbm>>
    %dma_wait3A_926 = arith.constant 0 : i32
    %dma_wait3A_927 = tpu.memref_slice %arg7[%dma_wait3A_920, %dma_wait3A_926] : memref<50x200xi32, #tpu.memory_space<vmem>> -> memref<1x200xi32, #tpu.memory_space<vmem>>
    %dma_wait3A_928 = tpu.memref_squeeze %dma_wait3A_927 : memref<1x200xi32, #tpu.memory_space<vmem>> -> memref<200xi32, #tpu.memory_space<vmem>>
    %dma_wait3A_929 = tpu.memref_slice %arg2[%dma_wait3A_919, %add3A_248] : memref<2x320000xi32, #tpu.memory_space<hbm>> -> memref<1x200xi32, #tpu.memory_space<hbm>>
    %dma_wait3A_930 = tpu.memref_squeeze %dma_wait3A_929 : memref<1x200xi32, #tpu.memory_space<hbm>> -> memref<200xi32, #tpu.memory_space<hbm>>
    tpu.wait_dma2 semaphore(%arg12 : memref<!tpu.dma_semaphore, #tpu.memory_space<semaphore_mem>>) src(%dma_wait3A_930 : memref<200xi32, #tpu.memory_space<hbm>>) dst(%dma_wait3A_928 : memref<200xi32, #tpu.memory_space<vmem>>)
    %dma_wait3A_931 = arith.constant 1 : i32
    %dma_wait3A_932 = arith.constant 18 : i32
    %dma_wait3A_933 = arith.constant 0 : i32
    %dma_wait3A_934 = tpu.memref_slice %arg7[%dma_wait3A_932, %dma_wait3A_933] : memref<50x200xi32, #tpu.memory_space<vmem>> -> memref<1x200xi32, #tpu.memory_space<vmem>>
    %dma_wait3A_935 = tpu.memref_squeeze %dma_wait3A_934 : memref<1x200xi32, #tpu.memory_space<vmem>> -> memref<200xi32, #tpu.memory_space<vmem>>
    %dma_wait3A_936 = tpu.memref_slice %arg2[%dma_wait3A_931, %add3A_262] : memref<2x320000xi32, #tpu.memory_space<hbm>> -> memref<1x200xi32, #tpu.memory_space<hbm>>
    %dma_wait3A_937 = tpu.memref_squeeze %dma_wait3A_936 : memref<1x200xi32, #tpu.memory_space<hbm>> -> memref<200xi32, #tpu.memory_space<hbm>>
    %dma_wait3A_938 = arith.constant 0 : i32
    %dma_wait3A_939 = tpu.memref_slice %arg7[%dma_wait3A_932, %dma_wait3A_938] : memref<50x200xi32, #tpu.memory_space<vmem>> -> memref<1x200xi32, #tpu.memory_space<vmem>>
    %dma_wait3A_940 = tpu.memref_squeeze %dma_wait3A_939 : memref<1x200xi32, #tpu.memory_space<vmem>> -> memref<200xi32, #tpu.memory_space<vmem>>
    %dma_wait3A_941 = tpu.memref_slice %arg2[%dma_wait3A_931, %add3A_262] : memref<2x320000xi32, #tpu.memory_space<hbm>> -> memref<1x200xi32, #tpu.memory_space<hbm>>
    %dma_wait3A_942 = tpu.memref_squeeze %dma_wait3A_941 : memref<1x200xi32, #tpu.memory_space<hbm>> -> memref<200xi32, #tpu.memory_space<hbm>>
    tpu.wait_dma2 semaphore(%arg12 : memref<!tpu.dma_semaphore, #tpu.memory_space<semaphore_mem>>) src(%dma_wait3A_942 : memref<200xi32, #tpu.memory_space<hbm>>) dst(%dma_wait3A_940 : memref<200xi32, #tpu.memory_space<vmem>>)
    %dma_wait3A_943 = arith.constant 1 : i32
    %dma_wait3A_944 = arith.constant 19 : i32
    %dma_wait3A_945 = arith.constant 0 : i32
    %dma_wait3A_946 = tpu.memref_slice %arg7[%dma_wait3A_944, %dma_wait3A_945] : memref<50x200xi32, #tpu.memory_space<vmem>> -> memref<1x200xi32, #tpu.memory_space<vmem>>
    %dma_wait3A_947 = tpu.memref_squeeze %dma_wait3A_946 : memref<1x200xi32, #tpu.memory_space<vmem>> -> memref<200xi32, #tpu.memory_space<vmem>>
    %dma_wait3A_948 = tpu.memref_slice %arg2[%dma_wait3A_943, %add3A_276] : memref<2x320000xi32, #tpu.memory_space<hbm>> -> memref<1x200xi32, #tpu.memory_space<hbm>>
    %dma_wait3A_949 = tpu.memref_squeeze %dma_wait3A_948 : memref<1x200xi32, #tpu.memory_space<hbm>> -> memref<200xi32, #tpu.memory_space<hbm>>
    %dma_wait3A_950 = arith.constant 0 : i32
    %dma_wait3A_951 = tpu.memref_slice %arg7[%dma_wait3A_944, %dma_wait3A_950] : memref<50x200xi32, #tpu.memory_space<vmem>> -> memref<1x200xi32, #tpu.memory_space<vmem>>
    %dma_wait3A_952 = tpu.memref_squeeze %dma_wait3A_951 : memref<1x200xi32, #tpu.memory_space<vmem>> -> memref<200xi32, #tpu.memory_space<vmem>>
    %dma_wait3A_953 = tpu.memref_slice %arg2[%dma_wait3A_943, %add3A_276] : memref<2x320000xi32, #tpu.memory_space<hbm>> -> memref<1x200xi32, #tpu.memory_space<hbm>>
    %dma_wait3A_954 = tpu.memref_squeeze %dma_wait3A_953 : memref<1x200xi32, #tpu.memory_space<hbm>> -> memref<200xi32, #tpu.memory_space<hbm>>
    tpu.wait_dma2 semaphore(%arg12 : memref<!tpu.dma_semaphore, #tpu.memory_space<semaphore_mem>>) src(%dma_wait3A_954 : memref<200xi32, #tpu.memory_space<hbm>>) dst(%dma_wait3A_952 : memref<200xi32, #tpu.memory_space<vmem>>)
    %dma_wait3A_955 = arith.constant 1 : i32
    %dma_wait3A_956 = arith.constant 20 : i32
    %dma_wait3A_957 = arith.constant 0 : i32
    %dma_wait3A_958 = tpu.memref_slice %arg7[%dma_wait3A_956, %dma_wait3A_957] : memref<50x200xi32, #tpu.memory_space<vmem>> -> memref<1x200xi32, #tpu.memory_space<vmem>>
    %dma_wait3A_959 = tpu.memref_squeeze %dma_wait3A_958 : memref<1x200xi32, #tpu.memory_space<vmem>> -> memref<200xi32, #tpu.memory_space<vmem>>
    %dma_wait3A_960 = tpu.memref_slice %arg2[%dma_wait3A_955, %add3A_290] : memref<2x320000xi32, #tpu.memory_space<hbm>> -> memref<1x200xi32, #tpu.memory_space<hbm>>
    %dma_wait3A_961 = tpu.memref_squeeze %dma_wait3A_960 : memref<1x200xi32, #tpu.memory_space<hbm>> -> memref<200xi32, #tpu.memory_space<hbm>>
    %dma_wait3A_962 = arith.constant 0 : i32
    %dma_wait3A_963 = tpu.memref_slice %arg7[%dma_wait3A_956, %dma_wait3A_962] : memref<50x200xi32, #tpu.memory_space<vmem>> -> memref<1x200xi32, #tpu.memory_space<vmem>>
    %dma_wait3A_964 = tpu.memref_squeeze %dma_wait3A_963 : memref<1x200xi32, #tpu.memory_space<vmem>> -> memref<200xi32, #tpu.memory_space<vmem>>
    %dma_wait3A_965 = tpu.memref_slice %arg2[%dma_wait3A_955, %add3A_290] : memref<2x320000xi32, #tpu.memory_space<hbm>> -> memref<1x200xi32, #tpu.memory_space<hbm>>
    %dma_wait3A_966 = tpu.memref_squeeze %dma_wait3A_965 : memref<1x200xi32, #tpu.memory_space<hbm>> -> memref<200xi32, #tpu.memory_space<hbm>>
    tpu.wait_dma2 semaphore(%arg12 : memref<!tpu.dma_semaphore, #tpu.memory_space<semaphore_mem>>) src(%dma_wait3A_966 : memref<200xi32, #tpu.memory_space<hbm>>) dst(%dma_wait3A_964 : memref<200xi32, #tpu.memory_space<vmem>>)
    %dma_wait3A_967 = arith.constant 1 : i32
    %dma_wait3A_968 = arith.constant 21 : i32
    %dma_wait3A_969 = arith.constant 0 : i32
    %dma_wait3A_970 = tpu.memref_slice %arg7[%dma_wait3A_968, %dma_wait3A_969] : memref<50x200xi32, #tpu.memory_space<vmem>> -> memref<1x200xi32, #tpu.memory_space<vmem>>
    %dma_wait3A_971 = tpu.memref_squeeze %dma_wait3A_970 : memref<1x200xi32, #tpu.memory_space<vmem>> -> memref<200xi32, #tpu.memory_space<vmem>>
    %dma_wait3A_972 = tpu.memref_slice %arg2[%dma_wait3A_967, %add3A_304] : memref<2x320000xi32, #tpu.memory_space<hbm>> -> memref<1x200xi32, #tpu.memory_space<hbm>>
    %dma_wait3A_973 = tpu.memref_squeeze %dma_wait3A_972 : memref<1x200xi32, #tpu.memory_space<hbm>> -> memref<200xi32, #tpu.memory_space<hbm>>
    %dma_wait3A_974 = arith.constant 0 : i32
    %dma_wait3A_975 = tpu.memref_slice %arg7[%dma_wait3A_968, %dma_wait3A_974] : memref<50x200xi32, #tpu.memory_space<vmem>> -> memref<1x200xi32, #tpu.memory_space<vmem>>
    %dma_wait3A_976 = tpu.memref_squeeze %dma_wait3A_975 : memref<1x200xi32, #tpu.memory_space<vmem>> -> memref<200xi32, #tpu.memory_space<vmem>>
    %dma_wait3A_977 = tpu.memref_slice %arg2[%dma_wait3A_967, %add3A_304] : memref<2x320000xi32, #tpu.memory_space<hbm>> -> memref<1x200xi32, #tpu.memory_space<hbm>>
    %dma_wait3A_978 = tpu.memref_squeeze %dma_wait3A_977 : memref<1x200xi32, #tpu.memory_space<hbm>> -> memref<200xi32, #tpu.memory_space<hbm>>
    tpu.wait_dma2 semaphore(%arg12 : memref<!tpu.dma_semaphore, #tpu.memory_space<semaphore_mem>>) src(%dma_wait3A_978 : memref<200xi32, #tpu.memory_space<hbm>>) dst(%dma_wait3A_976 : memref<200xi32, #tpu.memory_space<vmem>>)
    %dma_wait3A_979 = arith.constant 1 : i32
    %dma_wait3A_980 = arith.constant 22 : i32
    %dma_wait3A_981 = arith.constant 0 : i32
    %dma_wait3A_982 = tpu.memref_slice %arg7[%dma_wait3A_980, %dma_wait3A_981] : memref<50x200xi32, #tpu.memory_space<vmem>> -> memref<1x200xi32, #tpu.memory_space<vmem>>
    %dma_wait3A_983 = tpu.memref_squeeze %dma_wait3A_982 : memref<1x200xi32, #tpu.memory_space<vmem>> -> memref<200xi32, #tpu.memory_space<vmem>>
    %dma_wait3A_984 = tpu.memref_slice %arg2[%dma_wait3A_979, %add3A_318] : memref<2x320000xi32, #tpu.memory_space<hbm>> -> memref<1x200xi32, #tpu.memory_space<hbm>>
    %dma_wait3A_985 = tpu.memref_squeeze %dma_wait3A_984 : memref<1x200xi32, #tpu.memory_space<hbm>> -> memref<200xi32, #tpu.memory_space<hbm>>
    %dma_wait3A_986 = arith.constant 0 : i32
    %dma_wait3A_987 = tpu.memref_slice %arg7[%dma_wait3A_980, %dma_wait3A_986] : memref<50x200xi32, #tpu.memory_space<vmem>> -> memref<1x200xi32, #tpu.memory_space<vmem>>
    %dma_wait3A_988 = tpu.memref_squeeze %dma_wait3A_987 : memref<1x200xi32, #tpu.memory_space<vmem>> -> memref<200xi32, #tpu.memory_space<vmem>>
    %dma_wait3A_989 = tpu.memref_slice %arg2[%dma_wait3A_979, %add3A_318] : memref<2x320000xi32, #tpu.memory_space<hbm>> -> memref<1x200xi32, #tpu.memory_space<hbm>>
    %dma_wait3A_990 = tpu.memref_squeeze %dma_wait3A_989 : memref<1x200xi32, #tpu.memory_space<hbm>> -> memref<200xi32, #tpu.memory_space<hbm>>
    tpu.wait_dma2 semaphore(%arg12 : memref<!tpu.dma_semaphore, #tpu.memory_space<semaphore_mem>>) src(%dma_wait3A_990 : memref<200xi32, #tpu.memory_space<hbm>>) dst(%dma_wait3A_988 : memref<200xi32, #tpu.memory_space<vmem>>)
    %dma_wait3A_991 = arith.constant 1 : i32
    %dma_wait3A_992 = arith.constant 23 : i32
    %dma_wait3A_993 = arith.constant 0 : i32
    %dma_wait3A_994 = tpu.memref_slice %arg7[%dma_wait3A_992, %dma_wait3A_993] : memref<50x200xi32, #tpu.memory_space<vmem>> -> memref<1x200xi32, #tpu.memory_space<vmem>>
    %dma_wait3A_995 = tpu.memref_squeeze %dma_wait3A_994 : memref<1x200xi32, #tpu.memory_space<vmem>> -> memref<200xi32, #tpu.memory_space<vmem>>
    %dma_wait3A_996 = tpu.memref_slice %arg2[%dma_wait3A_991, %add3A_332] : memref<2x320000xi32, #tpu.memory_space<hbm>> -> memref<1x200xi32, #tpu.memory_space<hbm>>
    %dma_wait3A_997 = tpu.memref_squeeze %dma_wait3A_996 : memref<1x200xi32, #tpu.memory_space<hbm>> -> memref<200xi32, #tpu.memory_space<hbm>>
    %dma_wait3A_998 = arith.constant 0 : i32
    %dma_wait3A_999 = tpu.memref_slice %arg7[%dma_wait3A_992, %dma_wait3A_998] : memref<50x200xi32, #tpu.memory_space<vmem>> -> memref<1x200xi32, #tpu.memory_space<vmem>>
    %dma_wait3A_1000 = tpu.memref_squeeze %dma_wait3A_999 : memref<1x200xi32, #tpu.memory_space<vmem>> -> memref<200xi32, #tpu.memory_space<vmem>>
    %dma_wait3A_1001 = tpu.memref_slice %arg2[%dma_wait3A_991, %add3A_332] : memref<2x320000xi32, #tpu.memory_space<hbm>> -> memref<1x200xi32, #tpu.memory_space<hbm>>
    %dma_wait3A_1002 = tpu.memref_squeeze %dma_wait3A_1001 : memref<1x200xi32, #tpu.memory_space<hbm>> -> memref<200xi32, #tpu.memory_space<hbm>>
    tpu.wait_dma2 semaphore(%arg12 : memref<!tpu.dma_semaphore, #tpu.memory_space<semaphore_mem>>) src(%dma_wait3A_1002 : memref<200xi32, #tpu.memory_space<hbm>>) dst(%dma_wait3A_1000 : memref<200xi32, #tpu.memory_space<vmem>>)
    %dma_wait3A_1003 = arith.constant 1 : i32
    %dma_wait3A_1004 = arith.constant 24 : i32
    %dma_wait3A_1005 = arith.constant 0 : i32
    %dma_wait3A_1006 = tpu.memref_slice %arg7[%dma_wait3A_1004, %dma_wait3A_1005] : memref<50x200xi32, #tpu.memory_space<vmem>> -> memref<1x200xi32, #tpu.memory_space<vmem>>
    %dma_wait3A_1007 = tpu.memref_squeeze %dma_wait3A_1006 : memref<1x200xi32, #tpu.memory_space<vmem>> -> memref<200xi32, #tpu.memory_space<vmem>>
    %dma_wait3A_1008 = tpu.memref_slice %arg2[%dma_wait3A_1003, %add3A_346] : memref<2x320000xi32, #tpu.memory_space<hbm>> -> memref<1x200xi32, #tpu.memory_space<hbm>>
    %dma_wait3A_1009 = tpu.memref_squeeze %dma_wait3A_1008 : memref<1x200xi32, #tpu.memory_space<hbm>> -> memref<200xi32, #tpu.memory_space<hbm>>
    %dma_wait3A_1010 = arith.constant 0 : i32
    %dma_wait3A_1011 = tpu.memref_slice %arg7[%dma_wait3A_1004, %dma_wait3A_1010] : memref<50x200xi32, #tpu.memory_space<vmem>> -> memref<1x200xi32, #tpu.memory_space<vmem>>
    %dma_wait3A_1012 = tpu.memref_squeeze %dma_wait3A_1011 : memref<1x200xi32, #tpu.memory_space<vmem>> -> memref<200xi32, #tpu.memory_space<vmem>>
    %dma_wait3A_1013 = tpu.memref_slice %arg2[%dma_wait3A_1003, %add3A_346] : memref<2x320000xi32, #tpu.memory_space<hbm>> -> memref<1x200xi32, #tpu.memory_space<hbm>>
    %dma_wait3A_1014 = tpu.memref_squeeze %dma_wait3A_1013 : memref<1x200xi32, #tpu.memory_space<hbm>> -> memref<200xi32, #tpu.memory_space<hbm>>
    tpu.wait_dma2 semaphore(%arg12 : memref<!tpu.dma_semaphore, #tpu.memory_space<semaphore_mem>>) src(%dma_wait3A_1014 : memref<200xi32, #tpu.memory_space<hbm>>) dst(%dma_wait3A_1012 : memref<200xi32, #tpu.memory_space<vmem>>)
    %dma_wait3A_1015 = arith.constant 1 : i32
    %dma_wait3A_1016 = arith.constant 25 : i32
    %dma_wait3A_1017 = arith.constant 0 : i32
    %dma_wait3A_1018 = tpu.memref_slice %arg7[%dma_wait3A_1016, %dma_wait3A_1017] : memref<50x200xi32, #tpu.memory_space<vmem>> -> memref<1x200xi32, #tpu.memory_space<vmem>>
    %dma_wait3A_1019 = tpu.memref_squeeze %dma_wait3A_1018 : memref<1x200xi32, #tpu.memory_space<vmem>> -> memref<200xi32, #tpu.memory_space<vmem>>
    %dma_wait3A_1020 = tpu.memref_slice %arg2[%dma_wait3A_1015, %add3A_360] : memref<2x320000xi32, #tpu.memory_space<hbm>> -> memref<1x200xi32, #tpu.memory_space<hbm>>
    %dma_wait3A_1021 = tpu.memref_squeeze %dma_wait3A_1020 : memref<1x200xi32, #tpu.memory_space<hbm>> -> memref<200xi32, #tpu.memory_space<hbm>>
    %dma_wait3A_1022 = arith.constant 0 : i32
    %dma_wait3A_1023 = tpu.memref_slice %arg7[%dma_wait3A_1016, %dma_wait3A_1022] : memref<50x200xi32, #tpu.memory_space<vmem>> -> memref<1x200xi32, #tpu.memory_space<vmem>>
    %dma_wait3A_1024 = tpu.memref_squeeze %dma_wait3A_1023 : memref<1x200xi32, #tpu.memory_space<vmem>> -> memref<200xi32, #tpu.memory_space<vmem>>
    %dma_wait3A_1025 = tpu.memref_slice %arg2[%dma_wait3A_1015, %add3A_360] : memref<2x320000xi32, #tpu.memory_space<hbm>> -> memref<1x200xi32, #tpu.memory_space<hbm>>
    %dma_wait3A_1026 = tpu.memref_squeeze %dma_wait3A_1025 : memref<1x200xi32, #tpu.memory_space<hbm>> -> memref<200xi32, #tpu.memory_space<hbm>>
    tpu.wait_dma2 semaphore(%arg12 : memref<!tpu.dma_semaphore, #tpu.memory_space<semaphore_mem>>) src(%dma_wait3A_1026 : memref<200xi32, #tpu.memory_space<hbm>>) dst(%dma_wait3A_1024 : memref<200xi32, #tpu.memory_space<vmem>>)
    %dma_wait3A_1027 = arith.constant 1 : i32
    %dma_wait3A_1028 = arith.constant 26 : i32
    %dma_wait3A_1029 = arith.constant 0 : i32
    %dma_wait3A_1030 = tpu.memref_slice %arg7[%dma_wait3A_1028, %dma_wait3A_1029] : memref<50x200xi32, #tpu.memory_space<vmem>> -> memref<1x200xi32, #tpu.memory_space<vmem>>
    %dma_wait3A_1031 = tpu.memref_squeeze %dma_wait3A_1030 : memref<1x200xi32, #tpu.memory_space<vmem>> -> memref<200xi32, #tpu.memory_space<vmem>>
    %dma_wait3A_1032 = tpu.memref_slice %arg2[%dma_wait3A_1027, %add3A_374] : memref<2x320000xi32, #tpu.memory_space<hbm>> -> memref<1x200xi32, #tpu.memory_space<hbm>>
    %dma_wait3A_1033 = tpu.memref_squeeze %dma_wait3A_1032 : memref<1x200xi32, #tpu.memory_space<hbm>> -> memref<200xi32, #tpu.memory_space<hbm>>
    %dma_wait3A_1034 = arith.constant 0 : i32
    %dma_wait3A_1035 = tpu.memref_slice %arg7[%dma_wait3A_1028, %dma_wait3A_1034] : memref<50x200xi32, #tpu.memory_space<vmem>> -> memref<1x200xi32, #tpu.memory_space<vmem>>
    %dma_wait3A_1036 = tpu.memref_squeeze %dma_wait3A_1035 : memref<1x200xi32, #tpu.memory_space<vmem>> -> memref<200xi32, #tpu.memory_space<vmem>>
    %dma_wait3A_1037 = tpu.memref_slice %arg2[%dma_wait3A_1027, %add3A_374] : memref<2x320000xi32, #tpu.memory_space<hbm>> -> memref<1x200xi32, #tpu.memory_space<hbm>>
    %dma_wait3A_1038 = tpu.memref_squeeze %dma_wait3A_1037 : memref<1x200xi32, #tpu.memory_space<hbm>> -> memref<200xi32, #tpu.memory_space<hbm>>
    tpu.wait_dma2 semaphore(%arg12 : memref<!tpu.dma_semaphore, #tpu.memory_space<semaphore_mem>>) src(%dma_wait3A_1038 : memref<200xi32, #tpu.memory_space<hbm>>) dst(%dma_wait3A_1036 : memref<200xi32, #tpu.memory_space<vmem>>)
    %dma_wait3A_1039 = arith.constant 1 : i32
    %dma_wait3A_1040 = arith.constant 27 : i32
    %dma_wait3A_1041 = arith.constant 0 : i32
    %dma_wait3A_1042 = tpu.memref_slice %arg7[%dma_wait3A_1040, %dma_wait3A_1041] : memref<50x200xi32, #tpu.memory_space<vmem>> -> memref<1x200xi32, #tpu.memory_space<vmem>>
    %dma_wait3A_1043 = tpu.memref_squeeze %dma_wait3A_1042 : memref<1x200xi32, #tpu.memory_space<vmem>> -> memref<200xi32, #tpu.memory_space<vmem>>
    %dma_wait3A_1044 = tpu.memref_slice %arg2[%dma_wait3A_1039, %add3A_388] : memref<2x320000xi32, #tpu.memory_space<hbm>> -> memref<1x200xi32, #tpu.memory_space<hbm>>
    %dma_wait3A_1045 = tpu.memref_squeeze %dma_wait3A_1044 : memref<1x200xi32, #tpu.memory_space<hbm>> -> memref<200xi32, #tpu.memory_space<hbm>>
    %dma_wait3A_1046 = arith.constant 0 : i32
    %dma_wait3A_1047 = tpu.memref_slice %arg7[%dma_wait3A_1040, %dma_wait3A_1046] : memref<50x200xi32, #tpu.memory_space<vmem>> -> memref<1x200xi32, #tpu.memory_space<vmem>>
    %dma_wait3A_1048 = tpu.memref_squeeze %dma_wait3A_1047 : memref<1x200xi32, #tpu.memory_space<vmem>> -> memref<200xi32, #tpu.memory_space<vmem>>
    %dma_wait3A_1049 = tpu.memref_slice %arg2[%dma_wait3A_1039, %add3A_388] : memref<2x320000xi32, #tpu.memory_space<hbm>> -> memref<1x200xi32, #tpu.memory_space<hbm>>
    %dma_wait3A_1050 = tpu.memref_squeeze %dma_wait3A_1049 : memref<1x200xi32, #tpu.memory_space<hbm>> -> memref<200xi32, #tpu.memory_space<hbm>>
    tpu.wait_dma2 semaphore(%arg12 : memref<!tpu.dma_semaphore, #tpu.memory_space<semaphore_mem>>) src(%dma_wait3A_1050 : memref<200xi32, #tpu.memory_space<hbm>>) dst(%dma_wait3A_1048 : memref<200xi32, #tpu.memory_space<vmem>>)
    %dma_wait3A_1051 = arith.constant 1 : i32
    %dma_wait3A_1052 = arith.constant 28 : i32
    %dma_wait3A_1053 = arith.constant 0 : i32
    %dma_wait3A_1054 = tpu.memref_slice %arg7[%dma_wait3A_1052, %dma_wait3A_1053] : memref<50x200xi32, #tpu.memory_space<vmem>> -> memref<1x200xi32, #tpu.memory_space<vmem>>
    %dma_wait3A_1055 = tpu.memref_squeeze %dma_wait3A_1054 : memref<1x200xi32, #tpu.memory_space<vmem>> -> memref<200xi32, #tpu.memory_space<vmem>>
    %dma_wait3A_1056 = tpu.memref_slice %arg2[%dma_wait3A_1051, %add3A_402] : memref<2x320000xi32, #tpu.memory_space<hbm>> -> memref<1x200xi32, #tpu.memory_space<hbm>>
    %dma_wait3A_1057 = tpu.memref_squeeze %dma_wait3A_1056 : memref<1x200xi32, #tpu.memory_space<hbm>> -> memref<200xi32, #tpu.memory_space<hbm>>
    %dma_wait3A_1058 = arith.constant 0 : i32
    %dma_wait3A_1059 = tpu.memref_slice %arg7[%dma_wait3A_1052, %dma_wait3A_1058] : memref<50x200xi32, #tpu.memory_space<vmem>> -> memref<1x200xi32, #tpu.memory_space<vmem>>
    %dma_wait3A_1060 = tpu.memref_squeeze %dma_wait3A_1059 : memref<1x200xi32, #tpu.memory_space<vmem>> -> memref<200xi32, #tpu.memory_space<vmem>>
    %dma_wait3A_1061 = tpu.memref_slice %arg2[%dma_wait3A_1051, %add3A_402] : memref<2x320000xi32, #tpu.memory_space<hbm>> -> memref<1x200xi32, #tpu.memory_space<hbm>>
    %dma_wait3A_1062 = tpu.memref_squeeze %dma_wait3A_1061 : memref<1x200xi32, #tpu.memory_space<hbm>> -> memref<200xi32, #tpu.memory_space<hbm>>
    tpu.wait_dma2 semaphore(%arg12 : memref<!tpu.dma_semaphore, #tpu.memory_space<semaphore_mem>>) src(%dma_wait3A_1062 : memref<200xi32, #tpu.memory_space<hbm>>) dst(%dma_wait3A_1060 : memref<200xi32, #tpu.memory_space<vmem>>)
    %dma_wait3A_1063 = arith.constant 1 : i32
    %dma_wait3A_1064 = arith.constant 29 : i32
    %dma_wait3A_1065 = arith.constant 0 : i32
    %dma_wait3A_1066 = tpu.memref_slice %arg7[%dma_wait3A_1064, %dma_wait3A_1065] : memref<50x200xi32, #tpu.memory_space<vmem>> -> memref<1x200xi32, #tpu.memory_space<vmem>>
    %dma_wait3A_1067 = tpu.memref_squeeze %dma_wait3A_1066 : memref<1x200xi32, #tpu.memory_space<vmem>> -> memref<200xi32, #tpu.memory_space<vmem>>
    %dma_wait3A_1068 = tpu.memref_slice %arg2[%dma_wait3A_1063, %add3A_416] : memref<2x320000xi32, #tpu.memory_space<hbm>> -> memref<1x200xi32, #tpu.memory_space<hbm>>
    %dma_wait3A_1069 = tpu.memref_squeeze %dma_wait3A_1068 : memref<1x200xi32, #tpu.memory_space<hbm>> -> memref<200xi32, #tpu.memory_space<hbm>>
    %dma_wait3A_1070 = arith.constant 0 : i32
    %dma_wait3A_1071 = tpu.memref_slice %arg7[%dma_wait3A_1064, %dma_wait3A_1070] : memref<50x200xi32, #tpu.memory_space<vmem>> -> memref<1x200xi32, #tpu.memory_space<vmem>>
    %dma_wait3A_1072 = tpu.memref_squeeze %dma_wait3A_1071 : memref<1x200xi32, #tpu.memory_space<vmem>> -> memref<200xi32, #tpu.memory_space<vmem>>
    %dma_wait3A_1073 = tpu.memref_slice %arg2[%dma_wait3A_1063, %add3A_416] : memref<2x320000xi32, #tpu.memory_space<hbm>> -> memref<1x200xi32, #tpu.memory_space<hbm>>
    %dma_wait3A_1074 = tpu.memref_squeeze %dma_wait3A_1073 : memref<1x200xi32, #tpu.memory_space<hbm>> -> memref<200xi32, #tpu.memory_space<hbm>>
    tpu.wait_dma2 semaphore(%arg12 : memref<!tpu.dma_semaphore, #tpu.memory_space<semaphore_mem>>) src(%dma_wait3A_1074 : memref<200xi32, #tpu.memory_space<hbm>>) dst(%dma_wait3A_1072 : memref<200xi32, #tpu.memory_space<vmem>>)
    %dma_wait3A_1075 = arith.constant 1 : i32
    %dma_wait3A_1076 = arith.constant 30 : i32
    %dma_wait3A_1077 = arith.constant 0 : i32
    %dma_wait3A_1078 = tpu.memref_slice %arg7[%dma_wait3A_1076, %dma_wait3A_1077] : memref<50x200xi32, #tpu.memory_space<vmem>> -> memref<1x200xi32, #tpu.memory_space<vmem>>
    %dma_wait3A_1079 = tpu.memref_squeeze %dma_wait3A_1078 : memref<1x200xi32, #tpu.memory_space<vmem>> -> memref<200xi32, #tpu.memory_space<vmem>>
    %dma_wait3A_1080 = tpu.memref_slice %arg2[%dma_wait3A_1075, %add3A_430] : memref<2x320000xi32, #tpu.memory_space<hbm>> -> memref<1x200xi32, #tpu.memory_space<hbm>>
    %dma_wait3A_1081 = tpu.memref_squeeze %dma_wait3A_1080 : memref<1x200xi32, #tpu.memory_space<hbm>> -> memref<200xi32, #tpu.memory_space<hbm>>
    %dma_wait3A_1082 = arith.constant 0 : i32
    %dma_wait3A_1083 = tpu.memref_slice %arg7[%dma_wait3A_1076, %dma_wait3A_1082] : memref<50x200xi32, #tpu.memory_space<vmem>> -> memref<1x200xi32, #tpu.memory_space<vmem>>
    %dma_wait3A_1084 = tpu.memref_squeeze %dma_wait3A_1083 : memref<1x200xi32, #tpu.memory_space<vmem>> -> memref<200xi32, #tpu.memory_space<vmem>>
    %dma_wait3A_1085 = tpu.memref_slice %arg2[%dma_wait3A_1075, %add3A_430] : memref<2x320000xi32, #tpu.memory_space<hbm>> -> memref<1x200xi32, #tpu.memory_space<hbm>>
    %dma_wait3A_1086 = tpu.memref_squeeze %dma_wait3A_1085 : memref<1x200xi32, #tpu.memory_space<hbm>> -> memref<200xi32, #tpu.memory_space<hbm>>
    tpu.wait_dma2 semaphore(%arg12 : memref<!tpu.dma_semaphore, #tpu.memory_space<semaphore_mem>>) src(%dma_wait3A_1086 : memref<200xi32, #tpu.memory_space<hbm>>) dst(%dma_wait3A_1084 : memref<200xi32, #tpu.memory_space<vmem>>)
    %dma_wait3A_1087 = arith.constant 1 : i32
    %dma_wait3A_1088 = arith.constant 31 : i32
    %dma_wait3A_1089 = arith.constant 0 : i32
    %dma_wait3A_1090 = tpu.memref_slice %arg7[%dma_wait3A_1088, %dma_wait3A_1089] : memref<50x200xi32, #tpu.memory_space<vmem>> -> memref<1x200xi32, #tpu.memory_space<vmem>>
    %dma_wait3A_1091 = tpu.memref_squeeze %dma_wait3A_1090 : memref<1x200xi32, #tpu.memory_space<vmem>> -> memref<200xi32, #tpu.memory_space<vmem>>
    %dma_wait3A_1092 = tpu.memref_slice %arg2[%dma_wait3A_1087, %add3A_444] : memref<2x320000xi32, #tpu.memory_space<hbm>> -> memref<1x200xi32, #tpu.memory_space<hbm>>
    %dma_wait3A_1093 = tpu.memref_squeeze %dma_wait3A_1092 : memref<1x200xi32, #tpu.memory_space<hbm>> -> memref<200xi32, #tpu.memory_space<hbm>>
    %dma_wait3A_1094 = arith.constant 0 : i32
    %dma_wait3A_1095 = tpu.memref_slice %arg7[%dma_wait3A_1088, %dma_wait3A_1094] : memref<50x200xi32, #tpu.memory_space<vmem>> -> memref<1x200xi32, #tpu.memory_space<vmem>>
    %dma_wait3A_1096 = tpu.memref_squeeze %dma_wait3A_1095 : memref<1x200xi32, #tpu.memory_space<vmem>> -> memref<200xi32, #tpu.memory_space<vmem>>
    %dma_wait3A_1097 = tpu.memref_slice %arg2[%dma_wait3A_1087, %add3A_444] : memref<2x320000xi32, #tpu.memory_space<hbm>> -> memref<1x200xi32, #tpu.memory_space<hbm>>
    %dma_wait3A_1098 = tpu.memref_squeeze %dma_wait3A_1097 : memref<1x200xi32, #tpu.memory_space<hbm>> -> memref<200xi32, #tpu.memory_space<hbm>>
    tpu.wait_dma2 semaphore(%arg12 : memref<!tpu.dma_semaphore, #tpu.memory_space<semaphore_mem>>) src(%dma_wait3A_1098 : memref<200xi32, #tpu.memory_space<hbm>>) dst(%dma_wait3A_1096 : memref<200xi32, #tpu.memory_space<vmem>>)
    %dma_wait3A_1099 = arith.constant 1 : i32
    %dma_wait3A_1100 = arith.constant 32 : i32
    %dma_wait3A_1101 = arith.constant 0 : i32
    %dma_wait3A_1102 = tpu.memref_slice %arg7[%dma_wait3A_1100, %dma_wait3A_1101] : memref<50x200xi32, #tpu.memory_space<vmem>> -> memref<1x200xi32, #tpu.memory_space<vmem>>
    %dma_wait3A_1103 = tpu.memref_squeeze %dma_wait3A_1102 : memref<1x200xi32, #tpu.memory_space<vmem>> -> memref<200xi32, #tpu.memory_space<vmem>>
    %dma_wait3A_1104 = tpu.memref_slice %arg2[%dma_wait3A_1099, %add3A_458] : memref<2x320000xi32, #tpu.memory_space<hbm>> -> memref<1x200xi32, #tpu.memory_space<hbm>>
    %dma_wait3A_1105 = tpu.memref_squeeze %dma_wait3A_1104 : memref<1x200xi32, #tpu.memory_space<hbm>> -> memref<200xi32, #tpu.memory_space<hbm>>
    %dma_wait3A_1106 = arith.constant 0 : i32
    %dma_wait3A_1107 = tpu.memref_slice %arg7[%dma_wait3A_1100, %dma_wait3A_1106] : memref<50x200xi32, #tpu.memory_space<vmem>> -> memref<1x200xi32, #tpu.memory_space<vmem>>
    %dma_wait3A_1108 = tpu.memref_squeeze %dma_wait3A_1107 : memref<1x200xi32, #tpu.memory_space<vmem>> -> memref<200xi32, #tpu.memory_space<vmem>>
    %dma_wait3A_1109 = tpu.memref_slice %arg2[%dma_wait3A_1099, %add3A_458] : memref<2x320000xi32, #tpu.memory_space<hbm>> -> memref<1x200xi32, #tpu.memory_space<hbm>>
    %dma_wait3A_1110 = tpu.memref_squeeze %dma_wait3A_1109 : memref<1x200xi32, #tpu.memory_space<hbm>> -> memref<200xi32, #tpu.memory_space<hbm>>
    tpu.wait_dma2 semaphore(%arg12 : memref<!tpu.dma_semaphore, #tpu.memory_space<semaphore_mem>>) src(%dma_wait3A_1110 : memref<200xi32, #tpu.memory_space<hbm>>) dst(%dma_wait3A_1108 : memref<200xi32, #tpu.memory_space<vmem>>)
    %dma_wait3A_1111 = arith.constant 1 : i32
    %dma_wait3A_1112 = arith.constant 33 : i32
    %dma_wait3A_1113 = arith.constant 0 : i32
    %dma_wait3A_1114 = tpu.memref_slice %arg7[%dma_wait3A_1112, %dma_wait3A_1113] : memref<50x200xi32, #tpu.memory_space<vmem>> -> memref<1x200xi32, #tpu.memory_space<vmem>>
    %dma_wait3A_1115 = tpu.memref_squeeze %dma_wait3A_1114 : memref<1x200xi32, #tpu.memory_space<vmem>> -> memref<200xi32, #tpu.memory_space<vmem>>
    %dma_wait3A_1116 = tpu.memref_slice %arg2[%dma_wait3A_1111, %add3A_472] : memref<2x320000xi32, #tpu.memory_space<hbm>> -> memref<1x200xi32, #tpu.memory_space<hbm>>
    %dma_wait3A_1117 = tpu.memref_squeeze %dma_wait3A_1116 : memref<1x200xi32, #tpu.memory_space<hbm>> -> memref<200xi32, #tpu.memory_space<hbm>>
    %dma_wait3A_1118 = arith.constant 0 : i32
    %dma_wait3A_1119 = tpu.memref_slice %arg7[%dma_wait3A_1112, %dma_wait3A_1118] : memref<50x200xi32, #tpu.memory_space<vmem>> -> memref<1x200xi32, #tpu.memory_space<vmem>>
    %dma_wait3A_1120 = tpu.memref_squeeze %dma_wait3A_1119 : memref<1x200xi32, #tpu.memory_space<vmem>> -> memref<200xi32, #tpu.memory_space<vmem>>
    %dma_wait3A_1121 = tpu.memref_slice %arg2[%dma_wait3A_1111, %add3A_472] : memref<2x320000xi32, #tpu.memory_space<hbm>> -> memref<1x200xi32, #tpu.memory_space<hbm>>
    %dma_wait3A_1122 = tpu.memref_squeeze %dma_wait3A_1121 : memref<1x200xi32, #tpu.memory_space<hbm>> -> memref<200xi32, #tpu.memory_space<hbm>>
    tpu.wait_dma2 semaphore(%arg12 : memref<!tpu.dma_semaphore, #tpu.memory_space<semaphore_mem>>) src(%dma_wait3A_1122 : memref<200xi32, #tpu.memory_space<hbm>>) dst(%dma_wait3A_1120 : memref<200xi32, #tpu.memory_space<vmem>>)
    %dma_wait3A_1123 = arith.constant 1 : i32
    %dma_wait3A_1124 = arith.constant 34 : i32
    %dma_wait3A_1125 = arith.constant 0 : i32
    %dma_wait3A_1126 = tpu.memref_slice %arg7[%dma_wait3A_1124, %dma_wait3A_1125] : memref<50x200xi32, #tpu.memory_space<vmem>> -> memref<1x200xi32, #tpu.memory_space<vmem>>
    %dma_wait3A_1127 = tpu.memref_squeeze %dma_wait3A_1126 : memref<1x200xi32, #tpu.memory_space<vmem>> -> memref<200xi32, #tpu.memory_space<vmem>>
    %dma_wait3A_1128 = tpu.memref_slice %arg2[%dma_wait3A_1123, %add3A_486] : memref<2x320000xi32, #tpu.memory_space<hbm>> -> memref<1x200xi32, #tpu.memory_space<hbm>>
    %dma_wait3A_1129 = tpu.memref_squeeze %dma_wait3A_1128 : memref<1x200xi32, #tpu.memory_space<hbm>> -> memref<200xi32, #tpu.memory_space<hbm>>
    %dma_wait3A_1130 = arith.constant 0 : i32
    %dma_wait3A_1131 = tpu.memref_slice %arg7[%dma_wait3A_1124, %dma_wait3A_1130] : memref<50x200xi32, #tpu.memory_space<vmem>> -> memref<1x200xi32, #tpu.memory_space<vmem>>
    %dma_wait3A_1132 = tpu.memref_squeeze %dma_wait3A_1131 : memref<1x200xi32, #tpu.memory_space<vmem>> -> memref<200xi32, #tpu.memory_space<vmem>>
    %dma_wait3A_1133 = tpu.memref_slice %arg2[%dma_wait3A_1123, %add3A_486] : memref<2x320000xi32, #tpu.memory_space<hbm>> -> memref<1x200xi32, #tpu.memory_space<hbm>>
    %dma_wait3A_1134 = tpu.memref_squeeze %dma_wait3A_1133 : memref<1x200xi32, #tpu.memory_space<hbm>> -> memref<200xi32, #tpu.memory_space<hbm>>
    tpu.wait_dma2 semaphore(%arg12 : memref<!tpu.dma_semaphore, #tpu.memory_space<semaphore_mem>>) src(%dma_wait3A_1134 : memref<200xi32, #tpu.memory_space<hbm>>) dst(%dma_wait3A_1132 : memref<200xi32, #tpu.memory_space<vmem>>)
    %dma_wait3A_1135 = arith.constant 1 : i32
    %dma_wait3A_1136 = arith.constant 35 : i32
    %dma_wait3A_1137 = arith.constant 0 : i32
    %dma_wait3A_1138 = tpu.memref_slice %arg7[%dma_wait3A_1136, %dma_wait3A_1137] : memref<50x200xi32, #tpu.memory_space<vmem>> -> memref<1x200xi32, #tpu.memory_space<vmem>>
    %dma_wait3A_1139 = tpu.memref_squeeze %dma_wait3A_1138 : memref<1x200xi32, #tpu.memory_space<vmem>> -> memref<200xi32, #tpu.memory_space<vmem>>
    %dma_wait3A_1140 = tpu.memref_slice %arg2[%dma_wait3A_1135, %add3A_500] : memref<2x320000xi32, #tpu.memory_space<hbm>> -> memref<1x200xi32, #tpu.memory_space<hbm>>
    %dma_wait3A_1141 = tpu.memref_squeeze %dma_wait3A_1140 : memref<1x200xi32, #tpu.memory_space<hbm>> -> memref<200xi32, #tpu.memory_space<hbm>>
    %dma_wait3A_1142 = arith.constant 0 : i32
    %dma_wait3A_1143 = tpu.memref_slice %arg7[%dma_wait3A_1136, %dma_wait3A_1142] : memref<50x200xi32, #tpu.memory_space<vmem>> -> memref<1x200xi32, #tpu.memory_space<vmem>>
    %dma_wait3A_1144 = tpu.memref_squeeze %dma_wait3A_1143 : memref<1x200xi32, #tpu.memory_space<vmem>> -> memref<200xi32, #tpu.memory_space<vmem>>
    %dma_wait3A_1145 = tpu.memref_slice %arg2[%dma_wait3A_1135, %add3A_500] : memref<2x320000xi32, #tpu.memory_space<hbm>> -> memref<1x200xi32, #tpu.memory_space<hbm>>
    %dma_wait3A_1146 = tpu.memref_squeeze %dma_wait3A_1145 : memref<1x200xi32, #tpu.memory_space<hbm>> -> memref<200xi32, #tpu.memory_space<hbm>>
    tpu.wait_dma2 semaphore(%arg12 : memref<!tpu.dma_semaphore, #tpu.memory_space<semaphore_mem>>) src(%dma_wait3A_1146 : memref<200xi32, #tpu.memory_space<hbm>>) dst(%dma_wait3A_1144 : memref<200xi32, #tpu.memory_space<vmem>>)
    %dma_wait3A_1147 = arith.constant 1 : i32
    %dma_wait3A_1148 = arith.constant 36 : i32
    %dma_wait3A_1149 = arith.constant 0 : i32
    %dma_wait3A_1150 = tpu.memref_slice %arg7[%dma_wait3A_1148, %dma_wait3A_1149] : memref<50x200xi32, #tpu.memory_space<vmem>> -> memref<1x200xi32, #tpu.memory_space<vmem>>
    %dma_wait3A_1151 = tpu.memref_squeeze %dma_wait3A_1150 : memref<1x200xi32, #tpu.memory_space<vmem>> -> memref<200xi32, #tpu.memory_space<vmem>>
    %dma_wait3A_1152 = tpu.memref_slice %arg2[%dma_wait3A_1147, %add3A_514] : memref<2x320000xi32, #tpu.memory_space<hbm>> -> memref<1x200xi32, #tpu.memory_space<hbm>>
    %dma_wait3A_1153 = tpu.memref_squeeze %dma_wait3A_1152 : memref<1x200xi32, #tpu.memory_space<hbm>> -> memref<200xi32, #tpu.memory_space<hbm>>
    %dma_wait3A_1154 = arith.constant 0 : i32
    %dma_wait3A_1155 = tpu.memref_slice %arg7[%dma_wait3A_1148, %dma_wait3A_1154] : memref<50x200xi32, #tpu.memory_space<vmem>> -> memref<1x200xi32, #tpu.memory_space<vmem>>
    %dma_wait3A_1156 = tpu.memref_squeeze %dma_wait3A_1155 : memref<1x200xi32, #tpu.memory_space<vmem>> -> memref<200xi32, #tpu.memory_space<vmem>>
    %dma_wait3A_1157 = tpu.memref_slice %arg2[%dma_wait3A_1147, %add3A_514] : memref<2x320000xi32, #tpu.memory_space<hbm>> -> memref<1x200xi32, #tpu.memory_space<hbm>>
    %dma_wait3A_1158 = tpu.memref_squeeze %dma_wait3A_1157 : memref<1x200xi32, #tpu.memory_space<hbm>> -> memref<200xi32, #tpu.memory_space<hbm>>
    tpu.wait_dma2 semaphore(%arg12 : memref<!tpu.dma_semaphore, #tpu.memory_space<semaphore_mem>>) src(%dma_wait3A_1158 : memref<200xi32, #tpu.memory_space<hbm>>) dst(%dma_wait3A_1156 : memref<200xi32, #tpu.memory_space<vmem>>)
    %dma_wait3A_1159 = arith.constant 1 : i32
    %dma_wait3A_1160 = arith.constant 37 : i32
    %dma_wait3A_1161 = arith.constant 0 : i32
    %dma_wait3A_1162 = tpu.memref_slice %arg7[%dma_wait3A_1160, %dma_wait3A_1161] : memref<50x200xi32, #tpu.memory_space<vmem>> -> memref<1x200xi32, #tpu.memory_space<vmem>>
    %dma_wait3A_1163 = tpu.memref_squeeze %dma_wait3A_1162 : memref<1x200xi32, #tpu.memory_space<vmem>> -> memref<200xi32, #tpu.memory_space<vmem>>
    %dma_wait3A_1164 = tpu.memref_slice %arg2[%dma_wait3A_1159, %add3A_528] : memref<2x320000xi32, #tpu.memory_space<hbm>> -> memref<1x200xi32, #tpu.memory_space<hbm>>
    %dma_wait3A_1165 = tpu.memref_squeeze %dma_wait3A_1164 : memref<1x200xi32, #tpu.memory_space<hbm>> -> memref<200xi32, #tpu.memory_space<hbm>>
    %dma_wait3A_1166 = arith.constant 0 : i32
    %dma_wait3A_1167 = tpu.memref_slice %arg7[%dma_wait3A_1160, %dma_wait3A_1166] : memref<50x200xi32, #tpu.memory_space<vmem>> -> memref<1x200xi32, #tpu.memory_space<vmem>>
    %dma_wait3A_1168 = tpu.memref_squeeze %dma_wait3A_1167 : memref<1x200xi32, #tpu.memory_space<vmem>> -> memref<200xi32, #tpu.memory_space<vmem>>
    %dma_wait3A_1169 = tpu.memref_slice %arg2[%dma_wait3A_1159, %add3A_528] : memref<2x320000xi32, #tpu.memory_space<hbm>> -> memref<1x200xi32, #tpu.memory_space<hbm>>
    %dma_wait3A_1170 = tpu.memref_squeeze %dma_wait3A_1169 : memref<1x200xi32, #tpu.memory_space<hbm>> -> memref<200xi32, #tpu.memory_space<hbm>>
    tpu.wait_dma2 semaphore(%arg12 : memref<!tpu.dma_semaphore, #tpu.memory_space<semaphore_mem>>) src(%dma_wait3A_1170 : memref<200xi32, #tpu.memory_space<hbm>>) dst(%dma_wait3A_1168 : memref<200xi32, #tpu.memory_space<vmem>>)
    %dma_wait3A_1171 = arith.constant 1 : i32
    %dma_wait3A_1172 = arith.constant 38 : i32
    %dma_wait3A_1173 = arith.constant 0 : i32
    %dma_wait3A_1174 = tpu.memref_slice %arg7[%dma_wait3A_1172, %dma_wait3A_1173] : memref<50x200xi32, #tpu.memory_space<vmem>> -> memref<1x200xi32, #tpu.memory_space<vmem>>
    %dma_wait3A_1175 = tpu.memref_squeeze %dma_wait3A_1174 : memref<1x200xi32, #tpu.memory_space<vmem>> -> memref<200xi32, #tpu.memory_space<vmem>>
    %dma_wait3A_1176 = tpu.memref_slice %arg2[%dma_wait3A_1171, %add3A_542] : memref<2x320000xi32, #tpu.memory_space<hbm>> -> memref<1x200xi32, #tpu.memory_space<hbm>>
    %dma_wait3A_1177 = tpu.memref_squeeze %dma_wait3A_1176 : memref<1x200xi32, #tpu.memory_space<hbm>> -> memref<200xi32, #tpu.memory_space<hbm>>
    %dma_wait3A_1178 = arith.constant 0 : i32
    %dma_wait3A_1179 = tpu.memref_slice %arg7[%dma_wait3A_1172, %dma_wait3A_1178] : memref<50x200xi32, #tpu.memory_space<vmem>> -> memref<1x200xi32, #tpu.memory_space<vmem>>
    %dma_wait3A_1180 = tpu.memref_squeeze %dma_wait3A_1179 : memref<1x200xi32, #tpu.memory_space<vmem>> -> memref<200xi32, #tpu.memory_space<vmem>>
    %dma_wait3A_1181 = tpu.memref_slice %arg2[%dma_wait3A_1171, %add3A_542] : memref<2x320000xi32, #tpu.memory_space<hbm>> -> memref<1x200xi32, #tpu.memory_space<hbm>>
    %dma_wait3A_1182 = tpu.memref_squeeze %dma_wait3A_1181 : memref<1x200xi32, #tpu.memory_space<hbm>> -> memref<200xi32, #tpu.memory_space<hbm>>
    tpu.wait_dma2 semaphore(%arg12 : memref<!tpu.dma_semaphore, #tpu.memory_space<semaphore_mem>>) src(%dma_wait3A_1182 : memref<200xi32, #tpu.memory_space<hbm>>) dst(%dma_wait3A_1180 : memref<200xi32, #tpu.memory_space<vmem>>)
    %dma_wait3A_1183 = arith.constant 1 : i32
    %dma_wait3A_1184 = arith.constant 39 : i32
    %dma_wait3A_1185 = arith.constant 0 : i32
    %dma_wait3A_1186 = tpu.memref_slice %arg7[%dma_wait3A_1184, %dma_wait3A_1185] : memref<50x200xi32, #tpu.memory_space<vmem>> -> memref<1x200xi32, #tpu.memory_space<vmem>>
    %dma_wait3A_1187 = tpu.memref_squeeze %dma_wait3A_1186 : memref<1x200xi32, #tpu.memory_space<vmem>> -> memref<200xi32, #tpu.memory_space<vmem>>
    %dma_wait3A_1188 = tpu.memref_slice %arg2[%dma_wait3A_1183, %add3A_556] : memref<2x320000xi32, #tpu.memory_space<hbm>> -> memref<1x200xi32, #tpu.memory_space<hbm>>
    %dma_wait3A_1189 = tpu.memref_squeeze %dma_wait3A_1188 : memref<1x200xi32, #tpu.memory_space<hbm>> -> memref<200xi32, #tpu.memory_space<hbm>>
    %dma_wait3A_1190 = arith.constant 0 : i32
    %dma_wait3A_1191 = tpu.memref_slice %arg7[%dma_wait3A_1184, %dma_wait3A_1190] : memref<50x200xi32, #tpu.memory_space<vmem>> -> memref<1x200xi32, #tpu.memory_space<vmem>>
    %dma_wait3A_1192 = tpu.memref_squeeze %dma_wait3A_1191 : memref<1x200xi32, #tpu.memory_space<vmem>> -> memref<200xi32, #tpu.memory_space<vmem>>
    %dma_wait3A_1193 = tpu.memref_slice %arg2[%dma_wait3A_1183, %add3A_556] : memref<2x320000xi32, #tpu.memory_space<hbm>> -> memref<1x200xi32, #tpu.memory_space<hbm>>
    %dma_wait3A_1194 = tpu.memref_squeeze %dma_wait3A_1193 : memref<1x200xi32, #tpu.memory_space<hbm>> -> memref<200xi32, #tpu.memory_space<hbm>>
    tpu.wait_dma2 semaphore(%arg12 : memref<!tpu.dma_semaphore, #tpu.memory_space<semaphore_mem>>) src(%dma_wait3A_1194 : memref<200xi32, #tpu.memory_space<hbm>>) dst(%dma_wait3A_1192 : memref<200xi32, #tpu.memory_space<vmem>>)
    %dma_wait3A_1195 = arith.constant 1 : i32
    %dma_wait3A_1196 = arith.constant 40 : i32
    %dma_wait3A_1197 = arith.constant 0 : i32
    %dma_wait3A_1198 = tpu.memref_slice %arg7[%dma_wait3A_1196, %dma_wait3A_1197] : memref<50x200xi32, #tpu.memory_space<vmem>> -> memref<1x200xi32, #tpu.memory_space<vmem>>
    %dma_wait3A_1199 = tpu.memref_squeeze %dma_wait3A_1198 : memref<1x200xi32, #tpu.memory_space<vmem>> -> memref<200xi32, #tpu.memory_space<vmem>>
    %dma_wait3A_1200 = tpu.memref_slice %arg2[%dma_wait3A_1195, %add3A_570] : memref<2x320000xi32, #tpu.memory_space<hbm>> -> memref<1x200xi32, #tpu.memory_space<hbm>>
    %dma_wait3A_1201 = tpu.memref_squeeze %dma_wait3A_1200 : memref<1x200xi32, #tpu.memory_space<hbm>> -> memref<200xi32, #tpu.memory_space<hbm>>
    %dma_wait3A_1202 = arith.constant 0 : i32
    %dma_wait3A_1203 = tpu.memref_slice %arg7[%dma_wait3A_1196, %dma_wait3A_1202] : memref<50x200xi32, #tpu.memory_space<vmem>> -> memref<1x200xi32, #tpu.memory_space<vmem>>
    %dma_wait3A_1204 = tpu.memref_squeeze %dma_wait3A_1203 : memref<1x200xi32, #tpu.memory_space<vmem>> -> memref<200xi32, #tpu.memory_space<vmem>>
    %dma_wait3A_1205 = tpu.memref_slice %arg2[%dma_wait3A_1195, %add3A_570] : memref<2x320000xi32, #tpu.memory_space<hbm>> -> memref<1x200xi32, #tpu.memory_space<hbm>>
    %dma_wait3A_1206 = tpu.memref_squeeze %dma_wait3A_1205 : memref<1x200xi32, #tpu.memory_space<hbm>> -> memref<200xi32, #tpu.memory_space<hbm>>
    tpu.wait_dma2 semaphore(%arg12 : memref<!tpu.dma_semaphore, #tpu.memory_space<semaphore_mem>>) src(%dma_wait3A_1206 : memref<200xi32, #tpu.memory_space<hbm>>) dst(%dma_wait3A_1204 : memref<200xi32, #tpu.memory_space<vmem>>)
    %dma_wait3A_1207 = arith.constant 1 : i32
    %dma_wait3A_1208 = arith.constant 41 : i32
    %dma_wait3A_1209 = arith.constant 0 : i32
    %dma_wait3A_1210 = tpu.memref_slice %arg7[%dma_wait3A_1208, %dma_wait3A_1209] : memref<50x200xi32, #tpu.memory_space<vmem>> -> memref<1x200xi32, #tpu.memory_space<vmem>>
    %dma_wait3A_1211 = tpu.memref_squeeze %dma_wait3A_1210 : memref<1x200xi32, #tpu.memory_space<vmem>> -> memref<200xi32, #tpu.memory_space<vmem>>
    %dma_wait3A_1212 = tpu.memref_slice %arg2[%dma_wait3A_1207, %add3A_584] : memref<2x320000xi32, #tpu.memory_space<hbm>> -> memref<1x200xi32, #tpu.memory_space<hbm>>
    %dma_wait3A_1213 = tpu.memref_squeeze %dma_wait3A_1212 : memref<1x200xi32, #tpu.memory_space<hbm>> -> memref<200xi32, #tpu.memory_space<hbm>>
    %dma_wait3A_1214 = arith.constant 0 : i32
    %dma_wait3A_1215 = tpu.memref_slice %arg7[%dma_wait3A_1208, %dma_wait3A_1214] : memref<50x200xi32, #tpu.memory_space<vmem>> -> memref<1x200xi32, #tpu.memory_space<vmem>>
    %dma_wait3A_1216 = tpu.memref_squeeze %dma_wait3A_1215 : memref<1x200xi32, #tpu.memory_space<vmem>> -> memref<200xi32, #tpu.memory_space<vmem>>
    %dma_wait3A_1217 = tpu.memref_slice %arg2[%dma_wait3A_1207, %add3A_584] : memref<2x320000xi32, #tpu.memory_space<hbm>> -> memref<1x200xi32, #tpu.memory_space<hbm>>
    %dma_wait3A_1218 = tpu.memref_squeeze %dma_wait3A_1217 : memref<1x200xi32, #tpu.memory_space<hbm>> -> memref<200xi32, #tpu.memory_space<hbm>>
    tpu.wait_dma2 semaphore(%arg12 : memref<!tpu.dma_semaphore, #tpu.memory_space<semaphore_mem>>) src(%dma_wait3A_1218 : memref<200xi32, #tpu.memory_space<hbm>>) dst(%dma_wait3A_1216 : memref<200xi32, #tpu.memory_space<vmem>>)
    %dma_wait3A_1219 = arith.constant 1 : i32
    %dma_wait3A_1220 = arith.constant 42 : i32
    %dma_wait3A_1221 = arith.constant 0 : i32
    %dma_wait3A_1222 = tpu.memref_slice %arg7[%dma_wait3A_1220, %dma_wait3A_1221] : memref<50x200xi32, #tpu.memory_space<vmem>> -> memref<1x200xi32, #tpu.memory_space<vmem>>
    %dma_wait3A_1223 = tpu.memref_squeeze %dma_wait3A_1222 : memref<1x200xi32, #tpu.memory_space<vmem>> -> memref<200xi32, #tpu.memory_space<vmem>>
    %dma_wait3A_1224 = tpu.memref_slice %arg2[%dma_wait3A_1219, %add3A_598] : memref<2x320000xi32, #tpu.memory_space<hbm>> -> memref<1x200xi32, #tpu.memory_space<hbm>>
    %dma_wait3A_1225 = tpu.memref_squeeze %dma_wait3A_1224 : memref<1x200xi32, #tpu.memory_space<hbm>> -> memref<200xi32, #tpu.memory_space<hbm>>
    %dma_wait3A_1226 = arith.constant 0 : i32
    %dma_wait3A_1227 = tpu.memref_slice %arg7[%dma_wait3A_1220, %dma_wait3A_1226] : memref<50x200xi32, #tpu.memory_space<vmem>> -> memref<1x200xi32, #tpu.memory_space<vmem>>
    %dma_wait3A_1228 = tpu.memref_squeeze %dma_wait3A_1227 : memref<1x200xi32, #tpu.memory_space<vmem>> -> memref<200xi32, #tpu.memory_space<vmem>>
    %dma_wait3A_1229 = tpu.memref_slice %arg2[%dma_wait3A_1219, %add3A_598] : memref<2x320000xi32, #tpu.memory_space<hbm>> -> memref<1x200xi32, #tpu.memory_space<hbm>>
    %dma_wait3A_1230 = tpu.memref_squeeze %dma_wait3A_1229 : memref<1x200xi32, #tpu.memory_space<hbm>> -> memref<200xi32, #tpu.memory_space<hbm>>
    tpu.wait_dma2 semaphore(%arg12 : memref<!tpu.dma_semaphore, #tpu.memory_space<semaphore_mem>>) src(%dma_wait3A_1230 : memref<200xi32, #tpu.memory_space<hbm>>) dst(%dma_wait3A_1228 : memref<200xi32, #tpu.memory_space<vmem>>)
    %dma_wait3A_1231 = arith.constant 1 : i32
    %dma_wait3A_1232 = arith.constant 43 : i32
    %dma_wait3A_1233 = arith.constant 0 : i32
    %dma_wait3A_1234 = tpu.memref_slice %arg7[%dma_wait3A_1232, %dma_wait3A_1233] : memref<50x200xi32, #tpu.memory_space<vmem>> -> memref<1x200xi32, #tpu.memory_space<vmem>>
    %dma_wait3A_1235 = tpu.memref_squeeze %dma_wait3A_1234 : memref<1x200xi32, #tpu.memory_space<vmem>> -> memref<200xi32, #tpu.memory_space<vmem>>
    %dma_wait3A_1236 = tpu.memref_slice %arg2[%dma_wait3A_1231, %add3A_612] : memref<2x320000xi32, #tpu.memory_space<hbm>> -> memref<1x200xi32, #tpu.memory_space<hbm>>
    %dma_wait3A_1237 = tpu.memref_squeeze %dma_wait3A_1236 : memref<1x200xi32, #tpu.memory_space<hbm>> -> memref<200xi32, #tpu.memory_space<hbm>>
    %dma_wait3A_1238 = arith.constant 0 : i32
    %dma_wait3A_1239 = tpu.memref_slice %arg7[%dma_wait3A_1232, %dma_wait3A_1238] : memref<50x200xi32, #tpu.memory_space<vmem>> -> memref<1x200xi32, #tpu.memory_space<vmem>>
    %dma_wait3A_1240 = tpu.memref_squeeze %dma_wait3A_1239 : memref<1x200xi32, #tpu.memory_space<vmem>> -> memref<200xi32, #tpu.memory_space<vmem>>
    %dma_wait3A_1241 = tpu.memref_slice %arg2[%dma_wait3A_1231, %add3A_612] : memref<2x320000xi32, #tpu.memory_space<hbm>> -> memref<1x200xi32, #tpu.memory_space<hbm>>
    %dma_wait3A_1242 = tpu.memref_squeeze %dma_wait3A_1241 : memref<1x200xi32, #tpu.memory_space<hbm>> -> memref<200xi32, #tpu.memory_space<hbm>>
    tpu.wait_dma2 semaphore(%arg12 : memref<!tpu.dma_semaphore, #tpu.memory_space<semaphore_mem>>) src(%dma_wait3A_1242 : memref<200xi32, #tpu.memory_space<hbm>>) dst(%dma_wait3A_1240 : memref<200xi32, #tpu.memory_space<vmem>>)
    %dma_wait3A_1243 = arith.constant 1 : i32
    %dma_wait3A_1244 = arith.constant 44 : i32
    %dma_wait3A_1245 = arith.constant 0 : i32
    %dma_wait3A_1246 = tpu.memref_slice %arg7[%dma_wait3A_1244, %dma_wait3A_1245] : memref<50x200xi32, #tpu.memory_space<vmem>> -> memref<1x200xi32, #tpu.memory_space<vmem>>
    %dma_wait3A_1247 = tpu.memref_squeeze %dma_wait3A_1246 : memref<1x200xi32, #tpu.memory_space<vmem>> -> memref<200xi32, #tpu.memory_space<vmem>>
    %dma_wait3A_1248 = tpu.memref_slice %arg2[%dma_wait3A_1243, %add3A_626] : memref<2x320000xi32, #tpu.memory_space<hbm>> -> memref<1x200xi32, #tpu.memory_space<hbm>>
    %dma_wait3A_1249 = tpu.memref_squeeze %dma_wait3A_1248 : memref<1x200xi32, #tpu.memory_space<hbm>> -> memref<200xi32, #tpu.memory_space<hbm>>
    %dma_wait3A_1250 = arith.constant 0 : i32
    %dma_wait3A_1251 = tpu.memref_slice %arg7[%dma_wait3A_1244, %dma_wait3A_1250] : memref<50x200xi32, #tpu.memory_space<vmem>> -> memref<1x200xi32, #tpu.memory_space<vmem>>
    %dma_wait3A_1252 = tpu.memref_squeeze %dma_wait3A_1251 : memref<1x200xi32, #tpu.memory_space<vmem>> -> memref<200xi32, #tpu.memory_space<vmem>>
    %dma_wait3A_1253 = tpu.memref_slice %arg2[%dma_wait3A_1243, %add3A_626] : memref<2x320000xi32, #tpu.memory_space<hbm>> -> memref<1x200xi32, #tpu.memory_space<hbm>>
    %dma_wait3A_1254 = tpu.memref_squeeze %dma_wait3A_1253 : memref<1x200xi32, #tpu.memory_space<hbm>> -> memref<200xi32, #tpu.memory_space<hbm>>
    tpu.wait_dma2 semaphore(%arg12 : memref<!tpu.dma_semaphore, #tpu.memory_space<semaphore_mem>>) src(%dma_wait3A_1254 : memref<200xi32, #tpu.memory_space<hbm>>) dst(%dma_wait3A_1252 : memref<200xi32, #tpu.memory_space<vmem>>)
    %dma_wait3A_1255 = arith.constant 1 : i32
    %dma_wait3A_1256 = arith.constant 45 : i32
    %dma_wait3A_1257 = arith.constant 0 : i32
    %dma_wait3A_1258 = tpu.memref_slice %arg7[%dma_wait3A_1256, %dma_wait3A_1257] : memref<50x200xi32, #tpu.memory_space<vmem>> -> memref<1x200xi32, #tpu.memory_space<vmem>>
    %dma_wait3A_1259 = tpu.memref_squeeze %dma_wait3A_1258 : memref<1x200xi32, #tpu.memory_space<vmem>> -> memref<200xi32, #tpu.memory_space<vmem>>
    %dma_wait3A_1260 = tpu.memref_slice %arg2[%dma_wait3A_1255, %add3A_640] : memref<2x320000xi32, #tpu.memory_space<hbm>> -> memref<1x200xi32, #tpu.memory_space<hbm>>
    %dma_wait3A_1261 = tpu.memref_squeeze %dma_wait3A_1260 : memref<1x200xi32, #tpu.memory_space<hbm>> -> memref<200xi32, #tpu.memory_space<hbm>>
    %dma_wait3A_1262 = arith.constant 0 : i32
    %dma_wait3A_1263 = tpu.memref_slice %arg7[%dma_wait3A_1256, %dma_wait3A_1262] : memref<50x200xi32, #tpu.memory_space<vmem>> -> memref<1x200xi32, #tpu.memory_space<vmem>>
    %dma_wait3A_1264 = tpu.memref_squeeze %dma_wait3A_1263 : memref<1x200xi32, #tpu.memory_space<vmem>> -> memref<200xi32, #tpu.memory_space<vmem>>
    %dma_wait3A_1265 = tpu.memref_slice %arg2[%dma_wait3A_1255, %add3A_640] : memref<2x320000xi32, #tpu.memory_space<hbm>> -> memref<1x200xi32, #tpu.memory_space<hbm>>
    %dma_wait3A_1266 = tpu.memref_squeeze %dma_wait3A_1265 : memref<1x200xi32, #tpu.memory_space<hbm>> -> memref<200xi32, #tpu.memory_space<hbm>>
    tpu.wait_dma2 semaphore(%arg12 : memref<!tpu.dma_semaphore, #tpu.memory_space<semaphore_mem>>) src(%dma_wait3A_1266 : memref<200xi32, #tpu.memory_space<hbm>>) dst(%dma_wait3A_1264 : memref<200xi32, #tpu.memory_space<vmem>>)
    %dma_wait3A_1267 = arith.constant 1 : i32
    %dma_wait3A_1268 = arith.constant 46 : i32
    %dma_wait3A_1269 = arith.constant 0 : i32
    %dma_wait3A_1270 = tpu.memref_slice %arg7[%dma_wait3A_1268, %dma_wait3A_1269] : memref<50x200xi32, #tpu.memory_space<vmem>> -> memref<1x200xi32, #tpu.memory_space<vmem>>
    %dma_wait3A_1271 = tpu.memref_squeeze %dma_wait3A_1270 : memref<1x200xi32, #tpu.memory_space<vmem>> -> memref<200xi32, #tpu.memory_space<vmem>>
    %dma_wait3A_1272 = tpu.memref_slice %arg2[%dma_wait3A_1267, %add3A_654] : memref<2x320000xi32, #tpu.memory_space<hbm>> -> memref<1x200xi32, #tpu.memory_space<hbm>>
    %dma_wait3A_1273 = tpu.memref_squeeze %dma_wait3A_1272 : memref<1x200xi32, #tpu.memory_space<hbm>> -> memref<200xi32, #tpu.memory_space<hbm>>
    %dma_wait3A_1274 = arith.constant 0 : i32
    %dma_wait3A_1275 = tpu.memref_slice %arg7[%dma_wait3A_1268, %dma_wait3A_1274] : memref<50x200xi32, #tpu.memory_space<vmem>> -> memref<1x200xi32, #tpu.memory_space<vmem>>
    %dma_wait3A_1276 = tpu.memref_squeeze %dma_wait3A_1275 : memref<1x200xi32, #tpu.memory_space<vmem>> -> memref<200xi32, #tpu.memory_space<vmem>>
    %dma_wait3A_1277 = tpu.memref_slice %arg2[%dma_wait3A_1267, %add3A_654] : memref<2x320000xi32, #tpu.memory_space<hbm>> -> memref<1x200xi32, #tpu.memory_space<hbm>>
    %dma_wait3A_1278 = tpu.memref_squeeze %dma_wait3A_1277 : memref<1x200xi32, #tpu.memory_space<hbm>> -> memref<200xi32, #tpu.memory_space<hbm>>
    tpu.wait_dma2 semaphore(%arg12 : memref<!tpu.dma_semaphore, #tpu.memory_space<semaphore_mem>>) src(%dma_wait3A_1278 : memref<200xi32, #tpu.memory_space<hbm>>) dst(%dma_wait3A_1276 : memref<200xi32, #tpu.memory_space<vmem>>)
    %dma_wait3A_1279 = arith.constant 1 : i32
    %dma_wait3A_1280 = arith.constant 47 : i32
    %dma_wait3A_1281 = arith.constant 0 : i32
    %dma_wait3A_1282 = tpu.memref_slice %arg7[%dma_wait3A_1280, %dma_wait3A_1281] : memref<50x200xi32, #tpu.memory_space<vmem>> -> memref<1x200xi32, #tpu.memory_space<vmem>>
    %dma_wait3A_1283 = tpu.memref_squeeze %dma_wait3A_1282 : memref<1x200xi32, #tpu.memory_space<vmem>> -> memref<200xi32, #tpu.memory_space<vmem>>
    %dma_wait3A_1284 = tpu.memref_slice %arg2[%dma_wait3A_1279, %add3A_668] : memref<2x320000xi32, #tpu.memory_space<hbm>> -> memref<1x200xi32, #tpu.memory_space<hbm>>
    %dma_wait3A_1285 = tpu.memref_squeeze %dma_wait3A_1284 : memref<1x200xi32, #tpu.memory_space<hbm>> -> memref<200xi32, #tpu.memory_space<hbm>>
    %dma_wait3A_1286 = arith.constant 0 : i32
    %dma_wait3A_1287 = tpu.memref_slice %arg7[%dma_wait3A_1280, %dma_wait3A_1286] : memref<50x200xi32, #tpu.memory_space<vmem>> -> memref<1x200xi32, #tpu.memory_space<vmem>>
    %dma_wait3A_1288 = tpu.memref_squeeze %dma_wait3A_1287 : memref<1x200xi32, #tpu.memory_space<vmem>> -> memref<200xi32, #tpu.memory_space<vmem>>
    %dma_wait3A_1289 = tpu.memref_slice %arg2[%dma_wait3A_1279, %add3A_668] : memref<2x320000xi32, #tpu.memory_space<hbm>> -> memref<1x200xi32, #tpu.memory_space<hbm>>
    %dma_wait3A_1290 = tpu.memref_squeeze %dma_wait3A_1289 : memref<1x200xi32, #tpu.memory_space<hbm>> -> memref<200xi32, #tpu.memory_space<hbm>>
    tpu.wait_dma2 semaphore(%arg12 : memref<!tpu.dma_semaphore, #tpu.memory_space<semaphore_mem>>) src(%dma_wait3A_1290 : memref<200xi32, #tpu.memory_space<hbm>>) dst(%dma_wait3A_1288 : memref<200xi32, #tpu.memory_space<vmem>>)
    %dma_wait3A_1291 = arith.constant 1 : i32
    %dma_wait3A_1292 = arith.constant 48 : i32
    %dma_wait3A_1293 = arith.constant 0 : i32
    %dma_wait3A_1294 = tpu.memref_slice %arg7[%dma_wait3A_1292, %dma_wait3A_1293] : memref<50x200xi32, #tpu.memory_space<vmem>> -> memref<1x200xi32, #tpu.memory_space<vmem>>
    %dma_wait3A_1295 = tpu.memref_squeeze %dma_wait3A_1294 : memref<1x200xi32, #tpu.memory_space<vmem>> -> memref<200xi32, #tpu.memory_space<vmem>>
    %dma_wait3A_1296 = tpu.memref_slice %arg2[%dma_wait3A_1291, %add3A_682] : memref<2x320000xi32, #tpu.memory_space<hbm>> -> memref<1x200xi32, #tpu.memory_space<hbm>>
    %dma_wait3A_1297 = tpu.memref_squeeze %dma_wait3A_1296 : memref<1x200xi32, #tpu.memory_space<hbm>> -> memref<200xi32, #tpu.memory_space<hbm>>
    %dma_wait3A_1298 = arith.constant 0 : i32
    %dma_wait3A_1299 = tpu.memref_slice %arg7[%dma_wait3A_1292, %dma_wait3A_1298] : memref<50x200xi32, #tpu.memory_space<vmem>> -> memref<1x200xi32, #tpu.memory_space<vmem>>
    %dma_wait3A_1300 = tpu.memref_squeeze %dma_wait3A_1299 : memref<1x200xi32, #tpu.memory_space<vmem>> -> memref<200xi32, #tpu.memory_space<vmem>>
    %dma_wait3A_1301 = tpu.memref_slice %arg2[%dma_wait3A_1291, %add3A_682] : memref<2x320000xi32, #tpu.memory_space<hbm>> -> memref<1x200xi32, #tpu.memory_space<hbm>>
    %dma_wait3A_1302 = tpu.memref_squeeze %dma_wait3A_1301 : memref<1x200xi32, #tpu.memory_space<hbm>> -> memref<200xi32, #tpu.memory_space<hbm>>
    tpu.wait_dma2 semaphore(%arg12 : memref<!tpu.dma_semaphore, #tpu.memory_space<semaphore_mem>>) src(%dma_wait3A_1302 : memref<200xi32, #tpu.memory_space<hbm>>) dst(%dma_wait3A_1300 : memref<200xi32, #tpu.memory_space<vmem>>)
    %dma_wait3A_1303 = arith.constant 1 : i32
    %dma_wait3A_1304 = arith.constant 49 : i32
    %dma_wait3A_1305 = arith.constant 0 : i32
    %dma_wait3A_1306 = tpu.memref_slice %arg7[%dma_wait3A_1304, %dma_wait3A_1305] : memref<50x200xi32, #tpu.memory_space<vmem>> -> memref<1x200xi32, #tpu.memory_space<vmem>>
    %dma_wait3A_1307 = tpu.memref_squeeze %dma_wait3A_1306 : memref<1x200xi32, #tpu.memory_space<vmem>> -> memref<200xi32, #tpu.memory_space<vmem>>
    %dma_wait3A_1308 = tpu.memref_slice %arg2[%dma_wait3A_1303, %add3A_696] : memref<2x320000xi32, #tpu.memory_space<hbm>> -> memref<1x200xi32, #tpu.memory_space<hbm>>
    %dma_wait3A_1309 = tpu.memref_squeeze %dma_wait3A_1308 : memref<1x200xi32, #tpu.memory_space<hbm>> -> memref<200xi32, #tpu.memory_space<hbm>>
    %dma_wait3A_1310 = arith.constant 0 : i32
    %dma_wait3A_1311 = tpu.memref_slice %arg7[%dma_wait3A_1304, %dma_wait3A_1310] : memref<50x200xi32, #tpu.memory_space<vmem>> -> memref<1x200xi32, #tpu.memory_space<vmem>>
    %dma_wait3A_1312 = tpu.memref_squeeze %dma_wait3A_1311 : memref<1x200xi32, #tpu.memory_space<vmem>> -> memref<200xi32, #tpu.memory_space<vmem>>
    %dma_wait3A_1313 = tpu.memref_slice %arg2[%dma_wait3A_1303, %add3A_696] : memref<2x320000xi32, #tpu.memory_space<hbm>> -> memref<1x200xi32, #tpu.memory_space<hbm>>
    %dma_wait3A_1314 = tpu.memref_squeeze %dma_wait3A_1313 : memref<1x200xi32, #tpu.memory_space<hbm>> -> memref<200xi32, #tpu.memory_space<hbm>>
    tpu.wait_dma2 semaphore(%arg12 : memref<!tpu.dma_semaphore, #tpu.memory_space<semaphore_mem>>) src(%dma_wait3A_1314 : memref<200xi32, #tpu.memory_space<hbm>>) dst(%dma_wait3A_1312 : memref<200xi32, #tpu.memory_space<vmem>>)
    %dma_start3A_1315 = arith.constant 0 : i32
    %dma_start3A_1316 = tpu.memref_slice %arg6[%dma_start3A_1315] : memref<10000xi32, #tpu.memory_space<vmem>> -> memref<200xi32, #tpu.memory_space<vmem>>
    %dma_start3A_1317 = arith.constant 0 : i32
    %dma_start3A_1318 = arith.constant 0 : i32
    %dma_start3A_1319 = tpu.memref_slice %arg3[%dma_start3A_1317, %dma_start3A_1318] : memref<10000x64xf32, #tpu.memory_space<hbm>> -> memref<10000x64xf32, #tpu.memory_space<hbm>>
    tpu.enqueue_indirect_dma source(%dma_start3A_1319 : memref<10000x64xf32, #tpu.memory_space<hbm>>) target(%arg8 : memref<200x64xf32, #tpu.memory_space<vmem>>) offsets(%dma_start3A_1316 : memref<200xi32, #tpu.memory_space<vmem>>) semaphore(%arg13 : memref<!tpu.dma_semaphore, #tpu.memory_space<semaphore_mem>>)
    %dma_start3A_1320 = arith.constant 200 : i32
    %dma_start3A_1321 = tpu.memref_slice %arg6[%dma_start3A_1320] : memref<10000xi32, #tpu.memory_space<vmem>> -> memref<200xi32, #tpu.memory_space<vmem>>
    %dma_start3A_1322 = arith.constant 0 : i32
    %dma_start3A_1323 = arith.constant 0 : i32
    %dma_start3A_1324 = tpu.memref_slice %arg3[%dma_start3A_1322, %dma_start3A_1323] : memref<10000x64xf32, #tpu.memory_space<hbm>> -> memref<10000x64xf32, #tpu.memory_space<hbm>>
    tpu.enqueue_indirect_dma source(%dma_start3A_1324 : memref<10000x64xf32, #tpu.memory_space<hbm>>) target(%arg9 : memref<200x64xf32, #tpu.memory_space<vmem>>) offsets(%dma_start3A_1321 : memref<200xi32, #tpu.memory_space<vmem>>) semaphore(%arg14 : memref<!tpu.dma_semaphore, #tpu.memory_space<semaphore_mem>>)
    %barrier3A = arith.constant 0 : index
    tpu.barrier barrier_id(%barrier3A)
    %dma_start3A_1325 = arith.constant 400 : i32
    %dma_start3A_1326 = tpu.memref_slice %arg6[%dma_start3A_1325] : memref<10000xi32, #tpu.memory_space<vmem>> -> memref<200xi32, #tpu.memory_space<vmem>>
    %dma_start3A_1327 = arith.constant 0 : i32
    %dma_start3A_1328 = arith.constant 0 : i32
    %dma_start3A_1329 = tpu.memref_slice %arg3[%dma_start3A_1327, %dma_start3A_1328] : memref<10000x64xf32, #tpu.memory_space<hbm>> -> memref<10000x64xf32, #tpu.memory_space<hbm>>
    tpu.enqueue_indirect_dma source(%dma_start3A_1329 : memref<10000x64xf32, #tpu.memory_space<hbm>>) target(%arg10 : memref<200x64xf32, #tpu.memory_space<vmem>>) offsets(%dma_start3A_1326 : memref<200xi32, #tpu.memory_space<vmem>>) semaphore(%arg15 : memref<!tpu.dma_semaphore, #tpu.memory_space<semaphore_mem>>)
    %dma_wait3A_1330 = arith.constant 0 : i32
    %dma_wait3A_1331 = tpu.memref_slice %arg6[%dma_wait3A_1330] : memref<10000xi32, #tpu.memory_space<vmem>> -> memref<200xi32, #tpu.memory_space<vmem>>
    %dma_wait3A_1332 = arith.constant 0 : i32
    %dma_wait3A_1333 = arith.constant 0 : i32
    %dma_wait3A_1334 = tpu.memref_slice %arg3[%dma_wait3A_1332, %dma_wait3A_1333] : memref<10000x64xf32, #tpu.memory_space<hbm>> -> memref<10000x64xf32, #tpu.memory_space<hbm>>
    tpu.wait_indirect_dma semaphore(%arg13 : memref<!tpu.dma_semaphore, #tpu.memory_space<semaphore_mem>>) src(%dma_wait3A_1334 : memref<10000x64xf32, #tpu.memory_space<hbm>>) dst(%arg8 : memref<200x64xf32, #tpu.memory_space<vmem>>)
    %dma_start3A_1335 = arith.constant 0 : i32
    %dma_start3A_1336 = arith.constant 0 : i32
    %dma_start3A_1337 = tpu.memref_slice %arg7[%dma_start3A_1335, %dma_start3A_1336] : memref<50x200xi32, #tpu.memory_space<vmem>> -> memref<1x200xi32, #tpu.memory_space<vmem>>
    %dma_start3A_1338 = tpu.memref_squeeze %dma_start3A_1337 : memref<1x200xi32, #tpu.memory_space<vmem>> -> memref<200xi32, #tpu.memory_space<vmem>>
    %dma_start3A_1339 = arith.constant 0 : i32
    %dma_start3A_1340 = arith.constant 0 : i32
    %dma_start3A_1341 = tpu.memref_slice %arg11[%dma_start3A_1339, %dma_start3A_1340] : memref<10000x64xf32, #tpu.memory_space<vmem_shared>> -> memref<10000x64xf32, #tpu.memory_space<vmem_shared>>
    tpu.enqueue_indirect_dma source(%arg8 : memref<200x64xf32, #tpu.memory_space<vmem>>) target(%dma_start3A_1341 : memref<10000x64xf32, #tpu.memory_space<vmem_shared>>) offsets(%dma_start3A_1338 : memref<200xi32, #tpu.memory_space<vmem>>) semaphore(%arg16 : memref<!tpu.dma_semaphore, #tpu.memory_space<semaphore_mem>>) {add = true}
    %dma_wait3A_1342 = arith.constant 0 : i32
    %dma_wait3A_1343 = arith.constant 0 : i32
    %dma_wait3A_1344 = tpu.memref_slice %arg7[%dma_wait3A_1342, %dma_wait3A_1343] : memref<50x200xi32, #tpu.memory_space<vmem>> -> memref<1x200xi32, #tpu.memory_space<vmem>>
    %dma_wait3A_1345 = tpu.memref_squeeze %dma_wait3A_1344 : memref<1x200xi32, #tpu.memory_space<vmem>> -> memref<200xi32, #tpu.memory_space<vmem>>
    %dma_wait3A_1346 = arith.constant 0 : i32
    %dma_wait3A_1347 = arith.constant 0 : i32
    %dma_wait3A_1348 = tpu.memref_slice %arg11[%dma_wait3A_1346, %dma_wait3A_1347] : memref<10000x64xf32, #tpu.memory_space<vmem_shared>> -> memref<10000x64xf32, #tpu.memory_space<vmem_shared>>
    tpu.wait_indirect_dma semaphore(%arg16 : memref<!tpu.dma_semaphore, #tpu.memory_space<semaphore_mem>>) src(%arg8 : memref<200x64xf32, #tpu.memory_space<vmem>>) dst(%dma_wait3A_1348 : memref<10000x64xf32, #tpu.memory_space<vmem_shared>>)
    %dma_start3A_1349 = arith.constant 600 : i32
    %dma_start3A_1350 = tpu.memref_slice %arg6[%dma_start3A_1349] : memref<10000xi32, #tpu.memory_space<vmem>> -> memref<200xi32, #tpu.memory_space<vmem>>
    %dma_start3A_1351 = arith.constant 0 : i32
    %dma_start3A_1352 = arith.constant 0 : i32
    %dma_start3A_1353 = tpu.memref_slice %arg3[%dma_start3A_1351, %dma_start3A_1352] : memref<10000x64xf32, #tpu.memory_space<hbm>> -> memref<10000x64xf32, #tpu.memory_space<hbm>>
    tpu.enqueue_indirect_dma source(%dma_start3A_1353 : memref<10000x64xf32, #tpu.memory_space<hbm>>) target(%arg8 : memref<200x64xf32, #tpu.memory_space<vmem>>) offsets(%dma_start3A_1350 : memref<200xi32, #tpu.memory_space<vmem>>) semaphore(%arg13 : memref<!tpu.dma_semaphore, #tpu.memory_space<semaphore_mem>>)
    %dma_wait3A_1354 = arith.constant 200 : i32
    %dma_wait3A_1355 = tpu.memref_slice %arg6[%dma_wait3A_1354] : memref<10000xi32, #tpu.memory_space<vmem>> -> memref<200xi32, #tpu.memory_space<vmem>>
    %dma_wait3A_1356 = arith.constant 0 : i32
    %dma_wait3A_1357 = arith.constant 0 : i32
    %dma_wait3A_1358 = tpu.memref_slice %arg3[%dma_wait3A_1356, %dma_wait3A_1357] : memref<10000x64xf32, #tpu.memory_space<hbm>> -> memref<10000x64xf32, #tpu.memory_space<hbm>>
    tpu.wait_indirect_dma semaphore(%arg14 : memref<!tpu.dma_semaphore, #tpu.memory_space<semaphore_mem>>) src(%dma_wait3A_1358 : memref<10000x64xf32, #tpu.memory_space<hbm>>) dst(%arg9 : memref<200x64xf32, #tpu.memory_space<vmem>>)
    %dma_start3A_1359 = arith.constant 1 : i32
    %dma_start3A_1360 = arith.constant 0 : i32
    %dma_start3A_1361 = tpu.memref_slice %arg7[%dma_start3A_1359, %dma_start3A_1360] : memref<50x200xi32, #tpu.memory_space<vmem>> -> memref<1x200xi32, #tpu.memory_space<vmem>>
    %dma_start3A_1362 = tpu.memref_squeeze %dma_start3A_1361 : memref<1x200xi32, #tpu.memory_space<vmem>> -> memref<200xi32, #tpu.memory_space<vmem>>
    %dma_start3A_1363 = arith.constant 0 : i32
    %dma_start3A_1364 = arith.constant 0 : i32
    %dma_start3A_1365 = tpu.memref_slice %arg11[%dma_start3A_1363, %dma_start3A_1364] : memref<10000x64xf32, #tpu.memory_space<vmem_shared>> -> memref<10000x64xf32, #tpu.memory_space<vmem_shared>>
    tpu.enqueue_indirect_dma source(%arg9 : memref<200x64xf32, #tpu.memory_space<vmem>>) target(%dma_start3A_1365 : memref<10000x64xf32, #tpu.memory_space<vmem_shared>>) offsets(%dma_start3A_1362 : memref<200xi32, #tpu.memory_space<vmem>>) semaphore(%arg17 : memref<!tpu.dma_semaphore, #tpu.memory_space<semaphore_mem>>) {add = true}
    %dma_wait3A_1366 = arith.constant 1 : i32
    %dma_wait3A_1367 = arith.constant 0 : i32
    %dma_wait3A_1368 = tpu.memref_slice %arg7[%dma_wait3A_1366, %dma_wait3A_1367] : memref<50x200xi32, #tpu.memory_space<vmem>> -> memref<1x200xi32, #tpu.memory_space<vmem>>
    %dma_wait3A_1369 = tpu.memref_squeeze %dma_wait3A_1368 : memref<1x200xi32, #tpu.memory_space<vmem>> -> memref<200xi32, #tpu.memory_space<vmem>>
    %dma_wait3A_1370 = arith.constant 0 : i32
    %dma_wait3A_1371 = arith.constant 0 : i32
    %dma_wait3A_1372 = tpu.memref_slice %arg11[%dma_wait3A_1370, %dma_wait3A_1371] : memref<10000x64xf32, #tpu.memory_space<vmem_shared>> -> memref<10000x64xf32, #tpu.memory_space<vmem_shared>>
    tpu.wait_indirect_dma semaphore(%arg17 : memref<!tpu.dma_semaphore, #tpu.memory_space<semaphore_mem>>) src(%arg9 : memref<200x64xf32, #tpu.memory_space<vmem>>) dst(%dma_wait3A_1372 : memref<10000x64xf32, #tpu.memory_space<vmem_shared>>)
    %dma_start3A_1373 = arith.constant 800 : i32
    %dma_start3A_1374 = tpu.memref_slice %arg6[%dma_start3A_1373] : memref<10000xi32, #tpu.memory_space<vmem>> -> memref<200xi32, #tpu.memory_space<vmem>>
    %dma_start3A_1375 = arith.constant 0 : i32
    %dma_start3A_1376 = arith.constant 0 : i32
    %dma_start3A_1377 = tpu.memref_slice %arg3[%dma_start3A_1375, %dma_start3A_1376] : memref<10000x64xf32, #tpu.memory_space<hbm>> -> memref<10000x64xf32, #tpu.memory_space<hbm>>
    tpu.enqueue_indirect_dma source(%dma_start3A_1377 : memref<10000x64xf32, #tpu.memory_space<hbm>>) target(%arg9 : memref<200x64xf32, #tpu.memory_space<vmem>>) offsets(%dma_start3A_1374 : memref<200xi32, #tpu.memory_space<vmem>>) semaphore(%arg14 : memref<!tpu.dma_semaphore, #tpu.memory_space<semaphore_mem>>)
    %dma_wait3A_1378 = arith.constant 400 : i32
    %dma_wait3A_1379 = tpu.memref_slice %arg6[%dma_wait3A_1378] : memref<10000xi32, #tpu.memory_space<vmem>> -> memref<200xi32, #tpu.memory_space<vmem>>
    %dma_wait3A_1380 = arith.constant 0 : i32
    %dma_wait3A_1381 = arith.constant 0 : i32
    %dma_wait3A_1382 = tpu.memref_slice %arg3[%dma_wait3A_1380, %dma_wait3A_1381] : memref<10000x64xf32, #tpu.memory_space<hbm>> -> memref<10000x64xf32, #tpu.memory_space<hbm>>
    tpu.wait_indirect_dma semaphore(%arg15 : memref<!tpu.dma_semaphore, #tpu.memory_space<semaphore_mem>>) src(%dma_wait3A_1382 : memref<10000x64xf32, #tpu.memory_space<hbm>>) dst(%arg10 : memref<200x64xf32, #tpu.memory_space<vmem>>)
    %dma_start3A_1383 = arith.constant 2 : i32
    %dma_start3A_1384 = arith.constant 0 : i32
    %dma_start3A_1385 = tpu.memref_slice %arg7[%dma_start3A_1383, %dma_start3A_1384] : memref<50x200xi32, #tpu.memory_space<vmem>> -> memref<1x200xi32, #tpu.memory_space<vmem>>
    %dma_start3A_1386 = tpu.memref_squeeze %dma_start3A_1385 : memref<1x200xi32, #tpu.memory_space<vmem>> -> memref<200xi32, #tpu.memory_space<vmem>>
    %dma_start3A_1387 = arith.constant 0 : i32
    %dma_start3A_1388 = arith.constant 0 : i32
    %dma_start3A_1389 = tpu.memref_slice %arg11[%dma_start3A_1387, %dma_start3A_1388] : memref<10000x64xf32, #tpu.memory_space<vmem_shared>> -> memref<10000x64xf32, #tpu.memory_space<vmem_shared>>
    tpu.enqueue_indirect_dma source(%arg10 : memref<200x64xf32, #tpu.memory_space<vmem>>) target(%dma_start3A_1389 : memref<10000x64xf32, #tpu.memory_space<vmem_shared>>) offsets(%dma_start3A_1386 : memref<200xi32, #tpu.memory_space<vmem>>) semaphore(%arg18 : memref<!tpu.dma_semaphore, #tpu.memory_space<semaphore_mem>>) {add = true}
    %dma_wait3A_1390 = arith.constant 2 : i32
    %dma_wait3A_1391 = arith.constant 0 : i32
    %dma_wait3A_1392 = tpu.memref_slice %arg7[%dma_wait3A_1390, %dma_wait3A_1391] : memref<50x200xi32, #tpu.memory_space<vmem>> -> memref<1x200xi32, #tpu.memory_space<vmem>>
    %dma_wait3A_1393 = tpu.memref_squeeze %dma_wait3A_1392 : memref<1x200xi32, #tpu.memory_space<vmem>> -> memref<200xi32, #tpu.memory_space<vmem>>
    %dma_wait3A_1394 = arith.constant 0 : i32
    %dma_wait3A_1395 = arith.constant 0 : i32
    %dma_wait3A_1396 = tpu.memref_slice %arg11[%dma_wait3A_1394, %dma_wait3A_1395] : memref<10000x64xf32, #tpu.memory_space<vmem_shared>> -> memref<10000x64xf32, #tpu.memory_space<vmem_shared>>
    tpu.wait_indirect_dma semaphore(%arg18 : memref<!tpu.dma_semaphore, #tpu.memory_space<semaphore_mem>>) src(%arg10 : memref<200x64xf32, #tpu.memory_space<vmem>>) dst(%dma_wait3A_1396 : memref<10000x64xf32, #tpu.memory_space<vmem_shared>>)
    %dma_start3A_1397 = arith.constant 1000 : i32
    %dma_start3A_1398 = tpu.memref_slice %arg6[%dma_start3A_1397] : memref<10000xi32, #tpu.memory_space<vmem>> -> memref<200xi32, #tpu.memory_space<vmem>>
    %dma_start3A_1399 = arith.constant 0 : i32
    %dma_start3A_1400 = arith.constant 0 : i32
    %dma_start3A_1401 = tpu.memref_slice %arg3[%dma_start3A_1399, %dma_start3A_1400] : memref<10000x64xf32, #tpu.memory_space<hbm>> -> memref<10000x64xf32, #tpu.memory_space<hbm>>
    tpu.enqueue_indirect_dma source(%dma_start3A_1401 : memref<10000x64xf32, #tpu.memory_space<hbm>>) target(%arg10 : memref<200x64xf32, #tpu.memory_space<vmem>>) offsets(%dma_start3A_1398 : memref<200xi32, #tpu.memory_space<vmem>>) semaphore(%arg15 : memref<!tpu.dma_semaphore, #tpu.memory_space<semaphore_mem>>)
    %dma_wait3A_1402 = arith.constant 600 : i32
    %dma_wait3A_1403 = tpu.memref_slice %arg6[%dma_wait3A_1402] : memref<10000xi32, #tpu.memory_space<vmem>> -> memref<200xi32, #tpu.memory_space<vmem>>
    %dma_wait3A_1404 = arith.constant 0 : i32
    %dma_wait3A_1405 = arith.constant 0 : i32
    %dma_wait3A_1406 = tpu.memref_slice %arg3[%dma_wait3A_1404, %dma_wait3A_1405] : memref<10000x64xf32, #tpu.memory_space<hbm>> -> memref<10000x64xf32, #tpu.memory_space<hbm>>
    tpu.wait_indirect_dma semaphore(%arg13 : memref<!tpu.dma_semaphore, #tpu.memory_space<semaphore_mem>>) src(%dma_wait3A_1406 : memref<10000x64xf32, #tpu.memory_space<hbm>>) dst(%arg8 : memref<200x64xf32, #tpu.memory_space<vmem>>)
    %dma_start3A_1407 = arith.constant 3 : i32
    %dma_start3A_1408 = arith.constant 0 : i32
    %dma_start3A_1409 = tpu.memref_slice %arg7[%dma_start3A_1407, %dma_start3A_1408] : memref<50x200xi32, #tpu.memory_space<vmem>> -> memref<1x200xi32, #tpu.memory_space<vmem>>
    %dma_start3A_1410 = tpu.memref_squeeze %dma_start3A_1409 : memref<1x200xi32, #tpu.memory_space<vmem>> -> memref<200xi32, #tpu.memory_space<vmem>>
    %dma_start3A_1411 = arith.constant 0 : i32
    %dma_start3A_1412 = arith.constant 0 : i32
    %dma_start3A_1413 = tpu.memref_slice %arg11[%dma_start3A_1411, %dma_start3A_1412] : memref<10000x64xf32, #tpu.memory_space<vmem_shared>> -> memref<10000x64xf32, #tpu.memory_space<vmem_shared>>
    tpu.enqueue_indirect_dma source(%arg8 : memref<200x64xf32, #tpu.memory_space<vmem>>) target(%dma_start3A_1413 : memref<10000x64xf32, #tpu.memory_space<vmem_shared>>) offsets(%dma_start3A_1410 : memref<200xi32, #tpu.memory_space<vmem>>) semaphore(%arg16 : memref<!tpu.dma_semaphore, #tpu.memory_space<semaphore_mem>>) {add = true}
    %dma_wait3A_1414 = arith.constant 3 : i32
    %dma_wait3A_1415 = arith.constant 0 : i32
    %dma_wait3A_1416 = tpu.memref_slice %arg7[%dma_wait3A_1414, %dma_wait3A_1415] : memref<50x200xi32, #tpu.memory_space<vmem>> -> memref<1x200xi32, #tpu.memory_space<vmem>>
    %dma_wait3A_1417 = tpu.memref_squeeze %dma_wait3A_1416 : memref<1x200xi32, #tpu.memory_space<vmem>> -> memref<200xi32, #tpu.memory_space<vmem>>
    %dma_wait3A_1418 = arith.constant 0 : i32
    %dma_wait3A_1419 = arith.constant 0 : i32
    %dma_wait3A_1420 = tpu.memref_slice %arg11[%dma_wait3A_1418, %dma_wait3A_1419] : memref<10000x64xf32, #tpu.memory_space<vmem_shared>> -> memref<10000x64xf32, #tpu.memory_space<vmem_shared>>
    tpu.wait_indirect_dma semaphore(%arg16 : memref<!tpu.dma_semaphore, #tpu.memory_space<semaphore_mem>>) src(%arg8 : memref<200x64xf32, #tpu.memory_space<vmem>>) dst(%dma_wait3A_1420 : memref<10000x64xf32, #tpu.memory_space<vmem_shared>>)
    %dma_start3A_1421 = arith.constant 1200 : i32
    %dma_start3A_1422 = tpu.memref_slice %arg6[%dma_start3A_1421] : memref<10000xi32, #tpu.memory_space<vmem>> -> memref<200xi32, #tpu.memory_space<vmem>>
    %dma_start3A_1423 = arith.constant 0 : i32
    %dma_start3A_1424 = arith.constant 0 : i32
    %dma_start3A_1425 = tpu.memref_slice %arg3[%dma_start3A_1423, %dma_start3A_1424] : memref<10000x64xf32, #tpu.memory_space<hbm>> -> memref<10000x64xf32, #tpu.memory_space<hbm>>
    tpu.enqueue_indirect_dma source(%dma_start3A_1425 : memref<10000x64xf32, #tpu.memory_space<hbm>>) target(%arg8 : memref<200x64xf32, #tpu.memory_space<vmem>>) offsets(%dma_start3A_1422 : memref<200xi32, #tpu.memory_space<vmem>>) semaphore(%arg13 : memref<!tpu.dma_semaphore, #tpu.memory_space<semaphore_mem>>)
    %dma_wait3A_1426 = arith.constant 800 : i32
    %dma_wait3A_1427 = tpu.memref_slice %arg6[%dma_wait3A_1426] : memref<10000xi32, #tpu.memory_space<vmem>> -> memref<200xi32, #tpu.memory_space<vmem>>
    %dma_wait3A_1428 = arith.constant 0 : i32
    %dma_wait3A_1429 = arith.constant 0 : i32
    %dma_wait3A_1430 = tpu.memref_slice %arg3[%dma_wait3A_1428, %dma_wait3A_1429] : memref<10000x64xf32, #tpu.memory_space<hbm>> -> memref<10000x64xf32, #tpu.memory_space<hbm>>
    tpu.wait_indirect_dma semaphore(%arg14 : memref<!tpu.dma_semaphore, #tpu.memory_space<semaphore_mem>>) src(%dma_wait3A_1430 : memref<10000x64xf32, #tpu.memory_space<hbm>>) dst(%arg9 : memref<200x64xf32, #tpu.memory_space<vmem>>)
    %dma_start3A_1431 = arith.constant 4 : i32
    %dma_start3A_1432 = arith.constant 0 : i32
    %dma_start3A_1433 = tpu.memref_slice %arg7[%dma_start3A_1431, %dma_start3A_1432] : memref<50x200xi32, #tpu.memory_space<vmem>> -> memref<1x200xi32, #tpu.memory_space<vmem>>
    %dma_start3A_1434 = tpu.memref_squeeze %dma_start3A_1433 : memref<1x200xi32, #tpu.memory_space<vmem>> -> memref<200xi32, #tpu.memory_space<vmem>>
    %dma_start3A_1435 = arith.constant 0 : i32
    %dma_start3A_1436 = arith.constant 0 : i32
    %dma_start3A_1437 = tpu.memref_slice %arg11[%dma_start3A_1435, %dma_start3A_1436] : memref<10000x64xf32, #tpu.memory_space<vmem_shared>> -> memref<10000x64xf32, #tpu.memory_space<vmem_shared>>
    tpu.enqueue_indirect_dma source(%arg9 : memref<200x64xf32, #tpu.memory_space<vmem>>) target(%dma_start3A_1437 : memref<10000x64xf32, #tpu.memory_space<vmem_shared>>) offsets(%dma_start3A_1434 : memref<200xi32, #tpu.memory_space<vmem>>) semaphore(%arg17 : memref<!tpu.dma_semaphore, #tpu.memory_space<semaphore_mem>>) {add = true}
    %dma_wait3A_1438 = arith.constant 4 : i32
    %dma_wait3A_1439 = arith.constant 0 : i32
    %dma_wait3A_1440 = tpu.memref_slice %arg7[%dma_wait3A_1438, %dma_wait3A_1439] : memref<50x200xi32, #tpu.memory_space<vmem>> -> memref<1x200xi32, #tpu.memory_space<vmem>>
    %dma_wait3A_1441 = tpu.memref_squeeze %dma_wait3A_1440 : memref<1x200xi32, #tpu.memory_space<vmem>> -> memref<200xi32, #tpu.memory_space<vmem>>
    %dma_wait3A_1442 = arith.constant 0 : i32
    %dma_wait3A_1443 = arith.constant 0 : i32
    %dma_wait3A_1444 = tpu.memref_slice %arg11[%dma_wait3A_1442, %dma_wait3A_1443] : memref<10000x64xf32, #tpu.memory_space<vmem_shared>> -> memref<10000x64xf32, #tpu.memory_space<vmem_shared>>
    tpu.wait_indirect_dma semaphore(%arg17 : memref<!tpu.dma_semaphore, #tpu.memory_space<semaphore_mem>>) src(%arg9 : memref<200x64xf32, #tpu.memory_space<vmem>>) dst(%dma_wait3A_1444 : memref<10000x64xf32, #tpu.memory_space<vmem_shared>>)
    %dma_start3A_1445 = arith.constant 1400 : i32
    %dma_start3A_1446 = tpu.memref_slice %arg6[%dma_start3A_1445] : memref<10000xi32, #tpu.memory_space<vmem>> -> memref<200xi32, #tpu.memory_space<vmem>>
    %dma_start3A_1447 = arith.constant 0 : i32
    %dma_start3A_1448 = arith.constant 0 : i32
    %dma_start3A_1449 = tpu.memref_slice %arg3[%dma_start3A_1447, %dma_start3A_1448] : memref<10000x64xf32, #tpu.memory_space<hbm>> -> memref<10000x64xf32, #tpu.memory_space<hbm>>
    tpu.enqueue_indirect_dma source(%dma_start3A_1449 : memref<10000x64xf32, #tpu.memory_space<hbm>>) target(%arg9 : memref<200x64xf32, #tpu.memory_space<vmem>>) offsets(%dma_start3A_1446 : memref<200xi32, #tpu.memory_space<vmem>>) semaphore(%arg14 : memref<!tpu.dma_semaphore, #tpu.memory_space<semaphore_mem>>)
    %dma_wait3A_1450 = arith.constant 1000 : i32
    %dma_wait3A_1451 = tpu.memref_slice %arg6[%dma_wait3A_1450] : memref<10000xi32, #tpu.memory_space<vmem>> -> memref<200xi32, #tpu.memory_space<vmem>>
    %dma_wait3A_1452 = arith.constant 0 : i32
    %dma_wait3A_1453 = arith.constant 0 : i32
    %dma_wait3A_1454 = tpu.memref_slice %arg3[%dma_wait3A_1452, %dma_wait3A_1453] : memref<10000x64xf32, #tpu.memory_space<hbm>> -> memref<10000x64xf32, #tpu.memory_space<hbm>>
    tpu.wait_indirect_dma semaphore(%arg15 : memref<!tpu.dma_semaphore, #tpu.memory_space<semaphore_mem>>) src(%dma_wait3A_1454 : memref<10000x64xf32, #tpu.memory_space<hbm>>) dst(%arg10 : memref<200x64xf32, #tpu.memory_space<vmem>>)
    %dma_start3A_1455 = arith.constant 5 : i32
    %dma_start3A_1456 = arith.constant 0 : i32
    %dma_start3A_1457 = tpu.memref_slice %arg7[%dma_start3A_1455, %dma_start3A_1456] : memref<50x200xi32, #tpu.memory_space<vmem>> -> memref<1x200xi32, #tpu.memory_space<vmem>>
    %dma_start3A_1458 = tpu.memref_squeeze %dma_start3A_1457 : memref<1x200xi32, #tpu.memory_space<vmem>> -> memref<200xi32, #tpu.memory_space<vmem>>
    %dma_start3A_1459 = arith.constant 0 : i32
    %dma_start3A_1460 = arith.constant 0 : i32
    %dma_start3A_1461 = tpu.memref_slice %arg11[%dma_start3A_1459, %dma_start3A_1460] : memref<10000x64xf32, #tpu.memory_space<vmem_shared>> -> memref<10000x64xf32, #tpu.memory_space<vmem_shared>>
    tpu.enqueue_indirect_dma source(%arg10 : memref<200x64xf32, #tpu.memory_space<vmem>>) target(%dma_start3A_1461 : memref<10000x64xf32, #tpu.memory_space<vmem_shared>>) offsets(%dma_start3A_1458 : memref<200xi32, #tpu.memory_space<vmem>>) semaphore(%arg18 : memref<!tpu.dma_semaphore, #tpu.memory_space<semaphore_mem>>) {add = true}
    %dma_wait3A_1462 = arith.constant 5 : i32
    %dma_wait3A_1463 = arith.constant 0 : i32
    %dma_wait3A_1464 = tpu.memref_slice %arg7[%dma_wait3A_1462, %dma_wait3A_1463] : memref<50x200xi32, #tpu.memory_space<vmem>> -> memref<1x200xi32, #tpu.memory_space<vmem>>
    %dma_wait3A_1465 = tpu.memref_squeeze %dma_wait3A_1464 : memref<1x200xi32, #tpu.memory_space<vmem>> -> memref<200xi32, #tpu.memory_space<vmem>>
    %dma_wait3A_1466 = arith.constant 0 : i32
    %dma_wait3A_1467 = arith.constant 0 : i32
    %dma_wait3A_1468 = tpu.memref_slice %arg11[%dma_wait3A_1466, %dma_wait3A_1467] : memref<10000x64xf32, #tpu.memory_space<vmem_shared>> -> memref<10000x64xf32, #tpu.memory_space<vmem_shared>>
    tpu.wait_indirect_dma semaphore(%arg18 : memref<!tpu.dma_semaphore, #tpu.memory_space<semaphore_mem>>) src(%arg10 : memref<200x64xf32, #tpu.memory_space<vmem>>) dst(%dma_wait3A_1468 : memref<10000x64xf32, #tpu.memory_space<vmem_shared>>)
    %dma_start3A_1469 = arith.constant 1600 : i32
    %dma_start3A_1470 = tpu.memref_slice %arg6[%dma_start3A_1469] : memref<10000xi32, #tpu.memory_space<vmem>> -> memref<200xi32, #tpu.memory_space<vmem>>
    %dma_start3A_1471 = arith.constant 0 : i32
    %dma_start3A_1472 = arith.constant 0 : i32
    %dma_start3A_1473 = tpu.memref_slice %arg3[%dma_start3A_1471, %dma_start3A_1472] : memref<10000x64xf32, #tpu.memory_space<hbm>> -> memref<10000x64xf32, #tpu.memory_space<hbm>>
    tpu.enqueue_indirect_dma source(%dma_start3A_1473 : memref<10000x64xf32, #tpu.memory_space<hbm>>) target(%arg10 : memref<200x64xf32, #tpu.memory_space<vmem>>) offsets(%dma_start3A_1470 : memref<200xi32, #tpu.memory_space<vmem>>) semaphore(%arg15 : memref<!tpu.dma_semaphore, #tpu.memory_space<semaphore_mem>>)
    %dma_wait3A_1474 = arith.constant 1200 : i32
    %dma_wait3A_1475 = tpu.memref_slice %arg6[%dma_wait3A_1474] : memref<10000xi32, #tpu.memory_space<vmem>> -> memref<200xi32, #tpu.memory_space<vmem>>
    %dma_wait3A_1476 = arith.constant 0 : i32
    %dma_wait3A_1477 = arith.constant 0 : i32
    %dma_wait3A_1478 = tpu.memref_slice %arg3[%dma_wait3A_1476, %dma_wait3A_1477] : memref<10000x64xf32, #tpu.memory_space<hbm>> -> memref<10000x64xf32, #tpu.memory_space<hbm>>
    tpu.wait_indirect_dma semaphore(%arg13 : memref<!tpu.dma_semaphore, #tpu.memory_space<semaphore_mem>>) src(%dma_wait3A_1478 : memref<10000x64xf32, #tpu.memory_space<hbm>>) dst(%arg8 : memref<200x64xf32, #tpu.memory_space<vmem>>)
    %dma_start3A_1479 = arith.constant 6 : i32
    %dma_start3A_1480 = arith.constant 0 : i32
    %dma_start3A_1481 = tpu.memref_slice %arg7[%dma_start3A_1479, %dma_start3A_1480] : memref<50x200xi32, #tpu.memory_space<vmem>> -> memref<1x200xi32, #tpu.memory_space<vmem>>
    %dma_start3A_1482 = tpu.memref_squeeze %dma_start3A_1481 : memref<1x200xi32, #tpu.memory_space<vmem>> -> memref<200xi32, #tpu.memory_space<vmem>>
    %dma_start3A_1483 = arith.constant 0 : i32
    %dma_start3A_1484 = arith.constant 0 : i32
    %dma_start3A_1485 = tpu.memref_slice %arg11[%dma_start3A_1483, %dma_start3A_1484] : memref<10000x64xf32, #tpu.memory_space<vmem_shared>> -> memref<10000x64xf32, #tpu.memory_space<vmem_shared>>
    tpu.enqueue_indirect_dma source(%arg8 : memref<200x64xf32, #tpu.memory_space<vmem>>) target(%dma_start3A_1485 : memref<10000x64xf32, #tpu.memory_space<vmem_shared>>) offsets(%dma_start3A_1482 : memref<200xi32, #tpu.memory_space<vmem>>) semaphore(%arg16 : memref<!tpu.dma_semaphore, #tpu.memory_space<semaphore_mem>>) {add = true}
    %dma_wait3A_1486 = arith.constant 6 : i32
    %dma_wait3A_1487 = arith.constant 0 : i32
    %dma_wait3A_1488 = tpu.memref_slice %arg7[%dma_wait3A_1486, %dma_wait3A_1487] : memref<50x200xi32, #tpu.memory_space<vmem>> -> memref<1x200xi32, #tpu.memory_space<vmem>>
    %dma_wait3A_1489 = tpu.memref_squeeze %dma_wait3A_1488 : memref<1x200xi32, #tpu.memory_space<vmem>> -> memref<200xi32, #tpu.memory_space<vmem>>
    %dma_wait3A_1490 = arith.constant 0 : i32
    %dma_wait3A_1491 = arith.constant 0 : i32
    %dma_wait3A_1492 = tpu.memref_slice %arg11[%dma_wait3A_1490, %dma_wait3A_1491] : memref<10000x64xf32, #tpu.memory_space<vmem_shared>> -> memref<10000x64xf32, #tpu.memory_space<vmem_shared>>
    tpu.wait_indirect_dma semaphore(%arg16 : memref<!tpu.dma_semaphore, #tpu.memory_space<semaphore_mem>>) src(%arg8 : memref<200x64xf32, #tpu.memory_space<vmem>>) dst(%dma_wait3A_1492 : memref<10000x64xf32, #tpu.memory_space<vmem_shared>>)
    %dma_start3A_1493 = arith.constant 1800 : i32
    %dma_start3A_1494 = tpu.memref_slice %arg6[%dma_start3A_1493] : memref<10000xi32, #tpu.memory_space<vmem>> -> memref<200xi32, #tpu.memory_space<vmem>>
    %dma_start3A_1495 = arith.constant 0 : i32
    %dma_start3A_1496 = arith.constant 0 : i32
    %dma_start3A_1497 = tpu.memref_slice %arg3[%dma_start3A_1495, %dma_start3A_1496] : memref<10000x64xf32, #tpu.memory_space<hbm>> -> memref<10000x64xf32, #tpu.memory_space<hbm>>
    tpu.enqueue_indirect_dma source(%dma_start3A_1497 : memref<10000x64xf32, #tpu.memory_space<hbm>>) target(%arg8 : memref<200x64xf32, #tpu.memory_space<vmem>>) offsets(%dma_start3A_1494 : memref<200xi32, #tpu.memory_space<vmem>>) semaphore(%arg13 : memref<!tpu.dma_semaphore, #tpu.memory_space<semaphore_mem>>)
    %dma_wait3A_1498 = arith.constant 1400 : i32
    %dma_wait3A_1499 = tpu.memref_slice %arg6[%dma_wait3A_1498] : memref<10000xi32, #tpu.memory_space<vmem>> -> memref<200xi32, #tpu.memory_space<vmem>>
    %dma_wait3A_1500 = arith.constant 0 : i32
    %dma_wait3A_1501 = arith.constant 0 : i32
    %dma_wait3A_1502 = tpu.memref_slice %arg3[%dma_wait3A_1500, %dma_wait3A_1501] : memref<10000x64xf32, #tpu.memory_space<hbm>> -> memref<10000x64xf32, #tpu.memory_space<hbm>>
    tpu.wait_indirect_dma semaphore(%arg14 : memref<!tpu.dma_semaphore, #tpu.memory_space<semaphore_mem>>) src(%dma_wait3A_1502 : memref<10000x64xf32, #tpu.memory_space<hbm>>) dst(%arg9 : memref<200x64xf32, #tpu.memory_space<vmem>>)
    %dma_start3A_1503 = arith.constant 7 : i32
    %dma_start3A_1504 = arith.constant 0 : i32
    %dma_start3A_1505 = tpu.memref_slice %arg7[%dma_start3A_1503, %dma_start3A_1504] : memref<50x200xi32, #tpu.memory_space<vmem>> -> memref<1x200xi32, #tpu.memory_space<vmem>>
    %dma_start3A_1506 = tpu.memref_squeeze %dma_start3A_1505 : memref<1x200xi32, #tpu.memory_space<vmem>> -> memref<200xi32, #tpu.memory_space<vmem>>
    %dma_start3A_1507 = arith.constant 0 : i32
    %dma_start3A_1508 = arith.constant 0 : i32
    %dma_start3A_1509 = tpu.memref_slice %arg11[%dma_start3A_1507, %dma_start3A_1508] : memref<10000x64xf32, #tpu.memory_space<vmem_shared>> -> memref<10000x64xf32, #tpu.memory_space<vmem_shared>>
    tpu.enqueue_indirect_dma source(%arg9 : memref<200x64xf32, #tpu.memory_space<vmem>>) target(%dma_start3A_1509 : memref<10000x64xf32, #tpu.memory_space<vmem_shared>>) offsets(%dma_start3A_1506 : memref<200xi32, #tpu.memory_space<vmem>>) semaphore(%arg17 : memref<!tpu.dma_semaphore, #tpu.memory_space<semaphore_mem>>) {add = true}
    %dma_wait3A_1510 = arith.constant 7 : i32
    %dma_wait3A_1511 = arith.constant 0 : i32
    %dma_wait3A_1512 = tpu.memref_slice %arg7[%dma_wait3A_1510, %dma_wait3A_1511] : memref<50x200xi32, #tpu.memory_space<vmem>> -> memref<1x200xi32, #tpu.memory_space<vmem>>
    %dma_wait3A_1513 = tpu.memref_squeeze %dma_wait3A_1512 : memref<1x200xi32, #tpu.memory_space<vmem>> -> memref<200xi32, #tpu.memory_space<vmem>>
    %dma_wait3A_1514 = arith.constant 0 : i32
    %dma_wait3A_1515 = arith.constant 0 : i32
    %dma_wait3A_1516 = tpu.memref_slice %arg11[%dma_wait3A_1514, %dma_wait3A_1515] : memref<10000x64xf32, #tpu.memory_space<vmem_shared>> -> memref<10000x64xf32, #tpu.memory_space<vmem_shared>>
    tpu.wait_indirect_dma semaphore(%arg17 : memref<!tpu.dma_semaphore, #tpu.memory_space<semaphore_mem>>) src(%arg9 : memref<200x64xf32, #tpu.memory_space<vmem>>) dst(%dma_wait3A_1516 : memref<10000x64xf32, #tpu.memory_space<vmem_shared>>)
    %dma_start3A_1517 = arith.constant 2000 : i32
    %dma_start3A_1518 = tpu.memref_slice %arg6[%dma_start3A_1517] : memref<10000xi32, #tpu.memory_space<vmem>> -> memref<200xi32, #tpu.memory_space<vmem>>
    %dma_start3A_1519 = arith.constant 0 : i32
    %dma_start3A_1520 = arith.constant 0 : i32
    %dma_start3A_1521 = tpu.memref_slice %arg3[%dma_start3A_1519, %dma_start3A_1520] : memref<10000x64xf32, #tpu.memory_space<hbm>> -> memref<10000x64xf32, #tpu.memory_space<hbm>>
    tpu.enqueue_indirect_dma source(%dma_start3A_1521 : memref<10000x64xf32, #tpu.memory_space<hbm>>) target(%arg9 : memref<200x64xf32, #tpu.memory_space<vmem>>) offsets(%dma_start3A_1518 : memref<200xi32, #tpu.memory_space<vmem>>) semaphore(%arg14 : memref<!tpu.dma_semaphore, #tpu.memory_space<semaphore_mem>>)
    %dma_wait3A_1522 = arith.constant 1600 : i32
    %dma_wait3A_1523 = tpu.memref_slice %arg6[%dma_wait3A_1522] : memref<10000xi32, #tpu.memory_space<vmem>> -> memref<200xi32, #tpu.memory_space<vmem>>
    %dma_wait3A_1524 = arith.constant 0 : i32
    %dma_wait3A_1525 = arith.constant 0 : i32
    %dma_wait3A_1526 = tpu.memref_slice %arg3[%dma_wait3A_1524, %dma_wait3A_1525] : memref<10000x64xf32, #tpu.memory_space<hbm>> -> memref<10000x64xf32, #tpu.memory_space<hbm>>
    tpu.wait_indirect_dma semaphore(%arg15 : memref<!tpu.dma_semaphore, #tpu.memory_space<semaphore_mem>>) src(%dma_wait3A_1526 : memref<10000x64xf32, #tpu.memory_space<hbm>>) dst(%arg10 : memref<200x64xf32, #tpu.memory_space<vmem>>)
    %dma_start3A_1527 = arith.constant 8 : i32
    %dma_start3A_1528 = arith.constant 0 : i32
    %dma_start3A_1529 = tpu.memref_slice %arg7[%dma_start3A_1527, %dma_start3A_1528] : memref<50x200xi32, #tpu.memory_space<vmem>> -> memref<1x200xi32, #tpu.memory_space<vmem>>
    %dma_start3A_1530 = tpu.memref_squeeze %dma_start3A_1529 : memref<1x200xi32, #tpu.memory_space<vmem>> -> memref<200xi32, #tpu.memory_space<vmem>>
    %dma_start3A_1531 = arith.constant 0 : i32
    %dma_start3A_1532 = arith.constant 0 : i32
    %dma_start3A_1533 = tpu.memref_slice %arg11[%dma_start3A_1531, %dma_start3A_1532] : memref<10000x64xf32, #tpu.memory_space<vmem_shared>> -> memref<10000x64xf32, #tpu.memory_space<vmem_shared>>
    tpu.enqueue_indirect_dma source(%arg10 : memref<200x64xf32, #tpu.memory_space<vmem>>) target(%dma_start3A_1533 : memref<10000x64xf32, #tpu.memory_space<vmem_shared>>) offsets(%dma_start3A_1530 : memref<200xi32, #tpu.memory_space<vmem>>) semaphore(%arg18 : memref<!tpu.dma_semaphore, #tpu.memory_space<semaphore_mem>>) {add = true}
    %dma_wait3A_1534 = arith.constant 8 : i32
    %dma_wait3A_1535 = arith.constant 0 : i32
    %dma_wait3A_1536 = tpu.memref_slice %arg7[%dma_wait3A_1534, %dma_wait3A_1535] : memref<50x200xi32, #tpu.memory_space<vmem>> -> memref<1x200xi32, #tpu.memory_space<vmem>>
    %dma_wait3A_1537 = tpu.memref_squeeze %dma_wait3A_1536 : memref<1x200xi32, #tpu.memory_space<vmem>> -> memref<200xi32, #tpu.memory_space<vmem>>
    %dma_wait3A_1538 = arith.constant 0 : i32
    %dma_wait3A_1539 = arith.constant 0 : i32
    %dma_wait3A_1540 = tpu.memref_slice %arg11[%dma_wait3A_1538, %dma_wait3A_1539] : memref<10000x64xf32, #tpu.memory_space<vmem_shared>> -> memref<10000x64xf32, #tpu.memory_space<vmem_shared>>
    tpu.wait_indirect_dma semaphore(%arg18 : memref<!tpu.dma_semaphore, #tpu.memory_space<semaphore_mem>>) src(%arg10 : memref<200x64xf32, #tpu.memory_space<vmem>>) dst(%dma_wait3A_1540 : memref<10000x64xf32, #tpu.memory_space<vmem_shared>>)
    %dma_start3A_1541 = arith.constant 2200 : i32
    %dma_start3A_1542 = tpu.memref_slice %arg6[%dma_start3A_1541] : memref<10000xi32, #tpu.memory_space<vmem>> -> memref<200xi32, #tpu.memory_space<vmem>>
    %dma_start3A_1543 = arith.constant 0 : i32
    %dma_start3A_1544 = arith.constant 0 : i32
    %dma_start3A_1545 = tpu.memref_slice %arg3[%dma_start3A_1543, %dma_start3A_1544] : memref<10000x64xf32, #tpu.memory_space<hbm>> -> memref<10000x64xf32, #tpu.memory_space<hbm>>
    tpu.enqueue_indirect_dma source(%dma_start3A_1545 : memref<10000x64xf32, #tpu.memory_space<hbm>>) target(%arg10 : memref<200x64xf32, #tpu.memory_space<vmem>>) offsets(%dma_start3A_1542 : memref<200xi32, #tpu.memory_space<vmem>>) semaphore(%arg15 : memref<!tpu.dma_semaphore, #tpu.memory_space<semaphore_mem>>)
    %dma_wait3A_1546 = arith.constant 1800 : i32
    %dma_wait3A_1547 = tpu.memref_slice %arg6[%dma_wait3A_1546] : memref<10000xi32, #tpu.memory_space<vmem>> -> memref<200xi32, #tpu.memory_space<vmem>>
    %dma_wait3A_1548 = arith.constant 0 : i32
    %dma_wait3A_1549 = arith.constant 0 : i32
    %dma_wait3A_1550 = tpu.memref_slice %arg3[%dma_wait3A_1548, %dma_wait3A_1549] : memref<10000x64xf32, #tpu.memory_space<hbm>> -> memref<10000x64xf32, #tpu.memory_space<hbm>>
    tpu.wait_indirect_dma semaphore(%arg13 : memref<!tpu.dma_semaphore, #tpu.memory_space<semaphore_mem>>) src(%dma_wait3A_1550 : memref<10000x64xf32, #tpu.memory_space<hbm>>) dst(%arg8 : memref<200x64xf32, #tpu.memory_space<vmem>>)
    %dma_start3A_1551 = arith.constant 9 : i32
    %dma_start3A_1552 = arith.constant 0 : i32
    %dma_start3A_1553 = tpu.memref_slice %arg7[%dma_start3A_1551, %dma_start3A_1552] : memref<50x200xi32, #tpu.memory_space<vmem>> -> memref<1x200xi32, #tpu.memory_space<vmem>>
    %dma_start3A_1554 = tpu.memref_squeeze %dma_start3A_1553 : memref<1x200xi32, #tpu.memory_space<vmem>> -> memref<200xi32, #tpu.memory_space<vmem>>
    %dma_start3A_1555 = arith.constant 0 : i32
    %dma_start3A_1556 = arith.constant 0 : i32
    %dma_start3A_1557 = tpu.memref_slice %arg11[%dma_start3A_1555, %dma_start3A_1556] : memref<10000x64xf32, #tpu.memory_space<vmem_shared>> -> memref<10000x64xf32, #tpu.memory_space<vmem_shared>>
    tpu.enqueue_indirect_dma source(%arg8 : memref<200x64xf32, #tpu.memory_space<vmem>>) target(%dma_start3A_1557 : memref<10000x64xf32, #tpu.memory_space<vmem_shared>>) offsets(%dma_start3A_1554 : memref<200xi32, #tpu.memory_space<vmem>>) semaphore(%arg16 : memref<!tpu.dma_semaphore, #tpu.memory_space<semaphore_mem>>) {add = true}
    %dma_wait3A_1558 = arith.constant 9 : i32
    %dma_wait3A_1559 = arith.constant 0 : i32
    %dma_wait3A_1560 = tpu.memref_slice %arg7[%dma_wait3A_1558, %dma_wait3A_1559] : memref<50x200xi32, #tpu.memory_space<vmem>> -> memref<1x200xi32, #tpu.memory_space<vmem>>
    %dma_wait3A_1561 = tpu.memref_squeeze %dma_wait3A_1560 : memref<1x200xi32, #tpu.memory_space<vmem>> -> memref<200xi32, #tpu.memory_space<vmem>>
    %dma_wait3A_1562 = arith.constant 0 : i32
    %dma_wait3A_1563 = arith.constant 0 : i32
    %dma_wait3A_1564 = tpu.memref_slice %arg11[%dma_wait3A_1562, %dma_wait3A_1563] : memref<10000x64xf32, #tpu.memory_space<vmem_shared>> -> memref<10000x64xf32, #tpu.memory_space<vmem_shared>>
    tpu.wait_indirect_dma semaphore(%arg16 : memref<!tpu.dma_semaphore, #tpu.memory_space<semaphore_mem>>) src(%arg8 : memref<200x64xf32, #tpu.memory_space<vmem>>) dst(%dma_wait3A_1564 : memref<10000x64xf32, #tpu.memory_space<vmem_shared>>)
    %dma_start3A_1565 = arith.constant 2400 : i32
    %dma_start3A_1566 = tpu.memref_slice %arg6[%dma_start3A_1565] : memref<10000xi32, #tpu.memory_space<vmem>> -> memref<200xi32, #tpu.memory_space<vmem>>
    %dma_start3A_1567 = arith.constant 0 : i32
    %dma_start3A_1568 = arith.constant 0 : i32
    %dma_start3A_1569 = tpu.memref_slice %arg3[%dma_start3A_1567, %dma_start3A_1568] : memref<10000x64xf32, #tpu.memory_space<hbm>> -> memref<10000x64xf32, #tpu.memory_space<hbm>>
    tpu.enqueue_indirect_dma source(%dma_start3A_1569 : memref<10000x64xf32, #tpu.memory_space<hbm>>) target(%arg8 : memref<200x64xf32, #tpu.memory_space<vmem>>) offsets(%dma_start3A_1566 : memref<200xi32, #tpu.memory_space<vmem>>) semaphore(%arg13 : memref<!tpu.dma_semaphore, #tpu.memory_space<semaphore_mem>>)
    %dma_wait3A_1570 = arith.constant 2000 : i32
    %dma_wait3A_1571 = tpu.memref_slice %arg6[%dma_wait3A_1570] : memref<10000xi32, #tpu.memory_space<vmem>> -> memref<200xi32, #tpu.memory_space<vmem>>
    %dma_wait3A_1572 = arith.constant 0 : i32
    %dma_wait3A_1573 = arith.constant 0 : i32
    %dma_wait3A_1574 = tpu.memref_slice %arg3[%dma_wait3A_1572, %dma_wait3A_1573] : memref<10000x64xf32, #tpu.memory_space<hbm>> -> memref<10000x64xf32, #tpu.memory_space<hbm>>
    tpu.wait_indirect_dma semaphore(%arg14 : memref<!tpu.dma_semaphore, #tpu.memory_space<semaphore_mem>>) src(%dma_wait3A_1574 : memref<10000x64xf32, #tpu.memory_space<hbm>>) dst(%arg9 : memref<200x64xf32, #tpu.memory_space<vmem>>)
    %dma_start3A_1575 = arith.constant 10 : i32
    %dma_start3A_1576 = arith.constant 0 : i32
    %dma_start3A_1577 = tpu.memref_slice %arg7[%dma_start3A_1575, %dma_start3A_1576] : memref<50x200xi32, #tpu.memory_space<vmem>> -> memref<1x200xi32, #tpu.memory_space<vmem>>
    %dma_start3A_1578 = tpu.memref_squeeze %dma_start3A_1577 : memref<1x200xi32, #tpu.memory_space<vmem>> -> memref<200xi32, #tpu.memory_space<vmem>>
    %dma_start3A_1579 = arith.constant 0 : i32
    %dma_start3A_1580 = arith.constant 0 : i32
    %dma_start3A_1581 = tpu.memref_slice %arg11[%dma_start3A_1579, %dma_start3A_1580] : memref<10000x64xf32, #tpu.memory_space<vmem_shared>> -> memref<10000x64xf32, #tpu.memory_space<vmem_shared>>
    tpu.enqueue_indirect_dma source(%arg9 : memref<200x64xf32, #tpu.memory_space<vmem>>) target(%dma_start3A_1581 : memref<10000x64xf32, #tpu.memory_space<vmem_shared>>) offsets(%dma_start3A_1578 : memref<200xi32, #tpu.memory_space<vmem>>) semaphore(%arg17 : memref<!tpu.dma_semaphore, #tpu.memory_space<semaphore_mem>>) {add = true}
    %dma_wait3A_1582 = arith.constant 10 : i32
    %dma_wait3A_1583 = arith.constant 0 : i32
    %dma_wait3A_1584 = tpu.memref_slice %arg7[%dma_wait3A_1582, %dma_wait3A_1583] : memref<50x200xi32, #tpu.memory_space<vmem>> -> memref<1x200xi32, #tpu.memory_space<vmem>>
    %dma_wait3A_1585 = tpu.memref_squeeze %dma_wait3A_1584 : memref<1x200xi32, #tpu.memory_space<vmem>> -> memref<200xi32, #tpu.memory_space<vmem>>
    %dma_wait3A_1586 = arith.constant 0 : i32
    %dma_wait3A_1587 = arith.constant 0 : i32
    %dma_wait3A_1588 = tpu.memref_slice %arg11[%dma_wait3A_1586, %dma_wait3A_1587] : memref<10000x64xf32, #tpu.memory_space<vmem_shared>> -> memref<10000x64xf32, #tpu.memory_space<vmem_shared>>
    tpu.wait_indirect_dma semaphore(%arg17 : memref<!tpu.dma_semaphore, #tpu.memory_space<semaphore_mem>>) src(%arg9 : memref<200x64xf32, #tpu.memory_space<vmem>>) dst(%dma_wait3A_1588 : memref<10000x64xf32, #tpu.memory_space<vmem_shared>>)
    %dma_start3A_1589 = arith.constant 2600 : i32
    %dma_start3A_1590 = tpu.memref_slice %arg6[%dma_start3A_1589] : memref<10000xi32, #tpu.memory_space<vmem>> -> memref<200xi32, #tpu.memory_space<vmem>>
    %dma_start3A_1591 = arith.constant 0 : i32
    %dma_start3A_1592 = arith.constant 0 : i32
    %dma_start3A_1593 = tpu.memref_slice %arg3[%dma_start3A_1591, %dma_start3A_1592] : memref<10000x64xf32, #tpu.memory_space<hbm>> -> memref<10000x64xf32, #tpu.memory_space<hbm>>
    tpu.enqueue_indirect_dma source(%dma_start3A_1593 : memref<10000x64xf32, #tpu.memory_space<hbm>>) target(%arg9 : memref<200x64xf32, #tpu.memory_space<vmem>>) offsets(%dma_start3A_1590 : memref<200xi32, #tpu.memory_space<vmem>>) semaphore(%arg14 : memref<!tpu.dma_semaphore, #tpu.memory_space<semaphore_mem>>)
    %dma_wait3A_1594 = arith.constant 2200 : i32
    %dma_wait3A_1595 = tpu.memref_slice %arg6[%dma_wait3A_1594] : memref<10000xi32, #tpu.memory_space<vmem>> -> memref<200xi32, #tpu.memory_space<vmem>>
    %dma_wait3A_1596 = arith.constant 0 : i32
    %dma_wait3A_1597 = arith.constant 0 : i32
    %dma_wait3A_1598 = tpu.memref_slice %arg3[%dma_wait3A_1596, %dma_wait3A_1597] : memref<10000x64xf32, #tpu.memory_space<hbm>> -> memref<10000x64xf32, #tpu.memory_space<hbm>>
    tpu.wait_indirect_dma semaphore(%arg15 : memref<!tpu.dma_semaphore, #tpu.memory_space<semaphore_mem>>) src(%dma_wait3A_1598 : memref<10000x64xf32, #tpu.memory_space<hbm>>) dst(%arg10 : memref<200x64xf32, #tpu.memory_space<vmem>>)
    %dma_start3A_1599 = arith.constant 11 : i32
    %dma_start3A_1600 = arith.constant 0 : i32
    %dma_start3A_1601 = tpu.memref_slice %arg7[%dma_start3A_1599, %dma_start3A_1600] : memref<50x200xi32, #tpu.memory_space<vmem>> -> memref<1x200xi32, #tpu.memory_space<vmem>>
    %dma_start3A_1602 = tpu.memref_squeeze %dma_start3A_1601 : memref<1x200xi32, #tpu.memory_space<vmem>> -> memref<200xi32, #tpu.memory_space<vmem>>
    %dma_start3A_1603 = arith.constant 0 : i32
    %dma_start3A_1604 = arith.constant 0 : i32
    %dma_start3A_1605 = tpu.memref_slice %arg11[%dma_start3A_1603, %dma_start3A_1604] : memref<10000x64xf32, #tpu.memory_space<vmem_shared>> -> memref<10000x64xf32, #tpu.memory_space<vmem_shared>>
    tpu.enqueue_indirect_dma source(%arg10 : memref<200x64xf32, #tpu.memory_space<vmem>>) target(%dma_start3A_1605 : memref<10000x64xf32, #tpu.memory_space<vmem_shared>>) offsets(%dma_start3A_1602 : memref<200xi32, #tpu.memory_space<vmem>>) semaphore(%arg18 : memref<!tpu.dma_semaphore, #tpu.memory_space<semaphore_mem>>) {add = true}
    %dma_wait3A_1606 = arith.constant 11 : i32
    %dma_wait3A_1607 = arith.constant 0 : i32
    %dma_wait3A_1608 = tpu.memref_slice %arg7[%dma_wait3A_1606, %dma_wait3A_1607] : memref<50x200xi32, #tpu.memory_space<vmem>> -> memref<1x200xi32, #tpu.memory_space<vmem>>
    %dma_wait3A_1609 = tpu.memref_squeeze %dma_wait3A_1608 : memref<1x200xi32, #tpu.memory_space<vmem>> -> memref<200xi32, #tpu.memory_space<vmem>>
    %dma_wait3A_1610 = arith.constant 0 : i32
    %dma_wait3A_1611 = arith.constant 0 : i32
    %dma_wait3A_1612 = tpu.memref_slice %arg11[%dma_wait3A_1610, %dma_wait3A_1611] : memref<10000x64xf32, #tpu.memory_space<vmem_shared>> -> memref<10000x64xf32, #tpu.memory_space<vmem_shared>>
    tpu.wait_indirect_dma semaphore(%arg18 : memref<!tpu.dma_semaphore, #tpu.memory_space<semaphore_mem>>) src(%arg10 : memref<200x64xf32, #tpu.memory_space<vmem>>) dst(%dma_wait3A_1612 : memref<10000x64xf32, #tpu.memory_space<vmem_shared>>)
    %dma_start3A_1613 = arith.constant 2800 : i32
    %dma_start3A_1614 = tpu.memref_slice %arg6[%dma_start3A_1613] : memref<10000xi32, #tpu.memory_space<vmem>> -> memref<200xi32, #tpu.memory_space<vmem>>
    %dma_start3A_1615 = arith.constant 0 : i32
    %dma_start3A_1616 = arith.constant 0 : i32
    %dma_start3A_1617 = tpu.memref_slice %arg3[%dma_start3A_1615, %dma_start3A_1616] : memref<10000x64xf32, #tpu.memory_space<hbm>> -> memref<10000x64xf32, #tpu.memory_space<hbm>>
    tpu.enqueue_indirect_dma source(%dma_start3A_1617 : memref<10000x64xf32, #tpu.memory_space<hbm>>) target(%arg10 : memref<200x64xf32, #tpu.memory_space<vmem>>) offsets(%dma_start3A_1614 : memref<200xi32, #tpu.memory_space<vmem>>) semaphore(%arg15 : memref<!tpu.dma_semaphore, #tpu.memory_space<semaphore_mem>>)
    %dma_wait3A_1618 = arith.constant 2400 : i32
    %dma_wait3A_1619 = tpu.memref_slice %arg6[%dma_wait3A_1618] : memref<10000xi32, #tpu.memory_space<vmem>> -> memref<200xi32, #tpu.memory_space<vmem>>
    %dma_wait3A_1620 = arith.constant 0 : i32
    %dma_wait3A_1621 = arith.constant 0 : i32
    %dma_wait3A_1622 = tpu.memref_slice %arg3[%dma_wait3A_1620, %dma_wait3A_1621] : memref<10000x64xf32, #tpu.memory_space<hbm>> -> memref<10000x64xf32, #tpu.memory_space<hbm>>
    tpu.wait_indirect_dma semaphore(%arg13 : memref<!tpu.dma_semaphore, #tpu.memory_space<semaphore_mem>>) src(%dma_wait3A_1622 : memref<10000x64xf32, #tpu.memory_space<hbm>>) dst(%arg8 : memref<200x64xf32, #tpu.memory_space<vmem>>)
    %dma_start3A_1623 = arith.constant 12 : i32
    %dma_start3A_1624 = arith.constant 0 : i32
    %dma_start3A_1625 = tpu.memref_slice %arg7[%dma_start3A_1623, %dma_start3A_1624] : memref<50x200xi32, #tpu.memory_space<vmem>> -> memref<1x200xi32, #tpu.memory_space<vmem>>
    %dma_start3A_1626 = tpu.memref_squeeze %dma_start3A_1625 : memref<1x200xi32, #tpu.memory_space<vmem>> -> memref<200xi32, #tpu.memory_space<vmem>>
    %dma_start3A_1627 = arith.constant 0 : i32
    %dma_start3A_1628 = arith.constant 0 : i32
    %dma_start3A_1629 = tpu.memref_slice %arg11[%dma_start3A_1627, %dma_start3A_1628] : memref<10000x64xf32, #tpu.memory_space<vmem_shared>> -> memref<10000x64xf32, #tpu.memory_space<vmem_shared>>
    tpu.enqueue_indirect_dma source(%arg8 : memref<200x64xf32, #tpu.memory_space<vmem>>) target(%dma_start3A_1629 : memref<10000x64xf32, #tpu.memory_space<vmem_shared>>) offsets(%dma_start3A_1626 : memref<200xi32, #tpu.memory_space<vmem>>) semaphore(%arg16 : memref<!tpu.dma_semaphore, #tpu.memory_space<semaphore_mem>>) {add = true}
    %dma_wait3A_1630 = arith.constant 12 : i32
    %dma_wait3A_1631 = arith.constant 0 : i32
    %dma_wait3A_1632 = tpu.memref_slice %arg7[%dma_wait3A_1630, %dma_wait3A_1631] : memref<50x200xi32, #tpu.memory_space<vmem>> -> memref<1x200xi32, #tpu.memory_space<vmem>>
    %dma_wait3A_1633 = tpu.memref_squeeze %dma_wait3A_1632 : memref<1x200xi32, #tpu.memory_space<vmem>> -> memref<200xi32, #tpu.memory_space<vmem>>
    %dma_wait3A_1634 = arith.constant 0 : i32
    %dma_wait3A_1635 = arith.constant 0 : i32
    %dma_wait3A_1636 = tpu.memref_slice %arg11[%dma_wait3A_1634, %dma_wait3A_1635] : memref<10000x64xf32, #tpu.memory_space<vmem_shared>> -> memref<10000x64xf32, #tpu.memory_space<vmem_shared>>
    tpu.wait_indirect_dma semaphore(%arg16 : memref<!tpu.dma_semaphore, #tpu.memory_space<semaphore_mem>>) src(%arg8 : memref<200x64xf32, #tpu.memory_space<vmem>>) dst(%dma_wait3A_1636 : memref<10000x64xf32, #tpu.memory_space<vmem_shared>>)
    %dma_start3A_1637 = arith.constant 3000 : i32
    %dma_start3A_1638 = tpu.memref_slice %arg6[%dma_start3A_1637] : memref<10000xi32, #tpu.memory_space<vmem>> -> memref<200xi32, #tpu.memory_space<vmem>>
    %dma_start3A_1639 = arith.constant 0 : i32
    %dma_start3A_1640 = arith.constant 0 : i32
    %dma_start3A_1641 = tpu.memref_slice %arg3[%dma_start3A_1639, %dma_start3A_1640] : memref<10000x64xf32, #tpu.memory_space<hbm>> -> memref<10000x64xf32, #tpu.memory_space<hbm>>
    tpu.enqueue_indirect_dma source(%dma_start3A_1641 : memref<10000x64xf32, #tpu.memory_space<hbm>>) target(%arg8 : memref<200x64xf32, #tpu.memory_space<vmem>>) offsets(%dma_start3A_1638 : memref<200xi32, #tpu.memory_space<vmem>>) semaphore(%arg13 : memref<!tpu.dma_semaphore, #tpu.memory_space<semaphore_mem>>)
    %dma_wait3A_1642 = arith.constant 2600 : i32
    %dma_wait3A_1643 = tpu.memref_slice %arg6[%dma_wait3A_1642] : memref<10000xi32, #tpu.memory_space<vmem>> -> memref<200xi32, #tpu.memory_space<vmem>>
    %dma_wait3A_1644 = arith.constant 0 : i32
    %dma_wait3A_1645 = arith.constant 0 : i32
    %dma_wait3A_1646 = tpu.memref_slice %arg3[%dma_wait3A_1644, %dma_wait3A_1645] : memref<10000x64xf32, #tpu.memory_space<hbm>> -> memref<10000x64xf32, #tpu.memory_space<hbm>>
    tpu.wait_indirect_dma semaphore(%arg14 : memref<!tpu.dma_semaphore, #tpu.memory_space<semaphore_mem>>) src(%dma_wait3A_1646 : memref<10000x64xf32, #tpu.memory_space<hbm>>) dst(%arg9 : memref<200x64xf32, #tpu.memory_space<vmem>>)
    %dma_start3A_1647 = arith.constant 13 : i32
    %dma_start3A_1648 = arith.constant 0 : i32
    %dma_start3A_1649 = tpu.memref_slice %arg7[%dma_start3A_1647, %dma_start3A_1648] : memref<50x200xi32, #tpu.memory_space<vmem>> -> memref<1x200xi32, #tpu.memory_space<vmem>>
    %dma_start3A_1650 = tpu.memref_squeeze %dma_start3A_1649 : memref<1x200xi32, #tpu.memory_space<vmem>> -> memref<200xi32, #tpu.memory_space<vmem>>
    %dma_start3A_1651 = arith.constant 0 : i32
    %dma_start3A_1652 = arith.constant 0 : i32
    %dma_start3A_1653 = tpu.memref_slice %arg11[%dma_start3A_1651, %dma_start3A_1652] : memref<10000x64xf32, #tpu.memory_space<vmem_shared>> -> memref<10000x64xf32, #tpu.memory_space<vmem_shared>>
    tpu.enqueue_indirect_dma source(%arg9 : memref<200x64xf32, #tpu.memory_space<vmem>>) target(%dma_start3A_1653 : memref<10000x64xf32, #tpu.memory_space<vmem_shared>>) offsets(%dma_start3A_1650 : memref<200xi32, #tpu.memory_space<vmem>>) semaphore(%arg17 : memref<!tpu.dma_semaphore, #tpu.memory_space<semaphore_mem>>) {add = true}
    %dma_wait3A_1654 = arith.constant 13 : i32
    %dma_wait3A_1655 = arith.constant 0 : i32
    %dma_wait3A_1656 = tpu.memref_slice %arg7[%dma_wait3A_1654, %dma_wait3A_1655] : memref<50x200xi32, #tpu.memory_space<vmem>> -> memref<1x200xi32, #tpu.memory_space<vmem>>
    %dma_wait3A_1657 = tpu.memref_squeeze %dma_wait3A_1656 : memref<1x200xi32, #tpu.memory_space<vmem>> -> memref<200xi32, #tpu.memory_space<vmem>>
    %dma_wait3A_1658 = arith.constant 0 : i32
    %dma_wait3A_1659 = arith.constant 0 : i32
    %dma_wait3A_1660 = tpu.memref_slice %arg11[%dma_wait3A_1658, %dma_wait3A_1659] : memref<10000x64xf32, #tpu.memory_space<vmem_shared>> -> memref<10000x64xf32, #tpu.memory_space<vmem_shared>>
    tpu.wait_indirect_dma semaphore(%arg17 : memref<!tpu.dma_semaphore, #tpu.memory_space<semaphore_mem>>) src(%arg9 : memref<200x64xf32, #tpu.memory_space<vmem>>) dst(%dma_wait3A_1660 : memref<10000x64xf32, #tpu.memory_space<vmem_shared>>)
    %dma_start3A_1661 = arith.constant 3200 : i32
    %dma_start3A_1662 = tpu.memref_slice %arg6[%dma_start3A_1661] : memref<10000xi32, #tpu.memory_space<vmem>> -> memref<200xi32, #tpu.memory_space<vmem>>
    %dma_start3A_1663 = arith.constant 0 : i32
    %dma_start3A_1664 = arith.constant 0 : i32
    %dma_start3A_1665 = tpu.memref_slice %arg3[%dma_start3A_1663, %dma_start3A_1664] : memref<10000x64xf32, #tpu.memory_space<hbm>> -> memref<10000x64xf32, #tpu.memory_space<hbm>>
    tpu.enqueue_indirect_dma source(%dma_start3A_1665 : memref<10000x64xf32, #tpu.memory_space<hbm>>) target(%arg9 : memref<200x64xf32, #tpu.memory_space<vmem>>) offsets(%dma_start3A_1662 : memref<200xi32, #tpu.memory_space<vmem>>) semaphore(%arg14 : memref<!tpu.dma_semaphore, #tpu.memory_space<semaphore_mem>>)
    %dma_wait3A_1666 = arith.constant 2800 : i32
    %dma_wait3A_1667 = tpu.memref_slice %arg6[%dma_wait3A_1666] : memref<10000xi32, #tpu.memory_space<vmem>> -> memref<200xi32, #tpu.memory_space<vmem>>
    %dma_wait3A_1668 = arith.constant 0 : i32
    %dma_wait3A_1669 = arith.constant 0 : i32
    %dma_wait3A_1670 = tpu.memref_slice %arg3[%dma_wait3A_1668, %dma_wait3A_1669] : memref<10000x64xf32, #tpu.memory_space<hbm>> -> memref<10000x64xf32, #tpu.memory_space<hbm>>
    tpu.wait_indirect_dma semaphore(%arg15 : memref<!tpu.dma_semaphore, #tpu.memory_space<semaphore_mem>>) src(%dma_wait3A_1670 : memref<10000x64xf32, #tpu.memory_space<hbm>>) dst(%arg10 : memref<200x64xf32, #tpu.memory_space<vmem>>)
    %dma_start3A_1671 = arith.constant 14 : i32
    %dma_start3A_1672 = arith.constant 0 : i32
    %dma_start3A_1673 = tpu.memref_slice %arg7[%dma_start3A_1671, %dma_start3A_1672] : memref<50x200xi32, #tpu.memory_space<vmem>> -> memref<1x200xi32, #tpu.memory_space<vmem>>
    %dma_start3A_1674 = tpu.memref_squeeze %dma_start3A_1673 : memref<1x200xi32, #tpu.memory_space<vmem>> -> memref<200xi32, #tpu.memory_space<vmem>>
    %dma_start3A_1675 = arith.constant 0 : i32
    %dma_start3A_1676 = arith.constant 0 : i32
    %dma_start3A_1677 = tpu.memref_slice %arg11[%dma_start3A_1675, %dma_start3A_1676] : memref<10000x64xf32, #tpu.memory_space<vmem_shared>> -> memref<10000x64xf32, #tpu.memory_space<vmem_shared>>
    tpu.enqueue_indirect_dma source(%arg10 : memref<200x64xf32, #tpu.memory_space<vmem>>) target(%dma_start3A_1677 : memref<10000x64xf32, #tpu.memory_space<vmem_shared>>) offsets(%dma_start3A_1674 : memref<200xi32, #tpu.memory_space<vmem>>) semaphore(%arg18 : memref<!tpu.dma_semaphore, #tpu.memory_space<semaphore_mem>>) {add = true}
    %dma_wait3A_1678 = arith.constant 14 : i32
    %dma_wait3A_1679 = arith.constant 0 : i32
    %dma_wait3A_1680 = tpu.memref_slice %arg7[%dma_wait3A_1678, %dma_wait3A_1679] : memref<50x200xi32, #tpu.memory_space<vmem>> -> memref<1x200xi32, #tpu.memory_space<vmem>>
    %dma_wait3A_1681 = tpu.memref_squeeze %dma_wait3A_1680 : memref<1x200xi32, #tpu.memory_space<vmem>> -> memref<200xi32, #tpu.memory_space<vmem>>
    %dma_wait3A_1682 = arith.constant 0 : i32
    %dma_wait3A_1683 = arith.constant 0 : i32
    %dma_wait3A_1684 = tpu.memref_slice %arg11[%dma_wait3A_1682, %dma_wait3A_1683] : memref<10000x64xf32, #tpu.memory_space<vmem_shared>> -> memref<10000x64xf32, #tpu.memory_space<vmem_shared>>
    tpu.wait_indirect_dma semaphore(%arg18 : memref<!tpu.dma_semaphore, #tpu.memory_space<semaphore_mem>>) src(%arg10 : memref<200x64xf32, #tpu.memory_space<vmem>>) dst(%dma_wait3A_1684 : memref<10000x64xf32, #tpu.memory_space<vmem_shared>>)
    %dma_start3A_1685 = arith.constant 3400 : i32
    %dma_start3A_1686 = tpu.memref_slice %arg6[%dma_start3A_1685] : memref<10000xi32, #tpu.memory_space<vmem>> -> memref<200xi32, #tpu.memory_space<vmem>>
    %dma_start3A_1687 = arith.constant 0 : i32
    %dma_start3A_1688 = arith.constant 0 : i32
    %dma_start3A_1689 = tpu.memref_slice %arg3[%dma_start3A_1687, %dma_start3A_1688] : memref<10000x64xf32, #tpu.memory_space<hbm>> -> memref<10000x64xf32, #tpu.memory_space<hbm>>
    tpu.enqueue_indirect_dma source(%dma_start3A_1689 : memref<10000x64xf32, #tpu.memory_space<hbm>>) target(%arg10 : memref<200x64xf32, #tpu.memory_space<vmem>>) offsets(%dma_start3A_1686 : memref<200xi32, #tpu.memory_space<vmem>>) semaphore(%arg15 : memref<!tpu.dma_semaphore, #tpu.memory_space<semaphore_mem>>)
    %dma_wait3A_1690 = arith.constant 3000 : i32
    %dma_wait3A_1691 = tpu.memref_slice %arg6[%dma_wait3A_1690] : memref<10000xi32, #tpu.memory_space<vmem>> -> memref<200xi32, #tpu.memory_space<vmem>>
    %dma_wait3A_1692 = arith.constant 0 : i32
    %dma_wait3A_1693 = arith.constant 0 : i32
    %dma_wait3A_1694 = tpu.memref_slice %arg3[%dma_wait3A_1692, %dma_wait3A_1693] : memref<10000x64xf32, #tpu.memory_space<hbm>> -> memref<10000x64xf32, #tpu.memory_space<hbm>>
    tpu.wait_indirect_dma semaphore(%arg13 : memref<!tpu.dma_semaphore, #tpu.memory_space<semaphore_mem>>) src(%dma_wait3A_1694 : memref<10000x64xf32, #tpu.memory_space<hbm>>) dst(%arg8 : memref<200x64xf32, #tpu.memory_space<vmem>>)
    %dma_start3A_1695 = arith.constant 15 : i32
    %dma_start3A_1696 = arith.constant 0 : i32
    %dma_start3A_1697 = tpu.memref_slice %arg7[%dma_start3A_1695, %dma_start3A_1696] : memref<50x200xi32, #tpu.memory_space<vmem>> -> memref<1x200xi32, #tpu.memory_space<vmem>>
    %dma_start3A_1698 = tpu.memref_squeeze %dma_start3A_1697 : memref<1x200xi32, #tpu.memory_space<vmem>> -> memref<200xi32, #tpu.memory_space<vmem>>
    %dma_start3A_1699 = arith.constant 0 : i32
    %dma_start3A_1700 = arith.constant 0 : i32
    %dma_start3A_1701 = tpu.memref_slice %arg11[%dma_start3A_1699, %dma_start3A_1700] : memref<10000x64xf32, #tpu.memory_space<vmem_shared>> -> memref<10000x64xf32, #tpu.memory_space<vmem_shared>>
    tpu.enqueue_indirect_dma source(%arg8 : memref<200x64xf32, #tpu.memory_space<vmem>>) target(%dma_start3A_1701 : memref<10000x64xf32, #tpu.memory_space<vmem_shared>>) offsets(%dma_start3A_1698 : memref<200xi32, #tpu.memory_space<vmem>>) semaphore(%arg16 : memref<!tpu.dma_semaphore, #tpu.memory_space<semaphore_mem>>) {add = true}
    %dma_wait3A_1702 = arith.constant 15 : i32
    %dma_wait3A_1703 = arith.constant 0 : i32
    %dma_wait3A_1704 = tpu.memref_slice %arg7[%dma_wait3A_1702, %dma_wait3A_1703] : memref<50x200xi32, #tpu.memory_space<vmem>> -> memref<1x200xi32, #tpu.memory_space<vmem>>
    %dma_wait3A_1705 = tpu.memref_squeeze %dma_wait3A_1704 : memref<1x200xi32, #tpu.memory_space<vmem>> -> memref<200xi32, #tpu.memory_space<vmem>>
    %dma_wait3A_1706 = arith.constant 0 : i32
    %dma_wait3A_1707 = arith.constant 0 : i32
    %dma_wait3A_1708 = tpu.memref_slice %arg11[%dma_wait3A_1706, %dma_wait3A_1707] : memref<10000x64xf32, #tpu.memory_space<vmem_shared>> -> memref<10000x64xf32, #tpu.memory_space<vmem_shared>>
    tpu.wait_indirect_dma semaphore(%arg16 : memref<!tpu.dma_semaphore, #tpu.memory_space<semaphore_mem>>) src(%arg8 : memref<200x64xf32, #tpu.memory_space<vmem>>) dst(%dma_wait3A_1708 : memref<10000x64xf32, #tpu.memory_space<vmem_shared>>)
    %dma_start3A_1709 = arith.constant 3600 : i32
    %dma_start3A_1710 = tpu.memref_slice %arg6[%dma_start3A_1709] : memref<10000xi32, #tpu.memory_space<vmem>> -> memref<200xi32, #tpu.memory_space<vmem>>
    %dma_start3A_1711 = arith.constant 0 : i32
    %dma_start3A_1712 = arith.constant 0 : i32
    %dma_start3A_1713 = tpu.memref_slice %arg3[%dma_start3A_1711, %dma_start3A_1712] : memref<10000x64xf32, #tpu.memory_space<hbm>> -> memref<10000x64xf32, #tpu.memory_space<hbm>>
    tpu.enqueue_indirect_dma source(%dma_start3A_1713 : memref<10000x64xf32, #tpu.memory_space<hbm>>) target(%arg8 : memref<200x64xf32, #tpu.memory_space<vmem>>) offsets(%dma_start3A_1710 : memref<200xi32, #tpu.memory_space<vmem>>) semaphore(%arg13 : memref<!tpu.dma_semaphore, #tpu.memory_space<semaphore_mem>>)
    %dma_wait3A_1714 = arith.constant 3200 : i32
    %dma_wait3A_1715 = tpu.memref_slice %arg6[%dma_wait3A_1714] : memref<10000xi32, #tpu.memory_space<vmem>> -> memref<200xi32, #tpu.memory_space<vmem>>
    %dma_wait3A_1716 = arith.constant 0 : i32
    %dma_wait3A_1717 = arith.constant 0 : i32
    %dma_wait3A_1718 = tpu.memref_slice %arg3[%dma_wait3A_1716, %dma_wait3A_1717] : memref<10000x64xf32, #tpu.memory_space<hbm>> -> memref<10000x64xf32, #tpu.memory_space<hbm>>
    tpu.wait_indirect_dma semaphore(%arg14 : memref<!tpu.dma_semaphore, #tpu.memory_space<semaphore_mem>>) src(%dma_wait3A_1718 : memref<10000x64xf32, #tpu.memory_space<hbm>>) dst(%arg9 : memref<200x64xf32, #tpu.memory_space<vmem>>)
    %dma_start3A_1719 = arith.constant 16 : i32
    %dma_start3A_1720 = arith.constant 0 : i32
    %dma_start3A_1721 = tpu.memref_slice %arg7[%dma_start3A_1719, %dma_start3A_1720] : memref<50x200xi32, #tpu.memory_space<vmem>> -> memref<1x200xi32, #tpu.memory_space<vmem>>
    %dma_start3A_1722 = tpu.memref_squeeze %dma_start3A_1721 : memref<1x200xi32, #tpu.memory_space<vmem>> -> memref<200xi32, #tpu.memory_space<vmem>>
    %dma_start3A_1723 = arith.constant 0 : i32
    %dma_start3A_1724 = arith.constant 0 : i32
    %dma_start3A_1725 = tpu.memref_slice %arg11[%dma_start3A_1723, %dma_start3A_1724] : memref<10000x64xf32, #tpu.memory_space<vmem_shared>> -> memref<10000x64xf32, #tpu.memory_space<vmem_shared>>
    tpu.enqueue_indirect_dma source(%arg9 : memref<200x64xf32, #tpu.memory_space<vmem>>) target(%dma_start3A_1725 : memref<10000x64xf32, #tpu.memory_space<vmem_shared>>) offsets(%dma_start3A_1722 : memref<200xi32, #tpu.memory_space<vmem>>) semaphore(%arg17 : memref<!tpu.dma_semaphore, #tpu.memory_space<semaphore_mem>>) {add = true}
    %dma_wait3A_1726 = arith.constant 16 : i32
    %dma_wait3A_1727 = arith.constant 0 : i32
    %dma_wait3A_1728 = tpu.memref_slice %arg7[%dma_wait3A_1726, %dma_wait3A_1727] : memref<50x200xi32, #tpu.memory_space<vmem>> -> memref<1x200xi32, #tpu.memory_space<vmem>>
    %dma_wait3A_1729 = tpu.memref_squeeze %dma_wait3A_1728 : memref<1x200xi32, #tpu.memory_space<vmem>> -> memref<200xi32, #tpu.memory_space<vmem>>
    %dma_wait3A_1730 = arith.constant 0 : i32
    %dma_wait3A_1731 = arith.constant 0 : i32
    %dma_wait3A_1732 = tpu.memref_slice %arg11[%dma_wait3A_1730, %dma_wait3A_1731] : memref<10000x64xf32, #tpu.memory_space<vmem_shared>> -> memref<10000x64xf32, #tpu.memory_space<vmem_shared>>
    tpu.wait_indirect_dma semaphore(%arg17 : memref<!tpu.dma_semaphore, #tpu.memory_space<semaphore_mem>>) src(%arg9 : memref<200x64xf32, #tpu.memory_space<vmem>>) dst(%dma_wait3A_1732 : memref<10000x64xf32, #tpu.memory_space<vmem_shared>>)
    %dma_start3A_1733 = arith.constant 3800 : i32
    %dma_start3A_1734 = tpu.memref_slice %arg6[%dma_start3A_1733] : memref<10000xi32, #tpu.memory_space<vmem>> -> memref<200xi32, #tpu.memory_space<vmem>>
    %dma_start3A_1735 = arith.constant 0 : i32
    %dma_start3A_1736 = arith.constant 0 : i32
    %dma_start3A_1737 = tpu.memref_slice %arg3[%dma_start3A_1735, %dma_start3A_1736] : memref<10000x64xf32, #tpu.memory_space<hbm>> -> memref<10000x64xf32, #tpu.memory_space<hbm>>
    tpu.enqueue_indirect_dma source(%dma_start3A_1737 : memref<10000x64xf32, #tpu.memory_space<hbm>>) target(%arg9 : memref<200x64xf32, #tpu.memory_space<vmem>>) offsets(%dma_start3A_1734 : memref<200xi32, #tpu.memory_space<vmem>>) semaphore(%arg14 : memref<!tpu.dma_semaphore, #tpu.memory_space<semaphore_mem>>)
    %dma_wait3A_1738 = arith.constant 3400 : i32
    %dma_wait3A_1739 = tpu.memref_slice %arg6[%dma_wait3A_1738] : memref<10000xi32, #tpu.memory_space<vmem>> -> memref<200xi32, #tpu.memory_space<vmem>>
    %dma_wait3A_1740 = arith.constant 0 : i32
    %dma_wait3A_1741 = arith.constant 0 : i32
    %dma_wait3A_1742 = tpu.memref_slice %arg3[%dma_wait3A_1740, %dma_wait3A_1741] : memref<10000x64xf32, #tpu.memory_space<hbm>> -> memref<10000x64xf32, #tpu.memory_space<hbm>>
    tpu.wait_indirect_dma semaphore(%arg15 : memref<!tpu.dma_semaphore, #tpu.memory_space<semaphore_mem>>) src(%dma_wait3A_1742 : memref<10000x64xf32, #tpu.memory_space<hbm>>) dst(%arg10 : memref<200x64xf32, #tpu.memory_space<vmem>>)
    %dma_start3A_1743 = arith.constant 17 : i32
    %dma_start3A_1744 = arith.constant 0 : i32
    %dma_start3A_1745 = tpu.memref_slice %arg7[%dma_start3A_1743, %dma_start3A_1744] : memref<50x200xi32, #tpu.memory_space<vmem>> -> memref<1x200xi32, #tpu.memory_space<vmem>>
    %dma_start3A_1746 = tpu.memref_squeeze %dma_start3A_1745 : memref<1x200xi32, #tpu.memory_space<vmem>> -> memref<200xi32, #tpu.memory_space<vmem>>
    %dma_start3A_1747 = arith.constant 0 : i32
    %dma_start3A_1748 = arith.constant 0 : i32
    %dma_start3A_1749 = tpu.memref_slice %arg11[%dma_start3A_1747, %dma_start3A_1748] : memref<10000x64xf32, #tpu.memory_space<vmem_shared>> -> memref<10000x64xf32, #tpu.memory_space<vmem_shared>>
    tpu.enqueue_indirect_dma source(%arg10 : memref<200x64xf32, #tpu.memory_space<vmem>>) target(%dma_start3A_1749 : memref<10000x64xf32, #tpu.memory_space<vmem_shared>>) offsets(%dma_start3A_1746 : memref<200xi32, #tpu.memory_space<vmem>>) semaphore(%arg18 : memref<!tpu.dma_semaphore, #tpu.memory_space<semaphore_mem>>) {add = true}
    %dma_wait3A_1750 = arith.constant 17 : i32
    %dma_wait3A_1751 = arith.constant 0 : i32
    %dma_wait3A_1752 = tpu.memref_slice %arg7[%dma_wait3A_1750, %dma_wait3A_1751] : memref<50x200xi32, #tpu.memory_space<vmem>> -> memref<1x200xi32, #tpu.memory_space<vmem>>
    %dma_wait3A_1753 = tpu.memref_squeeze %dma_wait3A_1752 : memref<1x200xi32, #tpu.memory_space<vmem>> -> memref<200xi32, #tpu.memory_space<vmem>>
    %dma_wait3A_1754 = arith.constant 0 : i32
    %dma_wait3A_1755 = arith.constant 0 : i32
    %dma_wait3A_1756 = tpu.memref_slice %arg11[%dma_wait3A_1754, %dma_wait3A_1755] : memref<10000x64xf32, #tpu.memory_space<vmem_shared>> -> memref<10000x64xf32, #tpu.memory_space<vmem_shared>>
    tpu.wait_indirect_dma semaphore(%arg18 : memref<!tpu.dma_semaphore, #tpu.memory_space<semaphore_mem>>) src(%arg10 : memref<200x64xf32, #tpu.memory_space<vmem>>) dst(%dma_wait3A_1756 : memref<10000x64xf32, #tpu.memory_space<vmem_shared>>)
    %dma_start3A_1757 = arith.constant 4000 : i32
    %dma_start3A_1758 = tpu.memref_slice %arg6[%dma_start3A_1757] : memref<10000xi32, #tpu.memory_space<vmem>> -> memref<200xi32, #tpu.memory_space<vmem>>
    %dma_start3A_1759 = arith.constant 0 : i32
    %dma_start3A_1760 = arith.constant 0 : i32
    %dma_start3A_1761 = tpu.memref_slice %arg3[%dma_start3A_1759, %dma_start3A_1760] : memref<10000x64xf32, #tpu.memory_space<hbm>> -> memref<10000x64xf32, #tpu.memory_space<hbm>>
    tpu.enqueue_indirect_dma source(%dma_start3A_1761 : memref<10000x64xf32, #tpu.memory_space<hbm>>) target(%arg10 : memref<200x64xf32, #tpu.memory_space<vmem>>) offsets(%dma_start3A_1758 : memref<200xi32, #tpu.memory_space<vmem>>) semaphore(%arg15 : memref<!tpu.dma_semaphore, #tpu.memory_space<semaphore_mem>>)
    %dma_wait3A_1762 = arith.constant 3600 : i32
    %dma_wait3A_1763 = tpu.memref_slice %arg6[%dma_wait3A_1762] : memref<10000xi32, #tpu.memory_space<vmem>> -> memref<200xi32, #tpu.memory_space<vmem>>
    %dma_wait3A_1764 = arith.constant 0 : i32
    %dma_wait3A_1765 = arith.constant 0 : i32
    %dma_wait3A_1766 = tpu.memref_slice %arg3[%dma_wait3A_1764, %dma_wait3A_1765] : memref<10000x64xf32, #tpu.memory_space<hbm>> -> memref<10000x64xf32, #tpu.memory_space<hbm>>
    tpu.wait_indirect_dma semaphore(%arg13 : memref<!tpu.dma_semaphore, #tpu.memory_space<semaphore_mem>>) src(%dma_wait3A_1766 : memref<10000x64xf32, #tpu.memory_space<hbm>>) dst(%arg8 : memref<200x64xf32, #tpu.memory_space<vmem>>)
    %dma_start3A_1767 = arith.constant 18 : i32
    %dma_start3A_1768 = arith.constant 0 : i32
    %dma_start3A_1769 = tpu.memref_slice %arg7[%dma_start3A_1767, %dma_start3A_1768] : memref<50x200xi32, #tpu.memory_space<vmem>> -> memref<1x200xi32, #tpu.memory_space<vmem>>
    %dma_start3A_1770 = tpu.memref_squeeze %dma_start3A_1769 : memref<1x200xi32, #tpu.memory_space<vmem>> -> memref<200xi32, #tpu.memory_space<vmem>>
    %dma_start3A_1771 = arith.constant 0 : i32
    %dma_start3A_1772 = arith.constant 0 : i32
    %dma_start3A_1773 = tpu.memref_slice %arg11[%dma_start3A_1771, %dma_start3A_1772] : memref<10000x64xf32, #tpu.memory_space<vmem_shared>> -> memref<10000x64xf32, #tpu.memory_space<vmem_shared>>
    tpu.enqueue_indirect_dma source(%arg8 : memref<200x64xf32, #tpu.memory_space<vmem>>) target(%dma_start3A_1773 : memref<10000x64xf32, #tpu.memory_space<vmem_shared>>) offsets(%dma_start3A_1770 : memref<200xi32, #tpu.memory_space<vmem>>) semaphore(%arg16 : memref<!tpu.dma_semaphore, #tpu.memory_space<semaphore_mem>>) {add = true}
    %dma_wait3A_1774 = arith.constant 18 : i32
    %dma_wait3A_1775 = arith.constant 0 : i32
    %dma_wait3A_1776 = tpu.memref_slice %arg7[%dma_wait3A_1774, %dma_wait3A_1775] : memref<50x200xi32, #tpu.memory_space<vmem>> -> memref<1x200xi32, #tpu.memory_space<vmem>>
    %dma_wait3A_1777 = tpu.memref_squeeze %dma_wait3A_1776 : memref<1x200xi32, #tpu.memory_space<vmem>> -> memref<200xi32, #tpu.memory_space<vmem>>
    %dma_wait3A_1778 = arith.constant 0 : i32
    %dma_wait3A_1779 = arith.constant 0 : i32
    %dma_wait3A_1780 = tpu.memref_slice %arg11[%dma_wait3A_1778, %dma_wait3A_1779] : memref<10000x64xf32, #tpu.memory_space<vmem_shared>> -> memref<10000x64xf32, #tpu.memory_space<vmem_shared>>
    tpu.wait_indirect_dma semaphore(%arg16 : memref<!tpu.dma_semaphore, #tpu.memory_space<semaphore_mem>>) src(%arg8 : memref<200x64xf32, #tpu.memory_space<vmem>>) dst(%dma_wait3A_1780 : memref<10000x64xf32, #tpu.memory_space<vmem_shared>>)
    %dma_start3A_1781 = arith.constant 4200 : i32
    %dma_start3A_1782 = tpu.memref_slice %arg6[%dma_start3A_1781] : memref<10000xi32, #tpu.memory_space<vmem>> -> memref<200xi32, #tpu.memory_space<vmem>>
    %dma_start3A_1783 = arith.constant 0 : i32
    %dma_start3A_1784 = arith.constant 0 : i32
    %dma_start3A_1785 = tpu.memref_slice %arg3[%dma_start3A_1783, %dma_start3A_1784] : memref<10000x64xf32, #tpu.memory_space<hbm>> -> memref<10000x64xf32, #tpu.memory_space<hbm>>
    tpu.enqueue_indirect_dma source(%dma_start3A_1785 : memref<10000x64xf32, #tpu.memory_space<hbm>>) target(%arg8 : memref<200x64xf32, #tpu.memory_space<vmem>>) offsets(%dma_start3A_1782 : memref<200xi32, #tpu.memory_space<vmem>>) semaphore(%arg13 : memref<!tpu.dma_semaphore, #tpu.memory_space<semaphore_mem>>)
    %dma_wait3A_1786 = arith.constant 3800 : i32
    %dma_wait3A_1787 = tpu.memref_slice %arg6[%dma_wait3A_1786] : memref<10000xi32, #tpu.memory_space<vmem>> -> memref<200xi32, #tpu.memory_space<vmem>>
    %dma_wait3A_1788 = arith.constant 0 : i32
    %dma_wait3A_1789 = arith.constant 0 : i32
    %dma_wait3A_1790 = tpu.memref_slice %arg3[%dma_wait3A_1788, %dma_wait3A_1789] : memref<10000x64xf32, #tpu.memory_space<hbm>> -> memref<10000x64xf32, #tpu.memory_space<hbm>>
    tpu.wait_indirect_dma semaphore(%arg14 : memref<!tpu.dma_semaphore, #tpu.memory_space<semaphore_mem>>) src(%dma_wait3A_1790 : memref<10000x64xf32, #tpu.memory_space<hbm>>) dst(%arg9 : memref<200x64xf32, #tpu.memory_space<vmem>>)
    %dma_start3A_1791 = arith.constant 19 : i32
    %dma_start3A_1792 = arith.constant 0 : i32
    %dma_start3A_1793 = tpu.memref_slice %arg7[%dma_start3A_1791, %dma_start3A_1792] : memref<50x200xi32, #tpu.memory_space<vmem>> -> memref<1x200xi32, #tpu.memory_space<vmem>>
    %dma_start3A_1794 = tpu.memref_squeeze %dma_start3A_1793 : memref<1x200xi32, #tpu.memory_space<vmem>> -> memref<200xi32, #tpu.memory_space<vmem>>
    %dma_start3A_1795 = arith.constant 0 : i32
    %dma_start3A_1796 = arith.constant 0 : i32
    %dma_start3A_1797 = tpu.memref_slice %arg11[%dma_start3A_1795, %dma_start3A_1796] : memref<10000x64xf32, #tpu.memory_space<vmem_shared>> -> memref<10000x64xf32, #tpu.memory_space<vmem_shared>>
    tpu.enqueue_indirect_dma source(%arg9 : memref<200x64xf32, #tpu.memory_space<vmem>>) target(%dma_start3A_1797 : memref<10000x64xf32, #tpu.memory_space<vmem_shared>>) offsets(%dma_start3A_1794 : memref<200xi32, #tpu.memory_space<vmem>>) semaphore(%arg17 : memref<!tpu.dma_semaphore, #tpu.memory_space<semaphore_mem>>) {add = true}
    %dma_wait3A_1798 = arith.constant 19 : i32
    %dma_wait3A_1799 = arith.constant 0 : i32
    %dma_wait3A_1800 = tpu.memref_slice %arg7[%dma_wait3A_1798, %dma_wait3A_1799] : memref<50x200xi32, #tpu.memory_space<vmem>> -> memref<1x200xi32, #tpu.memory_space<vmem>>
    %dma_wait3A_1801 = tpu.memref_squeeze %dma_wait3A_1800 : memref<1x200xi32, #tpu.memory_space<vmem>> -> memref<200xi32, #tpu.memory_space<vmem>>
    %dma_wait3A_1802 = arith.constant 0 : i32
    %dma_wait3A_1803 = arith.constant 0 : i32
    %dma_wait3A_1804 = tpu.memref_slice %arg11[%dma_wait3A_1802, %dma_wait3A_1803] : memref<10000x64xf32, #tpu.memory_space<vmem_shared>> -> memref<10000x64xf32, #tpu.memory_space<vmem_shared>>
    tpu.wait_indirect_dma semaphore(%arg17 : memref<!tpu.dma_semaphore, #tpu.memory_space<semaphore_mem>>) src(%arg9 : memref<200x64xf32, #tpu.memory_space<vmem>>) dst(%dma_wait3A_1804 : memref<10000x64xf32, #tpu.memory_space<vmem_shared>>)
    %dma_start3A_1805 = arith.constant 4400 : i32
    %dma_start3A_1806 = tpu.memref_slice %arg6[%dma_start3A_1805] : memref<10000xi32, #tpu.memory_space<vmem>> -> memref<200xi32, #tpu.memory_space<vmem>>
    %dma_start3A_1807 = arith.constant 0 : i32
    %dma_start3A_1808 = arith.constant 0 : i32
    %dma_start3A_1809 = tpu.memref_slice %arg3[%dma_start3A_1807, %dma_start3A_1808] : memref<10000x64xf32, #tpu.memory_space<hbm>> -> memref<10000x64xf32, #tpu.memory_space<hbm>>
    tpu.enqueue_indirect_dma source(%dma_start3A_1809 : memref<10000x64xf32, #tpu.memory_space<hbm>>) target(%arg9 : memref<200x64xf32, #tpu.memory_space<vmem>>) offsets(%dma_start3A_1806 : memref<200xi32, #tpu.memory_space<vmem>>) semaphore(%arg14 : memref<!tpu.dma_semaphore, #tpu.memory_space<semaphore_mem>>)
    %dma_wait3A_1810 = arith.constant 4000 : i32
    %dma_wait3A_1811 = tpu.memref_slice %arg6[%dma_wait3A_1810] : memref<10000xi32, #tpu.memory_space<vmem>> -> memref<200xi32, #tpu.memory_space<vmem>>
    %dma_wait3A_1812 = arith.constant 0 : i32
    %dma_wait3A_1813 = arith.constant 0 : i32
    %dma_wait3A_1814 = tpu.memref_slice %arg3[%dma_wait3A_1812, %dma_wait3A_1813] : memref<10000x64xf32, #tpu.memory_space<hbm>> -> memref<10000x64xf32, #tpu.memory_space<hbm>>
    tpu.wait_indirect_dma semaphore(%arg15 : memref<!tpu.dma_semaphore, #tpu.memory_space<semaphore_mem>>) src(%dma_wait3A_1814 : memref<10000x64xf32, #tpu.memory_space<hbm>>) dst(%arg10 : memref<200x64xf32, #tpu.memory_space<vmem>>)
    %dma_start3A_1815 = arith.constant 20 : i32
    %dma_start3A_1816 = arith.constant 0 : i32
    %dma_start3A_1817 = tpu.memref_slice %arg7[%dma_start3A_1815, %dma_start3A_1816] : memref<50x200xi32, #tpu.memory_space<vmem>> -> memref<1x200xi32, #tpu.memory_space<vmem>>
    %dma_start3A_1818 = tpu.memref_squeeze %dma_start3A_1817 : memref<1x200xi32, #tpu.memory_space<vmem>> -> memref<200xi32, #tpu.memory_space<vmem>>
    %dma_start3A_1819 = arith.constant 0 : i32
    %dma_start3A_1820 = arith.constant 0 : i32
    %dma_start3A_1821 = tpu.memref_slice %arg11[%dma_start3A_1819, %dma_start3A_1820] : memref<10000x64xf32, #tpu.memory_space<vmem_shared>> -> memref<10000x64xf32, #tpu.memory_space<vmem_shared>>
    tpu.enqueue_indirect_dma source(%arg10 : memref<200x64xf32, #tpu.memory_space<vmem>>) target(%dma_start3A_1821 : memref<10000x64xf32, #tpu.memory_space<vmem_shared>>) offsets(%dma_start3A_1818 : memref<200xi32, #tpu.memory_space<vmem>>) semaphore(%arg18 : memref<!tpu.dma_semaphore, #tpu.memory_space<semaphore_mem>>) {add = true}
    %dma_wait3A_1822 = arith.constant 20 : i32
    %dma_wait3A_1823 = arith.constant 0 : i32
    %dma_wait3A_1824 = tpu.memref_slice %arg7[%dma_wait3A_1822, %dma_wait3A_1823] : memref<50x200xi32, #tpu.memory_space<vmem>> -> memref<1x200xi32, #tpu.memory_space<vmem>>
    %dma_wait3A_1825 = tpu.memref_squeeze %dma_wait3A_1824 : memref<1x200xi32, #tpu.memory_space<vmem>> -> memref<200xi32, #tpu.memory_space<vmem>>
    %dma_wait3A_1826 = arith.constant 0 : i32
    %dma_wait3A_1827 = arith.constant 0 : i32
    %dma_wait3A_1828 = tpu.memref_slice %arg11[%dma_wait3A_1826, %dma_wait3A_1827] : memref<10000x64xf32, #tpu.memory_space<vmem_shared>> -> memref<10000x64xf32, #tpu.memory_space<vmem_shared>>
    tpu.wait_indirect_dma semaphore(%arg18 : memref<!tpu.dma_semaphore, #tpu.memory_space<semaphore_mem>>) src(%arg10 : memref<200x64xf32, #tpu.memory_space<vmem>>) dst(%dma_wait3A_1828 : memref<10000x64xf32, #tpu.memory_space<vmem_shared>>)
    %dma_start3A_1829 = arith.constant 4600 : i32
    %dma_start3A_1830 = tpu.memref_slice %arg6[%dma_start3A_1829] : memref<10000xi32, #tpu.memory_space<vmem>> -> memref<200xi32, #tpu.memory_space<vmem>>
    %dma_start3A_1831 = arith.constant 0 : i32
    %dma_start3A_1832 = arith.constant 0 : i32
    %dma_start3A_1833 = tpu.memref_slice %arg3[%dma_start3A_1831, %dma_start3A_1832] : memref<10000x64xf32, #tpu.memory_space<hbm>> -> memref<10000x64xf32, #tpu.memory_space<hbm>>
    tpu.enqueue_indirect_dma source(%dma_start3A_1833 : memref<10000x64xf32, #tpu.memory_space<hbm>>) target(%arg10 : memref<200x64xf32, #tpu.memory_space<vmem>>) offsets(%dma_start3A_1830 : memref<200xi32, #tpu.memory_space<vmem>>) semaphore(%arg15 : memref<!tpu.dma_semaphore, #tpu.memory_space<semaphore_mem>>)
    %dma_wait3A_1834 = arith.constant 4200 : i32
    %dma_wait3A_1835 = tpu.memref_slice %arg6[%dma_wait3A_1834] : memref<10000xi32, #tpu.memory_space<vmem>> -> memref<200xi32, #tpu.memory_space<vmem>>
    %dma_wait3A_1836 = arith.constant 0 : i32
    %dma_wait3A_1837 = arith.constant 0 : i32
    %dma_wait3A_1838 = tpu.memref_slice %arg3[%dma_wait3A_1836, %dma_wait3A_1837] : memref<10000x64xf32, #tpu.memory_space<hbm>> -> memref<10000x64xf32, #tpu.memory_space<hbm>>
    tpu.wait_indirect_dma semaphore(%arg13 : memref<!tpu.dma_semaphore, #tpu.memory_space<semaphore_mem>>) src(%dma_wait3A_1838 : memref<10000x64xf32, #tpu.memory_space<hbm>>) dst(%arg8 : memref<200x64xf32, #tpu.memory_space<vmem>>)
    %dma_start3A_1839 = arith.constant 21 : i32
    %dma_start3A_1840 = arith.constant 0 : i32
    %dma_start3A_1841 = tpu.memref_slice %arg7[%dma_start3A_1839, %dma_start3A_1840] : memref<50x200xi32, #tpu.memory_space<vmem>> -> memref<1x200xi32, #tpu.memory_space<vmem>>
    %dma_start3A_1842 = tpu.memref_squeeze %dma_start3A_1841 : memref<1x200xi32, #tpu.memory_space<vmem>> -> memref<200xi32, #tpu.memory_space<vmem>>
    %dma_start3A_1843 = arith.constant 0 : i32
    %dma_start3A_1844 = arith.constant 0 : i32
    %dma_start3A_1845 = tpu.memref_slice %arg11[%dma_start3A_1843, %dma_start3A_1844] : memref<10000x64xf32, #tpu.memory_space<vmem_shared>> -> memref<10000x64xf32, #tpu.memory_space<vmem_shared>>
    tpu.enqueue_indirect_dma source(%arg8 : memref<200x64xf32, #tpu.memory_space<vmem>>) target(%dma_start3A_1845 : memref<10000x64xf32, #tpu.memory_space<vmem_shared>>) offsets(%dma_start3A_1842 : memref<200xi32, #tpu.memory_space<vmem>>) semaphore(%arg16 : memref<!tpu.dma_semaphore, #tpu.memory_space<semaphore_mem>>) {add = true}
    %dma_wait3A_1846 = arith.constant 21 : i32
    %dma_wait3A_1847 = arith.constant 0 : i32
    %dma_wait3A_1848 = tpu.memref_slice %arg7[%dma_wait3A_1846, %dma_wait3A_1847] : memref<50x200xi32, #tpu.memory_space<vmem>> -> memref<1x200xi32, #tpu.memory_space<vmem>>
    %dma_wait3A_1849 = tpu.memref_squeeze %dma_wait3A_1848 : memref<1x200xi32, #tpu.memory_space<vmem>> -> memref<200xi32, #tpu.memory_space<vmem>>
    %dma_wait3A_1850 = arith.constant 0 : i32
    %dma_wait3A_1851 = arith.constant 0 : i32
    %dma_wait3A_1852 = tpu.memref_slice %arg11[%dma_wait3A_1850, %dma_wait3A_1851] : memref<10000x64xf32, #tpu.memory_space<vmem_shared>> -> memref<10000x64xf32, #tpu.memory_space<vmem_shared>>
    tpu.wait_indirect_dma semaphore(%arg16 : memref<!tpu.dma_semaphore, #tpu.memory_space<semaphore_mem>>) src(%arg8 : memref<200x64xf32, #tpu.memory_space<vmem>>) dst(%dma_wait3A_1852 : memref<10000x64xf32, #tpu.memory_space<vmem_shared>>)
    %dma_start3A_1853 = arith.constant 4800 : i32
    %dma_start3A_1854 = tpu.memref_slice %arg6[%dma_start3A_1853] : memref<10000xi32, #tpu.memory_space<vmem>> -> memref<200xi32, #tpu.memory_space<vmem>>
    %dma_start3A_1855 = arith.constant 0 : i32
    %dma_start3A_1856 = arith.constant 0 : i32
    %dma_start3A_1857 = tpu.memref_slice %arg3[%dma_start3A_1855, %dma_start3A_1856] : memref<10000x64xf32, #tpu.memory_space<hbm>> -> memref<10000x64xf32, #tpu.memory_space<hbm>>
    tpu.enqueue_indirect_dma source(%dma_start3A_1857 : memref<10000x64xf32, #tpu.memory_space<hbm>>) target(%arg8 : memref<200x64xf32, #tpu.memory_space<vmem>>) offsets(%dma_start3A_1854 : memref<200xi32, #tpu.memory_space<vmem>>) semaphore(%arg13 : memref<!tpu.dma_semaphore, #tpu.memory_space<semaphore_mem>>)
    %dma_wait3A_1858 = arith.constant 4400 : i32
    %dma_wait3A_1859 = tpu.memref_slice %arg6[%dma_wait3A_1858] : memref<10000xi32, #tpu.memory_space<vmem>> -> memref<200xi32, #tpu.memory_space<vmem>>
    %dma_wait3A_1860 = arith.constant 0 : i32
    %dma_wait3A_1861 = arith.constant 0 : i32
    %dma_wait3A_1862 = tpu.memref_slice %arg3[%dma_wait3A_1860, %dma_wait3A_1861] : memref<10000x64xf32, #tpu.memory_space<hbm>> -> memref<10000x64xf32, #tpu.memory_space<hbm>>
    tpu.wait_indirect_dma semaphore(%arg14 : memref<!tpu.dma_semaphore, #tpu.memory_space<semaphore_mem>>) src(%dma_wait3A_1862 : memref<10000x64xf32, #tpu.memory_space<hbm>>) dst(%arg9 : memref<200x64xf32, #tpu.memory_space<vmem>>)
    %dma_start3A_1863 = arith.constant 22 : i32
    %dma_start3A_1864 = arith.constant 0 : i32
    %dma_start3A_1865 = tpu.memref_slice %arg7[%dma_start3A_1863, %dma_start3A_1864] : memref<50x200xi32, #tpu.memory_space<vmem>> -> memref<1x200xi32, #tpu.memory_space<vmem>>
    %dma_start3A_1866 = tpu.memref_squeeze %dma_start3A_1865 : memref<1x200xi32, #tpu.memory_space<vmem>> -> memref<200xi32, #tpu.memory_space<vmem>>
    %dma_start3A_1867 = arith.constant 0 : i32
    %dma_start3A_1868 = arith.constant 0 : i32
    %dma_start3A_1869 = tpu.memref_slice %arg11[%dma_start3A_1867, %dma_start3A_1868] : memref<10000x64xf32, #tpu.memory_space<vmem_shared>> -> memref<10000x64xf32, #tpu.memory_space<vmem_shared>>
    tpu.enqueue_indirect_dma source(%arg9 : memref<200x64xf32, #tpu.memory_space<vmem>>) target(%dma_start3A_1869 : memref<10000x64xf32, #tpu.memory_space<vmem_shared>>) offsets(%dma_start3A_1866 : memref<200xi32, #tpu.memory_space<vmem>>) semaphore(%arg17 : memref<!tpu.dma_semaphore, #tpu.memory_space<semaphore_mem>>) {add = true}
    %dma_wait3A_1870 = arith.constant 22 : i32
    %dma_wait3A_1871 = arith.constant 0 : i32
    %dma_wait3A_1872 = tpu.memref_slice %arg7[%dma_wait3A_1870, %dma_wait3A_1871] : memref<50x200xi32, #tpu.memory_space<vmem>> -> memref<1x200xi32, #tpu.memory_space<vmem>>
    %dma_wait3A_1873 = tpu.memref_squeeze %dma_wait3A_1872 : memref<1x200xi32, #tpu.memory_space<vmem>> -> memref<200xi32, #tpu.memory_space<vmem>>
    %dma_wait3A_1874 = arith.constant 0 : i32
    %dma_wait3A_1875 = arith.constant 0 : i32
    %dma_wait3A_1876 = tpu.memref_slice %arg11[%dma_wait3A_1874, %dma_wait3A_1875] : memref<10000x64xf32, #tpu.memory_space<vmem_shared>> -> memref<10000x64xf32, #tpu.memory_space<vmem_shared>>
    tpu.wait_indirect_dma semaphore(%arg17 : memref<!tpu.dma_semaphore, #tpu.memory_space<semaphore_mem>>) src(%arg9 : memref<200x64xf32, #tpu.memory_space<vmem>>) dst(%dma_wait3A_1876 : memref<10000x64xf32, #tpu.memory_space<vmem_shared>>)
    %dma_start3A_1877 = arith.constant 5000 : i32
    %dma_start3A_1878 = tpu.memref_slice %arg6[%dma_start3A_1877] : memref<10000xi32, #tpu.memory_space<vmem>> -> memref<200xi32, #tpu.memory_space<vmem>>
    %dma_start3A_1879 = arith.constant 0 : i32
    %dma_start3A_1880 = arith.constant 0 : i32
    %dma_start3A_1881 = tpu.memref_slice %arg3[%dma_start3A_1879, %dma_start3A_1880] : memref<10000x64xf32, #tpu.memory_space<hbm>> -> memref<10000x64xf32, #tpu.memory_space<hbm>>
    tpu.enqueue_indirect_dma source(%dma_start3A_1881 : memref<10000x64xf32, #tpu.memory_space<hbm>>) target(%arg9 : memref<200x64xf32, #tpu.memory_space<vmem>>) offsets(%dma_start3A_1878 : memref<200xi32, #tpu.memory_space<vmem>>) semaphore(%arg14 : memref<!tpu.dma_semaphore, #tpu.memory_space<semaphore_mem>>)
    %dma_wait3A_1882 = arith.constant 4600 : i32
    %dma_wait3A_1883 = tpu.memref_slice %arg6[%dma_wait3A_1882] : memref<10000xi32, #tpu.memory_space<vmem>> -> memref<200xi32, #tpu.memory_space<vmem>>
    %dma_wait3A_1884 = arith.constant 0 : i32
    %dma_wait3A_1885 = arith.constant 0 : i32
    %dma_wait3A_1886 = tpu.memref_slice %arg3[%dma_wait3A_1884, %dma_wait3A_1885] : memref<10000x64xf32, #tpu.memory_space<hbm>> -> memref<10000x64xf32, #tpu.memory_space<hbm>>
    tpu.wait_indirect_dma semaphore(%arg15 : memref<!tpu.dma_semaphore, #tpu.memory_space<semaphore_mem>>) src(%dma_wait3A_1886 : memref<10000x64xf32, #tpu.memory_space<hbm>>) dst(%arg10 : memref<200x64xf32, #tpu.memory_space<vmem>>)
    %dma_start3A_1887 = arith.constant 23 : i32
    %dma_start3A_1888 = arith.constant 0 : i32
    %dma_start3A_1889 = tpu.memref_slice %arg7[%dma_start3A_1887, %dma_start3A_1888] : memref<50x200xi32, #tpu.memory_space<vmem>> -> memref<1x200xi32, #tpu.memory_space<vmem>>
    %dma_start3A_1890 = tpu.memref_squeeze %dma_start3A_1889 : memref<1x200xi32, #tpu.memory_space<vmem>> -> memref<200xi32, #tpu.memory_space<vmem>>
    %dma_start3A_1891 = arith.constant 0 : i32
    %dma_start3A_1892 = arith.constant 0 : i32
    %dma_start3A_1893 = tpu.memref_slice %arg11[%dma_start3A_1891, %dma_start3A_1892] : memref<10000x64xf32, #tpu.memory_space<vmem_shared>> -> memref<10000x64xf32, #tpu.memory_space<vmem_shared>>
    tpu.enqueue_indirect_dma source(%arg10 : memref<200x64xf32, #tpu.memory_space<vmem>>) target(%dma_start3A_1893 : memref<10000x64xf32, #tpu.memory_space<vmem_shared>>) offsets(%dma_start3A_1890 : memref<200xi32, #tpu.memory_space<vmem>>) semaphore(%arg18 : memref<!tpu.dma_semaphore, #tpu.memory_space<semaphore_mem>>) {add = true}
    %dma_wait3A_1894 = arith.constant 23 : i32
    %dma_wait3A_1895 = arith.constant 0 : i32
    %dma_wait3A_1896 = tpu.memref_slice %arg7[%dma_wait3A_1894, %dma_wait3A_1895] : memref<50x200xi32, #tpu.memory_space<vmem>> -> memref<1x200xi32, #tpu.memory_space<vmem>>
    %dma_wait3A_1897 = tpu.memref_squeeze %dma_wait3A_1896 : memref<1x200xi32, #tpu.memory_space<vmem>> -> memref<200xi32, #tpu.memory_space<vmem>>
    %dma_wait3A_1898 = arith.constant 0 : i32
    %dma_wait3A_1899 = arith.constant 0 : i32
    %dma_wait3A_1900 = tpu.memref_slice %arg11[%dma_wait3A_1898, %dma_wait3A_1899] : memref<10000x64xf32, #tpu.memory_space<vmem_shared>> -> memref<10000x64xf32, #tpu.memory_space<vmem_shared>>
    tpu.wait_indirect_dma semaphore(%arg18 : memref<!tpu.dma_semaphore, #tpu.memory_space<semaphore_mem>>) src(%arg10 : memref<200x64xf32, #tpu.memory_space<vmem>>) dst(%dma_wait3A_1900 : memref<10000x64xf32, #tpu.memory_space<vmem_shared>>)
    %dma_start3A_1901 = arith.constant 5200 : i32
    %dma_start3A_1902 = tpu.memref_slice %arg6[%dma_start3A_1901] : memref<10000xi32, #tpu.memory_space<vmem>> -> memref<200xi32, #tpu.memory_space<vmem>>
    %dma_start3A_1903 = arith.constant 0 : i32
    %dma_start3A_1904 = arith.constant 0 : i32
    %dma_start3A_1905 = tpu.memref_slice %arg3[%dma_start3A_1903, %dma_start3A_1904] : memref<10000x64xf32, #tpu.memory_space<hbm>> -> memref<10000x64xf32, #tpu.memory_space<hbm>>
    tpu.enqueue_indirect_dma source(%dma_start3A_1905 : memref<10000x64xf32, #tpu.memory_space<hbm>>) target(%arg10 : memref<200x64xf32, #tpu.memory_space<vmem>>) offsets(%dma_start3A_1902 : memref<200xi32, #tpu.memory_space<vmem>>) semaphore(%arg15 : memref<!tpu.dma_semaphore, #tpu.memory_space<semaphore_mem>>)
    %dma_wait3A_1906 = arith.constant 4800 : i32
    %dma_wait3A_1907 = tpu.memref_slice %arg6[%dma_wait3A_1906] : memref<10000xi32, #tpu.memory_space<vmem>> -> memref<200xi32, #tpu.memory_space<vmem>>
    %dma_wait3A_1908 = arith.constant 0 : i32
    %dma_wait3A_1909 = arith.constant 0 : i32
    %dma_wait3A_1910 = tpu.memref_slice %arg3[%dma_wait3A_1908, %dma_wait3A_1909] : memref<10000x64xf32, #tpu.memory_space<hbm>> -> memref<10000x64xf32, #tpu.memory_space<hbm>>
    tpu.wait_indirect_dma semaphore(%arg13 : memref<!tpu.dma_semaphore, #tpu.memory_space<semaphore_mem>>) src(%dma_wait3A_1910 : memref<10000x64xf32, #tpu.memory_space<hbm>>) dst(%arg8 : memref<200x64xf32, #tpu.memory_space<vmem>>)
    %dma_start3A_1911 = arith.constant 24 : i32
    %dma_start3A_1912 = arith.constant 0 : i32
    %dma_start3A_1913 = tpu.memref_slice %arg7[%dma_start3A_1911, %dma_start3A_1912] : memref<50x200xi32, #tpu.memory_space<vmem>> -> memref<1x200xi32, #tpu.memory_space<vmem>>
    %dma_start3A_1914 = tpu.memref_squeeze %dma_start3A_1913 : memref<1x200xi32, #tpu.memory_space<vmem>> -> memref<200xi32, #tpu.memory_space<vmem>>
    %dma_start3A_1915 = arith.constant 0 : i32
    %dma_start3A_1916 = arith.constant 0 : i32
    %dma_start3A_1917 = tpu.memref_slice %arg11[%dma_start3A_1915, %dma_start3A_1916] : memref<10000x64xf32, #tpu.memory_space<vmem_shared>> -> memref<10000x64xf32, #tpu.memory_space<vmem_shared>>
    tpu.enqueue_indirect_dma source(%arg8 : memref<200x64xf32, #tpu.memory_space<vmem>>) target(%dma_start3A_1917 : memref<10000x64xf32, #tpu.memory_space<vmem_shared>>) offsets(%dma_start3A_1914 : memref<200xi32, #tpu.memory_space<vmem>>) semaphore(%arg16 : memref<!tpu.dma_semaphore, #tpu.memory_space<semaphore_mem>>) {add = true}
    %dma_wait3A_1918 = arith.constant 24 : i32
    %dma_wait3A_1919 = arith.constant 0 : i32
    %dma_wait3A_1920 = tpu.memref_slice %arg7[%dma_wait3A_1918, %dma_wait3A_1919] : memref<50x200xi32, #tpu.memory_space<vmem>> -> memref<1x200xi32, #tpu.memory_space<vmem>>
    %dma_wait3A_1921 = tpu.memref_squeeze %dma_wait3A_1920 : memref<1x200xi32, #tpu.memory_space<vmem>> -> memref<200xi32, #tpu.memory_space<vmem>>
    %dma_wait3A_1922 = arith.constant 0 : i32
    %dma_wait3A_1923 = arith.constant 0 : i32
    %dma_wait3A_1924 = tpu.memref_slice %arg11[%dma_wait3A_1922, %dma_wait3A_1923] : memref<10000x64xf32, #tpu.memory_space<vmem_shared>> -> memref<10000x64xf32, #tpu.memory_space<vmem_shared>>
    tpu.wait_indirect_dma semaphore(%arg16 : memref<!tpu.dma_semaphore, #tpu.memory_space<semaphore_mem>>) src(%arg8 : memref<200x64xf32, #tpu.memory_space<vmem>>) dst(%dma_wait3A_1924 : memref<10000x64xf32, #tpu.memory_space<vmem_shared>>)
    %dma_start3A_1925 = arith.constant 5400 : i32
    %dma_start3A_1926 = tpu.memref_slice %arg6[%dma_start3A_1925] : memref<10000xi32, #tpu.memory_space<vmem>> -> memref<200xi32, #tpu.memory_space<vmem>>
    %dma_start3A_1927 = arith.constant 0 : i32
    %dma_start3A_1928 = arith.constant 0 : i32
    %dma_start3A_1929 = tpu.memref_slice %arg3[%dma_start3A_1927, %dma_start3A_1928] : memref<10000x64xf32, #tpu.memory_space<hbm>> -> memref<10000x64xf32, #tpu.memory_space<hbm>>
    tpu.enqueue_indirect_dma source(%dma_start3A_1929 : memref<10000x64xf32, #tpu.memory_space<hbm>>) target(%arg8 : memref<200x64xf32, #tpu.memory_space<vmem>>) offsets(%dma_start3A_1926 : memref<200xi32, #tpu.memory_space<vmem>>) semaphore(%arg13 : memref<!tpu.dma_semaphore, #tpu.memory_space<semaphore_mem>>)
    %dma_wait3A_1930 = arith.constant 5000 : i32
    %dma_wait3A_1931 = tpu.memref_slice %arg6[%dma_wait3A_1930] : memref<10000xi32, #tpu.memory_space<vmem>> -> memref<200xi32, #tpu.memory_space<vmem>>
    %dma_wait3A_1932 = arith.constant 0 : i32
    %dma_wait3A_1933 = arith.constant 0 : i32
    %dma_wait3A_1934 = tpu.memref_slice %arg3[%dma_wait3A_1932, %dma_wait3A_1933] : memref<10000x64xf32, #tpu.memory_space<hbm>> -> memref<10000x64xf32, #tpu.memory_space<hbm>>
    tpu.wait_indirect_dma semaphore(%arg14 : memref<!tpu.dma_semaphore, #tpu.memory_space<semaphore_mem>>) src(%dma_wait3A_1934 : memref<10000x64xf32, #tpu.memory_space<hbm>>) dst(%arg9 : memref<200x64xf32, #tpu.memory_space<vmem>>)
    %dma_start3A_1935 = arith.constant 25 : i32
    %dma_start3A_1936 = arith.constant 0 : i32
    %dma_start3A_1937 = tpu.memref_slice %arg7[%dma_start3A_1935, %dma_start3A_1936] : memref<50x200xi32, #tpu.memory_space<vmem>> -> memref<1x200xi32, #tpu.memory_space<vmem>>
    %dma_start3A_1938 = tpu.memref_squeeze %dma_start3A_1937 : memref<1x200xi32, #tpu.memory_space<vmem>> -> memref<200xi32, #tpu.memory_space<vmem>>
    %dma_start3A_1939 = arith.constant 0 : i32
    %dma_start3A_1940 = arith.constant 0 : i32
    %dma_start3A_1941 = tpu.memref_slice %arg11[%dma_start3A_1939, %dma_start3A_1940] : memref<10000x64xf32, #tpu.memory_space<vmem_shared>> -> memref<10000x64xf32, #tpu.memory_space<vmem_shared>>
    tpu.enqueue_indirect_dma source(%arg9 : memref<200x64xf32, #tpu.memory_space<vmem>>) target(%dma_start3A_1941 : memref<10000x64xf32, #tpu.memory_space<vmem_shared>>) offsets(%dma_start3A_1938 : memref<200xi32, #tpu.memory_space<vmem>>) semaphore(%arg17 : memref<!tpu.dma_semaphore, #tpu.memory_space<semaphore_mem>>) {add = true}
    %dma_wait3A_1942 = arith.constant 25 : i32
    %dma_wait3A_1943 = arith.constant 0 : i32
    %dma_wait3A_1944 = tpu.memref_slice %arg7[%dma_wait3A_1942, %dma_wait3A_1943] : memref<50x200xi32, #tpu.memory_space<vmem>> -> memref<1x200xi32, #tpu.memory_space<vmem>>
    %dma_wait3A_1945 = tpu.memref_squeeze %dma_wait3A_1944 : memref<1x200xi32, #tpu.memory_space<vmem>> -> memref<200xi32, #tpu.memory_space<vmem>>
    %dma_wait3A_1946 = arith.constant 0 : i32
    %dma_wait3A_1947 = arith.constant 0 : i32
    %dma_wait3A_1948 = tpu.memref_slice %arg11[%dma_wait3A_1946, %dma_wait3A_1947] : memref<10000x64xf32, #tpu.memory_space<vmem_shared>> -> memref<10000x64xf32, #tpu.memory_space<vmem_shared>>
    tpu.wait_indirect_dma semaphore(%arg17 : memref<!tpu.dma_semaphore, #tpu.memory_space<semaphore_mem>>) src(%arg9 : memref<200x64xf32, #tpu.memory_space<vmem>>) dst(%dma_wait3A_1948 : memref<10000x64xf32, #tpu.memory_space<vmem_shared>>)
    %dma_start3A_1949 = arith.constant 5600 : i32
    %dma_start3A_1950 = tpu.memref_slice %arg6[%dma_start3A_1949] : memref<10000xi32, #tpu.memory_space<vmem>> -> memref<200xi32, #tpu.memory_space<vmem>>
    %dma_start3A_1951 = arith.constant 0 : i32
    %dma_start3A_1952 = arith.constant 0 : i32
    %dma_start3A_1953 = tpu.memref_slice %arg3[%dma_start3A_1951, %dma_start3A_1952] : memref<10000x64xf32, #tpu.memory_space<hbm>> -> memref<10000x64xf32, #tpu.memory_space<hbm>>
    tpu.enqueue_indirect_dma source(%dma_start3A_1953 : memref<10000x64xf32, #tpu.memory_space<hbm>>) target(%arg9 : memref<200x64xf32, #tpu.memory_space<vmem>>) offsets(%dma_start3A_1950 : memref<200xi32, #tpu.memory_space<vmem>>) semaphore(%arg14 : memref<!tpu.dma_semaphore, #tpu.memory_space<semaphore_mem>>)
    %dma_wait3A_1954 = arith.constant 5200 : i32
    %dma_wait3A_1955 = tpu.memref_slice %arg6[%dma_wait3A_1954] : memref<10000xi32, #tpu.memory_space<vmem>> -> memref<200xi32, #tpu.memory_space<vmem>>
    %dma_wait3A_1956 = arith.constant 0 : i32
    %dma_wait3A_1957 = arith.constant 0 : i32
    %dma_wait3A_1958 = tpu.memref_slice %arg3[%dma_wait3A_1956, %dma_wait3A_1957] : memref<10000x64xf32, #tpu.memory_space<hbm>> -> memref<10000x64xf32, #tpu.memory_space<hbm>>
    tpu.wait_indirect_dma semaphore(%arg15 : memref<!tpu.dma_semaphore, #tpu.memory_space<semaphore_mem>>) src(%dma_wait3A_1958 : memref<10000x64xf32, #tpu.memory_space<hbm>>) dst(%arg10 : memref<200x64xf32, #tpu.memory_space<vmem>>)
    %dma_start3A_1959 = arith.constant 26 : i32
    %dma_start3A_1960 = arith.constant 0 : i32
    %dma_start3A_1961 = tpu.memref_slice %arg7[%dma_start3A_1959, %dma_start3A_1960] : memref<50x200xi32, #tpu.memory_space<vmem>> -> memref<1x200xi32, #tpu.memory_space<vmem>>
    %dma_start3A_1962 = tpu.memref_squeeze %dma_start3A_1961 : memref<1x200xi32, #tpu.memory_space<vmem>> -> memref<200xi32, #tpu.memory_space<vmem>>
    %dma_start3A_1963 = arith.constant 0 : i32
    %dma_start3A_1964 = arith.constant 0 : i32
    %dma_start3A_1965 = tpu.memref_slice %arg11[%dma_start3A_1963, %dma_start3A_1964] : memref<10000x64xf32, #tpu.memory_space<vmem_shared>> -> memref<10000x64xf32, #tpu.memory_space<vmem_shared>>
    tpu.enqueue_indirect_dma source(%arg10 : memref<200x64xf32, #tpu.memory_space<vmem>>) target(%dma_start3A_1965 : memref<10000x64xf32, #tpu.memory_space<vmem_shared>>) offsets(%dma_start3A_1962 : memref<200xi32, #tpu.memory_space<vmem>>) semaphore(%arg18 : memref<!tpu.dma_semaphore, #tpu.memory_space<semaphore_mem>>) {add = true}
    %dma_wait3A_1966 = arith.constant 26 : i32
    %dma_wait3A_1967 = arith.constant 0 : i32
    %dma_wait3A_1968 = tpu.memref_slice %arg7[%dma_wait3A_1966, %dma_wait3A_1967] : memref<50x200xi32, #tpu.memory_space<vmem>> -> memref<1x200xi32, #tpu.memory_space<vmem>>
    %dma_wait3A_1969 = tpu.memref_squeeze %dma_wait3A_1968 : memref<1x200xi32, #tpu.memory_space<vmem>> -> memref<200xi32, #tpu.memory_space<vmem>>
    %dma_wait3A_1970 = arith.constant 0 : i32
    %dma_wait3A_1971 = arith.constant 0 : i32
    %dma_wait3A_1972 = tpu.memref_slice %arg11[%dma_wait3A_1970, %dma_wait3A_1971] : memref<10000x64xf32, #tpu.memory_space<vmem_shared>> -> memref<10000x64xf32, #tpu.memory_space<vmem_shared>>
    tpu.wait_indirect_dma semaphore(%arg18 : memref<!tpu.dma_semaphore, #tpu.memory_space<semaphore_mem>>) src(%arg10 : memref<200x64xf32, #tpu.memory_space<vmem>>) dst(%dma_wait3A_1972 : memref<10000x64xf32, #tpu.memory_space<vmem_shared>>)
    %dma_start3A_1973 = arith.constant 5800 : i32
    %dma_start3A_1974 = tpu.memref_slice %arg6[%dma_start3A_1973] : memref<10000xi32, #tpu.memory_space<vmem>> -> memref<200xi32, #tpu.memory_space<vmem>>
    %dma_start3A_1975 = arith.constant 0 : i32
    %dma_start3A_1976 = arith.constant 0 : i32
    %dma_start3A_1977 = tpu.memref_slice %arg3[%dma_start3A_1975, %dma_start3A_1976] : memref<10000x64xf32, #tpu.memory_space<hbm>> -> memref<10000x64xf32, #tpu.memory_space<hbm>>
    tpu.enqueue_indirect_dma source(%dma_start3A_1977 : memref<10000x64xf32, #tpu.memory_space<hbm>>) target(%arg10 : memref<200x64xf32, #tpu.memory_space<vmem>>) offsets(%dma_start3A_1974 : memref<200xi32, #tpu.memory_space<vmem>>) semaphore(%arg15 : memref<!tpu.dma_semaphore, #tpu.memory_space<semaphore_mem>>)
    %dma_wait3A_1978 = arith.constant 5400 : i32
    %dma_wait3A_1979 = tpu.memref_slice %arg6[%dma_wait3A_1978] : memref<10000xi32, #tpu.memory_space<vmem>> -> memref<200xi32, #tpu.memory_space<vmem>>
    %dma_wait3A_1980 = arith.constant 0 : i32
    %dma_wait3A_1981 = arith.constant 0 : i32
    %dma_wait3A_1982 = tpu.memref_slice %arg3[%dma_wait3A_1980, %dma_wait3A_1981] : memref<10000x64xf32, #tpu.memory_space<hbm>> -> memref<10000x64xf32, #tpu.memory_space<hbm>>
    tpu.wait_indirect_dma semaphore(%arg13 : memref<!tpu.dma_semaphore, #tpu.memory_space<semaphore_mem>>) src(%dma_wait3A_1982 : memref<10000x64xf32, #tpu.memory_space<hbm>>) dst(%arg8 : memref<200x64xf32, #tpu.memory_space<vmem>>)
    %dma_start3A_1983 = arith.constant 27 : i32
    %dma_start3A_1984 = arith.constant 0 : i32
    %dma_start3A_1985 = tpu.memref_slice %arg7[%dma_start3A_1983, %dma_start3A_1984] : memref<50x200xi32, #tpu.memory_space<vmem>> -> memref<1x200xi32, #tpu.memory_space<vmem>>
    %dma_start3A_1986 = tpu.memref_squeeze %dma_start3A_1985 : memref<1x200xi32, #tpu.memory_space<vmem>> -> memref<200xi32, #tpu.memory_space<vmem>>
    %dma_start3A_1987 = arith.constant 0 : i32
    %dma_start3A_1988 = arith.constant 0 : i32
    %dma_start3A_1989 = tpu.memref_slice %arg11[%dma_start3A_1987, %dma_start3A_1988] : memref<10000x64xf32, #tpu.memory_space<vmem_shared>> -> memref<10000x64xf32, #tpu.memory_space<vmem_shared>>
    tpu.enqueue_indirect_dma source(%arg8 : memref<200x64xf32, #tpu.memory_space<vmem>>) target(%dma_start3A_1989 : memref<10000x64xf32, #tpu.memory_space<vmem_shared>>) offsets(%dma_start3A_1986 : memref<200xi32, #tpu.memory_space<vmem>>) semaphore(%arg16 : memref<!tpu.dma_semaphore, #tpu.memory_space<semaphore_mem>>) {add = true}
    %dma_wait3A_1990 = arith.constant 27 : i32
    %dma_wait3A_1991 = arith.constant 0 : i32
    %dma_wait3A_1992 = tpu.memref_slice %arg7[%dma_wait3A_1990, %dma_wait3A_1991] : memref<50x200xi32, #tpu.memory_space<vmem>> -> memref<1x200xi32, #tpu.memory_space<vmem>>
    %dma_wait3A_1993 = tpu.memref_squeeze %dma_wait3A_1992 : memref<1x200xi32, #tpu.memory_space<vmem>> -> memref<200xi32, #tpu.memory_space<vmem>>
    %dma_wait3A_1994 = arith.constant 0 : i32
    %dma_wait3A_1995 = arith.constant 0 : i32
    %dma_wait3A_1996 = tpu.memref_slice %arg11[%dma_wait3A_1994, %dma_wait3A_1995] : memref<10000x64xf32, #tpu.memory_space<vmem_shared>> -> memref<10000x64xf32, #tpu.memory_space<vmem_shared>>
    tpu.wait_indirect_dma semaphore(%arg16 : memref<!tpu.dma_semaphore, #tpu.memory_space<semaphore_mem>>) src(%arg8 : memref<200x64xf32, #tpu.memory_space<vmem>>) dst(%dma_wait3A_1996 : memref<10000x64xf32, #tpu.memory_space<vmem_shared>>)
    %dma_start3A_1997 = arith.constant 6000 : i32
    %dma_start3A_1998 = tpu.memref_slice %arg6[%dma_start3A_1997] : memref<10000xi32, #tpu.memory_space<vmem>> -> memref<200xi32, #tpu.memory_space<vmem>>
    %dma_start3A_1999 = arith.constant 0 : i32
    %dma_start3A_2000 = arith.constant 0 : i32
    %dma_start3A_2001 = tpu.memref_slice %arg3[%dma_start3A_1999, %dma_start3A_2000] : memref<10000x64xf32, #tpu.memory_space<hbm>> -> memref<10000x64xf32, #tpu.memory_space<hbm>>
    tpu.enqueue_indirect_dma source(%dma_start3A_2001 : memref<10000x64xf32, #tpu.memory_space<hbm>>) target(%arg8 : memref<200x64xf32, #tpu.memory_space<vmem>>) offsets(%dma_start3A_1998 : memref<200xi32, #tpu.memory_space<vmem>>) semaphore(%arg13 : memref<!tpu.dma_semaphore, #tpu.memory_space<semaphore_mem>>)
    %dma_wait3A_2002 = arith.constant 5600 : i32
    %dma_wait3A_2003 = tpu.memref_slice %arg6[%dma_wait3A_2002] : memref<10000xi32, #tpu.memory_space<vmem>> -> memref<200xi32, #tpu.memory_space<vmem>>
    %dma_wait3A_2004 = arith.constant 0 : i32
    %dma_wait3A_2005 = arith.constant 0 : i32
    %dma_wait3A_2006 = tpu.memref_slice %arg3[%dma_wait3A_2004, %dma_wait3A_2005] : memref<10000x64xf32, #tpu.memory_space<hbm>> -> memref<10000x64xf32, #tpu.memory_space<hbm>>
    tpu.wait_indirect_dma semaphore(%arg14 : memref<!tpu.dma_semaphore, #tpu.memory_space<semaphore_mem>>) src(%dma_wait3A_2006 : memref<10000x64xf32, #tpu.memory_space<hbm>>) dst(%arg9 : memref<200x64xf32, #tpu.memory_space<vmem>>)
    %dma_start3A_2007 = arith.constant 28 : i32
    %dma_start3A_2008 = arith.constant 0 : i32
    %dma_start3A_2009 = tpu.memref_slice %arg7[%dma_start3A_2007, %dma_start3A_2008] : memref<50x200xi32, #tpu.memory_space<vmem>> -> memref<1x200xi32, #tpu.memory_space<vmem>>
    %dma_start3A_2010 = tpu.memref_squeeze %dma_start3A_2009 : memref<1x200xi32, #tpu.memory_space<vmem>> -> memref<200xi32, #tpu.memory_space<vmem>>
    %dma_start3A_2011 = arith.constant 0 : i32
    %dma_start3A_2012 = arith.constant 0 : i32
    %dma_start3A_2013 = tpu.memref_slice %arg11[%dma_start3A_2011, %dma_start3A_2012] : memref<10000x64xf32, #tpu.memory_space<vmem_shared>> -> memref<10000x64xf32, #tpu.memory_space<vmem_shared>>
    tpu.enqueue_indirect_dma source(%arg9 : memref<200x64xf32, #tpu.memory_space<vmem>>) target(%dma_start3A_2013 : memref<10000x64xf32, #tpu.memory_space<vmem_shared>>) offsets(%dma_start3A_2010 : memref<200xi32, #tpu.memory_space<vmem>>) semaphore(%arg17 : memref<!tpu.dma_semaphore, #tpu.memory_space<semaphore_mem>>) {add = true}
    %dma_wait3A_2014 = arith.constant 28 : i32
    %dma_wait3A_2015 = arith.constant 0 : i32
    %dma_wait3A_2016 = tpu.memref_slice %arg7[%dma_wait3A_2014, %dma_wait3A_2015] : memref<50x200xi32, #tpu.memory_space<vmem>> -> memref<1x200xi32, #tpu.memory_space<vmem>>
    %dma_wait3A_2017 = tpu.memref_squeeze %dma_wait3A_2016 : memref<1x200xi32, #tpu.memory_space<vmem>> -> memref<200xi32, #tpu.memory_space<vmem>>
    %dma_wait3A_2018 = arith.constant 0 : i32
    %dma_wait3A_2019 = arith.constant 0 : i32
    %dma_wait3A_2020 = tpu.memref_slice %arg11[%dma_wait3A_2018, %dma_wait3A_2019] : memref<10000x64xf32, #tpu.memory_space<vmem_shared>> -> memref<10000x64xf32, #tpu.memory_space<vmem_shared>>
    tpu.wait_indirect_dma semaphore(%arg17 : memref<!tpu.dma_semaphore, #tpu.memory_space<semaphore_mem>>) src(%arg9 : memref<200x64xf32, #tpu.memory_space<vmem>>) dst(%dma_wait3A_2020 : memref<10000x64xf32, #tpu.memory_space<vmem_shared>>)
    %dma_start3A_2021 = arith.constant 6200 : i32
    %dma_start3A_2022 = tpu.memref_slice %arg6[%dma_start3A_2021] : memref<10000xi32, #tpu.memory_space<vmem>> -> memref<200xi32, #tpu.memory_space<vmem>>
    %dma_start3A_2023 = arith.constant 0 : i32
    %dma_start3A_2024 = arith.constant 0 : i32
    %dma_start3A_2025 = tpu.memref_slice %arg3[%dma_start3A_2023, %dma_start3A_2024] : memref<10000x64xf32, #tpu.memory_space<hbm>> -> memref<10000x64xf32, #tpu.memory_space<hbm>>
    tpu.enqueue_indirect_dma source(%dma_start3A_2025 : memref<10000x64xf32, #tpu.memory_space<hbm>>) target(%arg9 : memref<200x64xf32, #tpu.memory_space<vmem>>) offsets(%dma_start3A_2022 : memref<200xi32, #tpu.memory_space<vmem>>) semaphore(%arg14 : memref<!tpu.dma_semaphore, #tpu.memory_space<semaphore_mem>>)
    %dma_wait3A_2026 = arith.constant 5800 : i32
    %dma_wait3A_2027 = tpu.memref_slice %arg6[%dma_wait3A_2026] : memref<10000xi32, #tpu.memory_space<vmem>> -> memref<200xi32, #tpu.memory_space<vmem>>
    %dma_wait3A_2028 = arith.constant 0 : i32
    %dma_wait3A_2029 = arith.constant 0 : i32
    %dma_wait3A_2030 = tpu.memref_slice %arg3[%dma_wait3A_2028, %dma_wait3A_2029] : memref<10000x64xf32, #tpu.memory_space<hbm>> -> memref<10000x64xf32, #tpu.memory_space<hbm>>
    tpu.wait_indirect_dma semaphore(%arg15 : memref<!tpu.dma_semaphore, #tpu.memory_space<semaphore_mem>>) src(%dma_wait3A_2030 : memref<10000x64xf32, #tpu.memory_space<hbm>>) dst(%arg10 : memref<200x64xf32, #tpu.memory_space<vmem>>)
    %dma_start3A_2031 = arith.constant 29 : i32
    %dma_start3A_2032 = arith.constant 0 : i32
    %dma_start3A_2033 = tpu.memref_slice %arg7[%dma_start3A_2031, %dma_start3A_2032] : memref<50x200xi32, #tpu.memory_space<vmem>> -> memref<1x200xi32, #tpu.memory_space<vmem>>
    %dma_start3A_2034 = tpu.memref_squeeze %dma_start3A_2033 : memref<1x200xi32, #tpu.memory_space<vmem>> -> memref<200xi32, #tpu.memory_space<vmem>>
    %dma_start3A_2035 = arith.constant 0 : i32
    %dma_start3A_2036 = arith.constant 0 : i32
    %dma_start3A_2037 = tpu.memref_slice %arg11[%dma_start3A_2035, %dma_start3A_2036] : memref<10000x64xf32, #tpu.memory_space<vmem_shared>> -> memref<10000x64xf32, #tpu.memory_space<vmem_shared>>
    tpu.enqueue_indirect_dma source(%arg10 : memref<200x64xf32, #tpu.memory_space<vmem>>) target(%dma_start3A_2037 : memref<10000x64xf32, #tpu.memory_space<vmem_shared>>) offsets(%dma_start3A_2034 : memref<200xi32, #tpu.memory_space<vmem>>) semaphore(%arg18 : memref<!tpu.dma_semaphore, #tpu.memory_space<semaphore_mem>>) {add = true}
    %dma_wait3A_2038 = arith.constant 29 : i32
    %dma_wait3A_2039 = arith.constant 0 : i32
    %dma_wait3A_2040 = tpu.memref_slice %arg7[%dma_wait3A_2038, %dma_wait3A_2039] : memref<50x200xi32, #tpu.memory_space<vmem>> -> memref<1x200xi32, #tpu.memory_space<vmem>>
    %dma_wait3A_2041 = tpu.memref_squeeze %dma_wait3A_2040 : memref<1x200xi32, #tpu.memory_space<vmem>> -> memref<200xi32, #tpu.memory_space<vmem>>
    %dma_wait3A_2042 = arith.constant 0 : i32
    %dma_wait3A_2043 = arith.constant 0 : i32
    %dma_wait3A_2044 = tpu.memref_slice %arg11[%dma_wait3A_2042, %dma_wait3A_2043] : memref<10000x64xf32, #tpu.memory_space<vmem_shared>> -> memref<10000x64xf32, #tpu.memory_space<vmem_shared>>
    tpu.wait_indirect_dma semaphore(%arg18 : memref<!tpu.dma_semaphore, #tpu.memory_space<semaphore_mem>>) src(%arg10 : memref<200x64xf32, #tpu.memory_space<vmem>>) dst(%dma_wait3A_2044 : memref<10000x64xf32, #tpu.memory_space<vmem_shared>>)
    %dma_start3A_2045 = arith.constant 6400 : i32
    %dma_start3A_2046 = tpu.memref_slice %arg6[%dma_start3A_2045] : memref<10000xi32, #tpu.memory_space<vmem>> -> memref<200xi32, #tpu.memory_space<vmem>>
    %dma_start3A_2047 = arith.constant 0 : i32
    %dma_start3A_2048 = arith.constant 0 : i32
    %dma_start3A_2049 = tpu.memref_slice %arg3[%dma_start3A_2047, %dma_start3A_2048] : memref<10000x64xf32, #tpu.memory_space<hbm>> -> memref<10000x64xf32, #tpu.memory_space<hbm>>
    tpu.enqueue_indirect_dma source(%dma_start3A_2049 : memref<10000x64xf32, #tpu.memory_space<hbm>>) target(%arg10 : memref<200x64xf32, #tpu.memory_space<vmem>>) offsets(%dma_start3A_2046 : memref<200xi32, #tpu.memory_space<vmem>>) semaphore(%arg15 : memref<!tpu.dma_semaphore, #tpu.memory_space<semaphore_mem>>)
    %dma_wait3A_2050 = arith.constant 6000 : i32
    %dma_wait3A_2051 = tpu.memref_slice %arg6[%dma_wait3A_2050] : memref<10000xi32, #tpu.memory_space<vmem>> -> memref<200xi32, #tpu.memory_space<vmem>>
    %dma_wait3A_2052 = arith.constant 0 : i32
    %dma_wait3A_2053 = arith.constant 0 : i32
    %dma_wait3A_2054 = tpu.memref_slice %arg3[%dma_wait3A_2052, %dma_wait3A_2053] : memref<10000x64xf32, #tpu.memory_space<hbm>> -> memref<10000x64xf32, #tpu.memory_space<hbm>>
    tpu.wait_indirect_dma semaphore(%arg13 : memref<!tpu.dma_semaphore, #tpu.memory_space<semaphore_mem>>) src(%dma_wait3A_2054 : memref<10000x64xf32, #tpu.memory_space<hbm>>) dst(%arg8 : memref<200x64xf32, #tpu.memory_space<vmem>>)
    %dma_start3A_2055 = arith.constant 30 : i32
    %dma_start3A_2056 = arith.constant 0 : i32
    %dma_start3A_2057 = tpu.memref_slice %arg7[%dma_start3A_2055, %dma_start3A_2056] : memref<50x200xi32, #tpu.memory_space<vmem>> -> memref<1x200xi32, #tpu.memory_space<vmem>>
    %dma_start3A_2058 = tpu.memref_squeeze %dma_start3A_2057 : memref<1x200xi32, #tpu.memory_space<vmem>> -> memref<200xi32, #tpu.memory_space<vmem>>
    %dma_start3A_2059 = arith.constant 0 : i32
    %dma_start3A_2060 = arith.constant 0 : i32
    %dma_start3A_2061 = tpu.memref_slice %arg11[%dma_start3A_2059, %dma_start3A_2060] : memref<10000x64xf32, #tpu.memory_space<vmem_shared>> -> memref<10000x64xf32, #tpu.memory_space<vmem_shared>>
    tpu.enqueue_indirect_dma source(%arg8 : memref<200x64xf32, #tpu.memory_space<vmem>>) target(%dma_start3A_2061 : memref<10000x64xf32, #tpu.memory_space<vmem_shared>>) offsets(%dma_start3A_2058 : memref<200xi32, #tpu.memory_space<vmem>>) semaphore(%arg16 : memref<!tpu.dma_semaphore, #tpu.memory_space<semaphore_mem>>) {add = true}
    %dma_wait3A_2062 = arith.constant 30 : i32
    %dma_wait3A_2063 = arith.constant 0 : i32
    %dma_wait3A_2064 = tpu.memref_slice %arg7[%dma_wait3A_2062, %dma_wait3A_2063] : memref<50x200xi32, #tpu.memory_space<vmem>> -> memref<1x200xi32, #tpu.memory_space<vmem>>
    %dma_wait3A_2065 = tpu.memref_squeeze %dma_wait3A_2064 : memref<1x200xi32, #tpu.memory_space<vmem>> -> memref<200xi32, #tpu.memory_space<vmem>>
    %dma_wait3A_2066 = arith.constant 0 : i32
    %dma_wait3A_2067 = arith.constant 0 : i32
    %dma_wait3A_2068 = tpu.memref_slice %arg11[%dma_wait3A_2066, %dma_wait3A_2067] : memref<10000x64xf32, #tpu.memory_space<vmem_shared>> -> memref<10000x64xf32, #tpu.memory_space<vmem_shared>>
    tpu.wait_indirect_dma semaphore(%arg16 : memref<!tpu.dma_semaphore, #tpu.memory_space<semaphore_mem>>) src(%arg8 : memref<200x64xf32, #tpu.memory_space<vmem>>) dst(%dma_wait3A_2068 : memref<10000x64xf32, #tpu.memory_space<vmem_shared>>)
    %dma_start3A_2069 = arith.constant 6600 : i32
    %dma_start3A_2070 = tpu.memref_slice %arg6[%dma_start3A_2069] : memref<10000xi32, #tpu.memory_space<vmem>> -> memref<200xi32, #tpu.memory_space<vmem>>
    %dma_start3A_2071 = arith.constant 0 : i32
    %dma_start3A_2072 = arith.constant 0 : i32
    %dma_start3A_2073 = tpu.memref_slice %arg3[%dma_start3A_2071, %dma_start3A_2072] : memref<10000x64xf32, #tpu.memory_space<hbm>> -> memref<10000x64xf32, #tpu.memory_space<hbm>>
    tpu.enqueue_indirect_dma source(%dma_start3A_2073 : memref<10000x64xf32, #tpu.memory_space<hbm>>) target(%arg8 : memref<200x64xf32, #tpu.memory_space<vmem>>) offsets(%dma_start3A_2070 : memref<200xi32, #tpu.memory_space<vmem>>) semaphore(%arg13 : memref<!tpu.dma_semaphore, #tpu.memory_space<semaphore_mem>>)
    %dma_wait3A_2074 = arith.constant 6200 : i32
    %dma_wait3A_2075 = tpu.memref_slice %arg6[%dma_wait3A_2074] : memref<10000xi32, #tpu.memory_space<vmem>> -> memref<200xi32, #tpu.memory_space<vmem>>
    %dma_wait3A_2076 = arith.constant 0 : i32
    %dma_wait3A_2077 = arith.constant 0 : i32
    %dma_wait3A_2078 = tpu.memref_slice %arg3[%dma_wait3A_2076, %dma_wait3A_2077] : memref<10000x64xf32, #tpu.memory_space<hbm>> -> memref<10000x64xf32, #tpu.memory_space<hbm>>
    tpu.wait_indirect_dma semaphore(%arg14 : memref<!tpu.dma_semaphore, #tpu.memory_space<semaphore_mem>>) src(%dma_wait3A_2078 : memref<10000x64xf32, #tpu.memory_space<hbm>>) dst(%arg9 : memref<200x64xf32, #tpu.memory_space<vmem>>)
    %dma_start3A_2079 = arith.constant 31 : i32
    %dma_start3A_2080 = arith.constant 0 : i32
    %dma_start3A_2081 = tpu.memref_slice %arg7[%dma_start3A_2079, %dma_start3A_2080] : memref<50x200xi32, #tpu.memory_space<vmem>> -> memref<1x200xi32, #tpu.memory_space<vmem>>
    %dma_start3A_2082 = tpu.memref_squeeze %dma_start3A_2081 : memref<1x200xi32, #tpu.memory_space<vmem>> -> memref<200xi32, #tpu.memory_space<vmem>>
    %dma_start3A_2083 = arith.constant 0 : i32
    %dma_start3A_2084 = arith.constant 0 : i32
    %dma_start3A_2085 = tpu.memref_slice %arg11[%dma_start3A_2083, %dma_start3A_2084] : memref<10000x64xf32, #tpu.memory_space<vmem_shared>> -> memref<10000x64xf32, #tpu.memory_space<vmem_shared>>
    tpu.enqueue_indirect_dma source(%arg9 : memref<200x64xf32, #tpu.memory_space<vmem>>) target(%dma_start3A_2085 : memref<10000x64xf32, #tpu.memory_space<vmem_shared>>) offsets(%dma_start3A_2082 : memref<200xi32, #tpu.memory_space<vmem>>) semaphore(%arg17 : memref<!tpu.dma_semaphore, #tpu.memory_space<semaphore_mem>>) {add = true}
    %dma_wait3A_2086 = arith.constant 31 : i32
    %dma_wait3A_2087 = arith.constant 0 : i32
    %dma_wait3A_2088 = tpu.memref_slice %arg7[%dma_wait3A_2086, %dma_wait3A_2087] : memref<50x200xi32, #tpu.memory_space<vmem>> -> memref<1x200xi32, #tpu.memory_space<vmem>>
    %dma_wait3A_2089 = tpu.memref_squeeze %dma_wait3A_2088 : memref<1x200xi32, #tpu.memory_space<vmem>> -> memref<200xi32, #tpu.memory_space<vmem>>
    %dma_wait3A_2090 = arith.constant 0 : i32
    %dma_wait3A_2091 = arith.constant 0 : i32
    %dma_wait3A_2092 = tpu.memref_slice %arg11[%dma_wait3A_2090, %dma_wait3A_2091] : memref<10000x64xf32, #tpu.memory_space<vmem_shared>> -> memref<10000x64xf32, #tpu.memory_space<vmem_shared>>
    tpu.wait_indirect_dma semaphore(%arg17 : memref<!tpu.dma_semaphore, #tpu.memory_space<semaphore_mem>>) src(%arg9 : memref<200x64xf32, #tpu.memory_space<vmem>>) dst(%dma_wait3A_2092 : memref<10000x64xf32, #tpu.memory_space<vmem_shared>>)
    %dma_start3A_2093 = arith.constant 6800 : i32
    %dma_start3A_2094 = tpu.memref_slice %arg6[%dma_start3A_2093] : memref<10000xi32, #tpu.memory_space<vmem>> -> memref<200xi32, #tpu.memory_space<vmem>>
    %dma_start3A_2095 = arith.constant 0 : i32
    %dma_start3A_2096 = arith.constant 0 : i32
    %dma_start3A_2097 = tpu.memref_slice %arg3[%dma_start3A_2095, %dma_start3A_2096] : memref<10000x64xf32, #tpu.memory_space<hbm>> -> memref<10000x64xf32, #tpu.memory_space<hbm>>
    tpu.enqueue_indirect_dma source(%dma_start3A_2097 : memref<10000x64xf32, #tpu.memory_space<hbm>>) target(%arg9 : memref<200x64xf32, #tpu.memory_space<vmem>>) offsets(%dma_start3A_2094 : memref<200xi32, #tpu.memory_space<vmem>>) semaphore(%arg14 : memref<!tpu.dma_semaphore, #tpu.memory_space<semaphore_mem>>)
    %dma_wait3A_2098 = arith.constant 6400 : i32
    %dma_wait3A_2099 = tpu.memref_slice %arg6[%dma_wait3A_2098] : memref<10000xi32, #tpu.memory_space<vmem>> -> memref<200xi32, #tpu.memory_space<vmem>>
    %dma_wait3A_2100 = arith.constant 0 : i32
    %dma_wait3A_2101 = arith.constant 0 : i32
    %dma_wait3A_2102 = tpu.memref_slice %arg3[%dma_wait3A_2100, %dma_wait3A_2101] : memref<10000x64xf32, #tpu.memory_space<hbm>> -> memref<10000x64xf32, #tpu.memory_space<hbm>>
    tpu.wait_indirect_dma semaphore(%arg15 : memref<!tpu.dma_semaphore, #tpu.memory_space<semaphore_mem>>) src(%dma_wait3A_2102 : memref<10000x64xf32, #tpu.memory_space<hbm>>) dst(%arg10 : memref<200x64xf32, #tpu.memory_space<vmem>>)
    %dma_start3A_2103 = arith.constant 32 : i32
    %dma_start3A_2104 = arith.constant 0 : i32
    %dma_start3A_2105 = tpu.memref_slice %arg7[%dma_start3A_2103, %dma_start3A_2104] : memref<50x200xi32, #tpu.memory_space<vmem>> -> memref<1x200xi32, #tpu.memory_space<vmem>>
    %dma_start3A_2106 = tpu.memref_squeeze %dma_start3A_2105 : memref<1x200xi32, #tpu.memory_space<vmem>> -> memref<200xi32, #tpu.memory_space<vmem>>
    %dma_start3A_2107 = arith.constant 0 : i32
    %dma_start3A_2108 = arith.constant 0 : i32
    %dma_start3A_2109 = tpu.memref_slice %arg11[%dma_start3A_2107, %dma_start3A_2108] : memref<10000x64xf32, #tpu.memory_space<vmem_shared>> -> memref<10000x64xf32, #tpu.memory_space<vmem_shared>>
    tpu.enqueue_indirect_dma source(%arg10 : memref<200x64xf32, #tpu.memory_space<vmem>>) target(%dma_start3A_2109 : memref<10000x64xf32, #tpu.memory_space<vmem_shared>>) offsets(%dma_start3A_2106 : memref<200xi32, #tpu.memory_space<vmem>>) semaphore(%arg18 : memref<!tpu.dma_semaphore, #tpu.memory_space<semaphore_mem>>) {add = true}
    %dma_wait3A_2110 = arith.constant 32 : i32
    %dma_wait3A_2111 = arith.constant 0 : i32
    %dma_wait3A_2112 = tpu.memref_slice %arg7[%dma_wait3A_2110, %dma_wait3A_2111] : memref<50x200xi32, #tpu.memory_space<vmem>> -> memref<1x200xi32, #tpu.memory_space<vmem>>
    %dma_wait3A_2113 = tpu.memref_squeeze %dma_wait3A_2112 : memref<1x200xi32, #tpu.memory_space<vmem>> -> memref<200xi32, #tpu.memory_space<vmem>>
    %dma_wait3A_2114 = arith.constant 0 : i32
    %dma_wait3A_2115 = arith.constant 0 : i32
    %dma_wait3A_2116 = tpu.memref_slice %arg11[%dma_wait3A_2114, %dma_wait3A_2115] : memref<10000x64xf32, #tpu.memory_space<vmem_shared>> -> memref<10000x64xf32, #tpu.memory_space<vmem_shared>>
    tpu.wait_indirect_dma semaphore(%arg18 : memref<!tpu.dma_semaphore, #tpu.memory_space<semaphore_mem>>) src(%arg10 : memref<200x64xf32, #tpu.memory_space<vmem>>) dst(%dma_wait3A_2116 : memref<10000x64xf32, #tpu.memory_space<vmem_shared>>)
    %dma_start3A_2117 = arith.constant 7000 : i32
    %dma_start3A_2118 = tpu.memref_slice %arg6[%dma_start3A_2117] : memref<10000xi32, #tpu.memory_space<vmem>> -> memref<200xi32, #tpu.memory_space<vmem>>
    %dma_start3A_2119 = arith.constant 0 : i32
    %dma_start3A_2120 = arith.constant 0 : i32
    %dma_start3A_2121 = tpu.memref_slice %arg3[%dma_start3A_2119, %dma_start3A_2120] : memref<10000x64xf32, #tpu.memory_space<hbm>> -> memref<10000x64xf32, #tpu.memory_space<hbm>>
    tpu.enqueue_indirect_dma source(%dma_start3A_2121 : memref<10000x64xf32, #tpu.memory_space<hbm>>) target(%arg10 : memref<200x64xf32, #tpu.memory_space<vmem>>) offsets(%dma_start3A_2118 : memref<200xi32, #tpu.memory_space<vmem>>) semaphore(%arg15 : memref<!tpu.dma_semaphore, #tpu.memory_space<semaphore_mem>>)
    %dma_wait3A_2122 = arith.constant 6600 : i32
    %dma_wait3A_2123 = tpu.memref_slice %arg6[%dma_wait3A_2122] : memref<10000xi32, #tpu.memory_space<vmem>> -> memref<200xi32, #tpu.memory_space<vmem>>
    %dma_wait3A_2124 = arith.constant 0 : i32
    %dma_wait3A_2125 = arith.constant 0 : i32
    %dma_wait3A_2126 = tpu.memref_slice %arg3[%dma_wait3A_2124, %dma_wait3A_2125] : memref<10000x64xf32, #tpu.memory_space<hbm>> -> memref<10000x64xf32, #tpu.memory_space<hbm>>
    tpu.wait_indirect_dma semaphore(%arg13 : memref<!tpu.dma_semaphore, #tpu.memory_space<semaphore_mem>>) src(%dma_wait3A_2126 : memref<10000x64xf32, #tpu.memory_space<hbm>>) dst(%arg8 : memref<200x64xf32, #tpu.memory_space<vmem>>)
    %dma_start3A_2127 = arith.constant 33 : i32
    %dma_start3A_2128 = arith.constant 0 : i32
    %dma_start3A_2129 = tpu.memref_slice %arg7[%dma_start3A_2127, %dma_start3A_2128] : memref<50x200xi32, #tpu.memory_space<vmem>> -> memref<1x200xi32, #tpu.memory_space<vmem>>
    %dma_start3A_2130 = tpu.memref_squeeze %dma_start3A_2129 : memref<1x200xi32, #tpu.memory_space<vmem>> -> memref<200xi32, #tpu.memory_space<vmem>>
    %dma_start3A_2131 = arith.constant 0 : i32
    %dma_start3A_2132 = arith.constant 0 : i32
    %dma_start3A_2133 = tpu.memref_slice %arg11[%dma_start3A_2131, %dma_start3A_2132] : memref<10000x64xf32, #tpu.memory_space<vmem_shared>> -> memref<10000x64xf32, #tpu.memory_space<vmem_shared>>
    tpu.enqueue_indirect_dma source(%arg8 : memref<200x64xf32, #tpu.memory_space<vmem>>) target(%dma_start3A_2133 : memref<10000x64xf32, #tpu.memory_space<vmem_shared>>) offsets(%dma_start3A_2130 : memref<200xi32, #tpu.memory_space<vmem>>) semaphore(%arg16 : memref<!tpu.dma_semaphore, #tpu.memory_space<semaphore_mem>>) {add = true}
    %dma_wait3A_2134 = arith.constant 33 : i32
    %dma_wait3A_2135 = arith.constant 0 : i32
    %dma_wait3A_2136 = tpu.memref_slice %arg7[%dma_wait3A_2134, %dma_wait3A_2135] : memref<50x200xi32, #tpu.memory_space<vmem>> -> memref<1x200xi32, #tpu.memory_space<vmem>>
    %dma_wait3A_2137 = tpu.memref_squeeze %dma_wait3A_2136 : memref<1x200xi32, #tpu.memory_space<vmem>> -> memref<200xi32, #tpu.memory_space<vmem>>
    %dma_wait3A_2138 = arith.constant 0 : i32
    %dma_wait3A_2139 = arith.constant 0 : i32
    %dma_wait3A_2140 = tpu.memref_slice %arg11[%dma_wait3A_2138, %dma_wait3A_2139] : memref<10000x64xf32, #tpu.memory_space<vmem_shared>> -> memref<10000x64xf32, #tpu.memory_space<vmem_shared>>
    tpu.wait_indirect_dma semaphore(%arg16 : memref<!tpu.dma_semaphore, #tpu.memory_space<semaphore_mem>>) src(%arg8 : memref<200x64xf32, #tpu.memory_space<vmem>>) dst(%dma_wait3A_2140 : memref<10000x64xf32, #tpu.memory_space<vmem_shared>>)
    %dma_start3A_2141 = arith.constant 7200 : i32
    %dma_start3A_2142 = tpu.memref_slice %arg6[%dma_start3A_2141] : memref<10000xi32, #tpu.memory_space<vmem>> -> memref<200xi32, #tpu.memory_space<vmem>>
    %dma_start3A_2143 = arith.constant 0 : i32
    %dma_start3A_2144 = arith.constant 0 : i32
    %dma_start3A_2145 = tpu.memref_slice %arg3[%dma_start3A_2143, %dma_start3A_2144] : memref<10000x64xf32, #tpu.memory_space<hbm>> -> memref<10000x64xf32, #tpu.memory_space<hbm>>
    tpu.enqueue_indirect_dma source(%dma_start3A_2145 : memref<10000x64xf32, #tpu.memory_space<hbm>>) target(%arg8 : memref<200x64xf32, #tpu.memory_space<vmem>>) offsets(%dma_start3A_2142 : memref<200xi32, #tpu.memory_space<vmem>>) semaphore(%arg13 : memref<!tpu.dma_semaphore, #tpu.memory_space<semaphore_mem>>)
    %dma_wait3A_2146 = arith.constant 6800 : i32
    %dma_wait3A_2147 = tpu.memref_slice %arg6[%dma_wait3A_2146] : memref<10000xi32, #tpu.memory_space<vmem>> -> memref<200xi32, #tpu.memory_space<vmem>>
    %dma_wait3A_2148 = arith.constant 0 : i32
    %dma_wait3A_2149 = arith.constant 0 : i32
    %dma_wait3A_2150 = tpu.memref_slice %arg3[%dma_wait3A_2148, %dma_wait3A_2149] : memref<10000x64xf32, #tpu.memory_space<hbm>> -> memref<10000x64xf32, #tpu.memory_space<hbm>>
    tpu.wait_indirect_dma semaphore(%arg14 : memref<!tpu.dma_semaphore, #tpu.memory_space<semaphore_mem>>) src(%dma_wait3A_2150 : memref<10000x64xf32, #tpu.memory_space<hbm>>) dst(%arg9 : memref<200x64xf32, #tpu.memory_space<vmem>>)
    %dma_start3A_2151 = arith.constant 34 : i32
    %dma_start3A_2152 = arith.constant 0 : i32
    %dma_start3A_2153 = tpu.memref_slice %arg7[%dma_start3A_2151, %dma_start3A_2152] : memref<50x200xi32, #tpu.memory_space<vmem>> -> memref<1x200xi32, #tpu.memory_space<vmem>>
    %dma_start3A_2154 = tpu.memref_squeeze %dma_start3A_2153 : memref<1x200xi32, #tpu.memory_space<vmem>> -> memref<200xi32, #tpu.memory_space<vmem>>
    %dma_start3A_2155 = arith.constant 0 : i32
    %dma_start3A_2156 = arith.constant 0 : i32
    %dma_start3A_2157 = tpu.memref_slice %arg11[%dma_start3A_2155, %dma_start3A_2156] : memref<10000x64xf32, #tpu.memory_space<vmem_shared>> -> memref<10000x64xf32, #tpu.memory_space<vmem_shared>>
    tpu.enqueue_indirect_dma source(%arg9 : memref<200x64xf32, #tpu.memory_space<vmem>>) target(%dma_start3A_2157 : memref<10000x64xf32, #tpu.memory_space<vmem_shared>>) offsets(%dma_start3A_2154 : memref<200xi32, #tpu.memory_space<vmem>>) semaphore(%arg17 : memref<!tpu.dma_semaphore, #tpu.memory_space<semaphore_mem>>) {add = true}
    %dma_wait3A_2158 = arith.constant 34 : i32
    %dma_wait3A_2159 = arith.constant 0 : i32
    %dma_wait3A_2160 = tpu.memref_slice %arg7[%dma_wait3A_2158, %dma_wait3A_2159] : memref<50x200xi32, #tpu.memory_space<vmem>> -> memref<1x200xi32, #tpu.memory_space<vmem>>
    %dma_wait3A_2161 = tpu.memref_squeeze %dma_wait3A_2160 : memref<1x200xi32, #tpu.memory_space<vmem>> -> memref<200xi32, #tpu.memory_space<vmem>>
    %dma_wait3A_2162 = arith.constant 0 : i32
    %dma_wait3A_2163 = arith.constant 0 : i32
    %dma_wait3A_2164 = tpu.memref_slice %arg11[%dma_wait3A_2162, %dma_wait3A_2163] : memref<10000x64xf32, #tpu.memory_space<vmem_shared>> -> memref<10000x64xf32, #tpu.memory_space<vmem_shared>>
    tpu.wait_indirect_dma semaphore(%arg17 : memref<!tpu.dma_semaphore, #tpu.memory_space<semaphore_mem>>) src(%arg9 : memref<200x64xf32, #tpu.memory_space<vmem>>) dst(%dma_wait3A_2164 : memref<10000x64xf32, #tpu.memory_space<vmem_shared>>)
    %dma_start3A_2165 = arith.constant 7400 : i32
    %dma_start3A_2166 = tpu.memref_slice %arg6[%dma_start3A_2165] : memref<10000xi32, #tpu.memory_space<vmem>> -> memref<200xi32, #tpu.memory_space<vmem>>
    %dma_start3A_2167 = arith.constant 0 : i32
    %dma_start3A_2168 = arith.constant 0 : i32
    %dma_start3A_2169 = tpu.memref_slice %arg3[%dma_start3A_2167, %dma_start3A_2168] : memref<10000x64xf32, #tpu.memory_space<hbm>> -> memref<10000x64xf32, #tpu.memory_space<hbm>>
    tpu.enqueue_indirect_dma source(%dma_start3A_2169 : memref<10000x64xf32, #tpu.memory_space<hbm>>) target(%arg9 : memref<200x64xf32, #tpu.memory_space<vmem>>) offsets(%dma_start3A_2166 : memref<200xi32, #tpu.memory_space<vmem>>) semaphore(%arg14 : memref<!tpu.dma_semaphore, #tpu.memory_space<semaphore_mem>>)
    %dma_wait3A_2170 = arith.constant 7000 : i32
    %dma_wait3A_2171 = tpu.memref_slice %arg6[%dma_wait3A_2170] : memref<10000xi32, #tpu.memory_space<vmem>> -> memref<200xi32, #tpu.memory_space<vmem>>
    %dma_wait3A_2172 = arith.constant 0 : i32
    %dma_wait3A_2173 = arith.constant 0 : i32
    %dma_wait3A_2174 = tpu.memref_slice %arg3[%dma_wait3A_2172, %dma_wait3A_2173] : memref<10000x64xf32, #tpu.memory_space<hbm>> -> memref<10000x64xf32, #tpu.memory_space<hbm>>
    tpu.wait_indirect_dma semaphore(%arg15 : memref<!tpu.dma_semaphore, #tpu.memory_space<semaphore_mem>>) src(%dma_wait3A_2174 : memref<10000x64xf32, #tpu.memory_space<hbm>>) dst(%arg10 : memref<200x64xf32, #tpu.memory_space<vmem>>)
    %dma_start3A_2175 = arith.constant 35 : i32
    %dma_start3A_2176 = arith.constant 0 : i32
    %dma_start3A_2177 = tpu.memref_slice %arg7[%dma_start3A_2175, %dma_start3A_2176] : memref<50x200xi32, #tpu.memory_space<vmem>> -> memref<1x200xi32, #tpu.memory_space<vmem>>
    %dma_start3A_2178 = tpu.memref_squeeze %dma_start3A_2177 : memref<1x200xi32, #tpu.memory_space<vmem>> -> memref<200xi32, #tpu.memory_space<vmem>>
    %dma_start3A_2179 = arith.constant 0 : i32
    %dma_start3A_2180 = arith.constant 0 : i32
    %dma_start3A_2181 = tpu.memref_slice %arg11[%dma_start3A_2179, %dma_start3A_2180] : memref<10000x64xf32, #tpu.memory_space<vmem_shared>> -> memref<10000x64xf32, #tpu.memory_space<vmem_shared>>
    tpu.enqueue_indirect_dma source(%arg10 : memref<200x64xf32, #tpu.memory_space<vmem>>) target(%dma_start3A_2181 : memref<10000x64xf32, #tpu.memory_space<vmem_shared>>) offsets(%dma_start3A_2178 : memref<200xi32, #tpu.memory_space<vmem>>) semaphore(%arg18 : memref<!tpu.dma_semaphore, #tpu.memory_space<semaphore_mem>>) {add = true}
    %dma_wait3A_2182 = arith.constant 35 : i32
    %dma_wait3A_2183 = arith.constant 0 : i32
    %dma_wait3A_2184 = tpu.memref_slice %arg7[%dma_wait3A_2182, %dma_wait3A_2183] : memref<50x200xi32, #tpu.memory_space<vmem>> -> memref<1x200xi32, #tpu.memory_space<vmem>>
    %dma_wait3A_2185 = tpu.memref_squeeze %dma_wait3A_2184 : memref<1x200xi32, #tpu.memory_space<vmem>> -> memref<200xi32, #tpu.memory_space<vmem>>
    %dma_wait3A_2186 = arith.constant 0 : i32
    %dma_wait3A_2187 = arith.constant 0 : i32
    %dma_wait3A_2188 = tpu.memref_slice %arg11[%dma_wait3A_2186, %dma_wait3A_2187] : memref<10000x64xf32, #tpu.memory_space<vmem_shared>> -> memref<10000x64xf32, #tpu.memory_space<vmem_shared>>
    tpu.wait_indirect_dma semaphore(%arg18 : memref<!tpu.dma_semaphore, #tpu.memory_space<semaphore_mem>>) src(%arg10 : memref<200x64xf32, #tpu.memory_space<vmem>>) dst(%dma_wait3A_2188 : memref<10000x64xf32, #tpu.memory_space<vmem_shared>>)
    %dma_start3A_2189 = arith.constant 7600 : i32
    %dma_start3A_2190 = tpu.memref_slice %arg6[%dma_start3A_2189] : memref<10000xi32, #tpu.memory_space<vmem>> -> memref<200xi32, #tpu.memory_space<vmem>>
    %dma_start3A_2191 = arith.constant 0 : i32
    %dma_start3A_2192 = arith.constant 0 : i32
    %dma_start3A_2193 = tpu.memref_slice %arg3[%dma_start3A_2191, %dma_start3A_2192] : memref<10000x64xf32, #tpu.memory_space<hbm>> -> memref<10000x64xf32, #tpu.memory_space<hbm>>
    tpu.enqueue_indirect_dma source(%dma_start3A_2193 : memref<10000x64xf32, #tpu.memory_space<hbm>>) target(%arg10 : memref<200x64xf32, #tpu.memory_space<vmem>>) offsets(%dma_start3A_2190 : memref<200xi32, #tpu.memory_space<vmem>>) semaphore(%arg15 : memref<!tpu.dma_semaphore, #tpu.memory_space<semaphore_mem>>)
    %dma_wait3A_2194 = arith.constant 7200 : i32
    %dma_wait3A_2195 = tpu.memref_slice %arg6[%dma_wait3A_2194] : memref<10000xi32, #tpu.memory_space<vmem>> -> memref<200xi32, #tpu.memory_space<vmem>>
    %dma_wait3A_2196 = arith.constant 0 : i32
    %dma_wait3A_2197 = arith.constant 0 : i32
    %dma_wait3A_2198 = tpu.memref_slice %arg3[%dma_wait3A_2196, %dma_wait3A_2197] : memref<10000x64xf32, #tpu.memory_space<hbm>> -> memref<10000x64xf32, #tpu.memory_space<hbm>>
    tpu.wait_indirect_dma semaphore(%arg13 : memref<!tpu.dma_semaphore, #tpu.memory_space<semaphore_mem>>) src(%dma_wait3A_2198 : memref<10000x64xf32, #tpu.memory_space<hbm>>) dst(%arg8 : memref<200x64xf32, #tpu.memory_space<vmem>>)
    %dma_start3A_2199 = arith.constant 36 : i32
    %dma_start3A_2200 = arith.constant 0 : i32
    %dma_start3A_2201 = tpu.memref_slice %arg7[%dma_start3A_2199, %dma_start3A_2200] : memref<50x200xi32, #tpu.memory_space<vmem>> -> memref<1x200xi32, #tpu.memory_space<vmem>>
    %dma_start3A_2202 = tpu.memref_squeeze %dma_start3A_2201 : memref<1x200xi32, #tpu.memory_space<vmem>> -> memref<200xi32, #tpu.memory_space<vmem>>
    %dma_start3A_2203 = arith.constant 0 : i32
    %dma_start3A_2204 = arith.constant 0 : i32
    %dma_start3A_2205 = tpu.memref_slice %arg11[%dma_start3A_2203, %dma_start3A_2204] : memref<10000x64xf32, #tpu.memory_space<vmem_shared>> -> memref<10000x64xf32, #tpu.memory_space<vmem_shared>>
    tpu.enqueue_indirect_dma source(%arg8 : memref<200x64xf32, #tpu.memory_space<vmem>>) target(%dma_start3A_2205 : memref<10000x64xf32, #tpu.memory_space<vmem_shared>>) offsets(%dma_start3A_2202 : memref<200xi32, #tpu.memory_space<vmem>>) semaphore(%arg16 : memref<!tpu.dma_semaphore, #tpu.memory_space<semaphore_mem>>) {add = true}
    %dma_wait3A_2206 = arith.constant 36 : i32
    %dma_wait3A_2207 = arith.constant 0 : i32
    %dma_wait3A_2208 = tpu.memref_slice %arg7[%dma_wait3A_2206, %dma_wait3A_2207] : memref<50x200xi32, #tpu.memory_space<vmem>> -> memref<1x200xi32, #tpu.memory_space<vmem>>
    %dma_wait3A_2209 = tpu.memref_squeeze %dma_wait3A_2208 : memref<1x200xi32, #tpu.memory_space<vmem>> -> memref<200xi32, #tpu.memory_space<vmem>>
    %dma_wait3A_2210 = arith.constant 0 : i32
    %dma_wait3A_2211 = arith.constant 0 : i32
    %dma_wait3A_2212 = tpu.memref_slice %arg11[%dma_wait3A_2210, %dma_wait3A_2211] : memref<10000x64xf32, #tpu.memory_space<vmem_shared>> -> memref<10000x64xf32, #tpu.memory_space<vmem_shared>>
    tpu.wait_indirect_dma semaphore(%arg16 : memref<!tpu.dma_semaphore, #tpu.memory_space<semaphore_mem>>) src(%arg8 : memref<200x64xf32, #tpu.memory_space<vmem>>) dst(%dma_wait3A_2212 : memref<10000x64xf32, #tpu.memory_space<vmem_shared>>)
    %dma_start3A_2213 = arith.constant 7800 : i32
    %dma_start3A_2214 = tpu.memref_slice %arg6[%dma_start3A_2213] : memref<10000xi32, #tpu.memory_space<vmem>> -> memref<200xi32, #tpu.memory_space<vmem>>
    %dma_start3A_2215 = arith.constant 0 : i32
    %dma_start3A_2216 = arith.constant 0 : i32
    %dma_start3A_2217 = tpu.memref_slice %arg3[%dma_start3A_2215, %dma_start3A_2216] : memref<10000x64xf32, #tpu.memory_space<hbm>> -> memref<10000x64xf32, #tpu.memory_space<hbm>>
    tpu.enqueue_indirect_dma source(%dma_start3A_2217 : memref<10000x64xf32, #tpu.memory_space<hbm>>) target(%arg8 : memref<200x64xf32, #tpu.memory_space<vmem>>) offsets(%dma_start3A_2214 : memref<200xi32, #tpu.memory_space<vmem>>) semaphore(%arg13 : memref<!tpu.dma_semaphore, #tpu.memory_space<semaphore_mem>>)
    %dma_wait3A_2218 = arith.constant 7400 : i32
    %dma_wait3A_2219 = tpu.memref_slice %arg6[%dma_wait3A_2218] : memref<10000xi32, #tpu.memory_space<vmem>> -> memref<200xi32, #tpu.memory_space<vmem>>
    %dma_wait3A_2220 = arith.constant 0 : i32
    %dma_wait3A_2221 = arith.constant 0 : i32
    %dma_wait3A_2222 = tpu.memref_slice %arg3[%dma_wait3A_2220, %dma_wait3A_2221] : memref<10000x64xf32, #tpu.memory_space<hbm>> -> memref<10000x64xf32, #tpu.memory_space<hbm>>
    tpu.wait_indirect_dma semaphore(%arg14 : memref<!tpu.dma_semaphore, #tpu.memory_space<semaphore_mem>>) src(%dma_wait3A_2222 : memref<10000x64xf32, #tpu.memory_space<hbm>>) dst(%arg9 : memref<200x64xf32, #tpu.memory_space<vmem>>)
    %dma_start3A_2223 = arith.constant 37 : i32
    %dma_start3A_2224 = arith.constant 0 : i32
    %dma_start3A_2225 = tpu.memref_slice %arg7[%dma_start3A_2223, %dma_start3A_2224] : memref<50x200xi32, #tpu.memory_space<vmem>> -> memref<1x200xi32, #tpu.memory_space<vmem>>
    %dma_start3A_2226 = tpu.memref_squeeze %dma_start3A_2225 : memref<1x200xi32, #tpu.memory_space<vmem>> -> memref<200xi32, #tpu.memory_space<vmem>>
    %dma_start3A_2227 = arith.constant 0 : i32
    %dma_start3A_2228 = arith.constant 0 : i32
    %dma_start3A_2229 = tpu.memref_slice %arg11[%dma_start3A_2227, %dma_start3A_2228] : memref<10000x64xf32, #tpu.memory_space<vmem_shared>> -> memref<10000x64xf32, #tpu.memory_space<vmem_shared>>
    tpu.enqueue_indirect_dma source(%arg9 : memref<200x64xf32, #tpu.memory_space<vmem>>) target(%dma_start3A_2229 : memref<10000x64xf32, #tpu.memory_space<vmem_shared>>) offsets(%dma_start3A_2226 : memref<200xi32, #tpu.memory_space<vmem>>) semaphore(%arg17 : memref<!tpu.dma_semaphore, #tpu.memory_space<semaphore_mem>>) {add = true}
    %dma_wait3A_2230 = arith.constant 37 : i32
    %dma_wait3A_2231 = arith.constant 0 : i32
    %dma_wait3A_2232 = tpu.memref_slice %arg7[%dma_wait3A_2230, %dma_wait3A_2231] : memref<50x200xi32, #tpu.memory_space<vmem>> -> memref<1x200xi32, #tpu.memory_space<vmem>>
    %dma_wait3A_2233 = tpu.memref_squeeze %dma_wait3A_2232 : memref<1x200xi32, #tpu.memory_space<vmem>> -> memref<200xi32, #tpu.memory_space<vmem>>
    %dma_wait3A_2234 = arith.constant 0 : i32
    %dma_wait3A_2235 = arith.constant 0 : i32
    %dma_wait3A_2236 = tpu.memref_slice %arg11[%dma_wait3A_2234, %dma_wait3A_2235] : memref<10000x64xf32, #tpu.memory_space<vmem_shared>> -> memref<10000x64xf32, #tpu.memory_space<vmem_shared>>
    tpu.wait_indirect_dma semaphore(%arg17 : memref<!tpu.dma_semaphore, #tpu.memory_space<semaphore_mem>>) src(%arg9 : memref<200x64xf32, #tpu.memory_space<vmem>>) dst(%dma_wait3A_2236 : memref<10000x64xf32, #tpu.memory_space<vmem_shared>>)
    %dma_start3A_2237 = arith.constant 8000 : i32
    %dma_start3A_2238 = tpu.memref_slice %arg6[%dma_start3A_2237] : memref<10000xi32, #tpu.memory_space<vmem>> -> memref<200xi32, #tpu.memory_space<vmem>>
    %dma_start3A_2239 = arith.constant 0 : i32
    %dma_start3A_2240 = arith.constant 0 : i32
    %dma_start3A_2241 = tpu.memref_slice %arg3[%dma_start3A_2239, %dma_start3A_2240] : memref<10000x64xf32, #tpu.memory_space<hbm>> -> memref<10000x64xf32, #tpu.memory_space<hbm>>
    tpu.enqueue_indirect_dma source(%dma_start3A_2241 : memref<10000x64xf32, #tpu.memory_space<hbm>>) target(%arg9 : memref<200x64xf32, #tpu.memory_space<vmem>>) offsets(%dma_start3A_2238 : memref<200xi32, #tpu.memory_space<vmem>>) semaphore(%arg14 : memref<!tpu.dma_semaphore, #tpu.memory_space<semaphore_mem>>)
    %dma_wait3A_2242 = arith.constant 7600 : i32
    %dma_wait3A_2243 = tpu.memref_slice %arg6[%dma_wait3A_2242] : memref<10000xi32, #tpu.memory_space<vmem>> -> memref<200xi32, #tpu.memory_space<vmem>>
    %dma_wait3A_2244 = arith.constant 0 : i32
    %dma_wait3A_2245 = arith.constant 0 : i32
    %dma_wait3A_2246 = tpu.memref_slice %arg3[%dma_wait3A_2244, %dma_wait3A_2245] : memref<10000x64xf32, #tpu.memory_space<hbm>> -> memref<10000x64xf32, #tpu.memory_space<hbm>>
    tpu.wait_indirect_dma semaphore(%arg15 : memref<!tpu.dma_semaphore, #tpu.memory_space<semaphore_mem>>) src(%dma_wait3A_2246 : memref<10000x64xf32, #tpu.memory_space<hbm>>) dst(%arg10 : memref<200x64xf32, #tpu.memory_space<vmem>>)
    %dma_start3A_2247 = arith.constant 38 : i32
    %dma_start3A_2248 = arith.constant 0 : i32
    %dma_start3A_2249 = tpu.memref_slice %arg7[%dma_start3A_2247, %dma_start3A_2248] : memref<50x200xi32, #tpu.memory_space<vmem>> -> memref<1x200xi32, #tpu.memory_space<vmem>>
    %dma_start3A_2250 = tpu.memref_squeeze %dma_start3A_2249 : memref<1x200xi32, #tpu.memory_space<vmem>> -> memref<200xi32, #tpu.memory_space<vmem>>
    %dma_start3A_2251 = arith.constant 0 : i32
    %dma_start3A_2252 = arith.constant 0 : i32
    %dma_start3A_2253 = tpu.memref_slice %arg11[%dma_start3A_2251, %dma_start3A_2252] : memref<10000x64xf32, #tpu.memory_space<vmem_shared>> -> memref<10000x64xf32, #tpu.memory_space<vmem_shared>>
    tpu.enqueue_indirect_dma source(%arg10 : memref<200x64xf32, #tpu.memory_space<vmem>>) target(%dma_start3A_2253 : memref<10000x64xf32, #tpu.memory_space<vmem_shared>>) offsets(%dma_start3A_2250 : memref<200xi32, #tpu.memory_space<vmem>>) semaphore(%arg18 : memref<!tpu.dma_semaphore, #tpu.memory_space<semaphore_mem>>) {add = true}
    %dma_wait3A_2254 = arith.constant 38 : i32
    %dma_wait3A_2255 = arith.constant 0 : i32
    %dma_wait3A_2256 = tpu.memref_slice %arg7[%dma_wait3A_2254, %dma_wait3A_2255] : memref<50x200xi32, #tpu.memory_space<vmem>> -> memref<1x200xi32, #tpu.memory_space<vmem>>
    %dma_wait3A_2257 = tpu.memref_squeeze %dma_wait3A_2256 : memref<1x200xi32, #tpu.memory_space<vmem>> -> memref<200xi32, #tpu.memory_space<vmem>>
    %dma_wait3A_2258 = arith.constant 0 : i32
    %dma_wait3A_2259 = arith.constant 0 : i32
    %dma_wait3A_2260 = tpu.memref_slice %arg11[%dma_wait3A_2258, %dma_wait3A_2259] : memref<10000x64xf32, #tpu.memory_space<vmem_shared>> -> memref<10000x64xf32, #tpu.memory_space<vmem_shared>>
    tpu.wait_indirect_dma semaphore(%arg18 : memref<!tpu.dma_semaphore, #tpu.memory_space<semaphore_mem>>) src(%arg10 : memref<200x64xf32, #tpu.memory_space<vmem>>) dst(%dma_wait3A_2260 : memref<10000x64xf32, #tpu.memory_space<vmem_shared>>)
    %dma_start3A_2261 = arith.constant 8200 : i32
    %dma_start3A_2262 = tpu.memref_slice %arg6[%dma_start3A_2261] : memref<10000xi32, #tpu.memory_space<vmem>> -> memref<200xi32, #tpu.memory_space<vmem>>
    %dma_start3A_2263 = arith.constant 0 : i32
    %dma_start3A_2264 = arith.constant 0 : i32
    %dma_start3A_2265 = tpu.memref_slice %arg3[%dma_start3A_2263, %dma_start3A_2264] : memref<10000x64xf32, #tpu.memory_space<hbm>> -> memref<10000x64xf32, #tpu.memory_space<hbm>>
    tpu.enqueue_indirect_dma source(%dma_start3A_2265 : memref<10000x64xf32, #tpu.memory_space<hbm>>) target(%arg10 : memref<200x64xf32, #tpu.memory_space<vmem>>) offsets(%dma_start3A_2262 : memref<200xi32, #tpu.memory_space<vmem>>) semaphore(%arg15 : memref<!tpu.dma_semaphore, #tpu.memory_space<semaphore_mem>>)
    %dma_wait3A_2266 = arith.constant 7800 : i32
    %dma_wait3A_2267 = tpu.memref_slice %arg6[%dma_wait3A_2266] : memref<10000xi32, #tpu.memory_space<vmem>> -> memref<200xi32, #tpu.memory_space<vmem>>
    %dma_wait3A_2268 = arith.constant 0 : i32
    %dma_wait3A_2269 = arith.constant 0 : i32
    %dma_wait3A_2270 = tpu.memref_slice %arg3[%dma_wait3A_2268, %dma_wait3A_2269] : memref<10000x64xf32, #tpu.memory_space<hbm>> -> memref<10000x64xf32, #tpu.memory_space<hbm>>
    tpu.wait_indirect_dma semaphore(%arg13 : memref<!tpu.dma_semaphore, #tpu.memory_space<semaphore_mem>>) src(%dma_wait3A_2270 : memref<10000x64xf32, #tpu.memory_space<hbm>>) dst(%arg8 : memref<200x64xf32, #tpu.memory_space<vmem>>)
    %dma_start3A_2271 = arith.constant 39 : i32
    %dma_start3A_2272 = arith.constant 0 : i32
    %dma_start3A_2273 = tpu.memref_slice %arg7[%dma_start3A_2271, %dma_start3A_2272] : memref<50x200xi32, #tpu.memory_space<vmem>> -> memref<1x200xi32, #tpu.memory_space<vmem>>
    %dma_start3A_2274 = tpu.memref_squeeze %dma_start3A_2273 : memref<1x200xi32, #tpu.memory_space<vmem>> -> memref<200xi32, #tpu.memory_space<vmem>>
    %dma_start3A_2275 = arith.constant 0 : i32
    %dma_start3A_2276 = arith.constant 0 : i32
    %dma_start3A_2277 = tpu.memref_slice %arg11[%dma_start3A_2275, %dma_start3A_2276] : memref<10000x64xf32, #tpu.memory_space<vmem_shared>> -> memref<10000x64xf32, #tpu.memory_space<vmem_shared>>
    tpu.enqueue_indirect_dma source(%arg8 : memref<200x64xf32, #tpu.memory_space<vmem>>) target(%dma_start3A_2277 : memref<10000x64xf32, #tpu.memory_space<vmem_shared>>) offsets(%dma_start3A_2274 : memref<200xi32, #tpu.memory_space<vmem>>) semaphore(%arg16 : memref<!tpu.dma_semaphore, #tpu.memory_space<semaphore_mem>>) {add = true}
    %dma_wait3A_2278 = arith.constant 39 : i32
    %dma_wait3A_2279 = arith.constant 0 : i32
    %dma_wait3A_2280 = tpu.memref_slice %arg7[%dma_wait3A_2278, %dma_wait3A_2279] : memref<50x200xi32, #tpu.memory_space<vmem>> -> memref<1x200xi32, #tpu.memory_space<vmem>>
    %dma_wait3A_2281 = tpu.memref_squeeze %dma_wait3A_2280 : memref<1x200xi32, #tpu.memory_space<vmem>> -> memref<200xi32, #tpu.memory_space<vmem>>
    %dma_wait3A_2282 = arith.constant 0 : i32
    %dma_wait3A_2283 = arith.constant 0 : i32
    %dma_wait3A_2284 = tpu.memref_slice %arg11[%dma_wait3A_2282, %dma_wait3A_2283] : memref<10000x64xf32, #tpu.memory_space<vmem_shared>> -> memref<10000x64xf32, #tpu.memory_space<vmem_shared>>
    tpu.wait_indirect_dma semaphore(%arg16 : memref<!tpu.dma_semaphore, #tpu.memory_space<semaphore_mem>>) src(%arg8 : memref<200x64xf32, #tpu.memory_space<vmem>>) dst(%dma_wait3A_2284 : memref<10000x64xf32, #tpu.memory_space<vmem_shared>>)
    %dma_start3A_2285 = arith.constant 8400 : i32
    %dma_start3A_2286 = tpu.memref_slice %arg6[%dma_start3A_2285] : memref<10000xi32, #tpu.memory_space<vmem>> -> memref<200xi32, #tpu.memory_space<vmem>>
    %dma_start3A_2287 = arith.constant 0 : i32
    %dma_start3A_2288 = arith.constant 0 : i32
    %dma_start3A_2289 = tpu.memref_slice %arg3[%dma_start3A_2287, %dma_start3A_2288] : memref<10000x64xf32, #tpu.memory_space<hbm>> -> memref<10000x64xf32, #tpu.memory_space<hbm>>
    tpu.enqueue_indirect_dma source(%dma_start3A_2289 : memref<10000x64xf32, #tpu.memory_space<hbm>>) target(%arg8 : memref<200x64xf32, #tpu.memory_space<vmem>>) offsets(%dma_start3A_2286 : memref<200xi32, #tpu.memory_space<vmem>>) semaphore(%arg13 : memref<!tpu.dma_semaphore, #tpu.memory_space<semaphore_mem>>)
    %dma_wait3A_2290 = arith.constant 8000 : i32
    %dma_wait3A_2291 = tpu.memref_slice %arg6[%dma_wait3A_2290] : memref<10000xi32, #tpu.memory_space<vmem>> -> memref<200xi32, #tpu.memory_space<vmem>>
    %dma_wait3A_2292 = arith.constant 0 : i32
    %dma_wait3A_2293 = arith.constant 0 : i32
    %dma_wait3A_2294 = tpu.memref_slice %arg3[%dma_wait3A_2292, %dma_wait3A_2293] : memref<10000x64xf32, #tpu.memory_space<hbm>> -> memref<10000x64xf32, #tpu.memory_space<hbm>>
    tpu.wait_indirect_dma semaphore(%arg14 : memref<!tpu.dma_semaphore, #tpu.memory_space<semaphore_mem>>) src(%dma_wait3A_2294 : memref<10000x64xf32, #tpu.memory_space<hbm>>) dst(%arg9 : memref<200x64xf32, #tpu.memory_space<vmem>>)
    %dma_start3A_2295 = arith.constant 40 : i32
    %dma_start3A_2296 = arith.constant 0 : i32
    %dma_start3A_2297 = tpu.memref_slice %arg7[%dma_start3A_2295, %dma_start3A_2296] : memref<50x200xi32, #tpu.memory_space<vmem>> -> memref<1x200xi32, #tpu.memory_space<vmem>>
    %dma_start3A_2298 = tpu.memref_squeeze %dma_start3A_2297 : memref<1x200xi32, #tpu.memory_space<vmem>> -> memref<200xi32, #tpu.memory_space<vmem>>
    %dma_start3A_2299 = arith.constant 0 : i32
    %dma_start3A_2300 = arith.constant 0 : i32
    %dma_start3A_2301 = tpu.memref_slice %arg11[%dma_start3A_2299, %dma_start3A_2300] : memref<10000x64xf32, #tpu.memory_space<vmem_shared>> -> memref<10000x64xf32, #tpu.memory_space<vmem_shared>>
    tpu.enqueue_indirect_dma source(%arg9 : memref<200x64xf32, #tpu.memory_space<vmem>>) target(%dma_start3A_2301 : memref<10000x64xf32, #tpu.memory_space<vmem_shared>>) offsets(%dma_start3A_2298 : memref<200xi32, #tpu.memory_space<vmem>>) semaphore(%arg17 : memref<!tpu.dma_semaphore, #tpu.memory_space<semaphore_mem>>) {add = true}
    %dma_wait3A_2302 = arith.constant 40 : i32
    %dma_wait3A_2303 = arith.constant 0 : i32
    %dma_wait3A_2304 = tpu.memref_slice %arg7[%dma_wait3A_2302, %dma_wait3A_2303] : memref<50x200xi32, #tpu.memory_space<vmem>> -> memref<1x200xi32, #tpu.memory_space<vmem>>
    %dma_wait3A_2305 = tpu.memref_squeeze %dma_wait3A_2304 : memref<1x200xi32, #tpu.memory_space<vmem>> -> memref<200xi32, #tpu.memory_space<vmem>>
    %dma_wait3A_2306 = arith.constant 0 : i32
    %dma_wait3A_2307 = arith.constant 0 : i32
    %dma_wait3A_2308 = tpu.memref_slice %arg11[%dma_wait3A_2306, %dma_wait3A_2307] : memref<10000x64xf32, #tpu.memory_space<vmem_shared>> -> memref<10000x64xf32, #tpu.memory_space<vmem_shared>>
    tpu.wait_indirect_dma semaphore(%arg17 : memref<!tpu.dma_semaphore, #tpu.memory_space<semaphore_mem>>) src(%arg9 : memref<200x64xf32, #tpu.memory_space<vmem>>) dst(%dma_wait3A_2308 : memref<10000x64xf32, #tpu.memory_space<vmem_shared>>)
    %dma_start3A_2309 = arith.constant 8600 : i32
    %dma_start3A_2310 = tpu.memref_slice %arg6[%dma_start3A_2309] : memref<10000xi32, #tpu.memory_space<vmem>> -> memref<200xi32, #tpu.memory_space<vmem>>
    %dma_start3A_2311 = arith.constant 0 : i32
    %dma_start3A_2312 = arith.constant 0 : i32
    %dma_start3A_2313 = tpu.memref_slice %arg3[%dma_start3A_2311, %dma_start3A_2312] : memref<10000x64xf32, #tpu.memory_space<hbm>> -> memref<10000x64xf32, #tpu.memory_space<hbm>>
    tpu.enqueue_indirect_dma source(%dma_start3A_2313 : memref<10000x64xf32, #tpu.memory_space<hbm>>) target(%arg9 : memref<200x64xf32, #tpu.memory_space<vmem>>) offsets(%dma_start3A_2310 : memref<200xi32, #tpu.memory_space<vmem>>) semaphore(%arg14 : memref<!tpu.dma_semaphore, #tpu.memory_space<semaphore_mem>>)
    %dma_wait3A_2314 = arith.constant 8200 : i32
    %dma_wait3A_2315 = tpu.memref_slice %arg6[%dma_wait3A_2314] : memref<10000xi32, #tpu.memory_space<vmem>> -> memref<200xi32, #tpu.memory_space<vmem>>
    %dma_wait3A_2316 = arith.constant 0 : i32
    %dma_wait3A_2317 = arith.constant 0 : i32
    %dma_wait3A_2318 = tpu.memref_slice %arg3[%dma_wait3A_2316, %dma_wait3A_2317] : memref<10000x64xf32, #tpu.memory_space<hbm>> -> memref<10000x64xf32, #tpu.memory_space<hbm>>
    tpu.wait_indirect_dma semaphore(%arg15 : memref<!tpu.dma_semaphore, #tpu.memory_space<semaphore_mem>>) src(%dma_wait3A_2318 : memref<10000x64xf32, #tpu.memory_space<hbm>>) dst(%arg10 : memref<200x64xf32, #tpu.memory_space<vmem>>)
    %dma_start3A_2319 = arith.constant 41 : i32
    %dma_start3A_2320 = arith.constant 0 : i32
    %dma_start3A_2321 = tpu.memref_slice %arg7[%dma_start3A_2319, %dma_start3A_2320] : memref<50x200xi32, #tpu.memory_space<vmem>> -> memref<1x200xi32, #tpu.memory_space<vmem>>
    %dma_start3A_2322 = tpu.memref_squeeze %dma_start3A_2321 : memref<1x200xi32, #tpu.memory_space<vmem>> -> memref<200xi32, #tpu.memory_space<vmem>>
    %dma_start3A_2323 = arith.constant 0 : i32
    %dma_start3A_2324 = arith.constant 0 : i32
    %dma_start3A_2325 = tpu.memref_slice %arg11[%dma_start3A_2323, %dma_start3A_2324] : memref<10000x64xf32, #tpu.memory_space<vmem_shared>> -> memref<10000x64xf32, #tpu.memory_space<vmem_shared>>
    tpu.enqueue_indirect_dma source(%arg10 : memref<200x64xf32, #tpu.memory_space<vmem>>) target(%dma_start3A_2325 : memref<10000x64xf32, #tpu.memory_space<vmem_shared>>) offsets(%dma_start3A_2322 : memref<200xi32, #tpu.memory_space<vmem>>) semaphore(%arg18 : memref<!tpu.dma_semaphore, #tpu.memory_space<semaphore_mem>>) {add = true}
    %dma_wait3A_2326 = arith.constant 41 : i32
    %dma_wait3A_2327 = arith.constant 0 : i32
    %dma_wait3A_2328 = tpu.memref_slice %arg7[%dma_wait3A_2326, %dma_wait3A_2327] : memref<50x200xi32, #tpu.memory_space<vmem>> -> memref<1x200xi32, #tpu.memory_space<vmem>>
    %dma_wait3A_2329 = tpu.memref_squeeze %dma_wait3A_2328 : memref<1x200xi32, #tpu.memory_space<vmem>> -> memref<200xi32, #tpu.memory_space<vmem>>
    %dma_wait3A_2330 = arith.constant 0 : i32
    %dma_wait3A_2331 = arith.constant 0 : i32
    %dma_wait3A_2332 = tpu.memref_slice %arg11[%dma_wait3A_2330, %dma_wait3A_2331] : memref<10000x64xf32, #tpu.memory_space<vmem_shared>> -> memref<10000x64xf32, #tpu.memory_space<vmem_shared>>
    tpu.wait_indirect_dma semaphore(%arg18 : memref<!tpu.dma_semaphore, #tpu.memory_space<semaphore_mem>>) src(%arg10 : memref<200x64xf32, #tpu.memory_space<vmem>>) dst(%dma_wait3A_2332 : memref<10000x64xf32, #tpu.memory_space<vmem_shared>>)
    %dma_start3A_2333 = arith.constant 8800 : i32
    %dma_start3A_2334 = tpu.memref_slice %arg6[%dma_start3A_2333] : memref<10000xi32, #tpu.memory_space<vmem>> -> memref<200xi32, #tpu.memory_space<vmem>>
    %dma_start3A_2335 = arith.constant 0 : i32
    %dma_start3A_2336 = arith.constant 0 : i32
    %dma_start3A_2337 = tpu.memref_slice %arg3[%dma_start3A_2335, %dma_start3A_2336] : memref<10000x64xf32, #tpu.memory_space<hbm>> -> memref<10000x64xf32, #tpu.memory_space<hbm>>
    tpu.enqueue_indirect_dma source(%dma_start3A_2337 : memref<10000x64xf32, #tpu.memory_space<hbm>>) target(%arg10 : memref<200x64xf32, #tpu.memory_space<vmem>>) offsets(%dma_start3A_2334 : memref<200xi32, #tpu.memory_space<vmem>>) semaphore(%arg15 : memref<!tpu.dma_semaphore, #tpu.memory_space<semaphore_mem>>)
    %dma_wait3A_2338 = arith.constant 8400 : i32
    %dma_wait3A_2339 = tpu.memref_slice %arg6[%dma_wait3A_2338] : memref<10000xi32, #tpu.memory_space<vmem>> -> memref<200xi32, #tpu.memory_space<vmem>>
    %dma_wait3A_2340 = arith.constant 0 : i32
    %dma_wait3A_2341 = arith.constant 0 : i32
    %dma_wait3A_2342 = tpu.memref_slice %arg3[%dma_wait3A_2340, %dma_wait3A_2341] : memref<10000x64xf32, #tpu.memory_space<hbm>> -> memref<10000x64xf32, #tpu.memory_space<hbm>>
    tpu.wait_indirect_dma semaphore(%arg13 : memref<!tpu.dma_semaphore, #tpu.memory_space<semaphore_mem>>) src(%dma_wait3A_2342 : memref<10000x64xf32, #tpu.memory_space<hbm>>) dst(%arg8 : memref<200x64xf32, #tpu.memory_space<vmem>>)
    %dma_start3A_2343 = arith.constant 42 : i32
    %dma_start3A_2344 = arith.constant 0 : i32
    %dma_start3A_2345 = tpu.memref_slice %arg7[%dma_start3A_2343, %dma_start3A_2344] : memref<50x200xi32, #tpu.memory_space<vmem>> -> memref<1x200xi32, #tpu.memory_space<vmem>>
    %dma_start3A_2346 = tpu.memref_squeeze %dma_start3A_2345 : memref<1x200xi32, #tpu.memory_space<vmem>> -> memref<200xi32, #tpu.memory_space<vmem>>
    %dma_start3A_2347 = arith.constant 0 : i32
    %dma_start3A_2348 = arith.constant 0 : i32
    %dma_start3A_2349 = tpu.memref_slice %arg11[%dma_start3A_2347, %dma_start3A_2348] : memref<10000x64xf32, #tpu.memory_space<vmem_shared>> -> memref<10000x64xf32, #tpu.memory_space<vmem_shared>>
    tpu.enqueue_indirect_dma source(%arg8 : memref<200x64xf32, #tpu.memory_space<vmem>>) target(%dma_start3A_2349 : memref<10000x64xf32, #tpu.memory_space<vmem_shared>>) offsets(%dma_start3A_2346 : memref<200xi32, #tpu.memory_space<vmem>>) semaphore(%arg16 : memref<!tpu.dma_semaphore, #tpu.memory_space<semaphore_mem>>) {add = true}
    %dma_wait3A_2350 = arith.constant 42 : i32
    %dma_wait3A_2351 = arith.constant 0 : i32
    %dma_wait3A_2352 = tpu.memref_slice %arg7[%dma_wait3A_2350, %dma_wait3A_2351] : memref<50x200xi32, #tpu.memory_space<vmem>> -> memref<1x200xi32, #tpu.memory_space<vmem>>
    %dma_wait3A_2353 = tpu.memref_squeeze %dma_wait3A_2352 : memref<1x200xi32, #tpu.memory_space<vmem>> -> memref<200xi32, #tpu.memory_space<vmem>>
    %dma_wait3A_2354 = arith.constant 0 : i32
    %dma_wait3A_2355 = arith.constant 0 : i32
    %dma_wait3A_2356 = tpu.memref_slice %arg11[%dma_wait3A_2354, %dma_wait3A_2355] : memref<10000x64xf32, #tpu.memory_space<vmem_shared>> -> memref<10000x64xf32, #tpu.memory_space<vmem_shared>>
    tpu.wait_indirect_dma semaphore(%arg16 : memref<!tpu.dma_semaphore, #tpu.memory_space<semaphore_mem>>) src(%arg8 : memref<200x64xf32, #tpu.memory_space<vmem>>) dst(%dma_wait3A_2356 : memref<10000x64xf32, #tpu.memory_space<vmem_shared>>)
    %dma_start3A_2357 = arith.constant 9000 : i32
    %dma_start3A_2358 = tpu.memref_slice %arg6[%dma_start3A_2357] : memref<10000xi32, #tpu.memory_space<vmem>> -> memref<200xi32, #tpu.memory_space<vmem>>
    %dma_start3A_2359 = arith.constant 0 : i32
    %dma_start3A_2360 = arith.constant 0 : i32
    %dma_start3A_2361 = tpu.memref_slice %arg3[%dma_start3A_2359, %dma_start3A_2360] : memref<10000x64xf32, #tpu.memory_space<hbm>> -> memref<10000x64xf32, #tpu.memory_space<hbm>>
    tpu.enqueue_indirect_dma source(%dma_start3A_2361 : memref<10000x64xf32, #tpu.memory_space<hbm>>) target(%arg8 : memref<200x64xf32, #tpu.memory_space<vmem>>) offsets(%dma_start3A_2358 : memref<200xi32, #tpu.memory_space<vmem>>) semaphore(%arg13 : memref<!tpu.dma_semaphore, #tpu.memory_space<semaphore_mem>>)
    %dma_wait3A_2362 = arith.constant 8600 : i32
    %dma_wait3A_2363 = tpu.memref_slice %arg6[%dma_wait3A_2362] : memref<10000xi32, #tpu.memory_space<vmem>> -> memref<200xi32, #tpu.memory_space<vmem>>
    %dma_wait3A_2364 = arith.constant 0 : i32
    %dma_wait3A_2365 = arith.constant 0 : i32
    %dma_wait3A_2366 = tpu.memref_slice %arg3[%dma_wait3A_2364, %dma_wait3A_2365] : memref<10000x64xf32, #tpu.memory_space<hbm>> -> memref<10000x64xf32, #tpu.memory_space<hbm>>
    tpu.wait_indirect_dma semaphore(%arg14 : memref<!tpu.dma_semaphore, #tpu.memory_space<semaphore_mem>>) src(%dma_wait3A_2366 : memref<10000x64xf32, #tpu.memory_space<hbm>>) dst(%arg9 : memref<200x64xf32, #tpu.memory_space<vmem>>)
    %dma_start3A_2367 = arith.constant 43 : i32
    %dma_start3A_2368 = arith.constant 0 : i32
    %dma_start3A_2369 = tpu.memref_slice %arg7[%dma_start3A_2367, %dma_start3A_2368] : memref<50x200xi32, #tpu.memory_space<vmem>> -> memref<1x200xi32, #tpu.memory_space<vmem>>
    %dma_start3A_2370 = tpu.memref_squeeze %dma_start3A_2369 : memref<1x200xi32, #tpu.memory_space<vmem>> -> memref<200xi32, #tpu.memory_space<vmem>>
    %dma_start3A_2371 = arith.constant 0 : i32
    %dma_start3A_2372 = arith.constant 0 : i32
    %dma_start3A_2373 = tpu.memref_slice %arg11[%dma_start3A_2371, %dma_start3A_2372] : memref<10000x64xf32, #tpu.memory_space<vmem_shared>> -> memref<10000x64xf32, #tpu.memory_space<vmem_shared>>
    tpu.enqueue_indirect_dma source(%arg9 : memref<200x64xf32, #tpu.memory_space<vmem>>) target(%dma_start3A_2373 : memref<10000x64xf32, #tpu.memory_space<vmem_shared>>) offsets(%dma_start3A_2370 : memref<200xi32, #tpu.memory_space<vmem>>) semaphore(%arg17 : memref<!tpu.dma_semaphore, #tpu.memory_space<semaphore_mem>>) {add = true}
    %dma_wait3A_2374 = arith.constant 43 : i32
    %dma_wait3A_2375 = arith.constant 0 : i32
    %dma_wait3A_2376 = tpu.memref_slice %arg7[%dma_wait3A_2374, %dma_wait3A_2375] : memref<50x200xi32, #tpu.memory_space<vmem>> -> memref<1x200xi32, #tpu.memory_space<vmem>>
    %dma_wait3A_2377 = tpu.memref_squeeze %dma_wait3A_2376 : memref<1x200xi32, #tpu.memory_space<vmem>> -> memref<200xi32, #tpu.memory_space<vmem>>
    %dma_wait3A_2378 = arith.constant 0 : i32
    %dma_wait3A_2379 = arith.constant 0 : i32
    %dma_wait3A_2380 = tpu.memref_slice %arg11[%dma_wait3A_2378, %dma_wait3A_2379] : memref<10000x64xf32, #tpu.memory_space<vmem_shared>> -> memref<10000x64xf32, #tpu.memory_space<vmem_shared>>
    tpu.wait_indirect_dma semaphore(%arg17 : memref<!tpu.dma_semaphore, #tpu.memory_space<semaphore_mem>>) src(%arg9 : memref<200x64xf32, #tpu.memory_space<vmem>>) dst(%dma_wait3A_2380 : memref<10000x64xf32, #tpu.memory_space<vmem_shared>>)
    %dma_start3A_2381 = arith.constant 9200 : i32
    %dma_start3A_2382 = tpu.memref_slice %arg6[%dma_start3A_2381] : memref<10000xi32, #tpu.memory_space<vmem>> -> memref<200xi32, #tpu.memory_space<vmem>>
    %dma_start3A_2383 = arith.constant 0 : i32
    %dma_start3A_2384 = arith.constant 0 : i32
    %dma_start3A_2385 = tpu.memref_slice %arg3[%dma_start3A_2383, %dma_start3A_2384] : memref<10000x64xf32, #tpu.memory_space<hbm>> -> memref<10000x64xf32, #tpu.memory_space<hbm>>
    tpu.enqueue_indirect_dma source(%dma_start3A_2385 : memref<10000x64xf32, #tpu.memory_space<hbm>>) target(%arg9 : memref<200x64xf32, #tpu.memory_space<vmem>>) offsets(%dma_start3A_2382 : memref<200xi32, #tpu.memory_space<vmem>>) semaphore(%arg14 : memref<!tpu.dma_semaphore, #tpu.memory_space<semaphore_mem>>)
    %dma_wait3A_2386 = arith.constant 8800 : i32
    %dma_wait3A_2387 = tpu.memref_slice %arg6[%dma_wait3A_2386] : memref<10000xi32, #tpu.memory_space<vmem>> -> memref<200xi32, #tpu.memory_space<vmem>>
    %dma_wait3A_2388 = arith.constant 0 : i32
    %dma_wait3A_2389 = arith.constant 0 : i32
    %dma_wait3A_2390 = tpu.memref_slice %arg3[%dma_wait3A_2388, %dma_wait3A_2389] : memref<10000x64xf32, #tpu.memory_space<hbm>> -> memref<10000x64xf32, #tpu.memory_space<hbm>>
    tpu.wait_indirect_dma semaphore(%arg15 : memref<!tpu.dma_semaphore, #tpu.memory_space<semaphore_mem>>) src(%dma_wait3A_2390 : memref<10000x64xf32, #tpu.memory_space<hbm>>) dst(%arg10 : memref<200x64xf32, #tpu.memory_space<vmem>>)
    %dma_start3A_2391 = arith.constant 44 : i32
    %dma_start3A_2392 = arith.constant 0 : i32
    %dma_start3A_2393 = tpu.memref_slice %arg7[%dma_start3A_2391, %dma_start3A_2392] : memref<50x200xi32, #tpu.memory_space<vmem>> -> memref<1x200xi32, #tpu.memory_space<vmem>>
    %dma_start3A_2394 = tpu.memref_squeeze %dma_start3A_2393 : memref<1x200xi32, #tpu.memory_space<vmem>> -> memref<200xi32, #tpu.memory_space<vmem>>
    %dma_start3A_2395 = arith.constant 0 : i32
    %dma_start3A_2396 = arith.constant 0 : i32
    %dma_start3A_2397 = tpu.memref_slice %arg11[%dma_start3A_2395, %dma_start3A_2396] : memref<10000x64xf32, #tpu.memory_space<vmem_shared>> -> memref<10000x64xf32, #tpu.memory_space<vmem_shared>>
    tpu.enqueue_indirect_dma source(%arg10 : memref<200x64xf32, #tpu.memory_space<vmem>>) target(%dma_start3A_2397 : memref<10000x64xf32, #tpu.memory_space<vmem_shared>>) offsets(%dma_start3A_2394 : memref<200xi32, #tpu.memory_space<vmem>>) semaphore(%arg18 : memref<!tpu.dma_semaphore, #tpu.memory_space<semaphore_mem>>) {add = true}
    %dma_wait3A_2398 = arith.constant 44 : i32
    %dma_wait3A_2399 = arith.constant 0 : i32
    %dma_wait3A_2400 = tpu.memref_slice %arg7[%dma_wait3A_2398, %dma_wait3A_2399] : memref<50x200xi32, #tpu.memory_space<vmem>> -> memref<1x200xi32, #tpu.memory_space<vmem>>
    %dma_wait3A_2401 = tpu.memref_squeeze %dma_wait3A_2400 : memref<1x200xi32, #tpu.memory_space<vmem>> -> memref<200xi32, #tpu.memory_space<vmem>>
    %dma_wait3A_2402 = arith.constant 0 : i32
    %dma_wait3A_2403 = arith.constant 0 : i32
    %dma_wait3A_2404 = tpu.memref_slice %arg11[%dma_wait3A_2402, %dma_wait3A_2403] : memref<10000x64xf32, #tpu.memory_space<vmem_shared>> -> memref<10000x64xf32, #tpu.memory_space<vmem_shared>>
    tpu.wait_indirect_dma semaphore(%arg18 : memref<!tpu.dma_semaphore, #tpu.memory_space<semaphore_mem>>) src(%arg10 : memref<200x64xf32, #tpu.memory_space<vmem>>) dst(%dma_wait3A_2404 : memref<10000x64xf32, #tpu.memory_space<vmem_shared>>)
    %dma_start3A_2405 = arith.constant 9400 : i32
    %dma_start3A_2406 = tpu.memref_slice %arg6[%dma_start3A_2405] : memref<10000xi32, #tpu.memory_space<vmem>> -> memref<200xi32, #tpu.memory_space<vmem>>
    %dma_start3A_2407 = arith.constant 0 : i32
    %dma_start3A_2408 = arith.constant 0 : i32
    %dma_start3A_2409 = tpu.memref_slice %arg3[%dma_start3A_2407, %dma_start3A_2408] : memref<10000x64xf32, #tpu.memory_space<hbm>> -> memref<10000x64xf32, #tpu.memory_space<hbm>>
    tpu.enqueue_indirect_dma source(%dma_start3A_2409 : memref<10000x64xf32, #tpu.memory_space<hbm>>) target(%arg10 : memref<200x64xf32, #tpu.memory_space<vmem>>) offsets(%dma_start3A_2406 : memref<200xi32, #tpu.memory_space<vmem>>) semaphore(%arg15 : memref<!tpu.dma_semaphore, #tpu.memory_space<semaphore_mem>>)
    %dma_wait3A_2410 = arith.constant 9000 : i32
    %dma_wait3A_2411 = tpu.memref_slice %arg6[%dma_wait3A_2410] : memref<10000xi32, #tpu.memory_space<vmem>> -> memref<200xi32, #tpu.memory_space<vmem>>
    %dma_wait3A_2412 = arith.constant 0 : i32
    %dma_wait3A_2413 = arith.constant 0 : i32
    %dma_wait3A_2414 = tpu.memref_slice %arg3[%dma_wait3A_2412, %dma_wait3A_2413] : memref<10000x64xf32, #tpu.memory_space<hbm>> -> memref<10000x64xf32, #tpu.memory_space<hbm>>
    tpu.wait_indirect_dma semaphore(%arg13 : memref<!tpu.dma_semaphore, #tpu.memory_space<semaphore_mem>>) src(%dma_wait3A_2414 : memref<10000x64xf32, #tpu.memory_space<hbm>>) dst(%arg8 : memref<200x64xf32, #tpu.memory_space<vmem>>)
    %dma_start3A_2415 = arith.constant 45 : i32
    %dma_start3A_2416 = arith.constant 0 : i32
    %dma_start3A_2417 = tpu.memref_slice %arg7[%dma_start3A_2415, %dma_start3A_2416] : memref<50x200xi32, #tpu.memory_space<vmem>> -> memref<1x200xi32, #tpu.memory_space<vmem>>
    %dma_start3A_2418 = tpu.memref_squeeze %dma_start3A_2417 : memref<1x200xi32, #tpu.memory_space<vmem>> -> memref<200xi32, #tpu.memory_space<vmem>>
    %dma_start3A_2419 = arith.constant 0 : i32
    %dma_start3A_2420 = arith.constant 0 : i32
    %dma_start3A_2421 = tpu.memref_slice %arg11[%dma_start3A_2419, %dma_start3A_2420] : memref<10000x64xf32, #tpu.memory_space<vmem_shared>> -> memref<10000x64xf32, #tpu.memory_space<vmem_shared>>
    tpu.enqueue_indirect_dma source(%arg8 : memref<200x64xf32, #tpu.memory_space<vmem>>) target(%dma_start3A_2421 : memref<10000x64xf32, #tpu.memory_space<vmem_shared>>) offsets(%dma_start3A_2418 : memref<200xi32, #tpu.memory_space<vmem>>) semaphore(%arg16 : memref<!tpu.dma_semaphore, #tpu.memory_space<semaphore_mem>>) {add = true}
    %dma_wait3A_2422 = arith.constant 45 : i32
    %dma_wait3A_2423 = arith.constant 0 : i32
    %dma_wait3A_2424 = tpu.memref_slice %arg7[%dma_wait3A_2422, %dma_wait3A_2423] : memref<50x200xi32, #tpu.memory_space<vmem>> -> memref<1x200xi32, #tpu.memory_space<vmem>>
    %dma_wait3A_2425 = tpu.memref_squeeze %dma_wait3A_2424 : memref<1x200xi32, #tpu.memory_space<vmem>> -> memref<200xi32, #tpu.memory_space<vmem>>
    %dma_wait3A_2426 = arith.constant 0 : i32
    %dma_wait3A_2427 = arith.constant 0 : i32
    %dma_wait3A_2428 = tpu.memref_slice %arg11[%dma_wait3A_2426, %dma_wait3A_2427] : memref<10000x64xf32, #tpu.memory_space<vmem_shared>> -> memref<10000x64xf32, #tpu.memory_space<vmem_shared>>
    tpu.wait_indirect_dma semaphore(%arg16 : memref<!tpu.dma_semaphore, #tpu.memory_space<semaphore_mem>>) src(%arg8 : memref<200x64xf32, #tpu.memory_space<vmem>>) dst(%dma_wait3A_2428 : memref<10000x64xf32, #tpu.memory_space<vmem_shared>>)
    %dma_start3A_2429 = arith.constant 9600 : i32
    %dma_start3A_2430 = tpu.memref_slice %arg6[%dma_start3A_2429] : memref<10000xi32, #tpu.memory_space<vmem>> -> memref<200xi32, #tpu.memory_space<vmem>>
    %dma_start3A_2431 = arith.constant 0 : i32
    %dma_start3A_2432 = arith.constant 0 : i32
    %dma_start3A_2433 = tpu.memref_slice %arg3[%dma_start3A_2431, %dma_start3A_2432] : memref<10000x64xf32, #tpu.memory_space<hbm>> -> memref<10000x64xf32, #tpu.memory_space<hbm>>
    tpu.enqueue_indirect_dma source(%dma_start3A_2433 : memref<10000x64xf32, #tpu.memory_space<hbm>>) target(%arg8 : memref<200x64xf32, #tpu.memory_space<vmem>>) offsets(%dma_start3A_2430 : memref<200xi32, #tpu.memory_space<vmem>>) semaphore(%arg13 : memref<!tpu.dma_semaphore, #tpu.memory_space<semaphore_mem>>)
    %dma_wait3A_2434 = arith.constant 9200 : i32
    %dma_wait3A_2435 = tpu.memref_slice %arg6[%dma_wait3A_2434] : memref<10000xi32, #tpu.memory_space<vmem>> -> memref<200xi32, #tpu.memory_space<vmem>>
    %dma_wait3A_2436 = arith.constant 0 : i32
    %dma_wait3A_2437 = arith.constant 0 : i32
    %dma_wait3A_2438 = tpu.memref_slice %arg3[%dma_wait3A_2436, %dma_wait3A_2437] : memref<10000x64xf32, #tpu.memory_space<hbm>> -> memref<10000x64xf32, #tpu.memory_space<hbm>>
    tpu.wait_indirect_dma semaphore(%arg14 : memref<!tpu.dma_semaphore, #tpu.memory_space<semaphore_mem>>) src(%dma_wait3A_2438 : memref<10000x64xf32, #tpu.memory_space<hbm>>) dst(%arg9 : memref<200x64xf32, #tpu.memory_space<vmem>>)
    %dma_start3A_2439 = arith.constant 46 : i32
    %dma_start3A_2440 = arith.constant 0 : i32
    %dma_start3A_2441 = tpu.memref_slice %arg7[%dma_start3A_2439, %dma_start3A_2440] : memref<50x200xi32, #tpu.memory_space<vmem>> -> memref<1x200xi32, #tpu.memory_space<vmem>>
    %dma_start3A_2442 = tpu.memref_squeeze %dma_start3A_2441 : memref<1x200xi32, #tpu.memory_space<vmem>> -> memref<200xi32, #tpu.memory_space<vmem>>
    %dma_start3A_2443 = arith.constant 0 : i32
    %dma_start3A_2444 = arith.constant 0 : i32
    %dma_start3A_2445 = tpu.memref_slice %arg11[%dma_start3A_2443, %dma_start3A_2444] : memref<10000x64xf32, #tpu.memory_space<vmem_shared>> -> memref<10000x64xf32, #tpu.memory_space<vmem_shared>>
    tpu.enqueue_indirect_dma source(%arg9 : memref<200x64xf32, #tpu.memory_space<vmem>>) target(%dma_start3A_2445 : memref<10000x64xf32, #tpu.memory_space<vmem_shared>>) offsets(%dma_start3A_2442 : memref<200xi32, #tpu.memory_space<vmem>>) semaphore(%arg17 : memref<!tpu.dma_semaphore, #tpu.memory_space<semaphore_mem>>) {add = true}
    %dma_wait3A_2446 = arith.constant 46 : i32
    %dma_wait3A_2447 = arith.constant 0 : i32
    %dma_wait3A_2448 = tpu.memref_slice %arg7[%dma_wait3A_2446, %dma_wait3A_2447] : memref<50x200xi32, #tpu.memory_space<vmem>> -> memref<1x200xi32, #tpu.memory_space<vmem>>
    %dma_wait3A_2449 = tpu.memref_squeeze %dma_wait3A_2448 : memref<1x200xi32, #tpu.memory_space<vmem>> -> memref<200xi32, #tpu.memory_space<vmem>>
    %dma_wait3A_2450 = arith.constant 0 : i32
    %dma_wait3A_2451 = arith.constant 0 : i32
    %dma_wait3A_2452 = tpu.memref_slice %arg11[%dma_wait3A_2450, %dma_wait3A_2451] : memref<10000x64xf32, #tpu.memory_space<vmem_shared>> -> memref<10000x64xf32, #tpu.memory_space<vmem_shared>>
    tpu.wait_indirect_dma semaphore(%arg17 : memref<!tpu.dma_semaphore, #tpu.memory_space<semaphore_mem>>) src(%arg9 : memref<200x64xf32, #tpu.memory_space<vmem>>) dst(%dma_wait3A_2452 : memref<10000x64xf32, #tpu.memory_space<vmem_shared>>)
    %dma_start3A_2453 = arith.constant 9800 : i32
    %dma_start3A_2454 = tpu.memref_slice %arg6[%dma_start3A_2453] : memref<10000xi32, #tpu.memory_space<vmem>> -> memref<200xi32, #tpu.memory_space<vmem>>
    %dma_start3A_2455 = arith.constant 0 : i32
    %dma_start3A_2456 = arith.constant 0 : i32
    %dma_start3A_2457 = tpu.memref_slice %arg3[%dma_start3A_2455, %dma_start3A_2456] : memref<10000x64xf32, #tpu.memory_space<hbm>> -> memref<10000x64xf32, #tpu.memory_space<hbm>>
    tpu.enqueue_indirect_dma source(%dma_start3A_2457 : memref<10000x64xf32, #tpu.memory_space<hbm>>) target(%arg9 : memref<200x64xf32, #tpu.memory_space<vmem>>) offsets(%dma_start3A_2454 : memref<200xi32, #tpu.memory_space<vmem>>) semaphore(%arg14 : memref<!tpu.dma_semaphore, #tpu.memory_space<semaphore_mem>>)
    %dma_wait3A_2458 = arith.constant 9400 : i32
    %dma_wait3A_2459 = tpu.memref_slice %arg6[%dma_wait3A_2458] : memref<10000xi32, #tpu.memory_space<vmem>> -> memref<200xi32, #tpu.memory_space<vmem>>
    %dma_wait3A_2460 = arith.constant 0 : i32
    %dma_wait3A_2461 = arith.constant 0 : i32
    %dma_wait3A_2462 = tpu.memref_slice %arg3[%dma_wait3A_2460, %dma_wait3A_2461] : memref<10000x64xf32, #tpu.memory_space<hbm>> -> memref<10000x64xf32, #tpu.memory_space<hbm>>
    tpu.wait_indirect_dma semaphore(%arg15 : memref<!tpu.dma_semaphore, #tpu.memory_space<semaphore_mem>>) src(%dma_wait3A_2462 : memref<10000x64xf32, #tpu.memory_space<hbm>>) dst(%arg10 : memref<200x64xf32, #tpu.memory_space<vmem>>)
    %dma_start3A_2463 = arith.constant 47 : i32
    %dma_start3A_2464 = arith.constant 0 : i32
    %dma_start3A_2465 = tpu.memref_slice %arg7[%dma_start3A_2463, %dma_start3A_2464] : memref<50x200xi32, #tpu.memory_space<vmem>> -> memref<1x200xi32, #tpu.memory_space<vmem>>
    %dma_start3A_2466 = tpu.memref_squeeze %dma_start3A_2465 : memref<1x200xi32, #tpu.memory_space<vmem>> -> memref<200xi32, #tpu.memory_space<vmem>>
    %dma_start3A_2467 = arith.constant 0 : i32
    %dma_start3A_2468 = arith.constant 0 : i32
    %dma_start3A_2469 = tpu.memref_slice %arg11[%dma_start3A_2467, %dma_start3A_2468] : memref<10000x64xf32, #tpu.memory_space<vmem_shared>> -> memref<10000x64xf32, #tpu.memory_space<vmem_shared>>
    tpu.enqueue_indirect_dma source(%arg10 : memref<200x64xf32, #tpu.memory_space<vmem>>) target(%dma_start3A_2469 : memref<10000x64xf32, #tpu.memory_space<vmem_shared>>) offsets(%dma_start3A_2466 : memref<200xi32, #tpu.memory_space<vmem>>) semaphore(%arg18 : memref<!tpu.dma_semaphore, #tpu.memory_space<semaphore_mem>>) {add = true}
    %dma_wait3A_2470 = arith.constant 9600 : i32
    %dma_wait3A_2471 = tpu.memref_slice %arg6[%dma_wait3A_2470] : memref<10000xi32, #tpu.memory_space<vmem>> -> memref<200xi32, #tpu.memory_space<vmem>>
    %dma_wait3A_2472 = arith.constant 0 : i32
    %dma_wait3A_2473 = arith.constant 0 : i32
    %dma_wait3A_2474 = tpu.memref_slice %arg3[%dma_wait3A_2472, %dma_wait3A_2473] : memref<10000x64xf32, #tpu.memory_space<hbm>> -> memref<10000x64xf32, #tpu.memory_space<hbm>>
    tpu.wait_indirect_dma semaphore(%arg13 : memref<!tpu.dma_semaphore, #tpu.memory_space<semaphore_mem>>) src(%dma_wait3A_2474 : memref<10000x64xf32, #tpu.memory_space<hbm>>) dst(%arg8 : memref<200x64xf32, #tpu.memory_space<vmem>>)
    %dma_start3A_2475 = arith.constant 48 : i32
    %dma_start3A_2476 = arith.constant 0 : i32
    %dma_start3A_2477 = tpu.memref_slice %arg7[%dma_start3A_2475, %dma_start3A_2476] : memref<50x200xi32, #tpu.memory_space<vmem>> -> memref<1x200xi32, #tpu.memory_space<vmem>>
    %dma_start3A_2478 = tpu.memref_squeeze %dma_start3A_2477 : memref<1x200xi32, #tpu.memory_space<vmem>> -> memref<200xi32, #tpu.memory_space<vmem>>
    %dma_start3A_2479 = arith.constant 0 : i32
    %dma_start3A_2480 = arith.constant 0 : i32
    %dma_start3A_2481 = tpu.memref_slice %arg11[%dma_start3A_2479, %dma_start3A_2480] : memref<10000x64xf32, #tpu.memory_space<vmem_shared>> -> memref<10000x64xf32, #tpu.memory_space<vmem_shared>>
    tpu.enqueue_indirect_dma source(%arg8 : memref<200x64xf32, #tpu.memory_space<vmem>>) target(%dma_start3A_2481 : memref<10000x64xf32, #tpu.memory_space<vmem_shared>>) offsets(%dma_start3A_2478 : memref<200xi32, #tpu.memory_space<vmem>>) semaphore(%arg16 : memref<!tpu.dma_semaphore, #tpu.memory_space<semaphore_mem>>) {add = true}
    %dma_wait3A_2482 = arith.constant 9800 : i32
    %dma_wait3A_2483 = tpu.memref_slice %arg6[%dma_wait3A_2482] : memref<10000xi32, #tpu.memory_space<vmem>> -> memref<200xi32, #tpu.memory_space<vmem>>
    %dma_wait3A_2484 = arith.constant 0 : i32
    %dma_wait3A_2485 = arith.constant 0 : i32
    %dma_wait3A_2486 = tpu.memref_slice %arg3[%dma_wait3A_2484, %dma_wait3A_2485] : memref<10000x64xf32, #tpu.memory_space<hbm>> -> memref<10000x64xf32, #tpu.memory_space<hbm>>
    tpu.wait_indirect_dma semaphore(%arg14 : memref<!tpu.dma_semaphore, #tpu.memory_space<semaphore_mem>>) src(%dma_wait3A_2486 : memref<10000x64xf32, #tpu.memory_space<hbm>>) dst(%arg9 : memref<200x64xf32, #tpu.memory_space<vmem>>)
    %dma_start3A_2487 = arith.constant 49 : i32
    %dma_start3A_2488 = arith.constant 0 : i32
    %dma_start3A_2489 = tpu.memref_slice %arg7[%dma_start3A_2487, %dma_start3A_2488] : memref<50x200xi32, #tpu.memory_space<vmem>> -> memref<1x200xi32, #tpu.memory_space<vmem>>
    %dma_start3A_2490 = tpu.memref_squeeze %dma_start3A_2489 : memref<1x200xi32, #tpu.memory_space<vmem>> -> memref<200xi32, #tpu.memory_space<vmem>>
    %dma_start3A_2491 = arith.constant 0 : i32
    %dma_start3A_2492 = arith.constant 0 : i32
    %dma_start3A_2493 = tpu.memref_slice %arg11[%dma_start3A_2491, %dma_start3A_2492] : memref<10000x64xf32, #tpu.memory_space<vmem_shared>> -> memref<10000x64xf32, #tpu.memory_space<vmem_shared>>
    tpu.enqueue_indirect_dma source(%arg9 : memref<200x64xf32, #tpu.memory_space<vmem>>) target(%dma_start3A_2493 : memref<10000x64xf32, #tpu.memory_space<vmem_shared>>) offsets(%dma_start3A_2490 : memref<200xi32, #tpu.memory_space<vmem>>) semaphore(%arg17 : memref<!tpu.dma_semaphore, #tpu.memory_space<semaphore_mem>>) {add = true}
    %dma_wait3A_2494 = arith.constant 47 : i32
    %dma_wait3A_2495 = arith.constant 0 : i32
    %dma_wait3A_2496 = tpu.memref_slice %arg7[%dma_wait3A_2494, %dma_wait3A_2495] : memref<50x200xi32, #tpu.memory_space<vmem>> -> memref<1x200xi32, #tpu.memory_space<vmem>>
    %dma_wait3A_2497 = tpu.memref_squeeze %dma_wait3A_2496 : memref<1x200xi32, #tpu.memory_space<vmem>> -> memref<200xi32, #tpu.memory_space<vmem>>
    %dma_wait3A_2498 = arith.constant 0 : i32
    %dma_wait3A_2499 = arith.constant 0 : i32
    %dma_wait3A_2500 = tpu.memref_slice %arg11[%dma_wait3A_2498, %dma_wait3A_2499] : memref<10000x64xf32, #tpu.memory_space<vmem_shared>> -> memref<10000x64xf32, #tpu.memory_space<vmem_shared>>
    tpu.wait_indirect_dma semaphore(%arg18 : memref<!tpu.dma_semaphore, #tpu.memory_space<semaphore_mem>>) src(%arg10 : memref<200x64xf32, #tpu.memory_space<vmem>>) dst(%dma_wait3A_2500 : memref<10000x64xf32, #tpu.memory_space<vmem_shared>>)
    %dma_wait3A_2501 = arith.constant 48 : i32
    %dma_wait3A_2502 = arith.constant 0 : i32
    %dma_wait3A_2503 = tpu.memref_slice %arg7[%dma_wait3A_2501, %dma_wait3A_2502] : memref<50x200xi32, #tpu.memory_space<vmem>> -> memref<1x200xi32, #tpu.memory_space<vmem>>
    %dma_wait3A_2504 = tpu.memref_squeeze %dma_wait3A_2503 : memref<1x200xi32, #tpu.memory_space<vmem>> -> memref<200xi32, #tpu.memory_space<vmem>>
    %dma_wait3A_2505 = arith.constant 0 : i32
    %dma_wait3A_2506 = arith.constant 0 : i32
    %dma_wait3A_2507 = tpu.memref_slice %arg11[%dma_wait3A_2505, %dma_wait3A_2506] : memref<10000x64xf32, #tpu.memory_space<vmem_shared>> -> memref<10000x64xf32, #tpu.memory_space<vmem_shared>>
    tpu.wait_indirect_dma semaphore(%arg16 : memref<!tpu.dma_semaphore, #tpu.memory_space<semaphore_mem>>) src(%arg8 : memref<200x64xf32, #tpu.memory_space<vmem>>) dst(%dma_wait3A_2507 : memref<10000x64xf32, #tpu.memory_space<vmem_shared>>)
    %dma_wait3A_2508 = arith.constant 49 : i32
    %dma_wait3A_2509 = arith.constant 0 : i32
    %dma_wait3A_2510 = tpu.memref_slice %arg7[%dma_wait3A_2508, %dma_wait3A_2509] : memref<50x200xi32, #tpu.memory_space<vmem>> -> memref<1x200xi32, #tpu.memory_space<vmem>>
    %dma_wait3A_2511 = tpu.memref_squeeze %dma_wait3A_2510 : memref<1x200xi32, #tpu.memory_space<vmem>> -> memref<200xi32, #tpu.memory_space<vmem>>
    %dma_wait3A_2512 = arith.constant 0 : i32
    %dma_wait3A_2513 = arith.constant 0 : i32
    %dma_wait3A_2514 = tpu.memref_slice %arg11[%dma_wait3A_2512, %dma_wait3A_2513] : memref<10000x64xf32, #tpu.memory_space<vmem_shared>> -> memref<10000x64xf32, #tpu.memory_space<vmem_shared>>
    tpu.wait_indirect_dma semaphore(%arg17 : memref<!tpu.dma_semaphore, #tpu.memory_space<semaphore_mem>>) src(%arg9 : memref<200x64xf32, #tpu.memory_space<vmem>>) dst(%dma_wait3A_2514 : memref<10000x64xf32, #tpu.memory_space<vmem_shared>>)
    %barrier3A_2515 = arith.constant 0 : index
    tpu.barrier barrier_id(%barrier3A_2515)
    %eq3A_2516 = arith.constant 0 : i32
    %eq3A_2517 = arith.cmpi eq, %arg0, %eq3A_2516 : i32
    %convert_element_type3A_2518 = arith.extui %eq3A_2517 : i1 to i32
    %cond3A_2519 = arith.constant 0 : i32
    %cond3A_2520 = arith.cmpi ne, %convert_element_type3A_2518, %cond3A_2519 : i32
    scf.if %cond3A_2520 {
      "tpu.region"() ({
        %run_scoped3A = tpu.sem_alloc : memref<!tpu.dma_semaphore, #tpu.memory_space<semaphore_mem>>
        %dma_start3A_2531 = arith.constant 0 : i32
        %dma_start3A_2532 = tpu.memref_slice %arg4[%mul3A_4, %dma_start3A_2531] : memref<10000x64xf32, #tpu.memory_space<hbm>> -> memref<624x64xf32, #tpu.memory_space<hbm>>
        %dma_start3A_2533 = arith.constant 0 : i32
        %dma_start3A_2534 = tpu.memref_slice %arg11[%mul3A_4, %dma_start3A_2533] : memref<10000x64xf32, #tpu.memory_space<vmem_shared>> -> memref<624x64xf32, #tpu.memory_space<vmem_shared>>
        tpu.enqueue_dma source(%dma_start3A_2534 : memref<624x64xf32, #tpu.memory_space<vmem_shared>>) target(%dma_start3A_2532 : memref<624x64xf32, #tpu.memory_space<hbm>>) target_semaphore(%run_scoped3A : memref<!tpu.dma_semaphore, #tpu.memory_space<semaphore_mem>>)
        %dma_wait3A_2535 = arith.constant 0 : i32
        %dma_wait3A_2536 = tpu.memref_slice %arg4[%mul3A_4, %dma_wait3A_2535] : memref<10000x64xf32, #tpu.memory_space<hbm>> -> memref<624x64xf32, #tpu.memory_space<hbm>>
        %dma_wait3A_2537 = arith.constant 0 : i32
        %dma_wait3A_2538 = tpu.memref_slice %arg11[%mul3A_4, %dma_wait3A_2537] : memref<10000x64xf32, #tpu.memory_space<vmem_shared>> -> memref<624x64xf32, #tpu.memory_space<vmem_shared>>
        tpu.wait_dma2 semaphore(%run_scoped3A : memref<!tpu.dma_semaphore, #tpu.memory_space<semaphore_mem>>) src(%dma_wait3A_2538 : memref<624x64xf32, #tpu.memory_space<vmem_shared>>) dst(%dma_wait3A_2536 : memref<624x64xf32, #tpu.memory_space<hbm>>)
        tpu.yield
      }) : () -> ()
      %eq3A_2526 = arith.constant 0 : i32
      %eq3A_2527 = arith.cmpi eq, %arg1, %eq3A_2526 : i32
      %convert_element_type3A_2528 = arith.extui %eq3A_2527 : i1 to i32
      %cond3A_2529 = arith.constant 0 : i32
      %cond3A_2530 = arith.cmpi ne, %convert_element_type3A_2528, %cond3A_2529 : i32
      scf.if %cond3A_2530 {
        "tpu.region"() ({
          %run_scoped3A = tpu.sem_alloc : memref<!tpu.dma_semaphore, #tpu.memory_space<semaphore_mem>>
          %dma_start3A_2531 = arith.constant 9984 : i32
          %dma_start3A_2532 = arith.constant 0 : i32
          %dma_start3A_2533 = tpu.memref_slice %arg4[%dma_start3A_2531, %dma_start3A_2532] : memref<10000x64xf32, #tpu.memory_space<hbm>> -> memref<16x64xf32, #tpu.memory_space<hbm>>
          %dma_start3A_2534 = arith.constant 9984 : i32
          %dma_start3A_2535 = arith.constant 0 : i32
          %dma_start3A_2536 = tpu.memref_slice %arg11[%dma_start3A_2534, %dma_start3A_2535] : memref<10000x64xf32, #tpu.memory_space<vmem_shared>> -> memref<16x64xf32, #tpu.memory_space<vmem_shared>>
          tpu.enqueue_dma source(%dma_start3A_2536 : memref<16x64xf32, #tpu.memory_space<vmem_shared>>) target(%dma_start3A_2533 : memref<16x64xf32, #tpu.memory_space<hbm>>) target_semaphore(%run_scoped3A : memref<!tpu.dma_semaphore, #tpu.memory_space<semaphore_mem>>)
          %dma_wait3A_2537 = arith.constant 9984 : i32
          %dma_wait3A_2538 = arith.constant 0 : i32
          %dma_wait3A_2539 = tpu.memref_slice %arg4[%dma_wait3A_2537, %dma_wait3A_2538] : memref<10000x64xf32, #tpu.memory_space<hbm>> -> memref<16x64xf32, #tpu.memory_space<hbm>>
          %dma_wait3A_2540 = arith.constant 9984 : i32
          %dma_wait3A_2541 = arith.constant 0 : i32
          %dma_wait3A_2542 = tpu.memref_slice %arg11[%dma_wait3A_2540, %dma_wait3A_2541] : memref<10000x64xf32, #tpu.memory_space<vmem_shared>> -> memref<16x64xf32, #tpu.memory_space<vmem_shared>>
          tpu.wait_dma2 semaphore(%run_scoped3A : memref<!tpu.dma_semaphore, #tpu.memory_space<semaphore_mem>>) src(%dma_wait3A_2542 : memref<16x64xf32, #tpu.memory_space<vmem_shared>>) dst(%dma_wait3A_2539 : memref<16x64xf32, #tpu.memory_space<hbm>>)
          tpu.yield
        }) : () -> ()
      } else {
      }
    } else {
    }
    %eq3A_2521 = arith.constant 1 : i32
    %eq3A_2522 = arith.cmpi eq, %arg0, %eq3A_2521 : i32
    %convert_element_type3A_2523 = arith.extui %eq3A_2522 : i1 to i32
    %cond3A_2524 = arith.constant 0 : i32
    %cond3A_2525 = arith.cmpi ne, %convert_element_type3A_2523, %cond3A_2524 : i32
    scf.if %cond3A_2525 {
      "tpu.region"() ({
        %run_scoped3A = tpu.sem_alloc : memref<!tpu.dma_semaphore, #tpu.memory_space<semaphore_mem>>
        %dma_start3A_2531 = arith.constant 0 : i32
        %dma_start3A_2532 = tpu.memref_slice %arg5[%mul3A_4, %dma_start3A_2531] : memref<10000x64xf32, #tpu.memory_space<hbm>> -> memref<624x64xf32, #tpu.memory_space<hbm>>
        %dma_start3A_2533 = arith.constant 0 : i32
        %dma_start3A_2534 = tpu.memref_slice %arg11[%mul3A_4, %dma_start3A_2533] : memref<10000x64xf32, #tpu.memory_space<vmem_shared>> -> memref<624x64xf32, #tpu.memory_space<vmem_shared>>
        tpu.enqueue_dma source(%dma_start3A_2534 : memref<624x64xf32, #tpu.memory_space<vmem_shared>>) target(%dma_start3A_2532 : memref<624x64xf32, #tpu.memory_space<hbm>>) target_semaphore(%run_scoped3A : memref<!tpu.dma_semaphore, #tpu.memory_space<semaphore_mem>>)
        %dma_wait3A_2535 = arith.constant 0 : i32
        %dma_wait3A_2536 = tpu.memref_slice %arg5[%mul3A_4, %dma_wait3A_2535] : memref<10000x64xf32, #tpu.memory_space<hbm>> -> memref<624x64xf32, #tpu.memory_space<hbm>>
        %dma_wait3A_2537 = arith.constant 0 : i32
        %dma_wait3A_2538 = tpu.memref_slice %arg11[%mul3A_4, %dma_wait3A_2537] : memref<10000x64xf32, #tpu.memory_space<vmem_shared>> -> memref<624x64xf32, #tpu.memory_space<vmem_shared>>
        tpu.wait_dma2 semaphore(%run_scoped3A : memref<!tpu.dma_semaphore, #tpu.memory_space<semaphore_mem>>) src(%dma_wait3A_2538 : memref<624x64xf32, #tpu.memory_space<vmem_shared>>) dst(%dma_wait3A_2536 : memref<624x64xf32, #tpu.memory_space<hbm>>)
        tpu.yield
      }) : () -> ()
      %eq3A_2526 = arith.constant 0 : i32
      %eq3A_2527 = arith.cmpi eq, %arg1, %eq3A_2526 : i32
      %convert_element_type3A_2528 = arith.extui %eq3A_2527 : i1 to i32
      %cond3A_2529 = arith.constant 0 : i32
      %cond3A_2530 = arith.cmpi ne, %convert_element_type3A_2528, %cond3A_2529 : i32
      scf.if %cond3A_2530 {
        "tpu.region"() ({
          %run_scoped3A = tpu.sem_alloc : memref<!tpu.dma_semaphore, #tpu.memory_space<semaphore_mem>>
          %dma_start3A_2531 = arith.constant 9984 : i32
          %dma_start3A_2532 = arith.constant 0 : i32
          %dma_start3A_2533 = tpu.memref_slice %arg5[%dma_start3A_2531, %dma_start3A_2532] : memref<10000x64xf32, #tpu.memory_space<hbm>> -> memref<16x64xf32, #tpu.memory_space<hbm>>
          %dma_start3A_2534 = arith.constant 9984 : i32
          %dma_start3A_2535 = arith.constant 0 : i32
          %dma_start3A_2536 = tpu.memref_slice %arg11[%dma_start3A_2534, %dma_start3A_2535] : memref<10000x64xf32, #tpu.memory_space<vmem_shared>> -> memref<16x64xf32, #tpu.memory_space<vmem_shared>>
          tpu.enqueue_dma source(%dma_start3A_2536 : memref<16x64xf32, #tpu.memory_space<vmem_shared>>) target(%dma_start3A_2533 : memref<16x64xf32, #tpu.memory_space<hbm>>) target_semaphore(%run_scoped3A : memref<!tpu.dma_semaphore, #tpu.memory_space<semaphore_mem>>)
          %dma_wait3A_2537 = arith.constant 9984 : i32
          %dma_wait3A_2538 = arith.constant 0 : i32
          %dma_wait3A_2539 = tpu.memref_slice %arg5[%dma_wait3A_2537, %dma_wait3A_2538] : memref<10000x64xf32, #tpu.memory_space<hbm>> -> memref<16x64xf32, #tpu.memory_space<hbm>>
          %dma_wait3A_2540 = arith.constant 9984 : i32
          %dma_wait3A_2541 = arith.constant 0 : i32
          %dma_wait3A_2542 = tpu.memref_slice %arg11[%dma_wait3A_2540, %dma_wait3A_2541] : memref<10000x64xf32, #tpu.memory_space<vmem_shared>> -> memref<16x64xf32, #tpu.memory_space<vmem_shared>>
          tpu.wait_dma2 semaphore(%run_scoped3A : memref<!tpu.dma_semaphore, #tpu.memory_space<semaphore_mem>>) src(%dma_wait3A_2542 : memref<16x64xf32, #tpu.memory_space<vmem_shared>>) dst(%dma_wait3A_2539 : memref<16x64xf32, #tpu.memory_space<hbm>>)
          tpu.yield
        }) : () -> ()
      } else {
      }
    } else {
    }
    return
  }
}

#map = affine_map<(d0, d1) -> (0, 0)>
#map1 = affine_map<(d0, d1) -> (0)>
module attributes {stable_mosaic.version = 14 : i64} {
  func.func @_deg_kernel(%arg0: i32, %arg1: i32, %arg2: memref<2x320000xi32, #tpu.memory_space<hbm>>, %arg3: memref<20480xf32, #tpu.memory_space<hbm>>, %arg4: memref<5x2000xi32, #tpu.memory_space<vmem>>, %arg5: memref<2000xf32, #tpu.memory_space<vmem>>, %arg6: memref<640xf32, #tpu.memory_space<vmem>>, %arg7: memref<10240xf32, #tpu.memory_space<vmem_shared>>, %arg8: memref<!tpu.dma_semaphore, #tpu.memory_space<semaphore_mem>>, %arg9: memref<!tpu.dma_semaphore, #tpu.memory_space<semaphore_mem>>) attributes {dimension_semantics = [#tpu.dimension_semantics<core_parallel>, #tpu.dimension_semantics<subcore_parallel>], iteration_bounds = array<i64: 2, 16>, scalar_prefetch = 0 : i64, scratch_operands = 6 : i64, tpu.core_type = #tpu.core_type<sc_vector_subcore>, window_params = [{transform_indices = #map}, {transform_indices = #map1}]} {
    %mul3A = arith.constant 16 : i32
    %mul3A_0 = arith.muli %arg0, %mul3A : i32
    %add3A = arith.addi %mul3A_0, %arg1 : i32
    %mul3A_1 = arith.constant 10000 : i32
    %mul3A_2 = arith.muli %add3A, %mul3A_1 : i32
    %broadcast_in_dim3A = arith.constant 1.000000e+00 : f32
    %broadcast_in_dim3A_3 = vector.broadcast %broadcast_in_dim3A : f32 to vector<16xf32>
    %broadcast_in_dim3A_4 = arith.constant 0.000000e+00 : f32
    %broadcast_in_dim3A_5 = vector.broadcast %broadcast_in_dim3A_4 : f32 to vector<16xf32>
    %add3A_6 = arith.constant 0 : i32
    %add3A_7 = arith.addi %mul3A_2, %add3A_6 : i32
    %dma_start3A = arith.constant 1 : i32
    %dma_start3A_8 = arith.constant 0 : i32
    %dma_start3A_9 = arith.constant 0 : i32
    %dma_start3A_10 = tpu.memref_slice %arg4[%dma_start3A_8, %dma_start3A_9] : memref<5x2000xi32, #tpu.memory_space<vmem>> -> memref<1x2000xi32, #tpu.memory_space<vmem>>
    %dma_start3A_11 = tpu.memref_squeeze %dma_start3A_10 : memref<1x2000xi32, #tpu.memory_space<vmem>> -> memref<2000xi32, #tpu.memory_space<vmem>>
    %dma_start3A_12 = tpu.memref_slice %arg2[%dma_start3A, %add3A_7] : memref<2x320000xi32, #tpu.memory_space<hbm>> -> memref<1x2000xi32, #tpu.memory_space<hbm>>
    %dma_start3A_13 = tpu.memref_squeeze %dma_start3A_12 : memref<1x2000xi32, #tpu.memory_space<hbm>> -> memref<2000xi32, #tpu.memory_space<hbm>>
    %dma_start3A_14 = arith.constant 0 : i32
    %dma_start3A_15 = tpu.memref_slice %arg4[%dma_start3A_8, %dma_start3A_14] : memref<5x2000xi32, #tpu.memory_space<vmem>> -> memref<1x2000xi32, #tpu.memory_space<vmem>>
    %dma_start3A_16 = tpu.memref_squeeze %dma_start3A_15 : memref<1x2000xi32, #tpu.memory_space<vmem>> -> memref<2000xi32, #tpu.memory_space<vmem>>
    %dma_start3A_17 = tpu.memref_slice %arg2[%dma_start3A, %add3A_7] : memref<2x320000xi32, #tpu.memory_space<hbm>> -> memref<1x2000xi32, #tpu.memory_space<hbm>>
    %dma_start3A_18 = tpu.memref_squeeze %dma_start3A_17 : memref<1x2000xi32, #tpu.memory_space<hbm>> -> memref<2000xi32, #tpu.memory_space<hbm>>
    tpu.enqueue_dma source(%dma_start3A_18 : memref<2000xi32, #tpu.memory_space<hbm>>) target(%dma_start3A_16 : memref<2000xi32, #tpu.memory_space<vmem>>) target_semaphore(%arg8 : memref<!tpu.dma_semaphore, #tpu.memory_space<semaphore_mem>>)
    %add3A_19 = arith.constant 2000 : i32
    %add3A_20 = arith.addi %mul3A_2, %add3A_19 : i32
    %dma_start3A_21 = arith.constant 1 : i32
    %dma_start3A_22 = arith.constant 1 : i32
    %dma_start3A_23 = arith.constant 0 : i32
    %dma_start3A_24 = tpu.memref_slice %arg4[%dma_start3A_22, %dma_start3A_23] : memref<5x2000xi32, #tpu.memory_space<vmem>> -> memref<1x2000xi32, #tpu.memory_space<vmem>>
    %dma_start3A_25 = tpu.memref_squeeze %dma_start3A_24 : memref<1x2000xi32, #tpu.memory_space<vmem>> -> memref<2000xi32, #tpu.memory_space<vmem>>
    %dma_start3A_26 = tpu.memref_slice %arg2[%dma_start3A_21, %add3A_20] : memref<2x320000xi32, #tpu.memory_space<hbm>> -> memref<1x2000xi32, #tpu.memory_space<hbm>>
    %dma_start3A_27 = tpu.memref_squeeze %dma_start3A_26 : memref<1x2000xi32, #tpu.memory_space<hbm>> -> memref<2000xi32, #tpu.memory_space<hbm>>
    %dma_start3A_28 = arith.constant 0 : i32
    %dma_start3A_29 = tpu.memref_slice %arg4[%dma_start3A_22, %dma_start3A_28] : memref<5x2000xi32, #tpu.memory_space<vmem>> -> memref<1x2000xi32, #tpu.memory_space<vmem>>
    %dma_start3A_30 = tpu.memref_squeeze %dma_start3A_29 : memref<1x2000xi32, #tpu.memory_space<vmem>> -> memref<2000xi32, #tpu.memory_space<vmem>>
    %dma_start3A_31 = tpu.memref_slice %arg2[%dma_start3A_21, %add3A_20] : memref<2x320000xi32, #tpu.memory_space<hbm>> -> memref<1x2000xi32, #tpu.memory_space<hbm>>
    %dma_start3A_32 = tpu.memref_squeeze %dma_start3A_31 : memref<1x2000xi32, #tpu.memory_space<hbm>> -> memref<2000xi32, #tpu.memory_space<hbm>>
    tpu.enqueue_dma source(%dma_start3A_32 : memref<2000xi32, #tpu.memory_space<hbm>>) target(%dma_start3A_30 : memref<2000xi32, #tpu.memory_space<vmem>>) target_semaphore(%arg8 : memref<!tpu.dma_semaphore, #tpu.memory_space<semaphore_mem>>)
    %add3A_33 = arith.constant 4000 : i32
    %add3A_34 = arith.addi %mul3A_2, %add3A_33 : i32
    %dma_start3A_35 = arith.constant 1 : i32
    %dma_start3A_36 = arith.constant 2 : i32
    %dma_start3A_37 = arith.constant 0 : i32
    %dma_start3A_38 = tpu.memref_slice %arg4[%dma_start3A_36, %dma_start3A_37] : memref<5x2000xi32, #tpu.memory_space<vmem>> -> memref<1x2000xi32, #tpu.memory_space<vmem>>
    %dma_start3A_39 = tpu.memref_squeeze %dma_start3A_38 : memref<1x2000xi32, #tpu.memory_space<vmem>> -> memref<2000xi32, #tpu.memory_space<vmem>>
    %dma_start3A_40 = tpu.memref_slice %arg2[%dma_start3A_35, %add3A_34] : memref<2x320000xi32, #tpu.memory_space<hbm>> -> memref<1x2000xi32, #tpu.memory_space<hbm>>
    %dma_start3A_41 = tpu.memref_squeeze %dma_start3A_40 : memref<1x2000xi32, #tpu.memory_space<hbm>> -> memref<2000xi32, #tpu.memory_space<hbm>>
    %dma_start3A_42 = arith.constant 0 : i32
    %dma_start3A_43 = tpu.memref_slice %arg4[%dma_start3A_36, %dma_start3A_42] : memref<5x2000xi32, #tpu.memory_space<vmem>> -> memref<1x2000xi32, #tpu.memory_space<vmem>>
    %dma_start3A_44 = tpu.memref_squeeze %dma_start3A_43 : memref<1x2000xi32, #tpu.memory_space<vmem>> -> memref<2000xi32, #tpu.memory_space<vmem>>
    %dma_start3A_45 = tpu.memref_slice %arg2[%dma_start3A_35, %add3A_34] : memref<2x320000xi32, #tpu.memory_space<hbm>> -> memref<1x2000xi32, #tpu.memory_space<hbm>>
    %dma_start3A_46 = tpu.memref_squeeze %dma_start3A_45 : memref<1x2000xi32, #tpu.memory_space<hbm>> -> memref<2000xi32, #tpu.memory_space<hbm>>
    tpu.enqueue_dma source(%dma_start3A_46 : memref<2000xi32, #tpu.memory_space<hbm>>) target(%dma_start3A_44 : memref<2000xi32, #tpu.memory_space<vmem>>) target_semaphore(%arg8 : memref<!tpu.dma_semaphore, #tpu.memory_space<semaphore_mem>>)
    %add3A_47 = arith.constant 6000 : i32
    %add3A_48 = arith.addi %mul3A_2, %add3A_47 : i32
    %dma_start3A_49 = arith.constant 1 : i32
    %dma_start3A_50 = arith.constant 3 : i32
    %dma_start3A_51 = arith.constant 0 : i32
    %dma_start3A_52 = tpu.memref_slice %arg4[%dma_start3A_50, %dma_start3A_51] : memref<5x2000xi32, #tpu.memory_space<vmem>> -> memref<1x2000xi32, #tpu.memory_space<vmem>>
    %dma_start3A_53 = tpu.memref_squeeze %dma_start3A_52 : memref<1x2000xi32, #tpu.memory_space<vmem>> -> memref<2000xi32, #tpu.memory_space<vmem>>
    %dma_start3A_54 = tpu.memref_slice %arg2[%dma_start3A_49, %add3A_48] : memref<2x320000xi32, #tpu.memory_space<hbm>> -> memref<1x2000xi32, #tpu.memory_space<hbm>>
    %dma_start3A_55 = tpu.memref_squeeze %dma_start3A_54 : memref<1x2000xi32, #tpu.memory_space<hbm>> -> memref<2000xi32, #tpu.memory_space<hbm>>
    %dma_start3A_56 = arith.constant 0 : i32
    %dma_start3A_57 = tpu.memref_slice %arg4[%dma_start3A_50, %dma_start3A_56] : memref<5x2000xi32, #tpu.memory_space<vmem>> -> memref<1x2000xi32, #tpu.memory_space<vmem>>
    %dma_start3A_58 = tpu.memref_squeeze %dma_start3A_57 : memref<1x2000xi32, #tpu.memory_space<vmem>> -> memref<2000xi32, #tpu.memory_space<vmem>>
    %dma_start3A_59 = tpu.memref_slice %arg2[%dma_start3A_49, %add3A_48] : memref<2x320000xi32, #tpu.memory_space<hbm>> -> memref<1x2000xi32, #tpu.memory_space<hbm>>
    %dma_start3A_60 = tpu.memref_squeeze %dma_start3A_59 : memref<1x2000xi32, #tpu.memory_space<hbm>> -> memref<2000xi32, #tpu.memory_space<hbm>>
    tpu.enqueue_dma source(%dma_start3A_60 : memref<2000xi32, #tpu.memory_space<hbm>>) target(%dma_start3A_58 : memref<2000xi32, #tpu.memory_space<vmem>>) target_semaphore(%arg8 : memref<!tpu.dma_semaphore, #tpu.memory_space<semaphore_mem>>)
    %add3A_61 = arith.constant 8000 : i32
    %add3A_62 = arith.addi %mul3A_2, %add3A_61 : i32
    %dma_start3A_63 = arith.constant 1 : i32
    %dma_start3A_64 = arith.constant 4 : i32
    %dma_start3A_65 = arith.constant 0 : i32
    %dma_start3A_66 = tpu.memref_slice %arg4[%dma_start3A_64, %dma_start3A_65] : memref<5x2000xi32, #tpu.memory_space<vmem>> -> memref<1x2000xi32, #tpu.memory_space<vmem>>
    %dma_start3A_67 = tpu.memref_squeeze %dma_start3A_66 : memref<1x2000xi32, #tpu.memory_space<vmem>> -> memref<2000xi32, #tpu.memory_space<vmem>>
    %dma_start3A_68 = tpu.memref_slice %arg2[%dma_start3A_63, %add3A_62] : memref<2x320000xi32, #tpu.memory_space<hbm>> -> memref<1x2000xi32, #tpu.memory_space<hbm>>
    %dma_start3A_69 = tpu.memref_squeeze %dma_start3A_68 : memref<1x2000xi32, #tpu.memory_space<hbm>> -> memref<2000xi32, #tpu.memory_space<hbm>>
    %dma_start3A_70 = arith.constant 0 : i32
    %dma_start3A_71 = tpu.memref_slice %arg4[%dma_start3A_64, %dma_start3A_70] : memref<5x2000xi32, #tpu.memory_space<vmem>> -> memref<1x2000xi32, #tpu.memory_space<vmem>>
    %dma_start3A_72 = tpu.memref_squeeze %dma_start3A_71 : memref<1x2000xi32, #tpu.memory_space<vmem>> -> memref<2000xi32, #tpu.memory_space<vmem>>
    %dma_start3A_73 = tpu.memref_slice %arg2[%dma_start3A_63, %add3A_62] : memref<2x320000xi32, #tpu.memory_space<hbm>> -> memref<1x2000xi32, #tpu.memory_space<hbm>>
    %dma_start3A_74 = tpu.memref_squeeze %dma_start3A_73 : memref<1x2000xi32, #tpu.memory_space<hbm>> -> memref<2000xi32, #tpu.memory_space<hbm>>
    tpu.enqueue_dma source(%dma_start3A_74 : memref<2000xi32, #tpu.memory_space<hbm>>) target(%dma_start3A_72 : memref<2000xi32, #tpu.memory_space<vmem>>) target_semaphore(%arg8 : memref<!tpu.dma_semaphore, #tpu.memory_space<semaphore_mem>>)
    %scan3A = arith.constant 0 : i32
    %scan3A_75 = arith.constant 0 : i32
    %scan3A_76 = arith.constant 125 : i32
    %scan3A_77 = arith.addi %scan3A_75, %scan3A_76 : i32
    %scan3A_78 = arith.constant 1 : i32
    %scan3A_79 = scf.for %scan3A_215 = %scan3A_75 to %scan3A_77 step %scan3A_78 iter_args(%scan3A_216 = %scan3A) -> (i32)  : i32 {
      %mul3A_217 = arith.constant 16 : i32
      %mul3A_218 = arith.muli %scan3A_215, %mul3A_217 : i32
      %swap3A = arith.index_cast %mul3A_218 : i32 to index
      %swap3A_219 = tpu.vector_load %arg5[%swap3A] {strides = array<i32>} : memref<2000xf32, #tpu.memory_space<vmem>>, vector<16xf32>,
      %swap3A_220 = vector.shape_cast %swap3A_219 : vector<16xf32> to vector<16xf32>
      %swap3A_221 = vector.shape_cast %broadcast_in_dim3A_3 : vector<16xf32> to vector<16xf32>
      tpu.vector_store %arg5[%swap3A], %swap3A_221 {strides = array<i32>} : memref<2000xf32, #tpu.memory_space<vmem>>, vector<16xf32>,
      %scan3A_222 = arith.constant 0 : i32
      scf.yield %scan3A_222 : i32
    }
    %scan3A_80 = arith.constant 125 : i32
    %scan3A_81 = arith.constant 0 : i32
    %scan3A_82 = arith.constant 0 : i32
    %scan3A_83 = arith.constant 40 : i32
    %scan3A_84 = arith.addi %scan3A_82, %scan3A_83 : i32
    %scan3A_85 = arith.constant 1 : i32
    %scan3A_86 = scf.for %scan3A_215 = %scan3A_82 to %scan3A_84 step %scan3A_85 iter_args(%scan3A_216 = %scan3A_81) -> (i32)  : i32 {
      %mul3A_217 = arith.constant 16 : i32
      %mul3A_218 = arith.muli %scan3A_215, %mul3A_217 : i32
      %swap3A = arith.index_cast %mul3A_218 : i32 to index
      %swap3A_219 = tpu.vector_load %arg6[%swap3A] {strides = array<i32>} : memref<640xf32, #tpu.memory_space<vmem>>, vector<16xf32>,
      %swap3A_220 = vector.shape_cast %swap3A_219 : vector<16xf32> to vector<16xf32>
      %swap3A_221 = vector.shape_cast %broadcast_in_dim3A_5 : vector<16xf32> to vector<16xf32>
      tpu.vector_store %arg6[%swap3A], %swap3A_221 {strides = array<i32>} : memref<640xf32, #tpu.memory_space<vmem>>, vector<16xf32>,
      %scan3A_222 = arith.constant 0 : i32
      scf.yield %scan3A_222 : i32
    }
    %scan3A_87 = arith.constant 40 : i32
    %mul3A_88 = arith.constant 640 : i32
    %mul3A_89 = arith.muli %arg1, %mul3A_88 : i32
    "tpu.region"() ({
      %run_scoped3A = tpu.sem_alloc : memref<!tpu.dma_semaphore, #tpu.memory_space<semaphore_mem>>
      %dma_start3A_215 = tpu.memref_slice %arg7[%mul3A_89] : memref<10240xf32, #tpu.memory_space<vmem_shared>> -> memref<640xf32, #tpu.memory_space<vmem_shared>>
      %dma_start3A_216 = tpu.memref_slice %arg7[%mul3A_89] : memref<10240xf32, #tpu.memory_space<vmem_shared>> -> memref<640xf32, #tpu.memory_space<vmem_shared>>
      tpu.enqueue_dma source(%arg6 : memref<640xf32, #tpu.memory_space<vmem>>) target(%dma_start3A_216 : memref<640xf32, #tpu.memory_space<vmem_shared>>) target_semaphore(%run_scoped3A : memref<!tpu.dma_semaphore, #tpu.memory_space<semaphore_mem>>)
      %dma_wait3A_217 = tpu.memref_slice %arg7[%mul3A_89] : memref<10240xf32, #tpu.memory_space<vmem_shared>> -> memref<640xf32, #tpu.memory_space<vmem_shared>>
      %dma_wait3A_218 = tpu.memref_slice %arg7[%mul3A_89] : memref<10240xf32, #tpu.memory_space<vmem_shared>> -> memref<640xf32, #tpu.memory_space<vmem_shared>>
      tpu.wait_dma2 semaphore(%run_scoped3A : memref<!tpu.dma_semaphore, #tpu.memory_space<semaphore_mem>>) src(%arg6 : memref<640xf32, #tpu.memory_space<vmem>>) dst(%dma_wait3A_218 : memref<640xf32, #tpu.memory_space<vmem_shared>>)
      tpu.yield
    }) : () -> ()
    %barrier3A = arith.constant 0 : index
    tpu.barrier barrier_id(%barrier3A)
    %dma_wait3A = arith.constant 1 : i32
    %dma_wait3A_90 = arith.constant 0 : i32
    %dma_wait3A_91 = arith.constant 0 : i32
    %dma_wait3A_92 = tpu.memref_slice %arg4[%dma_wait3A_90, %dma_wait3A_91] : memref<5x2000xi32, #tpu.memory_space<vmem>> -> memref<1x2000xi32, #tpu.memory_space<vmem>>
    %dma_wait3A_93 = tpu.memref_squeeze %dma_wait3A_92 : memref<1x2000xi32, #tpu.memory_space<vmem>> -> memref<2000xi32, #tpu.memory_space<vmem>>
    %dma_wait3A_94 = tpu.memref_slice %arg2[%dma_wait3A, %add3A_7] : memref<2x320000xi32, #tpu.memory_space<hbm>> -> memref<1x2000xi32, #tpu.memory_space<hbm>>
    %dma_wait3A_95 = tpu.memref_squeeze %dma_wait3A_94 : memref<1x2000xi32, #tpu.memory_space<hbm>> -> memref<2000xi32, #tpu.memory_space<hbm>>
    %dma_wait3A_96 = arith.constant 0 : i32
    %dma_wait3A_97 = tpu.memref_slice %arg4[%dma_wait3A_90, %dma_wait3A_96] : memref<5x2000xi32, #tpu.memory_space<vmem>> -> memref<1x2000xi32, #tpu.memory_space<vmem>>
    %dma_wait3A_98 = tpu.memref_squeeze %dma_wait3A_97 : memref<1x2000xi32, #tpu.memory_space<vmem>> -> memref<2000xi32, #tpu.memory_space<vmem>>
    %dma_wait3A_99 = tpu.memref_slice %arg2[%dma_wait3A, %add3A_7] : memref<2x320000xi32, #tpu.memory_space<hbm>> -> memref<1x2000xi32, #tpu.memory_space<hbm>>
    %dma_wait3A_100 = tpu.memref_squeeze %dma_wait3A_99 : memref<1x2000xi32, #tpu.memory_space<hbm>> -> memref<2000xi32, #tpu.memory_space<hbm>>
    tpu.wait_dma2 semaphore(%arg8 : memref<!tpu.dma_semaphore, #tpu.memory_space<semaphore_mem>>) src(%dma_wait3A_100 : memref<2000xi32, #tpu.memory_space<hbm>>) dst(%dma_wait3A_98 : memref<2000xi32, #tpu.memory_space<vmem>>)
    %dma_wait3A_101 = arith.constant 1 : i32
    %dma_wait3A_102 = arith.constant 1 : i32
    %dma_wait3A_103 = arith.constant 0 : i32
    %dma_wait3A_104 = tpu.memref_slice %arg4[%dma_wait3A_102, %dma_wait3A_103] : memref<5x2000xi32, #tpu.memory_space<vmem>> -> memref<1x2000xi32, #tpu.memory_space<vmem>>
    %dma_wait3A_105 = tpu.memref_squeeze %dma_wait3A_104 : memref<1x2000xi32, #tpu.memory_space<vmem>> -> memref<2000xi32, #tpu.memory_space<vmem>>
    %dma_wait3A_106 = tpu.memref_slice %arg2[%dma_wait3A_101, %add3A_20] : memref<2x320000xi32, #tpu.memory_space<hbm>> -> memref<1x2000xi32, #tpu.memory_space<hbm>>
    %dma_wait3A_107 = tpu.memref_squeeze %dma_wait3A_106 : memref<1x2000xi32, #tpu.memory_space<hbm>> -> memref<2000xi32, #tpu.memory_space<hbm>>
    %dma_wait3A_108 = arith.constant 0 : i32
    %dma_wait3A_109 = tpu.memref_slice %arg4[%dma_wait3A_102, %dma_wait3A_108] : memref<5x2000xi32, #tpu.memory_space<vmem>> -> memref<1x2000xi32, #tpu.memory_space<vmem>>
    %dma_wait3A_110 = tpu.memref_squeeze %dma_wait3A_109 : memref<1x2000xi32, #tpu.memory_space<vmem>> -> memref<2000xi32, #tpu.memory_space<vmem>>
    %dma_wait3A_111 = tpu.memref_slice %arg2[%dma_wait3A_101, %add3A_20] : memref<2x320000xi32, #tpu.memory_space<hbm>> -> memref<1x2000xi32, #tpu.memory_space<hbm>>
    %dma_wait3A_112 = tpu.memref_squeeze %dma_wait3A_111 : memref<1x2000xi32, #tpu.memory_space<hbm>> -> memref<2000xi32, #tpu.memory_space<hbm>>
    tpu.wait_dma2 semaphore(%arg8 : memref<!tpu.dma_semaphore, #tpu.memory_space<semaphore_mem>>) src(%dma_wait3A_112 : memref<2000xi32, #tpu.memory_space<hbm>>) dst(%dma_wait3A_110 : memref<2000xi32, #tpu.memory_space<vmem>>)
    %dma_wait3A_113 = arith.constant 1 : i32
    %dma_wait3A_114 = arith.constant 2 : i32
    %dma_wait3A_115 = arith.constant 0 : i32
    %dma_wait3A_116 = tpu.memref_slice %arg4[%dma_wait3A_114, %dma_wait3A_115] : memref<5x2000xi32, #tpu.memory_space<vmem>> -> memref<1x2000xi32, #tpu.memory_space<vmem>>
    %dma_wait3A_117 = tpu.memref_squeeze %dma_wait3A_116 : memref<1x2000xi32, #tpu.memory_space<vmem>> -> memref<2000xi32, #tpu.memory_space<vmem>>
    %dma_wait3A_118 = tpu.memref_slice %arg2[%dma_wait3A_113, %add3A_34] : memref<2x320000xi32, #tpu.memory_space<hbm>> -> memref<1x2000xi32, #tpu.memory_space<hbm>>
    %dma_wait3A_119 = tpu.memref_squeeze %dma_wait3A_118 : memref<1x2000xi32, #tpu.memory_space<hbm>> -> memref<2000xi32, #tpu.memory_space<hbm>>
    %dma_wait3A_120 = arith.constant 0 : i32
    %dma_wait3A_121 = tpu.memref_slice %arg4[%dma_wait3A_114, %dma_wait3A_120] : memref<5x2000xi32, #tpu.memory_space<vmem>> -> memref<1x2000xi32, #tpu.memory_space<vmem>>
    %dma_wait3A_122 = tpu.memref_squeeze %dma_wait3A_121 : memref<1x2000xi32, #tpu.memory_space<vmem>> -> memref<2000xi32, #tpu.memory_space<vmem>>
    %dma_wait3A_123 = tpu.memref_slice %arg2[%dma_wait3A_113, %add3A_34] : memref<2x320000xi32, #tpu.memory_space<hbm>> -> memref<1x2000xi32, #tpu.memory_space<hbm>>
    %dma_wait3A_124 = tpu.memref_squeeze %dma_wait3A_123 : memref<1x2000xi32, #tpu.memory_space<hbm>> -> memref<2000xi32, #tpu.memory_space<hbm>>
    tpu.wait_dma2 semaphore(%arg8 : memref<!tpu.dma_semaphore, #tpu.memory_space<semaphore_mem>>) src(%dma_wait3A_124 : memref<2000xi32, #tpu.memory_space<hbm>>) dst(%dma_wait3A_122 : memref<2000xi32, #tpu.memory_space<vmem>>)
    %dma_wait3A_125 = arith.constant 1 : i32
    %dma_wait3A_126 = arith.constant 3 : i32
    %dma_wait3A_127 = arith.constant 0 : i32
    %dma_wait3A_128 = tpu.memref_slice %arg4[%dma_wait3A_126, %dma_wait3A_127] : memref<5x2000xi32, #tpu.memory_space<vmem>> -> memref<1x2000xi32, #tpu.memory_space<vmem>>
    %dma_wait3A_129 = tpu.memref_squeeze %dma_wait3A_128 : memref<1x2000xi32, #tpu.memory_space<vmem>> -> memref<2000xi32, #tpu.memory_space<vmem>>
    %dma_wait3A_130 = tpu.memref_slice %arg2[%dma_wait3A_125, %add3A_48] : memref<2x320000xi32, #tpu.memory_space<hbm>> -> memref<1x2000xi32, #tpu.memory_space<hbm>>
    %dma_wait3A_131 = tpu.memref_squeeze %dma_wait3A_130 : memref<1x2000xi32, #tpu.memory_space<hbm>> -> memref<2000xi32, #tpu.memory_space<hbm>>
    %dma_wait3A_132 = arith.constant 0 : i32
    %dma_wait3A_133 = tpu.memref_slice %arg4[%dma_wait3A_126, %dma_wait3A_132] : memref<5x2000xi32, #tpu.memory_space<vmem>> -> memref<1x2000xi32, #tpu.memory_space<vmem>>
    %dma_wait3A_134 = tpu.memref_squeeze %dma_wait3A_133 : memref<1x2000xi32, #tpu.memory_space<vmem>> -> memref<2000xi32, #tpu.memory_space<vmem>>
    %dma_wait3A_135 = tpu.memref_slice %arg2[%dma_wait3A_125, %add3A_48] : memref<2x320000xi32, #tpu.memory_space<hbm>> -> memref<1x2000xi32, #tpu.memory_space<hbm>>
    %dma_wait3A_136 = tpu.memref_squeeze %dma_wait3A_135 : memref<1x2000xi32, #tpu.memory_space<hbm>> -> memref<2000xi32, #tpu.memory_space<hbm>>
    tpu.wait_dma2 semaphore(%arg8 : memref<!tpu.dma_semaphore, #tpu.memory_space<semaphore_mem>>) src(%dma_wait3A_136 : memref<2000xi32, #tpu.memory_space<hbm>>) dst(%dma_wait3A_134 : memref<2000xi32, #tpu.memory_space<vmem>>)
    %dma_wait3A_137 = arith.constant 1 : i32
    %dma_wait3A_138 = arith.constant 4 : i32
    %dma_wait3A_139 = arith.constant 0 : i32
    %dma_wait3A_140 = tpu.memref_slice %arg4[%dma_wait3A_138, %dma_wait3A_139] : memref<5x2000xi32, #tpu.memory_space<vmem>> -> memref<1x2000xi32, #tpu.memory_space<vmem>>
    %dma_wait3A_141 = tpu.memref_squeeze %dma_wait3A_140 : memref<1x2000xi32, #tpu.memory_space<vmem>> -> memref<2000xi32, #tpu.memory_space<vmem>>
    %dma_wait3A_142 = tpu.memref_slice %arg2[%dma_wait3A_137, %add3A_62] : memref<2x320000xi32, #tpu.memory_space<hbm>> -> memref<1x2000xi32, #tpu.memory_space<hbm>>
    %dma_wait3A_143 = tpu.memref_squeeze %dma_wait3A_142 : memref<1x2000xi32, #tpu.memory_space<hbm>> -> memref<2000xi32, #tpu.memory_space<hbm>>
    %dma_wait3A_144 = arith.constant 0 : i32
    %dma_wait3A_145 = tpu.memref_slice %arg4[%dma_wait3A_138, %dma_wait3A_144] : memref<5x2000xi32, #tpu.memory_space<vmem>> -> memref<1x2000xi32, #tpu.memory_space<vmem>>
    %dma_wait3A_146 = tpu.memref_squeeze %dma_wait3A_145 : memref<1x2000xi32, #tpu.memory_space<vmem>> -> memref<2000xi32, #tpu.memory_space<vmem>>
    %dma_wait3A_147 = tpu.memref_slice %arg2[%dma_wait3A_137, %add3A_62] : memref<2x320000xi32, #tpu.memory_space<hbm>> -> memref<1x2000xi32, #tpu.memory_space<hbm>>
    %dma_wait3A_148 = tpu.memref_squeeze %dma_wait3A_147 : memref<1x2000xi32, #tpu.memory_space<hbm>> -> memref<2000xi32, #tpu.memory_space<hbm>>
    tpu.wait_dma2 semaphore(%arg8 : memref<!tpu.dma_semaphore, #tpu.memory_space<semaphore_mem>>) src(%dma_wait3A_148 : memref<2000xi32, #tpu.memory_space<hbm>>) dst(%dma_wait3A_146 : memref<2000xi32, #tpu.memory_space<vmem>>)
    %dma_start3A_149 = arith.constant 0 : i32
    %dma_start3A_150 = arith.constant 0 : i32
    %dma_start3A_151 = tpu.memref_slice %arg4[%dma_start3A_149, %dma_start3A_150] : memref<5x2000xi32, #tpu.memory_space<vmem>> -> memref<1x2000xi32, #tpu.memory_space<vmem>>
    %dma_start3A_152 = tpu.memref_squeeze %dma_start3A_151 : memref<1x2000xi32, #tpu.memory_space<vmem>> -> memref<2000xi32, #tpu.memory_space<vmem>>
    %dma_start3A_153 = arith.constant 0 : i32
    %dma_start3A_154 = tpu.memref_slice %arg7[%dma_start3A_153] : memref<10240xf32, #tpu.memory_space<vmem_shared>> -> memref<10240xf32, #tpu.memory_space<vmem_shared>>
    tpu.enqueue_indirect_dma source(%arg5 : memref<2000xf32, #tpu.memory_space<vmem>>) target(%dma_start3A_154 : memref<10240xf32, #tpu.memory_space<vmem_shared>>) offsets(%dma_start3A_152 : memref<2000xi32, #tpu.memory_space<vmem>>) semaphore(%arg9 : memref<!tpu.dma_semaphore, #tpu.memory_space<semaphore_mem>>) {add = true}
    %dma_start3A_155 = arith.constant 1 : i32
    %dma_start3A_156 = arith.constant 0 : i32
    %dma_start3A_157 = tpu.memref_slice %arg4[%dma_start3A_155, %dma_start3A_156] : memref<5x2000xi32, #tpu.memory_space<vmem>> -> memref<1x2000xi32, #tpu.memory_space<vmem>>
    %dma_start3A_158 = tpu.memref_squeeze %dma_start3A_157 : memref<1x2000xi32, #tpu.memory_space<vmem>> -> memref<2000xi32, #tpu.memory_space<vmem>>
    %dma_start3A_159 = arith.constant 0 : i32
    %dma_start3A_160 = tpu.memref_slice %arg7[%dma_start3A_159] : memref<10240xf32, #tpu.memory_space<vmem_shared>> -> memref<10240xf32, #tpu.memory_space<vmem_shared>>
    tpu.enqueue_indirect_dma source(%arg5 : memref<2000xf32, #tpu.memory_space<vmem>>) target(%dma_start3A_160 : memref<10240xf32, #tpu.memory_space<vmem_shared>>) offsets(%dma_start3A_158 : memref<2000xi32, #tpu.memory_space<vmem>>) semaphore(%arg9 : memref<!tpu.dma_semaphore, #tpu.memory_space<semaphore_mem>>) {add = true}
    %dma_start3A_161 = arith.constant 2 : i32
    %dma_start3A_162 = arith.constant 0 : i32
    %dma_start3A_163 = tpu.memref_slice %arg4[%dma_start3A_161, %dma_start3A_162] : memref<5x2000xi32, #tpu.memory_space<vmem>> -> memref<1x2000xi32, #tpu.memory_space<vmem>>
    %dma_start3A_164 = tpu.memref_squeeze %dma_start3A_163 : memref<1x2000xi32, #tpu.memory_space<vmem>> -> memref<2000xi32, #tpu.memory_space<vmem>>
    %dma_start3A_165 = arith.constant 0 : i32
    %dma_start3A_166 = tpu.memref_slice %arg7[%dma_start3A_165] : memref<10240xf32, #tpu.memory_space<vmem_shared>> -> memref<10240xf32, #tpu.memory_space<vmem_shared>>
    tpu.enqueue_indirect_dma source(%arg5 : memref<2000xf32, #tpu.memory_space<vmem>>) target(%dma_start3A_166 : memref<10240xf32, #tpu.memory_space<vmem_shared>>) offsets(%dma_start3A_164 : memref<2000xi32, #tpu.memory_space<vmem>>) semaphore(%arg9 : memref<!tpu.dma_semaphore, #tpu.memory_space<semaphore_mem>>) {add = true}
    %dma_start3A_167 = arith.constant 3 : i32
    %dma_start3A_168 = arith.constant 0 : i32
    %dma_start3A_169 = tpu.memref_slice %arg4[%dma_start3A_167, %dma_start3A_168] : memref<5x2000xi32, #tpu.memory_space<vmem>> -> memref<1x2000xi32, #tpu.memory_space<vmem>>
    %dma_start3A_170 = tpu.memref_squeeze %dma_start3A_169 : memref<1x2000xi32, #tpu.memory_space<vmem>> -> memref<2000xi32, #tpu.memory_space<vmem>>
    %dma_start3A_171 = arith.constant 0 : i32
    %dma_start3A_172 = tpu.memref_slice %arg7[%dma_start3A_171] : memref<10240xf32, #tpu.memory_space<vmem_shared>> -> memref<10240xf32, #tpu.memory_space<vmem_shared>>
    tpu.enqueue_indirect_dma source(%arg5 : memref<2000xf32, #tpu.memory_space<vmem>>) target(%dma_start3A_172 : memref<10240xf32, #tpu.memory_space<vmem_shared>>) offsets(%dma_start3A_170 : memref<2000xi32, #tpu.memory_space<vmem>>) semaphore(%arg9 : memref<!tpu.dma_semaphore, #tpu.memory_space<semaphore_mem>>) {add = true}
    %dma_start3A_173 = arith.constant 4 : i32
    %dma_start3A_174 = arith.constant 0 : i32
    %dma_start3A_175 = tpu.memref_slice %arg4[%dma_start3A_173, %dma_start3A_174] : memref<5x2000xi32, #tpu.memory_space<vmem>> -> memref<1x2000xi32, #tpu.memory_space<vmem>>
    %dma_start3A_176 = tpu.memref_squeeze %dma_start3A_175 : memref<1x2000xi32, #tpu.memory_space<vmem>> -> memref<2000xi32, #tpu.memory_space<vmem>>
    %dma_start3A_177 = arith.constant 0 : i32
    %dma_start3A_178 = tpu.memref_slice %arg7[%dma_start3A_177] : memref<10240xf32, #tpu.memory_space<vmem_shared>> -> memref<10240xf32, #tpu.memory_space<vmem_shared>>
    tpu.enqueue_indirect_dma source(%arg5 : memref<2000xf32, #tpu.memory_space<vmem>>) target(%dma_start3A_178 : memref<10240xf32, #tpu.memory_space<vmem_shared>>) offsets(%dma_start3A_176 : memref<2000xi32, #tpu.memory_space<vmem>>) semaphore(%arg9 : memref<!tpu.dma_semaphore, #tpu.memory_space<semaphore_mem>>) {add = true}
    %dma_wait3A_179 = arith.constant 0 : i32
    %dma_wait3A_180 = arith.constant 0 : i32
    %dma_wait3A_181 = tpu.memref_slice %arg4[%dma_wait3A_179, %dma_wait3A_180] : memref<5x2000xi32, #tpu.memory_space<vmem>> -> memref<1x2000xi32, #tpu.memory_space<vmem>>
    %dma_wait3A_182 = tpu.memref_squeeze %dma_wait3A_181 : memref<1x2000xi32, #tpu.memory_space<vmem>> -> memref<2000xi32, #tpu.memory_space<vmem>>
    %dma_wait3A_183 = arith.constant 0 : i32
    %dma_wait3A_184 = tpu.memref_slice %arg7[%dma_wait3A_183] : memref<10240xf32, #tpu.memory_space<vmem_shared>> -> memref<10240xf32, #tpu.memory_space<vmem_shared>>
    tpu.wait_indirect_dma semaphore(%arg9 : memref<!tpu.dma_semaphore, #tpu.memory_space<semaphore_mem>>) src(%arg5 : memref<2000xf32, #tpu.memory_space<vmem>>) dst(%dma_wait3A_184 : memref<10240xf32, #tpu.memory_space<vmem_shared>>)
    %dma_wait3A_185 = arith.constant 1 : i32
    %dma_wait3A_186 = arith.constant 0 : i32
    %dma_wait3A_187 = tpu.memref_slice %arg4[%dma_wait3A_185, %dma_wait3A_186] : memref<5x2000xi32, #tpu.memory_space<vmem>> -> memref<1x2000xi32, #tpu.memory_space<vmem>>
    %dma_wait3A_188 = tpu.memref_squeeze %dma_wait3A_187 : memref<1x2000xi32, #tpu.memory_space<vmem>> -> memref<2000xi32, #tpu.memory_space<vmem>>
    %dma_wait3A_189 = arith.constant 0 : i32
    %dma_wait3A_190 = tpu.memref_slice %arg7[%dma_wait3A_189] : memref<10240xf32, #tpu.memory_space<vmem_shared>> -> memref<10240xf32, #tpu.memory_space<vmem_shared>>
    tpu.wait_indirect_dma semaphore(%arg9 : memref<!tpu.dma_semaphore, #tpu.memory_space<semaphore_mem>>) src(%arg5 : memref<2000xf32, #tpu.memory_space<vmem>>) dst(%dma_wait3A_190 : memref<10240xf32, #tpu.memory_space<vmem_shared>>)
    %dma_wait3A_191 = arith.constant 2 : i32
    %dma_wait3A_192 = arith.constant 0 : i32
    %dma_wait3A_193 = tpu.memref_slice %arg4[%dma_wait3A_191, %dma_wait3A_192] : memref<5x2000xi32, #tpu.memory_space<vmem>> -> memref<1x2000xi32, #tpu.memory_space<vmem>>
    %dma_wait3A_194 = tpu.memref_squeeze %dma_wait3A_193 : memref<1x2000xi32, #tpu.memory_space<vmem>> -> memref<2000xi32, #tpu.memory_space<vmem>>
    %dma_wait3A_195 = arith.constant 0 : i32
    %dma_wait3A_196 = tpu.memref_slice %arg7[%dma_wait3A_195] : memref<10240xf32, #tpu.memory_space<vmem_shared>> -> memref<10240xf32, #tpu.memory_space<vmem_shared>>
    tpu.wait_indirect_dma semaphore(%arg9 : memref<!tpu.dma_semaphore, #tpu.memory_space<semaphore_mem>>) src(%arg5 : memref<2000xf32, #tpu.memory_space<vmem>>) dst(%dma_wait3A_196 : memref<10240xf32, #tpu.memory_space<vmem_shared>>)
    %dma_wait3A_197 = arith.constant 3 : i32
    %dma_wait3A_198 = arith.constant 0 : i32
    %dma_wait3A_199 = tpu.memref_slice %arg4[%dma_wait3A_197, %dma_wait3A_198] : memref<5x2000xi32, #tpu.memory_space<vmem>> -> memref<1x2000xi32, #tpu.memory_space<vmem>>
    %dma_wait3A_200 = tpu.memref_squeeze %dma_wait3A_199 : memref<1x2000xi32, #tpu.memory_space<vmem>> -> memref<2000xi32, #tpu.memory_space<vmem>>
    %dma_wait3A_201 = arith.constant 0 : i32
    %dma_wait3A_202 = tpu.memref_slice %arg7[%dma_wait3A_201] : memref<10240xf32, #tpu.memory_space<vmem_shared>> -> memref<10240xf32, #tpu.memory_space<vmem_shared>>
    tpu.wait_indirect_dma semaphore(%arg9 : memref<!tpu.dma_semaphore, #tpu.memory_space<semaphore_mem>>) src(%arg5 : memref<2000xf32, #tpu.memory_space<vmem>>) dst(%dma_wait3A_202 : memref<10240xf32, #tpu.memory_space<vmem_shared>>)
    %dma_wait3A_203 = arith.constant 4 : i32
    %dma_wait3A_204 = arith.constant 0 : i32
    %dma_wait3A_205 = tpu.memref_slice %arg4[%dma_wait3A_203, %dma_wait3A_204] : memref<5x2000xi32, #tpu.memory_space<vmem>> -> memref<1x2000xi32, #tpu.memory_space<vmem>>
    %dma_wait3A_206 = tpu.memref_squeeze %dma_wait3A_205 : memref<1x2000xi32, #tpu.memory_space<vmem>> -> memref<2000xi32, #tpu.memory_space<vmem>>
    %dma_wait3A_207 = arith.constant 0 : i32
    %dma_wait3A_208 = tpu.memref_slice %arg7[%dma_wait3A_207] : memref<10240xf32, #tpu.memory_space<vmem_shared>> -> memref<10240xf32, #tpu.memory_space<vmem_shared>>
    tpu.wait_indirect_dma semaphore(%arg9 : memref<!tpu.dma_semaphore, #tpu.memory_space<semaphore_mem>>) src(%arg5 : memref<2000xf32, #tpu.memory_space<vmem>>) dst(%dma_wait3A_208 : memref<10240xf32, #tpu.memory_space<vmem_shared>>)
    %barrier3A_209 = arith.constant 0 : index
    tpu.barrier barrier_id(%barrier3A_209)
    %mul3A_210 = arith.constant 10240 : i32
    %mul3A_211 = arith.muli %arg0, %mul3A_210 : i32
    %mul3A_212 = arith.constant 640 : i32
    %mul3A_213 = arith.muli %arg1, %mul3A_212 : i32
    %add3A_214 = arith.addi %mul3A_211, %mul3A_213 : i32
    "tpu.region"() ({
      %run_scoped3A = tpu.sem_alloc : memref<!tpu.dma_semaphore, #tpu.memory_space<semaphore_mem>>
      %dma_start3A_215 = tpu.memref_slice %arg3[%add3A_214] : memref<20480xf32, #tpu.memory_space<hbm>> -> memref<640xf32, #tpu.memory_space<hbm>>
      %dma_start3A_216 = tpu.memref_slice %arg7[%mul3A_89] : memref<10240xf32, #tpu.memory_space<vmem_shared>> -> memref<640xf32, #tpu.memory_space<vmem_shared>>
      tpu.enqueue_dma source(%dma_start3A_216 : memref<640xf32, #tpu.memory_space<vmem_shared>>) target(%dma_start3A_215 : memref<640xf32, #tpu.memory_space<hbm>>) target_semaphore(%run_scoped3A : memref<!tpu.dma_semaphore, #tpu.memory_space<semaphore_mem>>)
      %dma_wait3A_217 = tpu.memref_slice %arg3[%add3A_214] : memref<20480xf32, #tpu.memory_space<hbm>> -> memref<640xf32, #tpu.memory_space<hbm>>
      %dma_wait3A_218 = tpu.memref_slice %arg7[%mul3A_89] : memref<10240xf32, #tpu.memory_space<vmem_shared>> -> memref<640xf32, #tpu.memory_space<vmem_shared>>
      tpu.wait_dma2 semaphore(%run_scoped3A : memref<!tpu.dma_semaphore, #tpu.memory_space<semaphore_mem>>) src(%dma_wait3A_218 : memref<640xf32, #tpu.memory_space<vmem_shared>>) dst(%dma_wait3A_217 : memref<640xf32, #tpu.memory_space<hbm>>)
      tpu.yield
    }) : () -> ()
    return
  }
}

module attributes {stable_mosaic.version = 14 : i64} {
  func.func @_spk_body(%arg0: i32, %arg1: memref<129x1280xf32, #tpu.memory_space<vmem>>, %arg2: memref<129x1280xf32, #tpu.memory_space<vmem>>) attributes {dimension_semantics = [#tpu.dimension_semantics<arbitrary>], iteration_bounds = array<i64: 8>, scalar_prefetch = 0 : i64, scratch_operands = 0 : i64, tpu.core_type = #tpu.core_type<tc>, window_params = [{transform_indices = @transform_0, window_bounds = array<i64: 129, 1280>}, {transform_indices = @transform_1, window_bounds = array<i64: 129, 1280>}]} {
    %get3A = arith.constant 0 : index
    %get3A_0 = arith.constant 0 : index
    %get3A_1 = vector.load %arg1[%get3A, %get3A_0] : memref<129x1280xf32, #tpu.memory_space<vmem>>, vector<129x1280xf32>
    %gt3A = arith.constant 1.000000e+00 : f32
    %gt3A_2 = vector.broadcast %gt3A : f32 to vector<129x1280xf32>
    %gt3A_3 = arith.cmpf ogt, %get3A_1, %gt3A_2 : vector<129x1280xf32>
    %convert_element_type3A = arith.extui %gt3A_3 : vector<129x1280xi1> to vector<129x1280xi32>
    %convert_element_type3A_4 = arith.sitofp %convert_element_type3A : vector<129x1280xi32> to vector<129x1280xf32>
    %swap3A = arith.constant 0 : index
    %swap3A_5 = arith.constant 0 : index
    %swap3A_6 = vector.load %arg2[%swap3A, %swap3A_5] : memref<129x1280xf32, #tpu.memory_space<vmem>>, vector<129x1280xf32>
    tpu.vector_store %arg2[%swap3A, %swap3A_5], %convert_element_type3A_4 {strides = array<i32>} : memref<129x1280xf32, #tpu.memory_space<vmem>>, vector<129x1280xf32>,
    return
  }
  func.func @transform_0(%arg0: i32) -> (i32, i32) {
    %c0_i32 = arith.constant 0 : i32
    %c0_i32_0 = arith.constant 0 : i32
    return %c0_i32, %arg0 : i32, i32
  }
  func.func @transform_1(%arg0: i32) -> (i32, i32) {
    %c0_i32 = arith.constant 0 : i32
    %c0_i32_0 = arith.constant 0 : i32
    return %c0_i32, %arg0 : i32, i32
  }
}

module attributes {stable_mosaic.version = 14 : i64} {
  func.func @_g_body(%arg0: memref<129x10000xf32, #tpu.memory_space<vmem>>, %arg1: memref<129x64xf32, #tpu.memory_space<vmem>>, %arg2: memref<10000x2xf32, #tpu.memory_space<vmem>>, %arg3: memref<10000x64xf32, #tpu.memory_space<vmem>>, %arg4: memref<10000x1xf32, #tpu.memory_space<vmem>>) attributes {dimension_semantics = [], scalar_prefetch = 0 : i64, scratch_operands = 0 : i64, tpu.core_type = #tpu.core_type<tc>} {
    %get3A = arith.constant 0 : index
    %get3A_0 = arith.constant 0 : index
    %get3A_1 = vector.load %arg2[%get3A, %get3A_0] : memref<10000x2xf32, #tpu.memory_space<vmem>>, vector<10000x1xf32>
    %get3A_2 = arith.constant 0 : index
    %get3A_3 = arith.constant 1 : index
    %get3A_4 = vector.load %arg2[%get3A_2, %get3A_3] : memref<10000x2xf32, #tpu.memory_space<vmem>>, vector<10000x1xf32>
    %add3A = arith.addf %get3A_1, %get3A_4 : vector<10000x1xf32>
    %add3A_5 = arith.constant 1.000000e+00 : f32
    %add3A_6 = vector.broadcast %add3A_5 : f32 to vector<10000x1xf32>
    %add3A_7 = arith.addf %add3A, %add3A_6 : vector<10000x1xf32>
    %rsqrt3A = math.rsqrt %add3A_7 : vector<10000x1xf32>
    %swap3A = arith.constant 0 : index
    %swap3A_8 = arith.constant 0 : index
    %swap3A_9 = vector.load %arg4[%swap3A, %swap3A_8] : memref<10000x1xf32, #tpu.memory_space<vmem>>, vector<10000x1xf32>
    tpu.vector_store %arg4[%swap3A, %swap3A_8], %rsqrt3A {strides = array<i32>} : memref<10000x1xf32, #tpu.memory_space<vmem>>, vector<10000x1xf32>,
    %get3A_10 = arith.constant 0 : index
    %get3A_11 = arith.constant 0 : index
    %get3A_12 = vector.load %arg0[%get3A_10, %get3A_11] : memref<129x10000xf32, #tpu.memory_space<vmem>>, vector<129x10000xf32>
    %get3A_13 = arith.constant 0 : index
    %get3A_14 = arith.constant 0 : index
    %get3A_15 = vector.load %arg1[%get3A_13, %get3A_14] : memref<129x64xf32, #tpu.memory_space<vmem>>, vector<129x64xf32>
    %dot_general3A = arith.constant dense<0.000000e+00> : vector<10000x64xf32>
    %dot_general3A_16 = tpu.matmul %get3A_12, %get3A_15, %dot_general3A {dimension_numbers = #tpu.dot_dimension_numbers<[0], [0], [1], [1], [0, 1, 1, 1], [], []>, transpose_lhs_hint = false} : vector<129x10000xf32>, vector<129x64xf32>, vector<10000x64xf32> -> vector<10000x64xf32>
    %mul3A = vector.broadcast %rsqrt3A : vector<10000x1xf32> to vector<10000x64xf32>
    %mul3A_17 = arith.mulf %mul3A, %dot_general3A_16 : vector<10000x64xf32>
    %swap3A_18 = arith.constant 0 : index
    %swap3A_19 = arith.constant 0 : index
    %swap3A_20 = vector.load %arg3[%swap3A_18, %swap3A_19] : memref<10000x64xf32, #tpu.memory_space<vmem>>, vector<10000x64xf32>
    tpu.vector_store %arg3[%swap3A_18, %swap3A_19], %mul3A_17 {strides = array<i32>} : memref<10000x64xf32, #tpu.memory_space<vmem>>, vector<10000x64xf32>,
    return
  }
}

module attributes {stable_mosaic.version = 14 : i64} {
  func.func @_comb_body(%arg0: i32, %arg1: memref<1280x64xf32, #tpu.memory_space<vmem>>, %arg2: memref<1280x64xf32, #tpu.memory_space<vmem>>, %arg3: memref<1280x64xf32, #tpu.memory_space<vmem>>, %arg4: memref<1280x1xf32, #tpu.memory_space<vmem>>, %arg5: memref<1x64xf32, #tpu.memory_space<vmem>>, %arg6: memref<64x1280xf32, #tpu.memory_space<vmem>>) attributes {dimension_semantics = [#tpu.dimension_semantics<arbitrary>], iteration_bounds = array<i64: 8>, scalar_prefetch = 0 : i64, scratch_operands = 0 : i64, tpu.core_type = #tpu.core_type<tc>, window_params = [{transform_indices = @transform_0, window_bounds = array<i64: 1280, 64>}, {transform_indices = @transform_1, window_bounds = array<i64: 1280, 64>}, {transform_indices = @transform_2, window_bounds = array<i64: 1280, 64>}, {transform_indices = @transform_3, window_bounds = array<i64: 1280, 1>}, {pipeline_mode = #tpu.pipeline_mode<synchronous>, transform_indices = @transform_4, window_bounds = array<i64: 1, 64>}, {transform_indices = @transform_5, window_bounds = array<i64: 64, 1280>}]} {
    %get3A = arith.constant 0 : index
    %get3A_0 = arith.constant 0 : index
    %get3A_1 = vector.load %arg4[%get3A, %get3A_0] : memref<1280x1xf32, #tpu.memory_space<vmem>>, vector<1280x1xf32>
    %get3A_2 = arith.constant 0 : index
    %get3A_3 = arith.constant 0 : index
    %get3A_4 = vector.load %arg1[%get3A_2, %get3A_3] : memref<1280x64xf32, #tpu.memory_space<vmem>>, vector<1280x64xf32>
    %get3A_5 = arith.constant 0 : index
    %get3A_6 = arith.constant 0 : index
    %get3A_7 = vector.load %arg2[%get3A_5, %get3A_6] : memref<1280x64xf32, #tpu.memory_space<vmem>>, vector<1280x64xf32>
    %add3A = arith.addf %get3A_4, %get3A_7 : vector<1280x64xf32>
    %get3A_8 = arith.constant 0 : index
    %get3A_9 = arith.constant 0 : index
    %get3A_10 = vector.load %arg3[%get3A_8, %get3A_9] : memref<1280x64xf32, #tpu.memory_space<vmem>>, vector<1280x64xf32>
    %sub3A = arith.subf %add3A, %get3A_10 : vector<1280x64xf32>
    %mul3A = vector.broadcast %get3A_1 : vector<1280x1xf32> to vector<1280x64xf32>
    %mul3A_11 = arith.mulf %mul3A, %sub3A : vector<1280x64xf32>
    %get3A_12 = arith.constant 0 : index
    %get3A_13 = arith.constant 0 : index
    %get3A_14 = vector.load %arg5[%get3A_12, %get3A_13] : memref<1x64xf32, #tpu.memory_space<vmem>>, vector<1x64xf32>
    %add3A_15 = vector.broadcast %get3A_14 : vector<1x64xf32> to vector<1280x64xf32>
    %add3A_16 = arith.addf %mul3A_11, %add3A_15 : vector<1280x64xf32>
    %transpose3A = tpu.transpose %add3A_16, [1, 0] : vector<1280x64xf32> -> vector<64x1280xf32>
    %swap3A = arith.constant 0 : index
    %swap3A_17 = arith.constant 0 : index
    %swap3A_18 = vector.load %arg6[%swap3A, %swap3A_17] : memref<64x1280xf32, #tpu.memory_space<vmem>>, vector<64x1280xf32>
    tpu.vector_store %arg6[%swap3A, %swap3A_17], %transpose3A {strides = array<i32>} : memref<64x1280xf32, #tpu.memory_space<vmem>>, vector<64x1280xf32>,
    return
  }
  func.func @transform_0(%arg0: i32) -> (i32, i32) {
    %c0_i32 = arith.constant 0 : i32
    %c0_i32_0 = arith.constant 0 : i32
    return %arg0, %c0_i32 : i32, i32
  }
  func.func @transform_1(%arg0: i32) -> (i32, i32) {
    %c0_i32 = arith.constant 0 : i32
    %c0_i32_0 = arith.constant 0 : i32
    return %arg0, %c0_i32 : i32, i32
  }
  func.func @transform_2(%arg0: i32) -> (i32, i32) {
    %c0_i32 = arith.constant 0 : i32
    %c0_i32_0 = arith.constant 0 : i32
    return %arg0, %c0_i32 : i32, i32
  }
  func.func @transform_3(%arg0: i32) -> (i32, i32) {
    %c0_i32 = arith.constant 0 : i32
    %c0_i32_0 = arith.constant 0 : i32
    return %arg0, %c0_i32 : i32, i32
  }
  func.func @transform_4(%arg0: i32) -> (i32, i32) {
    %c0_i32 = arith.constant 0 : i32
    %c0_i32_0 = arith.constant 0 : i32
    %c0_i32_1 = arith.constant 0 : i32
    return %c0_i32, %c0_i32_0 : i32, i32
  }
  func.func @transform_5(%arg0: i32) -> (i32, i32) {
    %c0_i32 = arith.constant 0 : i32
    %c0_i32_0 = arith.constant 0 : i32
    return %c0_i32, %arg0 : i32, i32
  }
}

</mosaic_0001>

<sc_bundles>
// kernel: kernel.10.cloned.1.call-start
scs
__scs_entry_jumppad:
0x0: {  	(pc) =	sbr.rel $0x88, $3  }
0x1: {  	(tag) =	ssettag $0x0;
	lr =	simm.s32 $0x1  }
0x2: {  	[smem:$0x3F9D] =	sst lr;
	_ =	strace $0xD0000000  }
0x3: {  	_ = 	snop  }
0x4: {  	_ = 	snop  }
0x5: {  	_ = 	snop  }
0x6: {  	_ = 	snop  }
0x7: {  	_ = 	snop  }
__scs_overlays_trampoline_lowered:
0x8: {  	[smem:$0x3FAC] =	sst s0  }
0x9: {  	[smem:$0x3FAD] =	sst s1  }
0xa: {  	[smem:$0x3FAE] =	sst s2  }
0xb: {  	[smem:$0x3FAF] =	sst s3  }
0xc: {  	[smem:$0x3FB0] =	sst s4  }
0xd: {  	[smem:$0x3FB1] =	sst s5  }
0xe: {  	[smem:$0x3FB2] =	sst s6  }
0xf: {  	[smem:$0x3FB3] =	sst s7  }
0x10: {  	[smem:$0x3FB4] =	sst s8  }
0x11: {  	[smem:$0x3FB5] =	sst s9;
	s0 =	simm.s32 @!p0 $0x0  }
0x12: {  	s1 =	sld [smem:$0x3F9B];
	s0 =	simm.s32 @p0 $0x1  }
0x13: {  	[smem:$0x3FB6] =	sst s0;
	s0 =	simm.s32 @!p1 $0x0  }
0x14: {  	s2 =	sld [smem:$0x3F9A];
	s0 =	simm.s32 @p1 $0x1  }
0x15: {  	[smem:$0x3FB7] =	sst s0;
	s0 =	simm.s32 @!p2 $0x0  }
0x16: {  	s3 =	sld [smem:$0x3FDB];
	s0 =	simm.s32 @p2 $0x1  }
0x17: {  	s4 =	simm.s32 $0x1BF5;
	[smem:$0x3FB9] =	sst s0  }
0x18: {  	s0 =	sld [smem:$0x3F9C];
	_ =	swait.ge [sflag:s4], $0x0  }
0x19: {  	s7 =	sld [smem:$0x3F9D]  }
0x1a: {  	s8 =	sadd.s32 $0xFFFFE003, lr  }
0x1b: {  	s9 =	sadd.s32 $0xFFFFFEF7, lr;
	s5 =	simm.s32 $0xFFFFFFFF;
	p2 =	slt.u32 s8, $0xFFFFF086  }
0x1c: {  	p1 =	slt.u32 s9, $0xF7A;
	s5 =	simm.s32 @!p2 $0x0  }
0x1d: {  	s5 =	simm.s32 @p1 $0x1;
	p0 =	seq.s32 s7, s2  }
0x1e: {  	s7 =	smul.u32 @!p0 $0xF7A, s2;
	p2 =	seq.s32 @!p0 s5, $0x0  }
0x1f: {  	s9 =	smul.u32 $0xF7A, s1;
	s8 =	simm.s32 @!p0 $0x1BF5;
	p2 =	por !p2, p0  }
0x20: {  	[sflag:s8] =	ssyncset.s32 @!p0 $0xFFFFF086;
	s6 =	sadd.s32 @!p0 s3, s7;
	s7 =	simm.s32 @!p0 $0x108  }
0x21: {  	s3 =	sadd.s32 s3, s9;
	s6 =	sadd.s32 @!p0 $0x88, s6;
	s7 =	simm.s32 @p2 $0x1082  }
0x22: {  	[simem:s7], [sflag:s8] =	dma.local @!p0 [hbm:s6], $0xF7A  }
0x23: {  	s9 =	sor.u32 $0xD0000000, s2;
	s6 =	simm.s32 $0x108;
	_ =	swait.ge @!p0 [sflag:s8], $0x0  }
0x24: {  	s3 =	sadd.s32 $0x88, s3;
	s6 =	simm.s32 @!p1 $0x1082;
	[sflag:s4] =	ssyncset.s32 $0xFFFFF086  }
0x25: {  	[simem:s6], [sflag:s4] =	dma.local [hbm:s3], $0xF7A  }
0x26: {  	[smem:$0x3F9D] =	sst s1;
	(tag) =	ssettag s2;
	_ =	strace s9  }
0x27: {  	s1 =	sld [smem:$0x3FAD]  }
0x28: {  	s2 =	sld [smem:$0x3FAE]  }
0x29: {  	s4 =	sld [smem:$0x3FB0]  }
0x2a: {  	p0 =	seq.s32 s5, $0x0;
	s5 =	sld [smem:$0x3FB1]  }
0x2b: {  	s6 =	sld [smem:$0x3FB2]  }
0x2c: {  	s7 =	sld [smem:$0x3FB3]  }
0x2d: {  	s3 =	simm.s32 $0x108;
	s8 =	sld [smem:$0x3FB4]  }
0x2e: {  	s3 =	simm.s32 @!p0 $0x1082;
	s9 =	sld [smem:$0x3FB5]  }
0x2f: {  	lr =	sadd.s32 s0, s3;
	s0 =	sld [smem:$0x3FAC]  }
0x30: {  	s3 =	sld [smem:$0x3FAF]  }
0x31: {  	[smem:$0x3FB8] =	sst s10  }
0x32: {  	s10 =	sld [smem:$0x3FB6];
	_ =	sdelay $0x3  }
0x33: {  	p0 =	seq.s32 s10, $0x1;
	s10 =	sld [smem:$0x3FB8];
	_ =	sdelay $0x3  }
0x34: {  	[smem:$0x3FB8] =	sst s10  }
0x35: {  	s10 =	sld [smem:$0x3FB7];
	_ =	sdelay $0x3  }
0x36: {  	p1 =	seq.s32 s10, $0x1;
	s10 =	sld [smem:$0x3FB8];
	_ =	sdelay $0x3  }
0x37: {  	[smem:$0x3FB8] =	sst s10  }
0x38: {  	s10 =	sld [smem:$0x3FB9]  }
0x39: {  	_ = 	snop;
	(pc) =	sbr.ind lr, $3  }
0x3a: {  	_ = 	snop  }
0x3b: {  	_ = 	snop  }
0x3c: {  	p2 =	seq.s32 s10, $0x1;
	s10 =	sld [smem:$0x3FB8]  }
0x3d: {  	_ =	shalt  }
0x3e: {  	_ =	shalt  }
0x3f: {  	_ =	shalt  }
0x40: {  	_ =	shalt  }
0x41: {  	_ =	shalt  }
0x42: {  	_ =	shalt  }
0x43: {  	_ =	shalt  }
0x44: {  	_ =	shalt  }
0x45: {  	_ =	shalt  }
0x46: {  	_ =	shalt  }
0x47: {  	_ =	shalt  }
0x48: {  	_ =	shalt  }
0x49: {  	_ =	shalt  }
0x4a: {  	_ =	shalt  }
0x4b: {  	_ =	shalt  }
0x4c: {  	_ =	shalt  }
0x4d: {  	_ =	shalt  }
0x4e: {  	_ =	shalt  }
0x4f: {  	_ =	shalt  }
0x50: {  	_ =	shalt  }
0x51: {  	_ =	shalt  }
0x52: {  	_ =	shalt  }
0x53: {  	_ =	shalt  }
0x54: {  	_ =	shalt  }
0x55: {  	_ =	shalt  }
0x56: {  	_ =	shalt  }
0x57: {  	_ =	shalt  }
0x58: {  	_ =	shalt  }
0x59: {  	_ =	shalt  }
0x5a: {  	_ =	shalt  }
0x5b: {  	_ =	shalt  }
0x5c: {  	_ =	shalt  }
0x5d: {  	_ =	shalt  }
0x5e: {  	_ =	shalt  }
0x5f: {  	_ =	shalt  }
0x60: {  	_ =	shalt  }
0x61: {  	_ =	shalt  }
0x62: {  	_ =	shalt  }
0x63: {  	_ =	shalt  }
0x64: {  	_ =	shalt  }
0x65: {  	_ =	shalt  }
0x66: {  	_ =	shalt  }
0x67: {  	_ =	shalt  }
0x68: {  	_ =	shalt  }
0x69: {  	_ =	shalt  }
0x6a: {  	_ =	shalt  }
0x6b: {  	_ =	shalt  }
0x6c: {  	_ =	shalt  }
0x6d: {  	_ =	shalt  }
0x6e: {  	_ =	shalt  }
0x6f: {  	_ =	shalt  }
0x70: {  	_ =	shalt  }
0x71: {  	_ =	shalt  }
0x72: {  	_ =	shalt  }
0x73: {  	_ =	shalt  }
0x74: {  	_ =	shalt  }
0x75: {  	_ =	shalt  }
0x76: {  	_ =	shalt  }
0x77: {  	_ =	shalt  }
0x78: {  	_ =	shalt  }
0x79: {  	_ =	shalt  }
0x7a: {  	_ =	shalt  }
0x7b: {  	_ =	shalt  }
0x7c: {  	_ =	shalt  }
0x7d: {  	_ =	shalt  }
0x7e: {  	_ =	shalt  }
0x7f: {  	_ =	shalt  }
0x80: {  	_ =	shalt  }
0x81: {  	_ =	shalt  }
0x82: {  	_ =	shalt  }
0x83: {  	_ =	shalt  }
0x84: {  	_ =	shalt  }
0x85: {  	_ =	shalt  }
0x86: {  	_ =	shalt  }
0x87: {  	_ =	shalt  }
.Lfunc_end0:
.L_simem_size_0:
called_computation.1_lowered:
.L_overlay_start_0:
0x88: {  	s2 =	sld [smem:$0x3FD9]  }
0x89: {  	s3 =	sld [smem:$0x3FFE];
	_ =	sdelay $0x1  }
0x8a: {  	s1 =	srdreg.scid  }
0x8b: {  	s0 =	sand.u32 $0x1, s1  }
0x8c: {  	s14 =	sshll.u32 s0, $0xA;
	s2 =	sadd.s32 s3, s2  }
0x8d: {  	s2 =	sadd.s32 s2, s14  }
0x8e: {  	[smem:$0x3FC4] =	sst s2  }
0x8f: {  	_ = 	snop  }
0x90: {  	s2 =	sld [smem:$0x3FD0];
	_ =	sdelay $0x2  }
0x91: {  	s15 =	simm.s32 $0xA;
	s4 =	simm.s32 $0x10  }
0x92: {  	[smem:s4], [sflag:s15] =	dma.local [hbm:s2], $0x1  }
0x93: {  	_ =	swait.eq [sflag:s15], $0x1  }
0x94: {  	[sflag:s15] =	ssyncset.done $0x0  }
0x95: {  	[sflag:s15] =	ssyncadd.s32 $0xFFFFFFFF  }
0x96: {  	s16 =	sld [smem:$0x11];
	(tm) =	ssettm $0x1  }
0x97: {  	s17 =	sld [smem:$0x3FFB];
	_ =	sdelay $0x3  }
0x98: {  	_ =	strace s17  }
0x99: {  	s3 =	sld [smem:$0x3FFC];
	_ =	sdelay $0x3  }
0x9a: {  	_ =	strace s3  }
0x9b: {  	s3 =	sld [smem:$0x3FFD];
	_ =	sdelay $0x3  }
0x9c: {  	_ =	strace s3  }
0x9d: {  	_ =	strace $0x8FFFFFFF  }
0x9e: {  	s18 =	sld [smem:$0x3FDB];
	_ =	sdelay $0x1  }
0x9f: {  	s19 =	simm.s32 $_scs_section_size  }
0xa0: {  	s5 =	simm.s32 $_size__tile_overlayer_lowered;
	s6 =	simm.s32 $_tile_overlayer_lowered  }
0xa1: {  	s22 =	simm.s32 $0x1BFF;
	s21 =	sshll.u32 s6, $0x1;
	s3 =	sadd.s32 s19, s18  }
0xa2: {  	s7 =	simm.s32 $0x0;
	s20 =	sshll.u32 s5, $0x1;
	s5 =	sadd.s32 s21, s3  }
0xa3: {  	[timem:s7], [sflag:s22] =	dma.local [hbm:s5], s20  }
0xa4: {  	_ =	swait.ge [sflag:s22], s20  }
0xa5: {  	s4 =	ssub.s32 $0x0, s20;
	[sflag:s22] =	ssyncset.done $0x0  }
0xa6: {  	[sflag:s22] =	ssyncadd.s32 s4;
	_ =	sdelay $0x1  }
0xa7: {  	s23 =	simm.s32 $0x1B8B  }
0xa8: {  	_ =	swait.ge [sflag:s23], $0x1  }
0xa9: {  	[sflag:s23] =	ssyncset.done $0x0  }
0xaa: {  	s25 =	simm.s32 $0x1B8E;
	s24 =	sld [smem:$0x3FFE];
	[sflag:s23] =	ssyncadd.s32 $0xFFFFFFFF  }
0xab: {  	s26 =	simm.s32 $execute0_lowered;
	[smem:$0x3FD2] =	sst s25  }
0xac: {  	s5 =	sshll.u32 s26, $0x1;
	_ =	strace $0x80000049;
	[dreg:$0x1] =	wrdreg $0xFFFFFFFF  }
0xad: {  	s28 =	simm.s32 $_size_execute0_lowered;
	s3 =	sadd.s32 s3, s5;
	[dreg:$0x0] =	wrdreg $0x0  }
0xae: {  	s5 =	sshll.u32 s28, $0x1;
	[dreg:$0x2] =	wrdreg s3  }
0xaf: {  	[dreg:$0x3] =	wrdreg s5  }
0xb0: {  	[dreg:$0x4] =	wrdreg $0xC0  }
0xb1: {  	_ =	task [dreg:s7], $0x5FFFF  }
0xb2: {  	[dreg:$0x1] =	wrdreg $0xFFFFFFFF  }
0xb3: {  	[dreg:$0x0] =	wrdreg $0x60  }
0xb4: {  	[dreg:$0x2] =	wrdreg s16  }
0xb5: {  	[dreg:$0x3] =	wrdreg s24  }
0xb6: {  	[dreg:$0x4] =	wrdreg $0xE4200  }
0xb7: {  	[dreg:$0x5] =	wrdreg $0x9  }
0xb8: {  	_ =	task.clear_ibuf [dreg:s7], $0x6FFFF;
	_ =	strace $0x90000049  }
0xb9: {  	s29 =	simm.s32 $0x9;
	_ =	strace $0x8000004B  }
0xba: {  	_ =	swait.ge [sflag:s29], $0x1  }
0xbb: {  	[sflag:s29] =	ssyncadd.s32 $0xFFFFFFFF  }
0xbc: {  	_ =	strace $0x9000004B  }
0xbd: {  	_ =	sfence  }
0xbe: {  	s30 =	sld [smem:$0x0];
	_ =	sdelay $0x2  }
0xbf: {  	s31 =	sshll.u32 s1, $0xD;
	s1 =	sshrl.u32 s1, $0x2  }
0xc0: {  	s3 =	sand.u32 $0x4000, s31;
	s1 =	sadd.s32 s1, s30  }
0xc1: {  	s0 =	sor.u32 s3, s0;
	s1 =	sshll.u32 s1, $0x11  }
0xc2: {  	s0 =	sor.u32 s1, s0  }
0xc3: {  	s0 =	sadd.s32 $0x8F2B, s0  }
0xc4: {  	[sflag:s0] =	ssyncadd.remote.s32 $0x1  }
0xc5: {  	_ =	sfence.sel $0xFFFF  }
0xc6: {  	[dreg:$0x0] =	wrdreg $0xFFFFFFFF;
	(pc) =	sbr.abs _section_cstart, $3  }
0xc7: {  	[dreg:$0x1] =	wrdreg $0xFFFFFFFF  }
0xc8: {  	_ =	task.clear_ibuf [dreg:s7], $0x2FFFF;
	_ =	strace $0x9FFFFFFF  }
0xc9: {  	(tm) =	ssettm $0x7FFFFFFF  }
tec
execute0_lowered:
.L_overlay_start_1:
0x0: {  	(tag) =	ssettag $0x1  }
0x1: {  	s0 =	srdreg.scid  }
0x2: {  	s4 =	sand.u32 $0x1, s0  }
0x3: {  	s3 =	stileid.u32;
	s5 =	rddreg [dreg:$0x0];
	s0 =	sshll.u32 s4, $0x4  }
0x4: {  	p0 =	sne.s32 s3, $0x0;
	s2 =	ssub.s32 $0x2, s4;
	s1 =	sor.u32 s3, s0  }
0x5: {  	s0 =	simm.s32 $0x0;
	s9 =	sshrl.u32 s2, $0x1;
	s6 =	smul.u32 $0x2710, s1  }
0x6: {  	p1 =	seq.s32 s4, $0x1;
	[smem:$0x7FF] =	sst s0;
	s2 =	ssub.s32 s2, s9  }
0x7: {  	s10 =	sadd.s32 $0x4E2C8, s6;
	s7 =	sadd.s32 $0x4E458, s6;
	s8 =	sshrl.u32 s6, $0x3  }
0x8: {  	s12 =	sadd.s32 $0x4E5E8, s6;
	s13 =	sadd.s32 $0x4E778, s6;
	s14 =	sadd.s32 $0x4E908, s6  }
0x9: {  	s17 =	sadd.s32 $0x4EA98, s6;
	s18 =	sadd.s32 $0x4EC28, s6;
	s19 =	sadd.s32 $0x4EDB8, s6  }
0xa: {  	s22 =	sadd.s32 $0x4EF48, s6;
	s23 =	sadd.s32 $0x4F0D8, s6;
	s24 =	sadd.s32 $0x4F268, s6  }
0xb: {  	s9 =	sshrl.u32 s10, $0x3;
	s7 =	sshrl.u32 s7, $0x3;
	s1 =	sadd.s32 s5, s8  }
0xc: {  	s8 =	sshrl.u32 s13, $0x3;
	s10 =	sadd.s32 $0x4F718, s6;
	s13 =	sadd.s32 $0x4F8A8, s6  }
0xd: {  	s11 =	sadd.s32 s5, s9;
	s7 =	sadd.s32 s5, s7;
	s9 =	sshrl.u32 s14, $0x3  }
0xe: {  	s15 =	sadd.s32 s5, s8;
	s8 =	sshrl.u32 s18, $0x3;
	[dreg:$0x4] =	wrdreg s11  }
0xf: {  	s14 =	sadd.s32 $0x4FA38, s6;
	s18 =	sadd.s32 $0x4FD58, s6;
	[dreg:$0x5] =	wrdreg s7  }
0x10: {  	s7 =	sshrl.u32 s12, $0x3;
	[dreg:$0x7] =	wrdreg s15;
	s16 =	sadd.s32 s5, s9  }
0x11: {  	s9 =	sshrl.u32 s19, $0x3;
	s20 =	sadd.s32 s5, s8;
	s8 =	sshrl.u32 s23, $0x3  }
0x12: {  	s15 =	sadd.s32 $0x4FBC8, s6;
	s19 =	sadd.s32 $0x4FEE8, s6;
	[dreg:$0x8] =	wrdreg s16  }
0x13: {  	s23 =	sadd.s32 $0x50208, s6;
	s7 =	sadd.s32 s5, s7;
	[dreg:$0xa] =	wrdreg s20  }
0x14: {  	s21 =	sadd.s32 s5, s9;
	s9 =	sshrl.u32 s24, $0x3;
	s25 =	sadd.s32 s5, s8  }
0x15: {  	s8 =	sadd.s32 $0x4F3F8, s6;
	s20 =	sadd.s32 $0x50078, s6;
	[dreg:$0x6] =	wrdreg s7  }
0x16: {  	s24 =	sadd.s32 $0x50398, s6;
	s7 =	sshrl.u32 s17, $0x3;
	[dreg:$0xb] =	wrdreg s21  }
0x17: {  	[dreg:$0xd] =	wrdreg s25;
	s26 =	sadd.s32 s5, s9;
	s7 =	sadd.s32 s5, s7  }
0x18: {  	s9 =	sadd.s32 $0x4F588, s6;
	[dreg:$0x9] =	wrdreg s7;
	s7 =	sshrl.u32 s22, $0x3  }
0x19: {  	s25 =	sadd.s32 $0x50528, s6;
	[dreg:$0xe] =	wrdreg s26;
	s7 =	sadd.s32 s5, s7  }
0x1a: {  	[dreg:$0xc] =	wrdreg s7;
	s7 =	sshrl.u32 s8, $0x3;
	s8 =	sshrl.u32 s9, $0x3  }
0x1b: {  	s9 =	sshrl.u32 s10, $0x3;
	s10 =	rddreg [dreg:$0x1];
	s7 =	sadd.s32 s5, s7  }
0x1c: {  	s11 =	sadd.s32 s5, s8;
	s12 =	sadd.s32 s5, s9;
	[dreg:$0xf] =	wrdreg s7  }
0x1d: {  	s8 =	sshrl.u32 s14, $0x3;
	s9 =	sshrl.u32 s15, $0x3;
	[dreg:$0x10] =	wrdreg s11  }
0x1e: {  	[dreg:$0x11] =	wrdreg s12;
	s7 =	sshrl.u32 s13, $0x3;
	s16 =	sadd.s32 s5, s8  }
0x1f: {  	s17 =	sadd.s32 s5, s9;
	s8 =	sshrl.u32 s19, $0x3;
	[dreg:$0x13] =	wrdreg s16  }
0x20: {  	s9 =	sshrl.u32 s20, $0x3;
	s7 =	sadd.s32 s5, s7;
	[dreg:$0x14] =	wrdreg s17  }
0x21: {  	s11 =	smul.u32 $0x9C00, s3;
	s21 =	sadd.s32 s5, s8;
	[dreg:$0x12] =	wrdreg s7  }
0x22: {  	s22 =	sadd.s32 s5, s9;
	s8 =	sshrl.u32 s24, $0x3;
	[dreg:$0x16] =	wrdreg s21  }
0x23: {  	s7 =	sshrl.u32 s18, $0x3;
	[dreg:$0x17] =	wrdreg s22;
	s26 =	sadd.s32 s5, s8  }
0x24: {  	s9 =	sshrl.u32 s25, $0x3;
	s7 =	sadd.s32 s5, s7;
	[dreg:$0x19] =	wrdreg s26  }
0x25: {  	s8 =	sadd.s32 s5, s9;
	[dreg:$0x15] =	wrdreg s7;
	s7 =	sshrl.u32 s23, $0x3  }
0x26: {  	s9 =	sadd.s32 $0x506B8, s6;
	[dreg:$0x1a] =	wrdreg s8;
	s7 =	sadd.s32 s5, s7  }
0x27: {  	s6 =	sadd.s32 $0x50848, s6;
	[dreg:$0x18] =	wrdreg s7;
	s7 =	sshrl.u32 s9, $0x3  }
0x28: {  	s6 =	sshrl.u32 s6, $0x3;
	s26 =	rddreg [dreg:$0x2];
	s7 =	sadd.s32 s5, s7  }
0x29: {  	s15 =	sadd.s32 $0x15400, s10;
	s5 =	sadd.s32 s5, s6;
	[dreg:$0x1b] =	wrdreg s7  }
0x2a: {  	s25 =	sadd.s32 $0x1C00, s10;
	s12 =	sadd.s32 s11, s26;
	[dreg:$0x1c] =	wrdreg s5  }
0x2b: {  	s4 =	sshrl.u32 s11, $0x3;
	_ =	strace $0x8000004A;
	[dreg:$0x1d] =	wrdreg s12  }
0x2c: {  	p2 =	seq.s32 s3, $0x0;
	s16 =	sadd.s32 s25, s4;
	[smem:$0x7DF] =	sst s15  }
0x2d: {  	s3 =	sshll.u32 s3, $0x6;
	s13 =	sadd.s32 $0x29000, s10;
	[smem:$0x7E0] =	sst s16  }
0x2e: {  	s20 =	sor.u32 $0x1C08, s3;
	s3 =	sadd.s32 s13, s4;
	[dreg:$0x1e] =	wrdreg s13  }
0x2f: {  	s14 =	sadd.s32 $0x15600, s10;
	[smem:$0x7E1] =	sst s3  }
0x30: {  	s17 =	sadd.s32 s14, s4;
	[dreg:$0x1f] =	wrdreg s14  }
0x31: {  	s18 =	sadd.s32 $0x9C40, s1;
	[smem:$0x7E2] =	sst s17  }
0x32: {  	s19 =	sadd.s32 $0x9C72, s1;
	[smem:$0x7E3] =	sst s18  }
0x33: {  	s21 =	sadd.s32 $0x9CA4, s1;
	[smem:$0x7E4] =	sst s19  }
0x34: {  	s22 =	sadd.s32 $0x9CD6, s1;
	[smem:$0x7E5] =	sst s21  }
0x35: {  	s23 =	sadd.s32 $0x9D08, s1;
	[smem:$0x7E6] =	sst s22  }
0x36: {  	s24 =	sadd.s32 $0x9D3A, s1;
	[smem:$0x7E7] =	sst s23  }
0x37: {  	s5 =	sadd.s32 $0x9D9E, s1;
	[smem:$0x7E8] =	sst s24  }
0x38: {  	s6 =	sadd.s32 $0x9DD0, s1;
	[smem:$0x7EA] =	sst s5  }
0x39: {  	s7 =	sadd.s32 $0x9E02, s1;
	[smem:$0x7EB] =	sst s6  }
0x3a: {  	s8 =	sadd.s32 $0x9E34, s1;
	[smem:$0x7EC] =	sst s7  }
0x3b: {  	s9 =	sadd.s32 $0x9E66, s1;
	[smem:$0x7ED] =	sst s8  }
0x3c: {  	s10 =	sadd.s32 $0x9E98, s1;
	[smem:$0x7EE] =	sst s9  }
0x3d: {  	s11 =	sadd.s32 $0x9ECA, s1;
	[smem:$0x7EF] =	sst s10  }
0x3e: {  	[smem:$0x7F0] =	sst s11  }
0x3f: {  	s3 =	sadd.s32 $0x9D6C, s1;
	[smem:$0x7FB] =	sst s1  }
0x40: {  	s31 =	simm.s32 $0x8;
	s12 =	sadd.s32 $0x9EFC, s1;
	[smem:$0x7E9] =	sst s3  }
0x41: {  	s29 =	simm.s32 $0x1;
	s13 =	sadd.s32 $0x9F2E, s1;
	[smem:$0x7F1] =	sst s12  }
0x42: {  	s30 =	simm.s32 $0x4E20;
	s14 =	sadd.s32 $0x9F60, s1;
	[smem:$0x7F2] =	sst s13  }
0x43: {  	s28 =	simm.s32 $0x2D50;
	s15 =	sadd.s32 $0x9F92, s1;
	[smem:$0x7F3] =	sst s14  }
0x44: {  	s4 =	smax.u32 s2, $0x1;
	s16 =	sadd.s32 $0x9FC4, s1;
	[smem:$0x7F4] =	sst s15  }
0x45: {  	s2 =	simm.s32 $0xB220;
	s17 =	sadd.s32 $0x9FF6, s1;
	[smem:$0x7F5] =	sst s16  }
0x46: {  	s18 =	sadd.s32 $0xA028, s1;
	s19 =	sadd.s32 $0xA05A, s1;
	[smem:$0x7F6] =	sst s17  }
0x47: {  	s21 =	sadd.s32 $0xA08C, s1;
	s22 =	sadd.s32 $0xA0BE, s1;
	[smem:$0x7F7] =	sst s18  }
0x48: {  	s23 =	sadd.s32 $0xA0F0, s1;
	s24 =	sadd.s32 $0x9C000, s26;
	[smem:$0x7F8] =	sst s19  }
0x49: {  	s6 =	simm.s32 $0x7;
	s8 =	simm.s32 $0x2710;
	[smem:$0x7F9] =	sst s21  }
0x4a: {  	s9 =	simm.s32 $0x2968;
	s10 =	simm.s32 $0x2AF8;
	[smem:$0x7FA] =	sst s22  }
.Ltmp0:
0x4b: {  	s11 =	simm.s32 $0x2C88;
	[smem:$0x7FC] =	sst s23;
	(pc) =	sbr.rel .LBB2_1-.Ltmp0, $4  }
0x4c: {  	[smem:$0x7FD] =	sst s24;
	s13 =	simm.s32 $0xC8;
	s14 =	simm.s32 $0x8020  }
0x4d: {  	s15 =	simm.s32 $0x2;
	s3 =	simm.s32 $0x5;
	s16 =	simm.s32 $0x3  }
0x4e: {  	s17 =	simm.s32 $0x6;
	s18 =	simm.s32 $0x4;
	s21 =	simm.s32 $0x27D8  }
0x4f: {  	s22 =	simm.s32 $0x28A0;
	s23 =	simm.s32 $0x2A30;
	s24 =	simm.s32 $0x2BC0  }
.LBB2_4:
0x50: {  	s5 =	sld [smem:$0x7FD];
	_ =	sdelay $0x2  }
0x51: {  	s7 =	sadd.s32 $0x13800, s19;
	s12 =	sshrl.u32 s5, $0x3  }
0x52: {  	[hbm:s7], [sflag:s20] =	dma.local [spmem:s12], $0x80  }
0x53: {  	_ =	swait.ge [sflag:s31], $0x80  }
0x54: {  	[sflag:s31] =	ssyncset.done $0x0  }
0x55: {  	[sflag:s31] =	ssyncadd.s32 $0xFFFFFF80  }
.LBB2_5:
0x56: {  	s4 =	sadd.s32 $0xFFFFFFFF, s4  }
0x57: {  	p3 =	sne.s32 s4, $0x0  }
.Ltmp1:
0x58: {  	_ = 	snop;
	(pc) =	sbr.rel @!p3 .LBB2_6-.Ltmp1, $1  }
0x59: {  	_ =	sdelay $0x3  }
.LBB2_1:
0x5a: {  	s1 =	sld [smem:$0x7FB];
	_ =	sdelay $0x1  }
0x5b: {  	s7 =	sld [smem:$0x7E3]  }
0x5c: {  	[tilespmem:s0], [sflag:$0x1] =	stream.linear.gather [hbm4b:s1+s0], $0x2710, $0x38;
	[tilespmem:$0x18060] =	vst v63  }
0x5d: {  	s5 =	rddreg [dreg:$0x4]  }
0x5e: {  	[tilespmem:s8], [sflag:$0x1] =	stream.linear.gather [hbm4b:s7+s0], $0xC8, $0x38;
	[tilespmem:$0x18060] =	vst v63  }
0x5f: {  	s12 =	sld [smem:$0x7E4]  }
0x60: {  	[tilespmem:s21], [sflag:$0x1] =	stream.linear.gather [hbm4b:s5+s0], $0xC8, $0x38;
	[tilespmem:$0x18060] =	vst v63  }
0x61: {  	s19 =	rddreg [dreg:$0x5]  }
0x62: {  	[tilespmem:s22], [sflag:$0x1] =	stream.linear.gather [hbm4b:s12+s0], $0xC8, $0x38;
	[tilespmem:$0x18060] =	vst v63  }
0x63: {  	s1 =	sld [smem:$0x7E5]  }
0x64: {  	[tilespmem:s9], [sflag:$0x1] =	stream.linear.gather [hbm4b:s19+s0], $0xC8, $0x38;
	[tilespmem:$0x18060] =	vst v63  }
0x65: {  	_ = 	snop  }
0x66: {  	[tilespmem:s23], [sflag:$0x1] =	stream.linear.gather [hbm4b:s1+s0], $0xC8, $0x38;
	[tilespmem:$0x18060] =	vst v63  }
0x67: {  	s7 =	rddreg [dreg:$0x6]  }
0x68: {  	s5 =	sld [smem:$0x7E6]  }
0x69: {  	[tilespmem:s10], [sflag:$0x1] =	stream.linear.gather [hbm4b:s7+s0], $0xC8, $0x38;
	[tilespmem:$0x18060] =	vst v63  }
0x6a: {  	s12 =	rddreg [dreg:$0x7]  }
0x6b: {  	[tilespmem:s24], [sflag:$0x1] =	stream.linear.gather [hbm4b:s5+s0], $0xC8, $0x38;
	[tilespmem:$0x18060] =	vst v63  }
0x6c: {  	s19 =	sld [smem:$0x7E7]  }
0x6d: {  	[tilespmem:s11], [sflag:$0x1] =	stream.linear.gather [hbm4b:s12+s0], $0xC8, $0x38;
	[tilespmem:$0x18060] =	vst v63  }
0x6e: {  	s1 =	rddreg [dreg:$0x8]  }
0x6f: {  	[tilespmem:s28], [sflag:$0x1] =	stream.linear.gather [hbm4b:s19+s0], $0xC8, $0x38;
	[tilespmem:$0x18060] =	vst v63  }
0x70: {  	s5 =	simm.s32 $0x2E18;
	s12 =	sld [smem:$0x7E8]  }
0x71: {  	[tilespmem:s5], [sflag:$0x1] =	stream.linear.gather [hbm4b:s1+s0], $0xC8, $0x38;
	[tilespmem:$0x18060] =	vst v63  }
0x72: {  	s1 =	simm.s32 $0x2EE0  }
0x73: {  	[tilespmem:s1], [sflag:$0x1] =	stream.linear.gather [hbm4b:s12+s0], $0xC8, $0x38;
	[tilespmem:$0x18060] =	vst v63  }
0x74: {  	s19 =	rddreg [dreg:$0x9];
	s12 =	simm.s32 $0x2FA8  }
0x75: {  	[tilespmem:s12], [sflag:$0x1] =	stream.linear.gather [hbm4b:s19+s0], $0xC8, $0x38;
	[tilespmem:$0x18060] =	vst v63  }
0x76: {  	s12 =	sld [smem:$0x7E9];
	_ =	sdelay $0x1  }
0x77: {  	s19 =	simm.s32 $0x3070  }
0x78: {  	[tilespmem:s19], [sflag:$0x1] =	stream.linear.gather [hbm4b:s12+s0], $0xC8, $0x38;
	[tilespmem:$0x18060] =	vst v63  }
0x79: {  	s12 =	rddreg [dreg:$0xa];
	s19 =	simm.s32 $0x3138  }
0x7a: {  	[tilespmem:s19], [sflag:$0x1] =	stream.linear.gather [hbm4b:s12+s0], $0xC8, $0x38;
	[tilespmem:$0x18060] =	vst v63  }
0x7b: {  	s12 =	sld [smem:$0x7EA];
	_ =	sdelay $0x1  }
0x7c: {  	s19 =	simm.s32 $0x3200  }
0x7d: {  	[tilespmem:s19], [sflag:$0x1] =	stream.linear.gather [hbm4b:s12+s0], $0xC8, $0x38;
	[tilespmem:$0x18060] =	vst v63  }
0x7e: {  	s12 =	rddreg [dreg:$0xb];
	s19 =	simm.s32 $0x32C8  }
0x7f: {  	[tilespmem:s19], [sflag:$0x1] =	stream.linear.gather [hbm4b:s12+s0], $0xC8, $0x38;
	[tilespmem:$0x18060] =	vst v63  }
0x80: {  	s12 =	sld [smem:$0x7EB];
	_ =	sdelay $0x1  }
0x81: {  	s19 =	simm.s32 $0x3390  }
0x82: {  	[tilespmem:s19], [sflag:$0x1] =	stream.linear.gather [hbm4b:s12+s0], $0xC8, $0x38;
	[tilespmem:$0x18060] =	vst v63  }
0x83: {  	s12 =	rddreg [dreg:$0xc];
	s19 =	simm.s32 $0x3458  }
0x84: {  	[tilespmem:s19], [sflag:$0x1] =	stream.linear.gather [hbm4b:s12+s0], $0xC8, $0x38;
	[tilespmem:$0x18060] =	vst v63  }
0x85: {  	s12 =	sld [smem:$0x7EC];
	_ =	sdelay $0x1  }
0x86: {  	s19 =	simm.s32 $0x3520  }
0x87: {  	[tilespmem:s19], [sflag:$0x1] =	stream.linear.gather [hbm4b:s12+s0], $0xC8, $0x38;
	[tilespmem:$0x18060] =	vst v63  }
0x88: {  	s12 =	rddreg [dreg:$0xd];
	s19 =	simm.s32 $0x35E8  }
0x89: {  	[tilespmem:s19], [sflag:$0x1] =	stream.linear.gather [hbm4b:s12+s0], $0xC8, $0x38;
	[tilespmem:$0x18060] =	vst v63  }
0x8a: {  	s12 =	sld [smem:$0x7ED];
	_ =	sdelay $0x1  }
0x8b: {  	s19 =	simm.s32 $0x36B0  }
0x8c: {  	[tilespmem:s19], [sflag:$0x1] =	stream.linear.gather [hbm4b:s12+s0], $0xC8, $0x38;
	[tilespmem:$0x18060] =	vst v63  }
0x8d: {  	s12 =	rddreg [dreg:$0xe];
	s19 =	simm.s32 $0x3778  }
0x8e: {  	[tilespmem:s19], [sflag:$0x1] =	stream.linear.gather [hbm4b:s12+s0], $0xC8, $0x38;
	[tilespmem:$0x18060] =	vst v63  }
0x8f: {  	s12 =	sld [smem:$0x7EE];
	_ =	sdelay $0x1  }
0x90: {  	s19 =	simm.s32 $0x3840  }
0x91: {  	[tilespmem:s19], [sflag:$0x1] =	stream.linear.gather [hbm4b:s12+s0], $0xC8, $0x38;
	[tilespmem:$0x18060] =	vst v63  }
0x92: {  	s12 =	rddreg [dreg:$0xf];
	s19 =	simm.s32 $0x3908  }
0x93: {  	[tilespmem:s19], [sflag:$0x1] =	stream.linear.gather [hbm4b:s12+s0], $0xC8, $0x38;
	[tilespmem:$0x18060] =	vst v63  }
0x94: {  	s12 =	sld [smem:$0x7EF];
	_ =	sdelay $0x1  }
0x95: {  	s19 =	simm.s32 $0x39D0  }
0x96: {  	[tilespmem:s19], [sflag:$0x1] =	stream.linear.gather [hbm4b:s12+s0], $0xC8, $0x38;
	[tilespmem:$0x18060] =	vst v63  }
0x97: {  	s12 =	rddreg [dreg:$0x10];
	s19 =	simm.s32 $0x3A98  }
0x98: {  	[tilespmem:s19], [sflag:$0x1] =	stream.linear.gather [hbm4b:s12+s0], $0xC8, $0x38;
	[tilespmem:$0x18060] =	vst v63  }
0x99: {  	s12 =	sld [smem:$0x7F0];
	_ =	sdelay $0x1  }
0x9a: {  	s19 =	simm.s32 $0x3B60  }
0x9b: {  	[tilespmem:s19], [sflag:$0x1] =	stream.linear.gather [hbm4b:s12+s0], $0xC8, $0x38;
	[tilespmem:$0x18060] =	vst v63  }
0x9c: {  	s12 =	rddreg [dreg:$0x11];
	s19 =	simm.s32 $0x3C28  }
0x9d: {  	[tilespmem:s19], [sflag:$0x1] =	stream.linear.gather [hbm4b:s12+s0], $0xC8, $0x38;
	[tilespmem:$0x18060] =	vst v63  }
0x9e: {  	s12 =	sld [smem:$0x7F1];
	_ =	sdelay $0x1  }
0x9f: {  	s19 =	simm.s32 $0x3CF0  }
0xa0: {  	[tilespmem:s19], [sflag:$0x1] =	stream.linear.gather [hbm4b:s12+s0], $0xC8, $0x38;
	[tilespmem:$0x18060] =	vst v63  }
0xa1: {  	s12 =	rddreg [dreg:$0x12];
	s19 =	simm.s32 $0x3DB8  }
0xa2: {  	[tilespmem:s19], [sflag:$0x1] =	stream.linear.gather [hbm4b:s12+s0], $0xC8, $0x38;
	[tilespmem:$0x18060] =	vst v63  }
0xa3: {  	s12 =	sld [smem:$0x7F2];
	_ =	sdelay $0x1  }
0xa4: {  	s19 =	simm.s32 $0x3E80  }
0xa5: {  	[tilespmem:s19], [sflag:$0x1] =	stream.linear.gather [hbm4b:s12+s0], $0xC8, $0x38;
	[tilespmem:$0x18060] =	vst v63  }
0xa6: {  	s12 =	rddreg [dreg:$0x13];
	s19 =	simm.s32 $0x3F48  }
0xa7: {  	[tilespmem:s19], [sflag:$0x1] =	stream.linear.gather [hbm4b:s12+s0], $0xC8, $0x38;
	[tilespmem:$0x18060] =	vst v63  }
0xa8: {  	s12 =	sld [smem:$0x7F3];
	_ =	sdelay $0x1  }
0xa9: {  	s19 =	simm.s32 $0x4010  }
0xaa: {  	[tilespmem:s19], [sflag:$0x1] =	stream.linear.gather [hbm4b:s12+s0], $0xC8, $0x38;
	[tilespmem:$0x18060] =	vst v63  }
0xab: {  	s12 =	rddreg [dreg:$0x14];
	s19 =	simm.s32 $0x40D8  }
0xac: {  	[tilespmem:s19], [sflag:$0x1] =	stream.linear.gather [hbm4b:s12+s0], $0xC8, $0x38;
	[tilespmem:$0x18060] =	vst v63  }
0xad: {  	s12 =	sld [smem:$0x7F4];
	_ =	sdelay $0x1  }
0xae: {  	s19 =	simm.s32 $0x41A0  }
0xaf: {  	[tilespmem:s19], [sflag:$0x1] =	stream.linear.gather [hbm4b:s12+s0], $0xC8, $0x38;
	[tilespmem:$0x18060] =	vst v63  }
0xb0: {  	s12 =	rddreg [dreg:$0x15];
	s19 =	simm.s32 $0x4268  }
0xb1: {  	[tilespmem:s19], [sflag:$0x1] =	stream.linear.gather [hbm4b:s12+s0], $0xC8, $0x38;
	[tilespmem:$0x18060] =	vst v63  }
0xb2: {  	s12 =	sld [smem:$0x7F5];
	_ =	sdelay $0x1  }
0xb3: {  	s19 =	simm.s32 $0x4330  }
0xb4: {  	[tilespmem:s19], [sflag:$0x1] =	stream.linear.gather [hbm4b:s12+s0], $0xC8, $0x38;
	[tilespmem:$0x18060] =	vst v63  }
0xb5: {  	s12 =	rddreg [dreg:$0x16];
	s19 =	simm.s32 $0x43F8  }
0xb6: {  	[tilespmem:s19], [sflag:$0x1] =	stream.linear.gather [hbm4b:s12+s0], $0xC8, $0x38;
	[tilespmem:$0x18060] =	vst v63  }
0xb7: {  	s12 =	sld [smem:$0x7F6];
	_ =	sdelay $0x1  }
0xb8: {  	s19 =	simm.s32 $0x44C0  }
0xb9: {  	[tilespmem:s19], [sflag:$0x1] =	stream.linear.gather [hbm4b:s12+s0], $0xC8, $0x38;
	[tilespmem:$0x18060] =	vst v63  }
0xba: {  	s12 =	rddreg [dreg:$0x17];
	s19 =	simm.s32 $0x4588  }
0xbb: {  	[tilespmem:s19], [sflag:$0x1] =	stream.linear.gather [hbm4b:s12+s0], $0xC8, $0x38;
	[tilespmem:$0x18060] =	vst v63  }
0xbc: {  	s12 =	sld [smem:$0x7F7];
	_ =	sdelay $0x1  }
0xbd: {  	s19 =	simm.s32 $0x4650  }
0xbe: {  	[tilespmem:s19], [sflag:$0x1] =	stream.linear.gather [hbm4b:s12+s0], $0xC8, $0x38;
	[tilespmem:$0x18060] =	vst v63  }
0xbf: {  	s12 =	rddreg [dreg:$0x18];
	s19 =	simm.s32 $0x4718  }
0xc0: {  	[tilespmem:s19], [sflag:$0x1] =	stream.linear.gather [hbm4b:s12+s0], $0xC8, $0x38;
	[tilespmem:$0x18060] =	vst v63  }
0xc1: {  	s12 =	sld [smem:$0x7F8];
	_ =	sdelay $0x1  }
0xc2: {  	s19 =	simm.s32 $0x47E0  }
0xc3: {  	[tilespmem:s19], [sflag:$0x1] =	stream.linear.gather [hbm4b:s12+s0], $0xC8, $0x38;
	[tilespmem:$0x18060] =	vst v63  }
0xc4: {  	s12 =	rddreg [dreg:$0x19];
	s19 =	simm.s32 $0x48A8  }
0xc5: {  	[tilespmem:s19], [sflag:$0x1] =	stream.linear.gather [hbm4b:s12+s0], $0xC8, $0x38;
	[tilespmem:$0x18060] =	vst v63  }
0xc6: {  	s12 =	sld [smem:$0x7F9];
	_ =	sdelay $0x1  }
0xc7: {  	s19 =	simm.s32 $0x4970  }
0xc8: {  	[tilespmem:s19], [sflag:$0x1] =	stream.linear.gather [hbm4b:s12+s0], $0xC8, $0x38;
	[tilespmem:$0x18060] =	vst v63  }
0xc9: {  	s12 =	rddreg [dreg:$0x1a];
	s19 =	simm.s32 $0x4A38  }
0xca: {  	[tilespmem:s19], [sflag:$0x1] =	stream.linear.gather [hbm4b:s12+s0], $0xC8, $0x38;
	[tilespmem:$0x18060] =	vst v63  }
0xcb: {  	s12 =	sld [smem:$0x7FA];
	_ =	sdelay $0x1  }
0xcc: {  	s19 =	simm.s32 $0x4B00  }
0xcd: {  	[tilespmem:s19], [sflag:$0x1] =	stream.linear.gather [hbm4b:s12+s0], $0xC8, $0x38;
	[tilespmem:$0x18060] =	vst v63  }
0xce: {  	s12 =	rddreg [dreg:$0x1b];
	s19 =	simm.s32 $0x4BC8  }
0xcf: {  	[tilespmem:s19], [sflag:$0x1] =	stream.linear.gather [hbm4b:s12+s0], $0xC8, $0x38;
	[tilespmem:$0x18060] =	vst v63  }
0xd0: {  	s12 =	sld [smem:$0x7FC];
	_ =	sdelay $0x1  }
0xd1: {  	s19 =	simm.s32 $0x4C90  }
0xd2: {  	[tilespmem:s19], [sflag:$0x1] =	stream.linear.gather [hbm4b:s12+s0], $0xC8, $0x38;
	[tilespmem:$0x18060] =	vst v63  }
0xd3: {  	s12 =	rddreg [dreg:$0x1c];
	s19 =	simm.s32 $0x4D58  }
0xd4: {  	[tilespmem:s19], [sflag:$0x1] =	stream.linear.gather [hbm4b:s12+s0], $0xC8, $0x38;
	[tilespmem:$0x18060] =	vst v63  }
0xd5: {  	s12 =	sld [smem:$0x7E0]  }
0xd6: {  	s19 =	rddreg [dreg:$0x1d]  }
0xd7: {  	s19 =	sshrl.u32 s19, $0x3  }
0xd8: {  	[spmem:s19], [sflag:s20] =	dma.local [hbm:s12], $0x1380  }
0xd9: {  	_ =	swait.ge [sflag:s31], $0x1380  }
0xda: {  	s7 =	sld [smem:$0x7FD]  }
0xdb: {  	s12 =	smov.u32 s20;
	s20 =	sld [smem:$0x7DF]  }
0xdc: {  	[sflag:s31] =	ssyncset.done $0x0  }
0xdd: {  	[sflag:s31] =	ssyncadd.s32 $0xFFFFEC80;
	s7 =	sshrl.u32 @!p0 s7, $0x3  }
0xde: {  	[spmem:s7], [sflag:s12] =	dma.local @!p0 [hbm:s20], $0x80  }
0xdf: {  	s7 =	simm.s32 @!p0 $0x8  }
0xe0: {  	_ =	swait.ge @!p0 [sflag:s7], $0x80  }
0xe1: {  	[sflag:s7] =	ssyncset.done @!p0 $0x0  }
0xe2: {  	[sflag:s7] =	ssyncadd.s32 @!p0 $0xFFFFFF80  }
0xe3: {  	_ =	swait.ge [sflag:s29], $0x2710  }
0xe4: {  	[sflag:s29] =	ssyncset.done $0x0  }
0xe5: {  	[sflag:s29] =	ssyncadd.s32 $0xFFFFD8F0  }
0xe6: {  	_ =	swait.ge [sflag:s29], $0xC8  }
0xe7: {  	[sflag:s29] =	ssyncset.done $0x0  }
0xe8: {  	[sflag:s29] =	ssyncadd.s32 $0xFFFFFF38  }
0xe9: {  	_ =	swait.ge [sflag:s29], $0xC8  }
0xea: {  	[sflag:s29] =	ssyncset.done $0x0  }
0xeb: {  	[sflag:s29] =	ssyncadd.s32 $0xFFFFFF38  }
0xec: {  	_ =	swait.ge [sflag:s29], $0xC8  }
0xed: {  	[sflag:s29] =	ssyncset.done $0x0  }
0xee: {  	[sflag:s29] =	ssyncadd.s32 $0xFFFFFF38  }
0xef: {  	_ =	swait.ge [sflag:s29], $0xC8  }
0xf0: {  	[sflag:s29] =	ssyncset.done $0x0  }
0xf1: {  	[sflag:s29] =	ssyncadd.s32 $0xFFFFFF38  }
0xf2: {  	_ =	swait.ge [sflag:s29], $0xC8  }
0xf3: {  	[sflag:s29] =	ssyncset.done $0x0  }
0xf4: {  	[sflag:s29] =	ssyncadd.s32 $0xFFFFFF38  }
0xf5: {  	_ =	swait.ge [sflag:s29], $0xC8  }
0xf6: {  	[sflag:s29] =	ssyncset.done $0x0  }
0xf7: {  	[sflag:s29] =	ssyncadd.s32 $0xFFFFFF38  }
0xf8: {  	_ =	swait.ge [sflag:s29], $0xC8  }
0xf9: {  	[sflag:s29] =	ssyncset.done $0x0  }
0xfa: {  	[sflag:s29] =	ssyncadd.s32 $0xFFFFFF38  }
0xfb: {  	_ =	swait.ge [sflag:s29], $0xC8  }
0xfc: {  	[sflag:s29] =	ssyncset.done $0x0  }
0xfd: {  	[sflag:s29] =	ssyncadd.s32 $0xFFFFFF38  }
0xfe: {  	_ =	swait.ge [sflag:s29], $0xC8  }
0xff: {  	[sflag:s29] =	ssyncset.done $0x0  }
0x100: {  	[sflag:s29] =	ssyncadd.s32 $0xFFFFFF38  }
0x101: {  	_ =	swait.ge [sflag:s29], $0xC8  }
0x102: {  	[sflag:s29] =	ssyncset.done $0x0  }
0x103: {  	[sflag:s29] =	ssyncadd.s32 $0xFFFFFF38  }
0x104: {  	_ =	swait.ge [sflag:s29], $0xC8  }
0x105: {  	[sflag:s29] =	ssyncset.done $0x0  }
0x106: {  	[sflag:s29] =	ssyncadd.s32 $0xFFFFFF38  }
0x107: {  	_ =	swait.ge [sflag:s29], $0xC8  }
0x108: {  	[sflag:s29] =	ssyncset.done $0x0  }
0x109: {  	[sflag:s29] =	ssyncadd.s32 $0xFFFFFF38  }
0x10a: {  	_ =	swait.ge [sflag:s29], $0xC8  }
0x10b: {  	[sflag:s29] =	ssyncset.done $0x0  }
0x10c: {  	[sflag:s29] =	ssyncadd.s32 $0xFFFFFF38  }
0x10d: {  	_ =	swait.ge [sflag:s29], $0xC8  }
0x10e: {  	[sflag:s29] =	ssyncset.done $0x0  }
0x10f: {  	[sflag:s29] =	ssyncadd.s32 $0xFFFFFF38  }
0x110: {  	_ =	swait.ge [sflag:s29], $0xC8  }
0x111: {  	[sflag:s29] =	ssyncset.done $0x0  }
0x112: {  	[sflag:s29] =	ssyncadd.s32 $0xFFFFFF38  }
0x113: {  	_ =	swait.ge [sflag:s29], $0xC8  }
0x114: {  	[sflag:s29] =	ssyncset.done $0x0  }
0x115: {  	[sflag:s29] =	ssyncadd.s32 $0xFFFFFF38  }
0x116: {  	_ =	swait.ge [sflag:s29], $0xC8  }
0x117: {  	[sflag:s29] =	ssyncset.done $0x0  }
0x118: {  	[sflag:s29] =	ssyncadd.s32 $0xFFFFFF38  }
0x119: {  	_ =	swait.ge [sflag:s29], $0xC8  }
0x11a: {  	[sflag:s29] =	ssyncset.done $0x0  }
0x11b: {  	[sflag:s29] =	ssyncadd.s32 $0xFFFFFF38  }
0x11c: {  	_ =	swait.ge [sflag:s29], $0xC8  }
0x11d: {  	[sflag:s29] =	ssyncset.done $0x0  }
0x11e: {  	[sflag:s29] =	ssyncadd.s32 $0xFFFFFF38  }
0x11f: {  	_ =	swait.ge [sflag:s29], $0xC8  }
0x120: {  	[sflag:s29] =	ssyncset.done $0x0  }
0x121: {  	[sflag:s29] =	ssyncadd.s32 $0xFFFFFF38  }
0x122: {  	_ =	swait.ge [sflag:s29], $0xC8  }
0x123: {  	[sflag:s29] =	ssyncset.done $0x0  }
0x124: {  	[sflag:s29] =	ssyncadd.s32 $0xFFFFFF38  }
0x125: {  	_ =	swait.ge [sflag:s29], $0xC8  }
0x126: {  	[sflag:s29] =	ssyncset.done $0x0  }
0x127: {  	[sflag:s29] =	ssyncadd.s32 $0xFFFFFF38  }
0x128: {  	_ =	swait.ge [sflag:s29], $0xC8  }
0x129: {  	[sflag:s29] =	ssyncset.done $0x0  }
0x12a: {  	[sflag:s29] =	ssyncadd.s32 $0xFFFFFF38  }
0x12b: {  	_ =	swait.ge [sflag:s29], $0xC8  }
0x12c: {  	[sflag:s29] =	ssyncset.done $0x0  }
0x12d: {  	[sflag:s29] =	ssyncadd.s32 $0xFFFFFF38  }
0x12e: {  	_ =	swait.ge [sflag:s29], $0xC8  }
0x12f: {  	[sflag:s29] =	ssyncset.done $0x0  }
0x130: {  	[sflag:s29] =	ssyncadd.s32 $0xFFFFFF38  }
0x131: {  	_ =	swait.ge [sflag:s29], $0xC8  }
0x132: {  	[sflag:s29] =	ssyncset.done $0x0  }
0x133: {  	[sflag:s29] =	ssyncadd.s32 $0xFFFFFF38  }
0x134: {  	_ =	swait.ge [sflag:s29], $0xC8  }
0x135: {  	[sflag:s29] =	ssyncset.done $0x0  }
0x136: {  	[sflag:s29] =	ssyncadd.s32 $0xFFFFFF38  }
0x137: {  	_ =	swait.ge [sflag:s29], $0xC8  }
0x138: {  	[sflag:s29] =	ssyncset.done $0x0  }
0x139: {  	[sflag:s29] =	ssyncadd.s32 $0xFFFFFF38  }
0x13a: {  	_ =	swait.ge [sflag:s29], $0xC8  }
0x13b: {  	[sflag:s29] =	ssyncset.done $0x0  }
0x13c: {  	[sflag:s29] =	ssyncadd.s32 $0xFFFFFF38  }
0x13d: {  	_ =	swait.ge [sflag:s29], $0xC8  }
0x13e: {  	[sflag:s29] =	ssyncset.done $0x0  }
0x13f: {  	[sflag:s29] =	ssyncadd.s32 $0xFFFFFF38  }
0x140: {  	_ =	swait.ge [sflag:s29], $0xC8  }
0x141: {  	[sflag:s29] =	ssyncset.done $0x0  }
0x142: {  	[sflag:s29] =	ssyncadd.s32 $0xFFFFFF38  }
0x143: {  	_ =	swait.ge [sflag:s29], $0xC8  }
0x144: {  	[sflag:s29] =	ssyncset.done $0x0  }
0x145: {  	[sflag:s29] =	ssyncadd.s32 $0xFFFFFF38  }
0x146: {  	_ =	swait.ge [sflag:s29], $0xC8  }
0x147: {  	[sflag:s29] =	ssyncset.done $0x0  }
0x148: {  	[sflag:s29] =	ssyncadd.s32 $0xFFFFFF38  }
0x149: {  	_ =	swait.ge [sflag:s29], $0xC8  }
0x14a: {  	[sflag:s29] =	ssyncset.done $0x0  }
0x14b: {  	[sflag:s29] =	ssyncadd.s32 $0xFFFFFF38  }
0x14c: {  	_ =	swait.ge [sflag:s29], $0xC8  }
0x14d: {  	[sflag:s29] =	ssyncset.done $0x0  }
0x14e: {  	[sflag:s29] =	ssyncadd.s32 $0xFFFFFF38  }
0x14f: {  	_ =	swait.ge [sflag:s29], $0xC8  }
0x150: {  	[sflag:s29] =	ssyncset.done $0x0  }
0x151: {  	[sflag:s29] =	ssyncadd.s32 $0xFFFFFF38  }
0x152: {  	_ =	swait.ge [sflag:s29], $0xC8  }
0x153: {  	[sflag:s29] =	ssyncset.done $0x0  }
0x154: {  	[sflag:s29] =	ssyncadd.s32 $0xFFFFFF38  }
0x155: {  	_ =	swait.ge [sflag:s29], $0xC8  }
0x156: {  	[sflag:s29] =	ssyncset.done $0x0  }
0x157: {  	[sflag:s29] =	ssyncadd.s32 $0xFFFFFF38  }
0x158: {  	_ =	swait.ge [sflag:s29], $0xC8  }
0x159: {  	[sflag:s29] =	ssyncset.done $0x0  }
0x15a: {  	[sflag:s29] =	ssyncadd.s32 $0xFFFFFF38  }
0x15b: {  	_ =	swait.ge [sflag:s29], $0xC8  }
0x15c: {  	[sflag:s29] =	ssyncset.done $0x0  }
0x15d: {  	[sflag:s29] =	ssyncadd.s32 $0xFFFFFF38  }
0x15e: {  	_ =	swait.ge [sflag:s29], $0xC8  }
0x15f: {  	[sflag:s29] =	ssyncset.done $0x0  }
0x160: {  	[sflag:s29] =	ssyncadd.s32 $0xFFFFFF38  }
0x161: {  	_ =	swait.ge [sflag:s29], $0xC8  }
0x162: {  	[sflag:s29] =	ssyncset.done $0x0  }
0x163: {  	[sflag:s29] =	ssyncadd.s32 $0xFFFFFF38  }
0x164: {  	_ =	swait.ge [sflag:s29], $0xC8  }
0x165: {  	[sflag:s29] =	ssyncset.done $0x0  }
0x166: {  	[sflag:s29] =	ssyncadd.s32 $0xFFFFFF38  }
0x167: {  	_ =	swait.ge [sflag:s29], $0xC8  }
0x168: {  	[sflag:s29] =	ssyncset.done $0x0  }
0x169: {  	[sflag:s29] =	ssyncadd.s32 $0xFFFFFF38  }
0x16a: {  	_ =	swait.ge [sflag:s29], $0xC8  }
0x16b: {  	[sflag:s29] =	ssyncset.done $0x0  }
0x16c: {  	[sflag:s29] =	ssyncadd.s32 $0xFFFFFF38  }
0x16d: {  	_ =	swait.ge [sflag:s29], $0xC8  }
0x16e: {  	[sflag:s29] =	ssyncset.done $0x0  }
0x16f: {  	[sflag:s29] =	ssyncadd.s32 $0xFFFFFF38  }
0x170: {  	_ =	swait.ge [sflag:s29], $0xC8  }
0x171: {  	[sflag:s29] =	ssyncset.done $0x0  }
0x172: {  	[sflag:s29] =	ssyncadd.s32 $0xFFFFFF38  }
0x173: {  	_ =	swait.ge [sflag:s29], $0xC8  }
0x174: {  	[sflag:s29] =	ssyncset.done $0x0  }
0x175: {  	[sflag:s29] =	ssyncadd.s32 $0xFFFFFF38  }
0x176: {  	_ =	swait.ge [sflag:s29], $0xC8  }
0x177: {  	[sflag:s29] =	ssyncset.done $0x0  }
0x178: {  	[sflag:s29] =	ssyncadd.s32 $0xFFFFFF38  }
0x179: {  	_ =	swait.ge [sflag:s29], $0xC8  }
0x17a: {  	[sflag:s29] =	ssyncset.done $0x0  }
0x17b: {  	[sflag:s29] =	ssyncadd.s32 $0xFFFFFF38  }
0x17c: {  	[tilespmem:s30], [sflag:$0x2] =	stream.indirect.gather [hbm4b:s25+s13], $0x40, s0, s13, $0xb8;
	[tilespmem:$0x18060] =	vst v63  }
0x17d: {  	_ = 	snop  }
0x17e: {  	[tilespmem:s14], [sflag:$0x3] =	stream.indirect.gather [hbm4b:s25+s13], $0x40, s13, s13, $0xb8;
	[tilespmem:$0x18060] =	vst v63  }
0x17f: {  	s20 =	smov.u32 s12;
	s12 =	simm.s32 $0x190;
	[bflag:$0x0] =	sbarrier.arrive $0xFFFF  }
0x180: {  	[tilespmem:s2], [sflag:$0x4] =	stream.indirect.gather [hbm4b:s25+s13], $0x40, s12, s13, $0xb8;
	[tilespmem:$0x18060] =	vst v63  }
0x181: {  	_ =	swait.ge [sflag:s15], $0x3200  }
0x182: {  	[sflag:s15] =	ssyncset.done $0x0  }
0x183: {  	[sflag:s15] =	ssyncadd.s32 $0xFFFFCE00  }
0x184: {  	[spmem:s26] =	stream.indirect.scatter.add.f32 [tilespmem:s30], [sflag:$0x5], $0x40, s8, s13, $0xb8;
	[tilespmem:$0x18060] =	vst v63  }
0x185: {  	_ =	swait.ge [sflag:s3], $0x3200  }
0x186: {  	[sflag:s3] =	ssyncset.done $0x0  }
0x187: {  	s12 =	simm.s32 $0x258;
	[sflag:s3] =	ssyncadd.s32 $0xFFFFCE00  }
0x188: {  	[tilespmem:s30], [sflag:$0x2] =	stream.indirect.gather [hbm4b:s25+s13], $0x40, s12, s13, $0xb8;
	[tilespmem:$0x18060] =	vst v63  }
0x189: {  	_ =	swait.ge [sflag:s16], $0x3200  }
0x18a: {  	[sflag:s16] =	ssyncset.done $0x0  }
0x18b: {  	[sflag:s16] =	ssyncadd.s32 $0xFFFFCE00  }
0x18c: {  	[spmem:s26] =	stream.indirect.scatter.add.f32 [tilespmem:s14], [sflag:$0x6], $0x40, s21, s13, $0xb8;
	[tilespmem:$0x18060] =	vst v63  }
0x18d: {  	_ =	swait.ge [sflag:s17], $0x3200  }
0x18e: {  	[sflag:s17] =	ssyncset.done $0x0  }
0x18f: {  	s12 =	simm.s32 $0x320;
	[sflag:s17] =	ssyncadd.s32 $0xFFFFCE00  }
0x190: {  	[tilespmem:s14], [sflag:$0x3] =	stream.indirect.gather [hbm4b:s25+s13], $0x40, s12, s13, $0xb8;
	[tilespmem:$0x18060] =	vst v63  }
0x191: {  	_ =	swait.ge [sflag:s18], $0x3200  }
0x192: {  	[sflag:s18] =	ssyncset.done $0x0  }
0x193: {  	[sflag:s18] =	ssyncadd.s32 $0xFFFFCE00  }
0x194: {  	[spmem:s26] =	stream.indirect.scatter.add.f32 [tilespmem:s2], [sflag:$0x7], $0x40, s22, s13, $0xb8;
	[tilespmem:$0x18060] =	vst v63  }
0x195: {  	_ =	swait.ge [sflag:s6], $0x3200  }
0x196: {  	[sflag:s6] =	ssyncset.done $0x0  }
0x197: {  	s12 =	simm.s32 $0x3E8;
	[sflag:s6] =	ssyncadd.s32 $0xFFFFCE00  }
0x198: {  	[tilespmem:s2], [sflag:$0x4] =	stream.indirect.gather [hbm4b:s25+s13], $0x40, s12, s13, $0xb8;
	[tilespmem:$0x18060] =	vst v63  }
0x199: {  	_ =	swait.ge [sflag:s15], $0x3200  }
0x19a: {  	[sflag:s15] =	ssyncset.done $0x0  }
0x19b: {  	[sflag:s15] =	ssyncadd.s32 $0xFFFFCE00  }
0x19c: {  	[spmem:s26] =	stream.indirect.scatter.add.f32 [tilespmem:s30], [sflag:$0x5], $0x40, s9, s13, $0xb8;
	[tilespmem:$0x18060] =	vst v63  }
0x19d: {  	_ =	swait.ge [sflag:s3], $0x3200  }
0x19e: {  	[sflag:s3] =	ssyncset.done $0x0  }
0x19f: {  	s12 =	simm.s32 $0x4B0;
	[sflag:s3] =	ssyncadd.s32 $0xFFFFCE00  }
0x1a0: {  	[tilespmem:s30], [sflag:$0x2] =	stream.indirect.gather [hbm4b:s25+s13], $0x40, s12, s13, $0xb8;
	[tilespmem:$0x18060] =	vst v63  }
0x1a1: {  	_ =	swait.ge [sflag:s16], $0x3200  }
0x1a2: {  	[sflag:s16] =	ssyncset.done $0x0  }
0x1a3: {  	[sflag:s16] =	ssyncadd.s32 $0xFFFFCE00  }
0x1a4: {  	[spmem:s26] =	stream.indirect.scatter.add.f32 [tilespmem:s14], [sflag:$0x6], $0x40, s23, s13, $0xb8;
	[tilespmem:$0x18060] =	vst v63  }
0x1a5: {  	_ =	swait.ge [sflag:s17], $0x3200  }
0x1a6: {  	[sflag:s17] =	ssyncset.done $0x0  }
0x1a7: {  	s12 =	simm.s32 $0x578;
	[sflag:s17] =	ssyncadd.s32 $0xFFFFCE00  }
0x1a8: {  	[tilespmem:s14], [sflag:$0x3] =	stream.indirect.gather [hbm4b:s25+s13], $0x40, s12, s13, $0xb8;
	[tilespmem:$0x18060] =	vst v63  }
0x1a9: {  	_ =	swait.ge [sflag:s18], $0x3200  }
0x1aa: {  	[sflag:s18] =	ssyncset.done $0x0  }
0x1ab: {  	[sflag:s18] =	ssyncadd.s32 $0xFFFFCE00  }
0x1ac: {  	[spmem:s26] =	stream.indirect.scatter.add.f32 [tilespmem:s2], [sflag:$0x7], $0x40, s10, s13, $0xb8;
	[tilespmem:$0x18060] =	vst v63  }
0x1ad: {  	_ =	swait.ge [sflag:s6], $0x3200  }
0x1ae: {  	[sflag:s6] =	ssyncset.done $0x0  }
0x1af: {  	s12 =	simm.s32 $0x640;
	[sflag:s6] =	ssyncadd.s32 $0xFFFFCE00  }
0x1b0: {  	[tilespmem:s2], [sflag:$0x4] =	stream.indirect.gather [hbm4b:s25+s13], $0x40, s12, s13, $0xb8;
	[tilespmem:$0x18060] =	vst v63  }
0x1b1: {  	_ =	swait.ge [sflag:s15], $0x3200  }
0x1b2: {  	[sflag:s15] =	ssyncset.done $0x0  }
0x1b3: {  	[sflag:s15] =	ssyncadd.s32 $0xFFFFCE00  }
0x1b4: {  	[spmem:s26] =	stream.indirect.scatter.add.f32 [tilespmem:s30], [sflag:$0x5], $0x40, s24, s13, $0xb8;
	[tilespmem:$0x18060] =	vst v63  }
0x1b5: {  	_ =	swait.ge [sflag:s3], $0x3200  }
0x1b6: {  	[sflag:s3] =	ssyncset.done $0x0  }
0x1b7: {  	s12 =	simm.s32 $0x708;
	[sflag:s3] =	ssyncadd.s32 $0xFFFFCE00  }
0x1b8: {  	[tilespmem:s30], [sflag:$0x2] =	stream.indirect.gather [hbm4b:s25+s13], $0x40, s12, s13, $0xb8;
	[tilespmem:$0x18060] =	vst v63  }
0x1b9: {  	_ =	swait.ge [sflag:s16], $0x3200  }
0x1ba: {  	[sflag:s16] =	ssyncset.done $0x0  }
0x1bb: {  	[sflag:s16] =	ssyncadd.s32 $0xFFFFCE00  }
0x1bc: {  	[spmem:s26] =	stream.indirect.scatter.add.f32 [tilespmem:s14], [sflag:$0x6], $0x40, s11, s13, $0xb8;
	[tilespmem:$0x18060] =	vst v63  }
0x1bd: {  	_ =	swait.ge [sflag:s17], $0x3200  }
0x1be: {  	[sflag:s17] =	ssyncset.done $0x0  }
0x1bf: {  	s12 =	simm.s32 $0x7D0;
	[sflag:s17] =	ssyncadd.s32 $0xFFFFCE00  }
0x1c0: {  	[tilespmem:s14], [sflag:$0x3] =	stream.indirect.gather [hbm4b:s25+s13], $0x40, s12, s13, $0xb8;
	[tilespmem:$0x18060] =	vst v63  }
0x1c1: {  	_ =	swait.ge [sflag:s18], $0x3200  }
0x1c2: {  	[sflag:s18] =	ssyncset.done $0x0  }
0x1c3: {  	[sflag:s18] =	ssyncadd.s32 $0xFFFFCE00  }
0x1c4: {  	[spmem:s26] =	stream.indirect.scatter.add.f32 [tilespmem:s2], [sflag:$0x7], $0x40, s28, s13, $0xb8;
	[tilespmem:$0x18060] =	vst v63  }
0x1c5: {  	_ =	swait.ge [sflag:s6], $0x3200  }
0x1c6: {  	[sflag:s6] =	ssyncset.done $0x0  }
0x1c7: {  	s12 =	simm.s32 $0x898;
	[sflag:s6] =	ssyncadd.s32 $0xFFFFCE00  }
0x1c8: {  	[tilespmem:s2], [sflag:$0x4] =	stream.indirect.gather [hbm4b:s25+s13], $0x40, s12, s13, $0xb8;
	[tilespmem:$0x18060] =	vst v63  }
0x1c9: {  	_ =	swait.ge [sflag:s15], $0x3200  }
0x1ca: {  	[sflag:s15] =	ssyncset.done $0x0  }
0x1cb: {  	[sflag:s15] =	ssyncadd.s32 $0xFFFFCE00  }
0x1cc: {  	[spmem:s26] =	stream.indirect.scatter.add.f32 [tilespmem:s30], [sflag:$0x5], $0x40, s5, s13, $0xb8;
	[tilespmem:$0x18060] =	vst v63  }
0x1cd: {  	_ =	swait.ge [sflag:s3], $0x3200  }
0x1ce: {  	[sflag:s3] =	ssyncset.done $0x0  }
0x1cf: {  	s7 =	simm.s32 $0x960;
	[sflag:s3] =	ssyncadd.s32 $0xFFFFCE00  }
0x1d0: {  	[tilespmem:s30], [sflag:$0x2] =	stream.indirect.gather [hbm4b:s25+s13], $0x40, s7, s13, $0xb8;
	[tilespmem:$0x18060] =	vst v63  }
0x1d1: {  	_ =	swait.ge [sflag:s16], $0x3200  }
0x1d2: {  	[sflag:s16] =	ssyncset.done $0x0  }
0x1d3: {  	[sflag:s16] =	ssyncadd.s32 $0xFFFFCE00  }
0x1d4: {  	[spmem:s26] =	stream.indirect.scatter.add.f32 [tilespmem:s14], [sflag:$0x6], $0x40, s1, s13, $0xb8;
	[tilespmem:$0x18060] =	vst v63  }
0x1d5: {  	_ =	swait.ge [sflag:s17], $0x3200  }
0x1d6: {  	[sflag:s17] =	ssyncset.done $0x0  }
0x1d7: {  	s12 =	simm.s32 $0xA28;
	[sflag:s17] =	ssyncadd.s32 $0xFFFFCE00  }
0x1d8: {  	[tilespmem:s14], [sflag:$0x3] =	stream.indirect.gather [hbm4b:s25+s13], $0x40, s12, s13, $0xb8;
	[tilespmem:$0x18060] =	vst v63  }
0x1d9: {  	_ =	swait.ge [sflag:s18], $0x3200  }
0x1da: {  	[sflag:s18] =	ssyncset.done $0x0  }
0x1db: {  	s5 =	simm.s32 $0x2FA8;
	[sflag:s18] =	ssyncadd.s32 $0xFFFFCE00  }
0x1dc: {  	[spmem:s26] =	stream.indirect.scatter.add.f32 [tilespmem:s2], [sflag:$0x7], $0x40, s5, s13, $0xb8;
	[tilespmem:$0x18060] =	vst v63  }
0x1dd: {  	_ =	swait.ge [sflag:s6], $0x3200  }
0x1de: {  	[sflag:s6] =	ssyncset.done $0x0  }
0x1df: {  	s7 =	simm.s32 $0xAF0;
	[sflag:s6] =	ssyncadd.s32 $0xFFFFCE00  }
0x1e0: {  	[tilespmem:s2], [sflag:$0x4] =	stream.indirect.gather [hbm4b:s25+s13], $0x40, s7, s13, $0xb8;
	[tilespmem:$0x18060] =	vst v63  }
0x1e1: {  	_ =	swait.ge [sflag:s15], $0x3200  }
0x1e2: {  	[sflag:s15] =	ssyncset.done $0x0  }
0x1e3: {  	s12 =	simm.s32 $0x3070;
	[sflag:s15] =	ssyncadd.s32 $0xFFFFCE00  }
0x1e4: {  	[spmem:s26] =	stream.indirect.scatter.add.f32 [tilespmem:s30], [sflag:$0x5], $0x40, s12, s13, $0xb8;
	[tilespmem:$0x18060] =	vst v63  }
0x1e5: {  	_ =	swait.ge [sflag:s3], $0x3200  }
0x1e6: {  	[sflag:s3] =	ssyncset.done $0x0  }
0x1e7: {  	s5 =	simm.s32 $0xBB8;
	[sflag:s3] =	ssyncadd.s32 $0xFFFFCE00  }
0x1e8: {  	[tilespmem:s30], [sflag:$0x2] =	stream.indirect.gather [hbm4b:s25+s13], $0x40, s5, s13, $0xb8;
	[tilespmem:$0x18060] =	vst v63  }
0x1e9: {  	_ =	swait.ge [sflag:s16], $0x3200  }
0x1ea: {  	[sflag:s16] =	ssyncset.done $0x0  }
0x1eb: {  	s7 =	simm.s32 $0x3138;
	[sflag:s16] =	ssyncadd.s32 $0xFFFFCE00  }
0x1ec: {  	[spmem:s26] =	stream.indirect.scatter.add.f32 [tilespmem:s14], [sflag:$0x6], $0x40, s7, s13, $0xb8;
	[tilespmem:$0x18060] =	vst v63  }
0x1ed: {  	_ =	swait.ge [sflag:s17], $0x3200  }
0x1ee: {  	[sflag:s17] =	ssyncset.done $0x0  }
0x1ef: {  	s12 =	simm.s32 $0xC80;
	[sflag:s17] =	ssyncadd.s32 $0xFFFFCE00  }
0x1f0: {  	[tilespmem:s14], [sflag:$0x3] =	stream.indirect.gather [hbm4b:s25+s13], $0x40, s12, s13, $0xb8;
	[tilespmem:$0x18060] =	vst v63  }
0x1f1: {  	_ =	swait.ge [sflag:s18], $0x3200  }
0x1f2: {  	[sflag:s18] =	ssyncset.done $0x0  }
0x1f3: {  	s5 =	simm.s32 $0x3200;
	[sflag:s18] =	ssyncadd.s32 $0xFFFFCE00  }
0x1f4: {  	[spmem:s26] =	stream.indirect.scatter.add.f32 [tilespmem:s2], [sflag:$0x7], $0x40, s5, s13, $0xb8;
	[tilespmem:$0x18060] =	vst v63  }
0x1f5: {  	_ =	swait.ge [sflag:s6], $0x3200  }
0x1f6: {  	[sflag:s6] =	ssyncset.done $0x0  }
0x1f7: {  	s7 =	simm.s32 $0xD48;
	[sflag:s6] =	ssyncadd.s32 $0xFFFFCE00  }
0x1f8: {  	[tilespmem:s2], [sflag:$0x4] =	stream.indirect.gather [hbm4b:s25+s13], $0x40, s7, s13, $0xb8;
	[tilespmem:$0x18060] =	vst v63  }
0x1f9: {  	_ =	swait.ge [sflag:s15], $0x3200  }
0x1fa: {  	[sflag:s15] =	ssyncset.done $0x0  }
0x1fb: {  	s12 =	simm.s32 $0x32C8;
	[sflag:s15] =	ssyncadd.s32 $0xFFFFCE00  }
0x1fc: {  	[spmem:s26] =	stream.indirect.scatter.add.f32 [tilespmem:s30], [sflag:$0x5], $0x40, s12, s13, $0xb8;
	[tilespmem:$0x18060] =	vst v63  }
0x1fd: {  	_ =	swait.ge [sflag:s3], $0x3200  }
0x1fe: {  	[sflag:s3] =	ssyncset.done $0x0  }
0x1ff: {  	s5 =	simm.s32 $0xE10;
	[sflag:s3] =	ssyncadd.s32 $0xFFFFCE00  }
0x200: {  	[tilespmem:s30], [sflag:$0x2] =	stream.indirect.gather [hbm4b:s25+s13], $0x40, s5, s13, $0xb8;
	[tilespmem:$0x18060] =	vst v63  }
0x201: {  	_ =	swait.ge [sflag:s16], $0x3200  }
0x202: {  	[sflag:s16] =	ssyncset.done $0x0  }
0x203: {  	s7 =	simm.s32 $0x3390;
	[sflag:s16] =	ssyncadd.s32 $0xFFFFCE00  }
0x204: {  	[spmem:s26] =	stream.indirect.scatter.add.f32 [tilespmem:s14], [sflag:$0x6], $0x40, s7, s13, $0xb8;
	[tilespmem:$0x18060] =	vst v63  }
0x205: {  	_ =	swait.ge [sflag:s17], $0x3200  }
0x206: {  	[sflag:s17] =	ssyncset.done $0x0  }
0x207: {  	s12 =	simm.s32 $0xED8;
	[sflag:s17] =	ssyncadd.s32 $0xFFFFCE00  }
0x208: {  	[tilespmem:s14], [sflag:$0x3] =	stream.indirect.gather [hbm4b:s25+s13], $0x40, s12, s13, $0xb8;
	[tilespmem:$0x18060] =	vst v63  }
0x209: {  	_ =	swait.ge [sflag:s18], $0x3200  }
0x20a: {  	[sflag:s18] =	ssyncset.done $0x0  }
0x20b: {  	s5 =	simm.s32 $0x3458;
	[sflag:s18] =	ssyncadd.s32 $0xFFFFCE00  }
0x20c: {  	[spmem:s26] =	stream.indirect.scatter.add.f32 [tilespmem:s2], [sflag:$0x7], $0x40, s5, s13, $0xb8;
	[tilespmem:$0x18060] =	vst v63  }
0x20d: {  	_ =	swait.ge [sflag:s6], $0x3200  }
0x20e: {  	[sflag:s6] =	ssyncset.done $0x0  }
0x20f: {  	s7 =	simm.s32 $0xFA0;
	[sflag:s6] =	ssyncadd.s32 $0xFFFFCE00  }
0x210: {  	[tilespmem:s2], [sflag:$0x4] =	stream.indirect.gather [hbm4b:s25+s13], $0x40, s7, s13, $0xb8;
	[tilespmem:$0x18060] =	vst v63  }
0x211: {  	_ =	swait.ge [sflag:s15], $0x3200  }
0x212: {  	[sflag:s15] =	ssyncset.done $0x0  }
0x213: {  	s12 =	simm.s32 $0x3520;
	[sflag:s15] =	ssyncadd.s32 $0xFFFFCE00  }
0x214: {  	[spmem:s26] =	stream.indirect.scatter.add.f32 [tilespmem:s30], [sflag:$0x5], $0x40, s12, s13, $0xb8;
	[tilespmem:$0x18060] =	vst v63  }
0x215: {  	_ =	swait.ge [sflag:s3], $0x3200  }
0x216: {  	[sflag:s3] =	ssyncset.done $0x0  }
0x217: {  	s5 =	simm.s32 $0x1068;
	[sflag:s3] =	ssyncadd.s32 $0xFFFFCE00  }
0x218: {  	[tilespmem:s30], [sflag:$0x2] =	stream.indirect.gather [hbm4b:s25+s13], $0x40, s5, s13, $0xb8;
	[tilespmem:$0x18060] =	vst v63  }
0x219: {  	_ =	swait.ge [sflag:s16], $0x3200  }
0x21a: {  	[sflag:s16] =	ssyncset.done $0x0  }
0x21b: {  	s7 =	simm.s32 $0x35E8;
	[sflag:s16] =	ssyncadd.s32 $0xFFFFCE00  }
0x21c: {  	[spmem:s26] =	stream.indirect.scatter.add.f32 [tilespmem:s14], [sflag:$0x6], $0x40, s7, s13, $0xb8;
	[tilespmem:$0x18060] =	vst v63  }
0x21d: {  	_ =	swait.ge [sflag:s17], $0x3200  }
0x21e: {  	[sflag:s17] =	ssyncset.done $0x0  }
0x21f: {  	s12 =	simm.s32 $0x1130;
	[sflag:s17] =	ssyncadd.s32 $0xFFFFCE00  }
0x220: {  	[tilespmem:s14], [sflag:$0x3] =	stream.indirect.gather [hbm4b:s25+s13], $0x40, s12, s13, $0xb8;
	[tilespmem:$0x18060] =	vst v63  }
0x221: {  	_ =	swait.ge [sflag:s18], $0x3200  }
0x222: {  	[sflag:s18] =	ssyncset.done $0x0  }
0x223: {  	s5 =	simm.s32 $0x36B0;
	[sflag:s18] =	ssyncadd.s32 $0xFFFFCE00  }
0x224: {  	[spmem:s26] =	stream.indirect.scatter.add.f32 [tilespmem:s2], [sflag:$0x7], $0x40, s5, s13, $0xb8;
	[tilespmem:$0x18060] =	vst v63  }
0x225: {  	_ =	swait.ge [sflag:s6], $0x3200  }
0x226: {  	[sflag:s6] =	ssyncset.done $0x0  }
0x227: {  	s7 =	simm.s32 $0x11F8;
	[sflag:s6] =	ssyncadd.s32 $0xFFFFCE00  }
0x228: {  	[tilespmem:s2], [sflag:$0x4] =	stream.indirect.gather [hbm4b:s25+s13], $0x40, s7, s13, $0xb8;
	[tilespmem:$0x18060] =	vst v63  }
0x229: {  	_ =	swait.ge [sflag:s15], $0x3200  }
0x22a: {  	[sflag:s15] =	ssyncset.done $0x0  }
0x22b: {  	s12 =	simm.s32 $0x3778;
	[sflag:s15] =	ssyncadd.s32 $0xFFFFCE00  }
0x22c: {  	[spmem:s26] =	stream.indirect.scatter.add.f32 [tilespmem:s30], [sflag:$0x5], $0x40, s12, s13, $0xb8;
	[tilespmem:$0x18060] =	vst v63  }
0x22d: {  	_ =	swait.ge [sflag:s3], $0x3200  }
0x22e: {  	[sflag:s3] =	ssyncset.done $0x0  }
0x22f: {  	s5 =	simm.s32 $0x12C0;
	[sflag:s3] =	ssyncadd.s32 $0xFFFFCE00  }
0x230: {  	[tilespmem:s30], [sflag:$0x2] =	stream.indirect.gather [hbm4b:s25+s13], $0x40, s5, s13, $0xb8;
	[tilespmem:$0x18060] =	vst v63  }
0x231: {  	_ =	swait.ge [sflag:s16], $0x3200  }
0x232: {  	[sflag:s16] =	ssyncset.done $0x0  }
0x233: {  	s7 =	simm.s32 $0x3840;
	[sflag:s16] =	ssyncadd.s32 $0xFFFFCE00  }
0x234: {  	[spmem:s26] =	stream.indirect.scatter.add.f32 [tilespmem:s14], [sflag:$0x6], $0x40, s7, s13, $0xb8;
	[tilespmem:$0x18060] =	vst v63  }
0x235: {  	_ =	swait.ge [sflag:s17], $0x3200  }
0x236: {  	[sflag:s17] =	ssyncset.done $0x0  }
0x237: {  	s12 =	simm.s32 $0x1388;
	[sflag:s17] =	ssyncadd.s32 $0xFFFFCE00  }
0x238: {  	[tilespmem:s14], [sflag:$0x3] =	stream.indirect.gather [hbm4b:s25+s13], $0x40, s12, s13, $0xb8;
	[tilespmem:$0x18060] =	vst v63  }
0x239: {  	_ =	swait.ge [sflag:s18], $0x3200  }
0x23a: {  	[sflag:s18] =	ssyncset.done $0x0  }
0x23b: {  	s5 =	simm.s32 $0x3908;
	[sflag:s18] =	ssyncadd.s32 $0xFFFFCE00  }
0x23c: {  	[spmem:s26] =	stream.indirect.scatter.add.f32 [tilespmem:s2], [sflag:$0x7], $0x40, s5, s13, $0xb8;
	[tilespmem:$0x18060] =	vst v63  }
0x23d: {  	_ =	swait.ge [sflag:s6], $0x3200  }
0x23e: {  	[sflag:s6] =	ssyncset.done $0x0  }
0x23f: {  	s7 =	simm.s32 $0x1450;
	[sflag:s6] =	ssyncadd.s32 $0xFFFFCE00  }
0x240: {  	[tilespmem:s2], [sflag:$0x4] =	stream.indirect.gather [hbm4b:s25+s13], $0x40, s7, s13, $0xb8;
	[tilespmem:$0x18060] =	vst v63  }
0x241: {  	_ =	swait.ge [sflag:s15], $0x3200  }
0x242: {  	[sflag:s15] =	ssyncset.done $0x0  }
0x243: {  	s12 =	simm.s32 $0x39D0;
	[sflag:s15] =	ssyncadd.s32 $0xFFFFCE00  }
0x244: {  	[spmem:s26] =	stream.indirect.scatter.add.f32 [tilespmem:s30], [sflag:$0x5], $0x40, s12, s13, $0xb8;
	[tilespmem:$0x18060] =	vst v63  }
0x245: {  	_ =	swait.ge [sflag:s3], $0x3200  }
0x246: {  	[sflag:s3] =	ssyncset.done $0x0  }
0x247: {  	s5 =	simm.s32 $0x1518;
	[sflag:s3] =	ssyncadd.s32 $0xFFFFCE00  }
0x248: {  	[tilespmem:s30], [sflag:$0x2] =	stream.indirect.gather [hbm4b:s25+s13], $0x40, s5, s13, $0xb8;
	[tilespmem:$0x18060] =	vst v63  }
0x249: {  	_ =	swait.ge [sflag:s16], $0x3200  }
0x24a: {  	[sflag:s16] =	ssyncset.done $0x0  }
0x24b: {  	s7 =	simm.s32 $0x3A98;
	[sflag:s16] =	ssyncadd.s32 $0xFFFFCE00  }
0x24c: {  	[spmem:s26] =	stream.indirect.scatter.add.f32 [tilespmem:s14], [sflag:$0x6], $0x40, s7, s13, $0xb8;
	[tilespmem:$0x18060] =	vst v63  }
0x24d: {  	_ =	swait.ge [sflag:s17], $0x3200  }
0x24e: {  	[sflag:s17] =	ssyncset.done $0x0  }
0x24f: {  	s12 =	simm.s32 $0x15E0;
	[sflag:s17] =	ssyncadd.s32 $0xFFFFCE00  }
0x250: {  	[tilespmem:s14], [sflag:$0x3] =	stream.indirect.gather [hbm4b:s25+s13], $0x40, s12, s13, $0xb8;
	[tilespmem:$0x18060] =	vst v63  }
0x251: {  	_ =	swait.ge [sflag:s18], $0x3200  }
0x252: {  	[sflag:s18] =	ssyncset.done $0x0  }
0x253: {  	s5 =	simm.s32 $0x3B60;
	[sflag:s18] =	ssyncadd.s32 $0xFFFFCE00  }
0x254: {  	[spmem:s26] =	stream.indirect.scatter.add.f32 [tilespmem:s2], [sflag:$0x7], $0x40, s5, s13, $0xb8;
	[tilespmem:$0x18060] =	vst v63  }
0x255: {  	_ =	swait.ge [sflag:s6], $0x3200  }
0x256: {  	[sflag:s6] =	ssyncset.done $0x0  }
0x257: {  	s7 =	simm.s32 $0x16A8;
	[sflag:s6] =	ssyncadd.s32 $0xFFFFCE00  }
0x258: {  	[tilespmem:s2], [sflag:$0x4] =	stream.indirect.gather [hbm4b:s25+s13], $0x40, s7, s13, $0xb8;
	[tilespmem:$0x18060] =	vst v63  }
0x259: {  	_ =	swait.ge [sflag:s15], $0x3200  }
0x25a: {  	[sflag:s15] =	ssyncset.done $0x0  }
0x25b: {  	s12 =	simm.s32 $0x3C28;
	[sflag:s15] =	ssyncadd.s32 $0xFFFFCE00  }
0x25c: {  	[spmem:s26] =	stream.indirect.scatter.add.f32 [tilespmem:s30], [sflag:$0x5], $0x40, s12, s13, $0xb8;
	[tilespmem:$0x18060] =	vst v63  }
0x25d: {  	_ =	swait.ge [sflag:s3], $0x3200  }
0x25e: {  	[sflag:s3] =	ssyncset.done $0x0  }
0x25f: {  	s5 =	simm.s32 $0x1770;
	[sflag:s3] =	ssyncadd.s32 $0xFFFFCE00  }
0x260: {  	[tilespmem:s30], [sflag:$0x2] =	stream.indirect.gather [hbm4b:s25+s13], $0x40, s5, s13, $0xb8;
	[tilespmem:$0x18060] =	vst v63  }
0x261: {  	_ =	swait.ge [sflag:s16], $0x3200  }
0x262: {  	[sflag:s16] =	ssyncset.done $0x0  }
0x263: {  	s7 =	simm.s32 $0x3CF0;
	[sflag:s16] =	ssyncadd.s32 $0xFFFFCE00  }
0x264: {  	[spmem:s26] =	stream.indirect.scatter.add.f32 [tilespmem:s14], [sflag:$0x6], $0x40, s7, s13, $0xb8;
	[tilespmem:$0x18060] =	vst v63  }
0x265: {  	_ =	swait.ge [sflag:s17], $0x3200  }
0x266: {  	[sflag:s17] =	ssyncset.done $0x0  }
0x267: {  	s12 =	simm.s32 $0x1838;
	[sflag:s17] =	ssyncadd.s32 $0xFFFFCE00  }
0x268: {  	[tilespmem:s14], [sflag:$0x3] =	stream.indirect.gather [hbm4b:s25+s13], $0x40, s12, s13, $0xb8;
	[tilespmem:$0x18060] =	vst v63  }
0x269: {  	_ =	swait.ge [sflag:s18], $0x3200  }
0x26a: {  	[sflag:s18] =	ssyncset.done $0x0  }
0x26b: {  	s5 =	simm.s32 $0x3DB8;
	[sflag:s18] =	ssyncadd.s32 $0xFFFFCE00  }
0x26c: {  	[spmem:s26] =	stream.indirect.scatter.add.f32 [tilespmem:s2], [sflag:$0x7], $0x40, s5, s13, $0xb8;
	[tilespmem:$0x18060] =	vst v63  }
0x26d: {  	_ =	swait.ge [sflag:s6], $0x3200  }
0x26e: {  	[sflag:s6] =	ssyncset.done $0x0  }
0x26f: {  	s7 =	simm.s32 $0x1900;
	[sflag:s6] =	ssyncadd.s32 $0xFFFFCE00  }
0x270: {  	[tilespmem:s2], [sflag:$0x4] =	stream.indirect.gather [hbm4b:s25+s13], $0x40, s7, s13, $0xb8;
	[tilespmem:$0x18060] =	vst v63  }
0x271: {  	_ =	swait.ge [sflag:s15], $0x3200  }
0x272: {  	[sflag:s15] =	ssyncset.done $0x0  }
0x273: {  	s12 =	simm.s32 $0x3E80;
	[sflag:s15] =	ssyncadd.s32 $0xFFFFCE00  }
0x274: {  	[spmem:s26] =	stream.indirect.scatter.add.f32 [tilespmem:s30], [sflag:$0x5], $0x40, s12, s13, $0xb8;
	[tilespmem:$0x18060] =	vst v63  }
0x275: {  	_ =	swait.ge [sflag:s3], $0x3200  }
0x276: {  	[sflag:s3] =	ssyncset.done $0x0  }
0x277: {  	s5 =	simm.s32 $0x19C8;
	[sflag:s3] =	ssyncadd.s32 $0xFFFFCE00  }
0x278: {  	[tilespmem:s30], [sflag:$0x2] =	stream.indirect.gather [hbm4b:s25+s13], $0x40, s5, s13, $0xb8;
	[tilespmem:$0x18060] =	vst v63  }
0x279: {  	_ =	swait.ge [sflag:s16], $0x3200  }
0x27a: {  	[sflag:s16] =	ssyncset.done $0x0  }
0x27b: {  	s7 =	simm.s32 $0x3F48;
	[sflag:s16] =	ssyncadd.s32 $0xFFFFCE00  }
0x27c: {  	[spmem:s26] =	stream.indirect.scatter.add.f32 [tilespmem:s14], [sflag:$0x6], $0x40, s7, s13, $0xb8;
	[tilespmem:$0x18060] =	vst v63  }
0x27d: {  	_ =	swait.ge [sflag:s17], $0x3200  }
0x27e: {  	[sflag:s17] =	ssyncset.done $0x0  }
0x27f: {  	s12 =	simm.s32 $0x1A90;
	[sflag:s17] =	ssyncadd.s32 $0xFFFFCE00  }
0x280: {  	[tilespmem:s14], [sflag:$0x3] =	stream.indirect.gather [hbm4b:s25+s13], $0x40, s12, s13, $0xb8;
	[tilespmem:$0x18060] =	vst v63  }
0x281: {  	_ =	swait.ge [sflag:s18], $0x3200  }
0x282: {  	[sflag:s18] =	ssyncset.done $0x0  }
0x283: {  	s5 =	simm.s32 $0x4010;
	[sflag:s18] =	ssyncadd.s32 $0xFFFFCE00  }
0x284: {  	[spmem:s26] =	stream.indirect.scatter.add.f32 [tilespmem:s2], [sflag:$0x7], $0x40, s5, s13, $0xb8;
	[tilespmem:$0x18060] =	vst v63  }
0x285: {  	_ =	swait.ge [sflag:s6], $0x3200  }
0x286: {  	[sflag:s6] =	ssyncset.done $0x0  }
0x287: {  	s7 =	simm.s32 $0x1B58;
	[sflag:s6] =	ssyncadd.s32 $0xFFFFCE00  }
0x288: {  	[tilespmem:s2], [sflag:$0x4] =	stream.indirect.gather [hbm4b:s25+s13], $0x40, s7, s13, $0xb8;
	[tilespmem:$0x18060] =	vst v63  }
0x289: {  	_ =	swait.ge [sflag:s15], $0x3200  }
0x28a: {  	[sflag:s15] =	ssyncset.done $0x0  }
0x28b: {  	s12 =	simm.s32 $0x40D8;
	[sflag:s15] =	ssyncadd.s32 $0xFFFFCE00  }
0x28c: {  	[spmem:s26] =	stream.indirect.scatter.add.f32 [tilespmem:s30], [sflag:$0x5], $0x40, s12, s13, $0xb8;
	[tilespmem:$0x18060] =	vst v63  }
0x28d: {  	_ =	swait.ge [sflag:s3], $0x3200  }
0x28e: {  	[sflag:s3] =	ssyncset.done $0x0  }
0x28f: {  	s5 =	simm.s32 $0x1C20;
	[sflag:s3] =	ssyncadd.s32 $0xFFFFCE00  }
0x290: {  	[tilespmem:s30], [sflag:$0x2] =	stream.indirect.gather [hbm4b:s25+s13], $0x40, s5, s13, $0xb8;
	[tilespmem:$0x18060] =	vst v63  }
0x291: {  	_ =	swait.ge [sflag:s16], $0x3200  }
0x292: {  	[sflag:s16] =	ssyncset.done $0x0  }
0x293: {  	s7 =	simm.s32 $0x41A0;
	[sflag:s16] =	ssyncadd.s32 $0xFFFFCE00  }
0x294: {  	[spmem:s26] =	stream.indirect.scatter.add.f32 [tilespmem:s14], [sflag:$0x6], $0x40, s7, s13, $0xb8;
	[tilespmem:$0x18060] =	vst v63  }
0x295: {  	_ =	swait.ge [sflag:s17], $0x3200  }
0x296: {  	[sflag:s17] =	ssyncset.done $0x0  }
0x297: {  	s12 =	simm.s32 $0x1CE8;
	[sflag:s17] =	ssyncadd.s32 $0xFFFFCE00  }
0x298: {  	[tilespmem:s14], [sflag:$0x3] =	stream.indirect.gather [hbm4b:s25+s13], $0x40, s12, s13, $0xb8;
	[tilespmem:$0x18060] =	vst v63  }
0x299: {  	_ =	swait.ge [sflag:s18], $0x3200  }
0x29a: {  	[sflag:s18] =	ssyncset.done $0x0  }
0x29b: {  	s5 =	simm.s32 $0x4268;
	[sflag:s18] =	ssyncadd.s32 $0xFFFFCE00  }
0x29c: {  	[spmem:s26] =	stream.indirect.scatter.add.f32 [tilespmem:s2], [sflag:$0x7], $0x40, s5, s13, $0xb8;
	[tilespmem:$0x18060] =	vst v63  }
0x29d: {  	_ =	swait.ge [sflag:s6], $0x3200  }
0x29e: {  	[sflag:s6] =	ssyncset.done $0x0  }
0x29f: {  	s7 =	simm.s32 $0x1DB0;
	[sflag:s6] =	ssyncadd.s32 $0xFFFFCE00  }
0x2a0: {  	[tilespmem:s2], [sflag:$0x4] =	stream.indirect.gather [hbm4b:s25+s13], $0x40, s7, s13, $0xb8;
	[tilespmem:$0x18060] =	vst v63  }
0x2a1: {  	_ =	swait.ge [sflag:s15], $0x3200  }
0x2a2: {  	[sflag:s15] =	ssyncset.done $0x0  }
0x2a3: {  	s12 =	simm.s32 $0x4330;
	[sflag:s15] =	ssyncadd.s32 $0xFFFFCE00  }
0x2a4: {  	[spmem:s26] =	stream.indirect.scatter.add.f32 [tilespmem:s30], [sflag:$0x5], $0x40, s12, s13, $0xb8;
	[tilespmem:$0x18060] =	vst v63  }
0x2a5: {  	_ =	swait.ge [sflag:s3], $0x3200  }
0x2a6: {  	[sflag:s3] =	ssyncset.done $0x0  }
0x2a7: {  	s5 =	simm.s32 $0x1E78;
	[sflag:s3] =	ssyncadd.s32 $0xFFFFCE00  }
0x2a8: {  	[tilespmem:s30], [sflag:$0x2] =	stream.indirect.gather [hbm4b:s25+s13], $0x40, s5, s13, $0xb8;
	[tilespmem:$0x18060] =	vst v63  }
0x2a9: {  	_ =	swait.ge [sflag:s16], $0x3200  }
0x2aa: {  	[sflag:s16] =	ssyncset.done $0x0  }
0x2ab: {  	s7 =	simm.s32 $0x43F8;
	[sflag:s16] =	ssyncadd.s32 $0xFFFFCE00  }
0x2ac: {  	[spmem:s26] =	stream.indirect.scatter.add.f32 [tilespmem:s14], [sflag:$0x6], $0x40, s7, s13, $0xb8;
	[tilespmem:$0x18060] =	vst v63  }
0x2ad: {  	_ =	swait.ge [sflag:s17], $0x3200  }
0x2ae: {  	[sflag:s17] =	ssyncset.done $0x0  }
0x2af: {  	s12 =	simm.s32 $0x1F40;
	[sflag:s17] =	ssyncadd.s32 $0xFFFFCE00  }
0x2b0: {  	[tilespmem:s14], [sflag:$0x3] =	stream.indirect.gather [hbm4b:s25+s13], $0x40, s12, s13, $0xb8;
	[tilespmem:$0x18060] =	vst v63  }
0x2b1: {  	_ =	swait.ge [sflag:s18], $0x3200  }
0x2b2: {  	[sflag:s18] =	ssyncset.done $0x0  }
0x2b3: {  	s5 =	simm.s32 $0x44C0;
	[sflag:s18] =	ssyncadd.s32 $0xFFFFCE00  }
0x2b4: {  	[spmem:s26] =	stream.indirect.scatter.add.f32 [tilespmem:s2], [sflag:$0x7], $0x40, s5, s13, $0xb8;
	[tilespmem:$0x18060] =	vst v63  }
0x2b5: {  	_ =	swait.ge [sflag:s6], $0x3200  }
0x2b6: {  	[sflag:s6] =	ssyncset.done $0x0  }
0x2b7: {  	s7 =	simm.s32 $0x2008;
	[sflag:s6] =	ssyncadd.s32 $0xFFFFCE00  }
0x2b8: {  	[tilespmem:s2], [sflag:$0x4] =	stream.indirect.gather [hbm4b:s25+s13], $0x40, s7, s13, $0xb8;
	[tilespmem:$0x18060] =	vst v63  }
0x2b9: {  	_ =	swait.ge [sflag:s15], $0x3200  }
0x2ba: {  	[sflag:s15] =	ssyncset.done $0x0  }
0x2bb: {  	s12 =	simm.s32 $0x4588;
	[sflag:s15] =	ssyncadd.s32 $0xFFFFCE00  }
0x2bc: {  	[spmem:s26] =	stream.indirect.scatter.add.f32 [tilespmem:s30], [sflag:$0x5], $0x40, s12, s13, $0xb8;
	[tilespmem:$0x18060] =	vst v63  }
0x2bd: {  	_ =	swait.ge [sflag:s3], $0x3200  }
0x2be: {  	[sflag:s3] =	ssyncset.done $0x0  }
0x2bf: {  	s5 =	simm.s32 $0x20D0;
	[sflag:s3] =	ssyncadd.s32 $0xFFFFCE00  }
0x2c0: {  	[tilespmem:s30], [sflag:$0x2] =	stream.indirect.gather [hbm4b:s25+s13], $0x40, s5, s13, $0xb8;
	[tilespmem:$0x18060] =	vst v63  }
0x2c1: {  	_ =	swait.ge [sflag:s16], $0x3200  }
0x2c2: {  	[sflag:s16] =	ssyncset.done $0x0  }
0x2c3: {  	s7 =	simm.s32 $0x4650;
	[sflag:s16] =	ssyncadd.s32 $0xFFFFCE00  }
0x2c4: {  	[spmem:s26] =	stream.indirect.scatter.add.f32 [tilespmem:s14], [sflag:$0x6], $0x40, s7, s13, $0xb8;
	[tilespmem:$0x18060] =	vst v63  }
0x2c5: {  	_ =	swait.ge [sflag:s17], $0x3200  }
0x2c6: {  	[sflag:s17] =	ssyncset.done $0x0  }
0x2c7: {  	s12 =	simm.s32 $0x2198;
	[sflag:s17] =	ssyncadd.s32 $0xFFFFCE00  }
0x2c8: {  	[tilespmem:s14], [sflag:$0x3] =	stream.indirect.gather [hbm4b:s25+s13], $0x40, s12, s13, $0xb8;
	[tilespmem:$0x18060] =	vst v63  }
0x2c9: {  	_ =	swait.ge [sflag:s18], $0x3200  }
0x2ca: {  	[sflag:s18] =	ssyncset.done $0x0  }
0x2cb: {  	s5 =	simm.s32 $0x4718;
	[sflag:s18] =	ssyncadd.s32 $0xFFFFCE00  }
0x2cc: {  	[spmem:s26] =	stream.indirect.scatter.add.f32 [tilespmem:s2], [sflag:$0x7], $0x40, s5, s13, $0xb8;
	[tilespmem:$0x18060] =	vst v63  }
0x2cd: {  	_ =	swait.ge [sflag:s6], $0x3200  }
0x2ce: {  	[sflag:s6] =	ssyncset.done $0x0  }
0x2cf: {  	s7 =	simm.s32 $0x2260;
	[sflag:s6] =	ssyncadd.s32 $0xFFFFCE00  }
0x2d0: {  	[tilespmem:s2], [sflag:$0x4] =	stream.indirect.gather [hbm4b:s25+s13], $0x40, s7, s13, $0xb8;
	[tilespmem:$0x18060] =	vst v63  }
0x2d1: {  	_ =	swait.ge [sflag:s15], $0x3200  }
0x2d2: {  	[sflag:s15] =	ssyncset.done $0x0  }
0x2d3: {  	s12 =	simm.s32 $0x47E0;
	[sflag:s15] =	ssyncadd.s32 $0xFFFFCE00  }
0x2d4: {  	[spmem:s26] =	stream.indirect.scatter.add.f32 [tilespmem:s30], [sflag:$0x5], $0x40, s12, s13, $0xb8;
	[tilespmem:$0x18060] =	vst v63  }
0x2d5: {  	_ =	swait.ge [sflag:s3], $0x3200  }
0x2d6: {  	[sflag:s3] =	ssyncset.done $0x0  }
0x2d7: {  	s5 =	simm.s32 $0x2328;
	[sflag:s3] =	ssyncadd.s32 $0xFFFFCE00  }
0x2d8: {  	[tilespmem:s30], [sflag:$0x2] =	stream.indirect.gather [hbm4b:s25+s13], $0x40, s5, s13, $0xb8;
	[tilespmem:$0x18060] =	vst v63  }
0x2d9: {  	_ =	swait.ge [sflag:s16], $0x3200  }
0x2da: {  	[sflag:s16] =	ssyncset.done $0x0  }
0x2db: {  	s7 =	simm.s32 $0x48A8;
	[sflag:s16] =	ssyncadd.s32 $0xFFFFCE00  }
0x2dc: {  	[spmem:s26] =	stream.indirect.scatter.add.f32 [tilespmem:s14], [sflag:$0x6], $0x40, s7, s13, $0xb8;
	[tilespmem:$0x18060] =	vst v63  }
0x2dd: {  	_ =	swait.ge [sflag:s17], $0x3200  }
0x2de: {  	[sflag:s17] =	ssyncset.done $0x0  }
0x2df: {  	s12 =	simm.s32 $0x23F0;
	[sflag:s17] =	ssyncadd.s32 $0xFFFFCE00  }
0x2e0: {  	[tilespmem:s14], [sflag:$0x3] =	stream.indirect.gather [hbm4b:s25+s13], $0x40, s12, s13, $0xb8;
	[tilespmem:$0x18060] =	vst v63  }
0x2e1: {  	_ =	swait.ge [sflag:s18], $0x3200  }
0x2e2: {  	[sflag:s18] =	ssyncset.done $0x0  }
0x2e3: {  	s5 =	simm.s32 $0x4970;
	[sflag:s18] =	ssyncadd.s32 $0xFFFFCE00  }
0x2e4: {  	[spmem:s26] =	stream.indirect.scatter.add.f32 [tilespmem:s2], [sflag:$0x7], $0x40, s5, s13, $0xb8;
	[tilespmem:$0x18060] =	vst v63  }
0x2e5: {  	_ =	swait.ge [sflag:s6], $0x3200  }
0x2e6: {  	[sflag:s6] =	ssyncset.done $0x0  }
0x2e7: {  	s7 =	simm.s32 $0x24B8;
	[sflag:s6] =	ssyncadd.s32 $0xFFFFCE00  }
0x2e8: {  	[tilespmem:s2], [sflag:$0x4] =	stream.indirect.gather [hbm4b:s25+s13], $0x40, s7, s13, $0xb8;
	[tilespmem:$0x18060] =	vst v63  }
0x2e9: {  	_ =	swait.ge [sflag:s15], $0x3200  }
0x2ea: {  	[sflag:s15] =	ssyncset.done $0x0  }
0x2eb: {  	s12 =	simm.s32 $0x4A38;
	[sflag:s15] =	ssyncadd.s32 $0xFFFFCE00  }
0x2ec: {  	[spmem:s26] =	stream.indirect.scatter.add.f32 [tilespmem:s30], [sflag:$0x5], $0x40, s12, s13, $0xb8;
	[tilespmem:$0x18060] =	vst v63  }
0x2ed: {  	_ =	swait.ge [sflag:s3], $0x3200  }
0x2ee: {  	[sflag:s3] =	ssyncset.done $0x0  }
0x2ef: {  	s5 =	simm.s32 $0x2580;
	[sflag:s3] =	ssyncadd.s32 $0xFFFFCE00  }
0x2f0: {  	[tilespmem:s30], [sflag:$0x2] =	stream.indirect.gather [hbm4b:s25+s13], $0x40, s5, s13, $0xb8;
	[tilespmem:$0x18060] =	vst v63  }
0x2f1: {  	_ =	swait.ge [sflag:s16], $0x3200  }
0x2f2: {  	[sflag:s16] =	ssyncset.done $0x0  }
0x2f3: {  	s7 =	simm.s32 $0x4B00;
	[sflag:s16] =	ssyncadd.s32 $0xFFFFCE00  }
0x2f4: {  	[spmem:s26] =	stream.indirect.scatter.add.f32 [tilespmem:s14], [sflag:$0x6], $0x40, s7, s13, $0xb8;
	[tilespmem:$0x18060] =	vst v63  }
0x2f5: {  	_ =	swait.ge [sflag:s17], $0x3200  }
0x2f6: {  	[sflag:s17] =	ssyncset.done $0x0  }
0x2f7: {  	s12 =	simm.s32 $0x2648;
	[sflag:s17] =	ssyncadd.s32 $0xFFFFCE00  }
0x2f8: {  	[tilespmem:s14], [sflag:$0x3] =	stream.indirect.gather [hbm4b:s25+s13], $0x40, s12, s13, $0xb8;
	[tilespmem:$0x18060] =	vst v63  }
0x2f9: {  	_ =	swait.ge [sflag:s18], $0x3200  }
0x2fa: {  	[sflag:s18] =	ssyncset.done $0x0  }
0x2fb: {  	s5 =	simm.s32 $0x4BC8;
	[sflag:s18] =	ssyncadd.s32 $0xFFFFCE00  }
0x2fc: {  	[spmem:s26] =	stream.indirect.scatter.add.f32 [tilespmem:s2], [sflag:$0x7], $0x40, s5, s13, $0xb8;
	[tilespmem:$0x18060] =	vst v63  }
0x2fd: {  	_ =	swait.ge [sflag:s15], $0x3200  }
0x2fe: {  	[sflag:s15] =	ssyncset.done $0x0  }
0x2ff: {  	s7 =	simm.s32 $0x4C90;
	[sflag:s15] =	ssyncadd.s32 $0xFFFFCE00  }
0x300: {  	[spmem:s26] =	stream.indirect.scatter.add.f32 [tilespmem:s30], [sflag:$0x5], $0x40, s7, s13, $0xb8;
	[tilespmem:$0x18060] =	vst v63  }
0x301: {  	_ =	swait.ge [sflag:s16], $0x3200  }
0x302: {  	[sflag:s16] =	ssyncset.done $0x0  }
0x303: {  	s12 =	simm.s32 $0x4D58;
	[sflag:s16] =	ssyncadd.s32 $0xFFFFCE00  }
0x304: {  	[spmem:s26] =	stream.indirect.scatter.add.f32 [tilespmem:s14], [sflag:$0x6], $0x40, s12, s13, $0xb8;
	[tilespmem:$0x18060] =	vst v63  }
0x305: {  	_ =	swait.ge [sflag:s6], $0x3200  }
0x306: {  	[sflag:s6] =	ssyncset.done $0x0  }
0x307: {  	[sflag:s6] =	ssyncadd.s32 $0xFFFFCE00  }
0x308: {  	_ =	swait.ge [sflag:s3], $0x3200  }
0x309: {  	[sflag:s3] =	ssyncset.done $0x0  }
0x30a: {  	[sflag:s3] =	ssyncadd.s32 $0xFFFFCE00  }
.Ltmp2:
0x30b: {  	_ =	swait.ge [sflag:s17], $0x3200;
	(pc) =	sbr.rel @!p1 .LBB2_2-.Ltmp2, $3  }
0x30c: {  	[sflag:s17] =	ssyncset.done $0x0  }
0x30d: {  	[sflag:s17] =	ssyncadd.s32 $0xFFFFCE00  }
0x30e: {  	[bflag:$0x0] =	sbarrier.arrive $0xFFFF;
	_ =	sdelay $0x1  }
0x30f: {  	s7 =	sld [smem:$0x7E2];
	_ =	sdelay $0x2  }
0x310: {  	[hbm:s7], [sflag:s20] =	dma.local [spmem:s19], $0x1380  }
.Ltmp3:
0x311: {  	_ = 	snop;
	(pc) =	sbr.rel @p0 .LBB2_5-.Ltmp3, $4  }
.Ltmp4:
0x312: {  	_ = 	snop;
	(pc) =	sbr.rel @!p0 .LBB2_4-.Ltmp4, $4  }
0x313: {  	_ =	swait.ge [sflag:s31], $0x1380  }
0x314: {  	[sflag:s31] =	ssyncset.done $0x0  }
0x315: {  	s19 =	rddreg [dreg:$0x1f];
	[sflag:s31] =	ssyncadd.s32 $0xFFFFEC80  }
0x316: {  	_ = 	snop  }
.LBB2_2:
0x317: {  	s7 =	sld [smem:$0x7E1];
	_ =	sdelay $0x2  }
0x318: {  	[hbm:s7], [sflag:s20] =	dma.local [spmem:s19], $0x1380  }
.Ltmp5:
0x319: {  	_ = 	snop;
	(pc) =	sbr.rel @!p2 .LBB2_5-.Ltmp5, $4  }
.Ltmp6:
0x31a: {  	_ = 	snop;
	(pc) =	sbr.rel @p2 .LBB2_4-.Ltmp6, $4  }
0x31b: {  	_ =	swait.ge [sflag:s31], $0x1380  }
0x31c: {  	[sflag:s31] =	ssyncset.done $0x0  }
0x31d: {  	s19 =	rddreg [dreg:$0x1e];
	[sflag:s31] =	ssyncadd.s32 $0xFFFFEC80  }
0x31e: {  	_ = 	snop  }
.LBB2_6:
0x31f: {  	_ =	sfence.sel $0x180000  }
0x320: {  	[bflag:$0x0] =	sbarrier.arrive $0xFFFF  }
0x321: {  	_ =	strace $0x9000004A  }
0x322: {  	[bflag:$0x2] =	sbarrier.arrive $0xFFFF  }
0x323: {  	s0 =	rddreg [dreg:$0x3]  }
0x324: {  	s0 =	sadd.s32 @!p0 $0x100000, s0  }
0x325: {  	[sflag:s0] =	ssyncadd.tile.s32 @!p0 $0x1;
	_ =	shalt  }
.Lfunc_end2:
_tile_overlayer_lowered:
.L_overlay_start_2:
0x326: {  	(tag) =	ssettag $0x2  }
0x327: {  	s0 =	rddreg [dreg:$0x0];
	s2 =	stileid.u32  }
0x328: {  	s1 =	rddreg [dreg:$0x1];
	p0 =	sne.s32 s2, $0x0  }
0x329: {  	s3 =	rddreg [dreg:$0x2];
	[bflag:$0x3] =	sbarrier.arrive $0xFFFF;
	s2 =	simm.s32 @!p0 $0x1C08  }
0x32a: {  	[timem:s3], [sflag:s2] =	dma.local @!p0 [hbm:s0], s1  }
0x32b: {  	s0 =	simm.s32 @!p0 $0x8  }
0x32c: {  	_ =	swait.ge @!p0 [sflag:s0], s1  }
0x32d: {  	s1 =	ssub.s32 @!p0 $0x0, s1;
	[sflag:s0] =	ssyncset.done @!p0 $0x0  }
0x32e: {  	[sflag:s0] =	ssyncadd.s32 @!p0 s1  }
0x32f: {  	[bflag:$0x3] =	sbarrier.arrive $0xFFFF  }
0x330: {  	_ =	shalt  }

// kernel: kernel.7.cloned.1.call-start
scs
__scs_entry_jumppad:
0x0: {  	(pc) =	sbr.rel $0x88, $3  }
0x1: {  	(tag) =	ssettag $0x0;
	lr =	simm.s32 $0x1  }
0x2: {  	[smem:$0x3F9D] =	sst lr;
	_ =	strace $0xD0000000  }
0x3: {  	_ = 	snop  }
0x4: {  	_ = 	snop  }
0x5: {  	_ = 	snop  }
0x6: {  	_ = 	snop  }
0x7: {  	_ = 	snop  }
__scs_overlays_trampoline_lowered:
0x8: {  	[smem:$0x3FAC] =	sst s0  }
0x9: {  	[smem:$0x3FAD] =	sst s1  }
0xa: {  	[smem:$0x3FAE] =	sst s2  }
0xb: {  	[smem:$0x3FAF] =	sst s3  }
0xc: {  	[smem:$0x3FB0] =	sst s4  }
0xd: {  	[smem:$0x3FB1] =	sst s5  }
0xe: {  	[smem:$0x3FB2] =	sst s6  }
0xf: {  	[smem:$0x3FB3] =	sst s7  }
0x10: {  	[smem:$0x3FB4] =	sst s8  }
0x11: {  	[smem:$0x3FB5] =	sst s9;
	s0 =	simm.s32 @!p0 $0x0  }
0x12: {  	s1 =	sld [smem:$0x3F9B];
	s0 =	simm.s32 @p0 $0x1  }
0x13: {  	[smem:$0x3FB6] =	sst s0;
	s0 =	simm.s32 @!p1 $0x0  }
0x14: {  	s2 =	sld [smem:$0x3F9A];
	s0 =	simm.s32 @p1 $0x1  }
0x15: {  	[smem:$0x3FB7] =	sst s0;
	s0 =	simm.s32 @!p2 $0x0  }
0x16: {  	s3 =	sld [smem:$0x3FDB];
	s0 =	simm.s32 @p2 $0x1  }
0x17: {  	s4 =	simm.s32 $0x1BF5;
	[smem:$0x3FB9] =	sst s0  }
0x18: {  	s0 =	sld [smem:$0x3F9C];
	_ =	swait.ge [sflag:s4], $0x0  }
0x19: {  	s7 =	sld [smem:$0x3F9D]  }
0x1a: {  	s8 =	sadd.s32 $0xFFFFE003, lr  }
0x1b: {  	s9 =	sadd.s32 $0xFFFFFEF7, lr;
	s5 =	simm.s32 $0xFFFFFFFF;
	p2 =	slt.u32 s8, $0xFFFFF086  }
0x1c: {  	p1 =	slt.u32 s9, $0xF7A;
	s5 =	simm.s32 @!p2 $0x0  }
0x1d: {  	s5 =	simm.s32 @p1 $0x1;
	p0 =	seq.s32 s7, s2  }
0x1e: {  	s7 =	smul.u32 @!p0 $0xF7A, s2;
	p2 =	seq.s32 @!p0 s5, $0x0  }
0x1f: {  	s9 =	smul.u32 $0xF7A, s1;
	s8 =	simm.s32 @!p0 $0x1BF5;
	p2 =	por !p2, p0  }
0x20: {  	[sflag:s8] =	ssyncset.s32 @!p0 $0xFFFFF086;
	s6 =	sadd.s32 @!p0 s3, s7;
	s7 =	simm.s32 @!p0 $0x108  }
0x21: {  	s3 =	sadd.s32 s3, s9;
	s6 =	sadd.s32 @!p0 $0x88, s6;
	s7 =	simm.s32 @p2 $0x1082  }
0x22: {  	[simem:s7], [sflag:s8] =	dma.local @!p0 [hbm:s6], $0xF7A  }
0x23: {  	s9 =	sor.u32 $0xD0000000, s2;
	s6 =	simm.s32 $0x108;
	_ =	swait.ge @!p0 [sflag:s8], $0x0  }
0x24: {  	s3 =	sadd.s32 $0x88, s3;
	s6 =	simm.s32 @!p1 $0x1082;
	[sflag:s4] =	ssyncset.s32 $0xFFFFF086  }
0x25: {  	[simem:s6], [sflag:s4] =	dma.local [hbm:s3], $0xF7A  }
0x26: {  	[smem:$0x3F9D] =	sst s1;
	(tag) =	ssettag s2;
	_ =	strace s9  }
0x27: {  	s1 =	sld [smem:$0x3FAD]  }
0x28: {  	s2 =	sld [smem:$0x3FAE]  }
0x29: {  	s4 =	sld [smem:$0x3FB0]  }
0x2a: {  	p0 =	seq.s32 s5, $0x0;
	s5 =	sld [smem:$0x3FB1]  }
0x2b: {  	s6 =	sld [smem:$0x3FB2]  }
0x2c: {  	s7 =	sld [smem:$0x3FB3]  }
0x2d: {  	s3 =	simm.s32 $0x108;
	s8 =	sld [smem:$0x3FB4]  }
0x2e: {  	s3 =	simm.s32 @!p0 $0x1082;
	s9 =	sld [smem:$0x3FB5]  }
0x2f: {  	lr =	sadd.s32 s0, s3;
	s0 =	sld [smem:$0x3FAC]  }
0x30: {  	s3 =	sld [smem:$0x3FAF]  }
0x31: {  	[smem:$0x3FB8] =	sst s10  }
0x32: {  	s10 =	sld [smem:$0x3FB6];
	_ =	sdelay $0x3  }
0x33: {  	p0 =	seq.s32 s10, $0x1;
	s10 =	sld [smem:$0x3FB8];
	_ =	sdelay $0x3  }
0x34: {  	[smem:$0x3FB8] =	sst s10  }
0x35: {  	s10 =	sld [smem:$0x3FB7];
	_ =	sdelay $0x3  }
0x36: {  	p1 =	seq.s32 s10, $0x1;
	s10 =	sld [smem:$0x3FB8];
	_ =	sdelay $0x3  }
0x37: {  	[smem:$0x3FB8] =	sst s10  }
0x38: {  	s10 =	sld [smem:$0x3FB9]  }
0x39: {  	_ = 	snop;
	(pc) =	sbr.ind lr, $3  }
0x3a: {  	_ = 	snop  }
0x3b: {  	_ = 	snop  }
0x3c: {  	p2 =	seq.s32 s10, $0x1;
	s10 =	sld [smem:$0x3FB8]  }
0x3d: {  	_ =	shalt  }
0x3e: {  	_ =	shalt  }
0x3f: {  	_ =	shalt  }
0x40: {  	_ =	shalt  }
0x41: {  	_ =	shalt  }
0x42: {  	_ =	shalt  }
0x43: {  	_ =	shalt  }
0x44: {  	_ =	shalt  }
0x45: {  	_ =	shalt  }
0x46: {  	_ =	shalt  }
0x47: {  	_ =	shalt  }
0x48: {  	_ =	shalt  }
0x49: {  	_ =	shalt  }
0x4a: {  	_ =	shalt  }
0x4b: {  	_ =	shalt  }
0x4c: {  	_ =	shalt  }
0x4d: {  	_ =	shalt  }
0x4e: {  	_ =	shalt  }
0x4f: {  	_ =	shalt  }
0x50: {  	_ =	shalt  }
0x51: {  	_ =	shalt  }
0x52: {  	_ =	shalt  }
0x53: {  	_ =	shalt  }
0x54: {  	_ =	shalt  }
0x55: {  	_ =	shalt  }
0x56: {  	_ =	shalt  }
0x57: {  	_ =	shalt  }
0x58: {  	_ =	shalt  }
0x59: {  	_ =	shalt  }
0x5a: {  	_ =	shalt  }
0x5b: {  	_ =	shalt  }
0x5c: {  	_ =	shalt  }
0x5d: {  	_ =	shalt  }
0x5e: {  	_ =	shalt  }
0x5f: {  	_ =	shalt  }
0x60: {  	_ =	shalt  }
0x61: {  	_ =	shalt  }
0x62: {  	_ =	shalt  }
0x63: {  	_ =	shalt  }
0x64: {  	_ =	shalt  }
0x65: {  	_ =	shalt  }
0x66: {  	_ =	shalt  }
0x67: {  	_ =	shalt  }
0x68: {  	_ =	shalt  }
0x69: {  	_ =	shalt  }
0x6a: {  	_ =	shalt  }
0x6b: {  	_ =	shalt  }
0x6c: {  	_ =	shalt  }
0x6d: {  	_ =	shalt  }
0x6e: {  	_ =	shalt  }
0x6f: {  	_ =	shalt  }
0x70: {  	_ =	shalt  }
0x71: {  	_ =	shalt  }
0x72: {  	_ =	shalt  }
0x73: {  	_ =	shalt  }
0x74: {  	_ =	shalt  }
0x75: {  	_ =	shalt  }
0x76: {  	_ =	shalt  }
0x77: {  	_ =	shalt  }
0x78: {  	_ =	shalt  }
0x79: {  	_ =	shalt  }
0x7a: {  	_ =	shalt  }
0x7b: {  	_ =	shalt  }
0x7c: {  	_ =	shalt  }
0x7d: {  	_ =	shalt  }
0x7e: {  	_ =	shalt  }
0x7f: {  	_ =	shalt  }
0x80: {  	_ =	shalt  }
0x81: {  	_ =	shalt  }
0x82: {  	_ =	shalt  }
0x83: {  	_ =	shalt  }
0x84: {  	_ =	shalt  }
0x85: {  	_ =	shalt  }
0x86: {  	_ =	shalt  }
0x87: {  	_ =	shalt  }
.Lfunc_end0:
.L_simem_size_0:
called_computation_lowered:
.L_overlay_start_0:
0x88: {  	s2 =	sld [smem:$0x3FD9]  }
0x89: {  	s3 =	sld [smem:$0x3FFE];
	_ =	sdelay $0x1  }
0x8a: {  	s1 =	srdreg.scid  }
0x8b: {  	s0 =	sand.u32 $0x1, s1  }
0x8c: {  	s15 =	sshll.u32 s0, $0xA;
	s2 =	sadd.s32 s3, s2  }
0x8d: {  	s2 =	sadd.s32 s2, s15  }
0x8e: {  	[smem:$0x3FC4] =	sst s2  }
0x8f: {  	_ = 	snop  }
0x90: {  	s2 =	sld [smem:$0x3FD0];
	_ =	sdelay $0x2  }
0x91: {  	s16 =	simm.s32 $0xA;
	s4 =	simm.s32 $0x10  }
0x92: {  	[smem:s4], [sflag:s16] =	dma.local [hbm:s2], $0x1  }
0x93: {  	_ =	swait.eq [sflag:s16], $0x1  }
0x94: {  	[sflag:s16] =	ssyncset.done $0x0  }
0x95: {  	s17 =	sld [smem:$0x10];
	[sflag:s16] =	ssyncadd.s32 $0xFFFFFFFF  }
0x96: {  	s18 =	sld [smem:$0x11];
	(tm) =	ssettm $0x1  }
0x97: {  	s19 =	sld [smem:$0x3FFB];
	_ =	sdelay $0x3  }
0x98: {  	_ =	strace s19  }
0x99: {  	s4 =	sld [smem:$0x3FFC];
	_ =	sdelay $0x3  }
0x9a: {  	_ =	strace s4  }
0x9b: {  	s4 =	sld [smem:$0x3FFD];
	_ =	sdelay $0x3  }
0x9c: {  	_ =	strace s4  }
0x9d: {  	_ =	strace $0x8FFFFFFF  }
0x9e: {  	s20 =	sld [smem:$0x3FDB];
	_ =	sdelay $0x1  }
0x9f: {  	s5 =	simm.s32 $_scs_section_size  }
0xa0: {  	s6 =	simm.s32 $_size__tile_overlayer_lowered;
	s7 =	simm.s32 $_tile_overlayer_lowered  }
0xa1: {  	s23 =	simm.s32 $0x1BFF;
	s22 =	sshll.u32 s7, $0x1;
	s4 =	sadd.s32 s5, s20  }
0xa2: {  	s8 =	simm.s32 $0x0;
	s21 =	sshll.u32 s6, $0x1;
	s6 =	sadd.s32 s22, s4  }
0xa3: {  	[timem:s8], [sflag:s23] =	dma.local [hbm:s6], s21  }
0xa4: {  	_ =	swait.ge [sflag:s23], s21  }
0xa5: {  	s5 =	ssub.s32 $0x0, s21;
	[sflag:s23] =	ssyncset.done $0x0  }
0xa6: {  	[sflag:s23] =	ssyncadd.s32 s5;
	_ =	sdelay $0x1  }
0xa7: {  	s24 =	simm.s32 $0x1B8B  }
0xa8: {  	_ =	swait.ge [sflag:s24], $0x1  }
0xa9: {  	[sflag:s24] =	ssyncset.done $0x0  }
0xaa: {  	s25 =	simm.s32 $0x1B8E;
	[sflag:s24] =	ssyncadd.s32 $0xFFFFFFFF  }
0xab: {  	s26 =	simm.s32 $execute0_lowered;
	[smem:$0x3FD2] =	sst s25  }
0xac: {  	s5 =	sshll.u32 s26, $0x1;
	_ =	strace $0x80000046;
	[dreg:$0x1] =	wrdreg $0xFFFFFFFF  }
0xad: {  	s28 =	simm.s32 $_size_execute0_lowered;
	s4 =	sadd.s32 s4, s5;
	[dreg:$0x0] =	wrdreg $0x0  }
0xae: {  	s5 =	sshll.u32 s28, $0x1;
	[dreg:$0x2] =	wrdreg s4  }
0xaf: {  	[dreg:$0x3] =	wrdreg s5  }
0xb0: {  	[dreg:$0x4] =	wrdreg $0xC0  }
0xb1: {  	_ =	task [dreg:s8], $0x5FFFF  }
0xb2: {  	[dreg:$0x1] =	wrdreg $0xFFFFFFFF  }
0xb3: {  	[dreg:$0x0] =	wrdreg $0x60  }
0xb4: {  	[dreg:$0x2] =	wrdreg s18  }
0xb5: {  	[dreg:$0x3] =	wrdreg s17  }
0xb6: {  	[dreg:$0x4] =	wrdreg $0x31600  }
0xb7: {  	[dreg:$0x5] =	wrdreg $0x9  }
0xb8: {  	_ =	task.clear_ibuf [dreg:s8], $0x6FFFF;
	_ =	strace $0x90000046  }
0xb9: {  	s29 =	simm.s32 $0x9;
	_ =	strace $0x80000048  }
0xba: {  	_ =	swait.ge [sflag:s29], $0x1  }
0xbb: {  	[sflag:s29] =	ssyncadd.s32 $0xFFFFFFFF  }
0xbc: {  	_ =	strace $0x90000048  }
0xbd: {  	_ =	sfence  }
0xbe: {  	s30 =	sld [smem:$0x0];
	_ =	sdelay $0x2  }
0xbf: {  	s31 =	sshll.u32 s1, $0xD;
	s1 =	sshrl.u32 s1, $0x2  }
0xc0: {  	s3 =	sand.u32 $0x4000, s31;
	s1 =	sadd.s32 s1, s30  }
0xc1: {  	s0 =	sor.u32 s3, s0;
	s1 =	sshll.u32 s1, $0x11  }
0xc2: {  	s0 =	sor.u32 s1, s0  }
0xc3: {  	s0 =	sadd.s32 $0x8F2B, s0  }
0xc4: {  	[sflag:s0] =	ssyncadd.remote.s32 $0x1  }
0xc5: {  	_ =	sfence.sel $0xFFFF  }
0xc6: {  	[dreg:$0x0] =	wrdreg $0xFFFFFFFF;
	(pc) =	sbr.abs _section_cstart, $3  }
0xc7: {  	[dreg:$0x1] =	wrdreg $0xFFFFFFFF  }
0xc8: {  	_ =	task.clear_ibuf [dreg:s8], $0x2FFFF;
	_ =	strace $0x9FFFFFFF  }
0xc9: {  	(tm) =	ssettm $0x7FFFFFFF  }
tec
execute0_lowered:
.L_overlay_start_1:
0x0: {  	(tag) =	ssettag $0x1  }
0x1: {  	s4 =	rddreg [dreg:$0x0]  }
0x2: {  	s10 =	rddreg [dreg:$0x1]  }
0x3: {  	s0 =	srdreg.scid;
	s2 =	rddreg [dreg:$0x2]  }
0x4: {  	s1 =	stileid.u32;
	s3 =	simm.s32 $0x0;
	s14 =	simm.s32 $0x1770  }
0x5: {  	s15 =	simm.s32 $0x1F40;
	s16 =	simm.s32 $0x2EE0;
	s17 =	simm.s32 $0x3  }
0x6: {  	s18 =	simm.s32 $0x1;
	s19 =	simm.s32 $0x2710;
	s20 =	simm.s32 $0x2  }
0x7: {  	s23 =	simm.s32 $0x0;
	s5 =	sand.u32 $0x1, s0;
	s0 =	rddreg [dreg:$0x3]  }
0x8: {  	[smem:$0x7FF] =	sst s3;
	s9 =	smul.u32 $0x280, s1;
	s6 =	sshll.u32 s5, $0x4  }
0x9: {  	s7 =	ssub.s32 $0x2, s5;
	s12 =	smul.u32 $0x2800, s5;
	s6 =	sor.u32 s1, s6  }
0xa: {  	s21 =	sshll.u32 s1, $0x6;
	s8 =	sshrl.u32 s7, $0x1;
	s6 =	smul.u32 $0x2710, s6  }
0xb: {  	_ =	strace $0x80000047;
	s21 =	sor.u32 $0x1C03, s21;
	s13 =	ssub.s32 s7, s8  }
0xc: {  	s12 =	sadd.s32 s9, s12;
	s9 =	sadd.s32 s9, s2;
	s6 =	sshrl.u32 s6, $0x3  }
0xd: {  	s31 =	sshrl.u32 s12, $0x3;
	s12 =	simm.s32 $0x7D0;
	s11 =	sadd.s32 s4, s6  }
0xe: {  	s22 =	sshrl.u32 s9, $0x3;
	s10 =	sadd.s32 s10, s31;
	s4 =	sadd.s32 $0x9C40, s11  }
0xf: {  	s5 =	sadd.s32 $0x9D3A, s11;
	s6 =	sadd.s32 $0x9E34, s11;
	s7 =	sadd.s32 $0x9F2E, s11  }
0x10: {  	v0 =	vimm.f32 $1.000000000e+00;
	v1 =	vimm.f32 $0.0e+00;
	s8 =	sadd.s32 $0xA028, s11;
	s11 =	smax.u32 s13, $0x1;
	s13 =	simm.s32 $0xFA0  }
.LBB2_1:
0x11: {  	[tilespmem:s3], [sflag:$0x1] =	stream.linear.gather [hbm4b:s4+s3], $0x7D0, $0x38;
	[tilespmem:$0x33E0] =	vst v63  }
0x12: {  	_ = 	snop  }
0x13: {  	[tilespmem:s12], [sflag:$0x1] =	stream.linear.gather [hbm4b:s5+s3], $0x7D0, $0x38;
	[tilespmem:$0x33E0] =	vst v63  }
0x14: {  	_ = 	snop  }
0x15: {  	[tilespmem:s13], [sflag:$0x1] =	stream.linear.gather [hbm4b:s6+s3], $0x7D0, $0x38;
	[tilespmem:$0x33E0] =	vst v63  }
0x16: {  	_ = 	snop  }
0x17: {  	[tilespmem:s14], [sflag:$0x1] =	stream.linear.gather [hbm4b:s7+s3], $0x7D0, $0x38;
	[tilespmem:$0x33E0] =	vst v63  }
0x18: {  	s24 =	simm.s32 $0x40;
	s25 =	simm.s32 $0x0  }
0x19: {  	[tilespmem:s15], [sflag:$0x1] =	stream.linear.gather [hbm4b:s8+s3], $0x7D0, $0x38;
	[tilespmem:$0x33E0] =	vst v63  }
.LBB2_2:
0x1a: {  	p0 =	sne.s32 s24, $0x1F00;
	[tilespmem:s25+$0x2710] =	vst v0;
	s25 =	smov.u32 s24;
	s24 =	sadd.s32 $0x40, s24  }
.Ltmp0:
0x1b: {  	(pc) =	sbr.rel @p0 .LBB2_2-.Ltmp0, $2  }
0x1c: {  	_ =	sdelay $0x2  }
0x1d: {  	s25 =	sshra.s32 s25, $0x2  }
0x1e: {  	[tilespmem:s25+$0x2710] =	vst v0  }
0x1f: {  	[tilespmem:$0x2EE0] =	vst v1  }
0x20: {  	[tilespmem:$0x2EF0] =	vst v1  }
0x21: {  	[tilespmem:$0x2F00] =	vst v1  }
0x22: {  	[tilespmem:$0x2F10] =	vst v1  }
0x23: {  	[tilespmem:$0x2F20] =	vst v1  }
0x24: {  	[tilespmem:$0x2F30] =	vst v1  }
0x25: {  	[tilespmem:$0x2F40] =	vst v1  }
0x26: {  	[tilespmem:$0x2F50] =	vst v1  }
0x27: {  	[tilespmem:$0x2F60] =	vst v1  }
0x28: {  	[tilespmem:$0x2F70] =	vst v1  }
0x29: {  	[tilespmem:$0x2F80] =	vst v1  }
0x2a: {  	[tilespmem:$0x2F90] =	vst v1  }
0x2b: {  	[tilespmem:$0x2FA0] =	vst v1  }
0x2c: {  	[tilespmem:$0x2FB0] =	vst v1  }
0x2d: {  	[tilespmem:$0x2FC0] =	vst v1  }
0x2e: {  	[tilespmem:$0x2FD0] =	vst v1  }
0x2f: {  	[tilespmem:$0x2FE0] =	vst v1  }
0x30: {  	[tilespmem:$0x2FF0] =	vst v1  }
0x31: {  	[tilespmem:$0x3000] =	vst v1  }
0x32: {  	[tilespmem:$0x3010] =	vst v1  }
0x33: {  	[tilespmem:$0x3020] =	vst v1  }
0x34: {  	[tilespmem:$0x3030] =	vst v1  }
0x35: {  	[tilespmem:$0x3040] =	vst v1  }
0x36: {  	[tilespmem:$0x3050] =	vst v1  }
0x37: {  	[tilespmem:$0x3060] =	vst v1  }
0x38: {  	[tilespmem:$0x3070] =	vst v1  }
0x39: {  	[tilespmem:$0x3080] =	vst v1  }
0x3a: {  	[tilespmem:$0x3090] =	vst v1  }
0x3b: {  	[tilespmem:$0x30A0] =	vst v1  }
0x3c: {  	[tilespmem:$0x30B0] =	vst v1  }
0x3d: {  	[tilespmem:$0x30C0] =	vst v1  }
0x3e: {  	[tilespmem:$0x30D0] =	vst v1  }
0x3f: {  	[tilespmem:$0x30E0] =	vst v1  }
0x40: {  	[tilespmem:$0x30F0] =	vst v1  }
0x41: {  	[tilespmem:$0x3100] =	vst v1  }
0x42: {  	[tilespmem:$0x3110] =	vst v1  }
0x43: {  	[tilespmem:$0x3120] =	vst v1  }
0x44: {  	[tilespmem:$0x3130] =	vst v1  }
0x45: {  	[tilespmem:$0x3140] =	vst v1  }
0x46: {  	[tilespmem:$0x3150] =	vst v1  }
0x47: {  	[spmem:s9] =	stream.linear.scatter [tilespmem:s16], [sflag:$0x3], $0x280, $0x38;
	[tilespmem:$0x33E0] =	vst v63  }
0x48: {  	_ =	swait.ge [sflag:s17], $0x280  }
0x49: {  	[sflag:s17] =	ssyncset.done $0x0  }
0x4a: {  	[sflag:s17] =	ssyncadd.s32 $0xFFFFFD80  }
0x4b: {  	[bflag:$0x0] =	sbarrier.arrive $0xFFFF  }
0x4c: {  	_ =	swait.ge [sflag:s18], $0x7D0  }
0x4d: {  	[sflag:s18] =	ssyncset.done $0x0  }
0x4e: {  	[sflag:s18] =	ssyncadd.s32 $0xFFFFF830  }
0x4f: {  	_ =	swait.ge [sflag:s18], $0x7D0  }
0x50: {  	[sflag:s18] =	ssyncset.done $0x0  }
0x51: {  	[sflag:s18] =	ssyncadd.s32 $0xFFFFF830  }
0x52: {  	_ =	swait.ge [sflag:s18], $0x7D0  }
0x53: {  	[sflag:s18] =	ssyncset.done $0x0  }
0x54: {  	[sflag:s18] =	ssyncadd.s32 $0xFFFFF830  }
0x55: {  	_ =	swait.ge [sflag:s18], $0x7D0  }
0x56: {  	[sflag:s18] =	ssyncset.done $0x0  }
0x57: {  	[sflag:s18] =	ssyncadd.s32 $0xFFFFF830  }
0x58: {  	_ =	swait.ge [sflag:s18], $0x7D0  }
0x59: {  	[sflag:s18] =	ssyncset.done $0x0  }
0x5a: {  	[sflag:s18] =	ssyncadd.s32 $0xFFFFF830  }
0x5b: {  	[spmem:s2] =	stream.indirect.scatter.add.f32 [tilespmem:s19], [sflag:$0x2], $0x1, s3, s12, $0xb8;
	[tilespmem:$0x33E0] =	vst v63  }
0x5c: {  	_ = 	snop  }
0x5d: {  	[spmem:s2] =	stream.indirect.scatter.add.f32 [tilespmem:s19], [sflag:$0x2], $0x1, s12, s12, $0xb8;
	[tilespmem:$0x33E0] =	vst v63  }
0x5e: {  	_ = 	snop  }
0x5f: {  	[spmem:s2] =	stream.indirect.scatter.add.f32 [tilespmem:s19], [sflag:$0x2], $0x1, s13, s12, $0xb8;
	[tilespmem:$0x33E0] =	vst v63  }
0x60: {  	_ = 	snop  }
0x61: {  	[spmem:s2] =	stream.indirect.scatter.add.f32 [tilespmem:s19], [sflag:$0x2], $0x1, s14, s12, $0xb8;
	[tilespmem:$0x33E0] =	vst v63  }
0x62: {  	_ = 	snop  }
0x63: {  	[spmem:s2] =	stream.indirect.scatter.add.f32 [tilespmem:s19], [sflag:$0x2], $0x1, s15, s12, $0xb8;
	[tilespmem:$0x33E0] =	vst v63  }
0x64: {  	_ =	swait.ge [sflag:s20], $0x7D0  }
0x65: {  	[sflag:s20] =	ssyncset.done $0x0  }
0x66: {  	[sflag:s20] =	ssyncadd.s32 $0xFFFFF830  }
0x67: {  	_ =	swait.ge [sflag:s20], $0x7D0  }
0x68: {  	[sflag:s20] =	ssyncset.done $0x0  }
0x69: {  	[sflag:s20] =	ssyncadd.s32 $0xFFFFF830  }
0x6a: {  	_ =	swait.ge [sflag:s20], $0x7D0  }
0x6b: {  	[sflag:s20] =	ssyncset.done $0x0  }
0x6c: {  	[sflag:s20] =	ssyncadd.s32 $0xFFFFF830  }
0x6d: {  	_ =	swait.ge [sflag:s20], $0x7D0  }
0x6e: {  	[sflag:s20] =	ssyncset.done $0x0  }
0x6f: {  	[sflag:s20] =	ssyncadd.s32 $0xFFFFF830  }
0x70: {  	_ =	swait.ge [sflag:s20], $0x7D0  }
0x71: {  	s23 =	sadd.s32 $0x1, s23;
	[sflag:s20] =	ssyncset.done $0x0  }
0x72: {  	p0 =	sne.s32 s23, s11;
	[sflag:s20] =	ssyncadd.s32 $0xFFFFF830  }
.Ltmp1:
0x73: {  	[bflag:$0x0] =	sbarrier.arrive $0xFFFF;
	(pc) =	sbr.rel @p0 .LBB2_1-.Ltmp1, $4  }
0x74: {  	[hbm:s10], [sflag:s21] =	dma.local [spmem:s22], $0x50  }
0x75: {  	_ =	swait.ge [sflag:s17], $0x50  }
0x76: {  	[sflag:s17] =	ssyncset.done $0x0  }
0x77: {  	[sflag:s17] =	ssyncadd.s32 $0xFFFFFFB0  }
0x78: {  	_ =	sfence.sel $0x180000  }
0x79: {  	[bflag:$0x0] =	sbarrier.arrive $0xFFFF  }
0x7a: {  	p0 =	sne.s32 s1, $0x0;
	_ =	strace $0x90000047  }
0x7b: {  	s0 =	sadd.s32 @!p0 $0x100000, s0;
	[bflag:$0x2] =	sbarrier.arrive $0xFFFF  }
0x7c: {  	[sflag:s0] =	ssyncadd.tile.s32 @!p0 $0x1;
	_ =	shalt  }
.Lfunc_end2:
_tile_overlayer_lowered:
.L_overlay_start_2:
0x7d: {  	(tag) =	ssettag $0x2  }
0x7e: {  	s0 =	rddreg [dreg:$0x0];
	s2 =	stileid.u32  }
0x7f: {  	s1 =	rddreg [dreg:$0x1];
	p0 =	sne.s32 s2, $0x0  }
0x80: {  	s3 =	rddreg [dreg:$0x2];
	[bflag:$0x3] =	sbarrier.arrive $0xFFFF;
	s2 =	simm.s32 @!p0 $0x1C03  }
0x81: {  	[timem:s3], [sflag:s2] =	dma.local @!p0 [hbm:s0], s1  }
0x82: {  	s0 =	simm.s32 @!p0 $0x3  }
0x83: {  	_ =	swait.ge @!p0 [sflag:s0], s1  }
0x84: {  	s1 =	ssub.s32 @!p0 $0x0, s1;
	[sflag:s0] =	ssyncset.done @!p0 $0x0  }
0x85: {  	[sflag:s0] =	ssyncadd.s32 @!p0 s1  }
0x86: {  	[bflag:$0x3] =	sbarrier.arrive $0xFFFF  }
0x87: {  	_ =	shalt  }

</sc_bundles>
